<compile_context>
chip_gen: v7x
topology: tpu7x:2x2x1
jax: 0.10.2.dev20260603
libtpu: 0.0.44.dev20260713+nightly
codegen_flags: <defaults>
</compile_context>

<pallas_src>
import functools

import jax
import jax.numpy as jnp
import numpy as np
from jax import lax
from jax.experimental import pallas as pl
from jax.experimental.pallas import tpu as pltpu
from jax.experimental.pallas import tpu_sc as plsc

NC = 2
NS = 16
LANES = 16
NW = NC * NS

R = 8192
C = 4096
ROWS_W = R // NW
BROWS_W = ROWS_W
RCHUNK = 8
NCHUNK = ROWS_W // RCHUNK
BRCHUNK = 4
BNCHUNK = BROWS_W // BRCHUNK
BCHUNK = BRCHUNK * C
CHUNK = RCHUNK * C
NWIN = BCHUNK // 128

MAGICF = np.float32(12582912.0)
MAGICI = np.int32(0x4B400000)
SIGNBIT = np.int32(np.uint32(0x80000000).view(np.int32))

_mesh = plsc.VectorSubcoreMesh(core_axis_name="c", subcore_axis_name="s")
_params = pltpu.CompilerParams(needs_layout_passes=False)


def _wid():
    return lax.axis_index("s") * NC + lax.axis_index("c")


def _rows_in(x_hbm, rr, buf, sem, nrows=RCHUNK):
    for s in range(nrows):
        pltpu.async_copy(x_hbm.at[rr + s, :], buf.at[pl.ds(s * C, C)], sem)


def _rows_in_wait(x_hbm, rr, buf, sem, nrows=RCHUNK):
    for s in range(nrows):
        pltpu.make_async_copy(x_hbm.at[rr + s, :], buf.at[pl.ds(s * C, C)],
                              sem).wait()


def _rows_out(out_hbm, rr, buf, sem, nrows=RCHUNK):
    for s in range(nrows):
        pltpu.async_copy(buf.at[pl.ds(s * C, C)], out_hbm.at[rr + s, :], sem)


def _rows_out_wait(out_hbm, rr, buf, sem, nrows=RCHUNK):
    for s in range(nrows):
        pltpu.make_async_copy(buf.at[pl.ds(s * C, C)], out_hbm.at[rr + s, :],
                              sem).wait()


@functools.partial(
    pl.kernel,
    out_type=(
        jax.ShapeDtypeStruct((NW * LANES,), jnp.float32),
        jax.ShapeDtypeStruct((NW * LANES,), jnp.float32),
    ),
    mesh=_mesh,
    compiler_params=_params,
    scratch_types=[
        pltpu.VMEM((CHUNK,), jnp.float32),
        pltpu.VMEM((CHUNK,), jnp.float32),
        pltpu.VMEM((LANES,), jnp.float32),
        pltpu.VMEM((LANES,), jnp.float32),
        pltpu.SemaphoreType.DMA,
        pltpu.SemaphoreType.DMA,
    ],
)
def _minmax_kernel(x_hbm, min_hbm, max_hbm, in0, in1, mn_buf, mx_buf, si0, si1):
    wid = _wid()
    r0 = wid * ROWS_W
    bufs = ((in0, si0), (in1, si1))

    _rows_in(x_hbm, r0, in0, si0)
    _rows_in(x_hbm, r0 + RCHUNK, in1, si1)

    def pair(p, carry):
        for b, (inb, si) in enumerate(bufs):
            ci = p * 2 + b
            rr = r0 + ci * RCHUNK
            _rows_in_wait(x_hbm, rr, inb, si)

            def vred(i, acc):
                off = i * 128
                new = []
                for k in range(8):
                    v = inb[pl.ds(off + k * LANES, LANES)]
                    new.append(jnp.minimum(acc[k], v))
                for k in range(8):
                    v = inb[pl.ds(off + k * LANES, LANES)]
                    new.append(jnp.maximum(acc[8 + k], v))
                return tuple(new)

            carry = lax.fori_loop(0, CHUNK // 128, vred, carry)

            @pl.when(ci + 2 < NCHUNK)
            def _():
                _rows_in(x_hbm, rr + 2 * RCHUNK, inb, si)
        return carry

    init = tuple(
        jnp.full((LANES,), jnp.inf if k < 8 else -jnp.inf, jnp.float32)
        for k in range(16)
    )
    acc = lax.fori_loop(0, NCHUNK // 2, pair, init)
    mn = acc[0]
    mx = acc[8]
    for k in range(1, 8):
        mn = jnp.minimum(mn, acc[k])
        mx = jnp.maximum(mx, acc[8 + k])
    mn_buf[...] = mn
    mx_buf[...] = mx
    pltpu.sync_copy(mn_buf, min_hbm.at[pl.ds(wid * LANES, LANES)])
    pltpu.sync_copy(mx_buf, max_hbm.at[pl.ds(wid * LANES, LANES)])


def _ce(a, b):
    return jnp.maximum(a, b), jnp.minimum(a, b)


def _windows(inb, outb, sv, iv):
    idx8 = lax.iota(jnp.int32, LANES) * 8

    @plsc.parallel_loop(0, NWIN, 1, unroll=2)
    def window(w):
        base = w * 128
        idxs = [idx8 + (base + j) for j in range(8)]
        xs = [plsc.load_gather(inb, [idxs[j]]) for j in range(8)]
        ms = []
        for j in range(8):
            t = xs[j] * iv
            u = t + MAGICF
            q0 = plsc.bitcast(u, jnp.int32) - MAGICI
            ms.append(jnp.abs(jnp.minimum(jnp.maximum(q0, -128), 127)))
        a0, a1 = _ce(ms[0], ms[1])
        a2, a3 = _ce(ms[2], ms[3])
        a0, a2 = _ce(a0, a2)
        a1, a3 = _ce(a1, a3)
        a1, a2 = _ce(a1, a2)
        b0, b1 = _ce(ms[4], ms[5])
        b2, b3 = _ce(ms[6], ms[7])
        b0, b2 = _ce(b0, b2)
        b1, b3 = _ce(b1, b3)
        b1, b2 = _ce(b1, b2)
        thr = jnp.maximum(
            jnp.maximum(b3, jnp.minimum(a0, b2)),
            jnp.maximum(jnp.minimum(a1, b1),
                        jnp.maximum(jnp.minimum(a2, b0), a3)))
        for j in range(8):
            hi = ms[j] & -16
            k2 = jnp.where(ms[j] >= thr, ms[j], hi)
            fs = k2.astype(jnp.float32) * sv
            ob = plsc.bitcast(
                plsc.bitcast(fs, jnp.int32)
                | (plsc.bitcast(xs[j], jnp.int32) & SIGNBIT),
                jnp.float32)
            plsc.store_scatter(outb, [idxs[j]], ob)


@functools.partial(
    pl.kernel,
    out_type=jax.ShapeDtypeStruct((R, C), jnp.float32),
    mesh=_mesh,
    compiler_params=_params,
    scratch_types=[
        pltpu.VMEM((BCHUNK,), jnp.float32),
        pltpu.VMEM((BCHUNK,), jnp.float32),
        pltpu.VMEM((BCHUNK,), jnp.float32),
        pltpu.VMEM((BCHUNK,), jnp.float32),
        pltpu.VMEM((NW * LANES,), jnp.float32),
        pltpu.VMEM((NW * LANES,), jnp.float32),
        pltpu.SemaphoreType.DMA,
        pltpu.SemaphoreType.DMA,
        pltpu.SemaphoreType.DMA,
        pltpu.SemaphoreType.DMA,
    ],
)
def _quant_kernel(x_hbm, min_hbm, max_hbm, out_hbm,
                  in0, in1, out0, out1, mnb, mxb, si0, si1, so0, so1):
    wid = _wid()
    r0 = wid * BROWS_W
    bufs = ((in0, out0, si0, so0), (in1, out1, si1, so1))

    _rows_in(x_hbm, r0, in0, si0, BRCHUNK)
    _rows_in(x_hbm, r0 + BRCHUNK, in1, si1, BRCHUNK)

    pltpu.sync_copy(min_hbm, mnb)
    pltpu.sync_copy(max_hbm, mxb)
    mnv = mnb[pl.ds(0, LANES)]
    mxv = mxb[pl.ds(0, LANES)]
    for w in range(1, NW):
        mnv = jnp.minimum(mnv, mnb[pl.ds(w * LANES, LANES)])
        mxv = jnp.maximum(mxv, mxb[pl.ds(w * LANES, LANES)])
    rmin = jnp.full((LANES,), jnp.min(mnv), jnp.float32)
    rmax = jnp.full((LANES,), jnp.max(mxv), jnp.float32)
    rmin = jnp.minimum(rmin, 0.0)
    rmax = jnp.maximum(rmax, 0.0)
    sv = jnp.maximum((rmax - rmin) / 255.0, 1e-8)
    iv = jnp.float32(1.0) / sv

    def pair(p, _):
        for b, (inb, outb, si, so) in enumerate(bufs):
            ci = p * 2 + b
            rr = r0 + ci * BRCHUNK
            _rows_in_wait(x_hbm, rr, inb, si, BRCHUNK)

            @pl.when(ci >= 2)
            def _():
                _rows_out_wait(out_hbm, r0, outb, so, BRCHUNK)

            _windows(inb, outb, sv, iv)
            _rows_out(out_hbm, rr, outb, so, BRCHUNK)

            @pl.when(ci + 2 < BNCHUNK)
            def _():
                _rows_in(x_hbm, rr + 2 * BRCHUNK, inb, si, BRCHUNK)
        return 0

    lax.fori_loop(0, BNCHUNK // 2, pair, 0)
    _rows_out_wait(out_hbm, r0, out0, so0, BRCHUNK)
    _rows_out_wait(out_hbm, r0, out1, so1, BRCHUNK)


def kernel(x):
    x2 = x.reshape(R, C)
    mn, mx = _minmax_kernel(x2)
    out = _quant_kernel(x2, mn, mx)
    return out.reshape(x.shape)

# --- scband reference (transcript-rebuilt; emitter-appended) ---
"""Pipeline reference for scband-sdpquantizer-60266981097802 (READ-ONLY COPY).

The authoritative reference and input builder live on the scoring server;
editing this copy changes nothing except your own understanding.
"""

import jax, jax.numpy as jnp
import numpy as np

TOTAL_BITS = 8
HIGH_BITS = 4
LOW_BITS = TOTAL_BITS - HIGH_BITS
GROUP_SIZE = 8
SPARSITY = 0.5
Q_MIN = -(2 ** (TOTAL_BITS - 1))
Q_MAX = 2 ** (TOTAL_BITS - 1) - 1


def setup_inputs(seed: int = 0) -> dict:
    key = jax.random.key(seed)
    x = jax.random.normal(key, (2, 4096, 4096), dtype=jnp.float32)
    return {"x": x}


def _compute_importance_mask(x_int, group_size, sparsity):
    orig_shape = x_int.shape
    flat = jnp.abs(jax.lax.stop_gradient(x_int)).reshape(-1).astype(jnp.float32)
    n = flat.shape[0]
    pad_size = (-n) % group_size
    if pad_size != 0:
        flat = jnp.pad(flat, (0, pad_size), constant_values=0.0)
    groups = flat.reshape(-1, group_size)
    K = max(1, round(group_size * sparsity))
    topk_vals, _ = jax.lax.top_k(groups, K)
    thresholds = topk_vals[:, -1:]
    mask = (groups >= thresholds).astype(jnp.float32).reshape(-1)
    if pad_size != 0:
        mask = mask[:n]
    return mask.reshape(orig_shape)


def reference(x):
    # Observer/EMA update: first forward with running_min=inf fills EMA with
    # the batch min/max, so scale derives directly from batch statistics.
    xd = jax.lax.stop_gradient(x)
    r_min = jnp.minimum(jnp.min(xd), 0.0)
    r_max = jnp.maximum(jnp.max(xd), 0.0)
    scale = jnp.maximum((r_max - r_min) / (Q_MAX - Q_MIN), 1e-8)
    Z = 0.0
    divisor = float(2 ** LOW_BITS)
    # 1. quantize to N-bit integer representation
    x_int = jnp.clip(jnp.round(x / scale) + Z, Q_MIN, Q_MAX)
    # 2. split into HIGH and LOW parts (sign-magnitude)
    sign = jnp.sign(x_int)
    mag = jnp.abs(x_int)
    high = jnp.floor(mag / divisor)
    low = mag - high * divisor
    # 3. per-group top-K importance mask
    mask = _compute_importance_mask(x_int, GROUP_SIZE, SPARSITY)
    # 4. zero low bits for unimportant elements
    low_masked = low * mask
    # 5. reconstruct and dequantize
    x_int_sdp = sign * (high * divisor + low_masked)
    x_sdp = scale * (x_int_sdp - Z)
    # 6. STE
    return x + jax.lax.stop_gradient(x_sdp - x)

if __name__ == "__main__":
    import jax
    _d = setup_inputs()
    print(jax.jit(kernel)(*tuple(_d.values())))

</pallas_src>

<mosaic_0001>
#map = affine_map<(d0, d1) -> (0, 0)>
#map1 = affine_map<(d0, d1) -> (0)>
module attributes {stable_mosaic.version = 14 : i64} {
  func.func @_quant_kernel(%arg0: i32, %arg1: i32, %arg2: memref<8192x4096xf32, #tpu.memory_space<hbm>>, %arg3: memref<512xf32, #tpu.memory_space<hbm>>, %arg4: memref<512xf32, #tpu.memory_space<hbm>>, %arg5: memref<8192x4096xf32, #tpu.memory_space<hbm>>, %arg6: memref<16384xf32, #tpu.memory_space<vmem>>, %arg7: memref<16384xf32, #tpu.memory_space<vmem>>, %arg8: memref<16384xf32, #tpu.memory_space<vmem>>, %arg9: memref<16384xf32, #tpu.memory_space<vmem>>, %arg10: memref<512xf32, #tpu.memory_space<vmem>>, %arg11: memref<512xf32, #tpu.memory_space<vmem>>, %arg12: memref<!tpu.dma_semaphore, #tpu.memory_space<semaphore_mem>>, %arg13: memref<!tpu.dma_semaphore, #tpu.memory_space<semaphore_mem>>, %arg14: memref<!tpu.dma_semaphore, #tpu.memory_space<semaphore_mem>>, %arg15: memref<!tpu.dma_semaphore, #tpu.memory_space<semaphore_mem>>) attributes {dimension_semantics = [#tpu.dimension_semantics<core_parallel>, #tpu.dimension_semantics<subcore_parallel>], iteration_bounds = array<i64: 2, 16>, scalar_prefetch = 0 : i64, scratch_operands = 10 : i64, tpu.core_type = #tpu.core_type<sc_vector_subcore>, window_params = [{transform_indices = #map}, {transform_indices = #map1}, {transform_indices = #map1}, {transform_indices = #map}]} {
    %mul3A = arith.constant 2 : i32
    %mul3A_0 = arith.muli %arg1, %mul3A : i32
    %add3A = arith.addi %mul3A_0, %arg0 : i32
    %mul3A_1 = arith.constant 256 : i32
    %mul3A_2 = arith.muli %add3A, %mul3A_1 : i32
    %add3A_3 = arith.constant 0 : i32
    %add3A_4 = arith.addi %mul3A_2, %add3A_3 : i32
    %dma_start3A = arith.constant 0 : i32
    %dma_start3A_5 = tpu.memref_slice %arg6[%dma_start3A] : memref<16384xf32, #tpu.memory_space<vmem>> -> memref<4096xf32, #tpu.memory_space<vmem>>
    %dma_start3A_6 = arith.constant 0 : i32
    %dma_start3A_7 = tpu.memref_slice %arg2[%add3A_4, %dma_start3A_6] : memref<8192x4096xf32, #tpu.memory_space<hbm>> -> memref<1x4096xf32, #tpu.memory_space<hbm>>
    %dma_start3A_8 = tpu.memref_squeeze %dma_start3A_7 : memref<1x4096xf32, #tpu.memory_space<hbm>> -> memref<4096xf32, #tpu.memory_space<hbm>>
    %dma_start3A_9 = arith.constant 0 : i32
    %dma_start3A_10 = tpu.memref_slice %arg6[%dma_start3A_9] : memref<16384xf32, #tpu.memory_space<vmem>> -> memref<4096xf32, #tpu.memory_space<vmem>>
    %dma_start3A_11 = arith.constant 0 : i32
    %dma_start3A_12 = tpu.memref_slice %arg2[%add3A_4, %dma_start3A_11] : memref<8192x4096xf32, #tpu.memory_space<hbm>> -> memref<1x4096xf32, #tpu.memory_space<hbm>>
    %dma_start3A_13 = tpu.memref_squeeze %dma_start3A_12 : memref<1x4096xf32, #tpu.memory_space<hbm>> -> memref<4096xf32, #tpu.memory_space<hbm>>
    tpu.enqueue_dma source(%dma_start3A_13 : memref<4096xf32, #tpu.memory_space<hbm>>) target(%dma_start3A_10 : memref<4096xf32, #tpu.memory_space<vmem>>) target_semaphore(%arg12 : memref<!tpu.dma_semaphore, #tpu.memory_space<semaphore_mem>>)
    %add3A_14 = arith.constant 1 : i32
    %add3A_15 = arith.addi %mul3A_2, %add3A_14 : i32
    %dma_start3A_16 = arith.constant 4096 : i32
    %dma_start3A_17 = tpu.memref_slice %arg6[%dma_start3A_16] : memref<16384xf32, #tpu.memory_space<vmem>> -> memref<4096xf32, #tpu.memory_space<vmem>>
    %dma_start3A_18 = arith.constant 0 : i32
    %dma_start3A_19 = tpu.memref_slice %arg2[%add3A_15, %dma_start3A_18] : memref<8192x4096xf32, #tpu.memory_space<hbm>> -> memref<1x4096xf32, #tpu.memory_space<hbm>>
    %dma_start3A_20 = tpu.memref_squeeze %dma_start3A_19 : memref<1x4096xf32, #tpu.memory_space<hbm>> -> memref<4096xf32, #tpu.memory_space<hbm>>
    %dma_start3A_21 = arith.constant 4096 : i32
    %dma_start3A_22 = tpu.memref_slice %arg6[%dma_start3A_21] : memref<16384xf32, #tpu.memory_space<vmem>> -> memref<4096xf32, #tpu.memory_space<vmem>>
    %dma_start3A_23 = arith.constant 0 : i32
    %dma_start3A_24 = tpu.memref_slice %arg2[%add3A_15, %dma_start3A_23] : memref<8192x4096xf32, #tpu.memory_space<hbm>> -> memref<1x4096xf32, #tpu.memory_space<hbm>>
    %dma_start3A_25 = tpu.memref_squeeze %dma_start3A_24 : memref<1x4096xf32, #tpu.memory_space<hbm>> -> memref<4096xf32, #tpu.memory_space<hbm>>
    tpu.enqueue_dma source(%dma_start3A_25 : memref<4096xf32, #tpu.memory_space<hbm>>) target(%dma_start3A_22 : memref<4096xf32, #tpu.memory_space<vmem>>) target_semaphore(%arg12 : memref<!tpu.dma_semaphore, #tpu.memory_space<semaphore_mem>>)
    %add3A_26 = arith.constant 2 : i32
    %add3A_27 = arith.addi %mul3A_2, %add3A_26 : i32
    %dma_start3A_28 = arith.constant 8192 : i32
    %dma_start3A_29 = tpu.memref_slice %arg6[%dma_start3A_28] : memref<16384xf32, #tpu.memory_space<vmem>> -> memref<4096xf32, #tpu.memory_space<vmem>>
    %dma_start3A_30 = arith.constant 0 : i32
    %dma_start3A_31 = tpu.memref_slice %arg2[%add3A_27, %dma_start3A_30] : memref<8192x4096xf32, #tpu.memory_space<hbm>> -> memref<1x4096xf32, #tpu.memory_space<hbm>>
    %dma_start3A_32 = tpu.memref_squeeze %dma_start3A_31 : memref<1x4096xf32, #tpu.memory_space<hbm>> -> memref<4096xf32, #tpu.memory_space<hbm>>
    %dma_start3A_33 = arith.constant 8192 : i32
    %dma_start3A_34 = tpu.memref_slice %arg6[%dma_start3A_33] : memref<16384xf32, #tpu.memory_space<vmem>> -> memref<4096xf32, #tpu.memory_space<vmem>>
    %dma_start3A_35 = arith.constant 0 : i32
    %dma_start3A_36 = tpu.memref_slice %arg2[%add3A_27, %dma_start3A_35] : memref<8192x4096xf32, #tpu.memory_space<hbm>> -> memref<1x4096xf32, #tpu.memory_space<hbm>>
    %dma_start3A_37 = tpu.memref_squeeze %dma_start3A_36 : memref<1x4096xf32, #tpu.memory_space<hbm>> -> memref<4096xf32, #tpu.memory_space<hbm>>
    tpu.enqueue_dma source(%dma_start3A_37 : memref<4096xf32, #tpu.memory_space<hbm>>) target(%dma_start3A_34 : memref<4096xf32, #tpu.memory_space<vmem>>) target_semaphore(%arg12 : memref<!tpu.dma_semaphore, #tpu.memory_space<semaphore_mem>>)
    %add3A_38 = arith.constant 3 : i32
    %add3A_39 = arith.addi %mul3A_2, %add3A_38 : i32
    %dma_start3A_40 = arith.constant 12288 : i32
    %dma_start3A_41 = tpu.memref_slice %arg6[%dma_start3A_40] : memref<16384xf32, #tpu.memory_space<vmem>> -> memref<4096xf32, #tpu.memory_space<vmem>>
    %dma_start3A_42 = arith.constant 0 : i32
    %dma_start3A_43 = tpu.memref_slice %arg2[%add3A_39, %dma_start3A_42] : memref<8192x4096xf32, #tpu.memory_space<hbm>> -> memref<1x4096xf32, #tpu.memory_space<hbm>>
    %dma_start3A_44 = tpu.memref_squeeze %dma_start3A_43 : memref<1x4096xf32, #tpu.memory_space<hbm>> -> memref<4096xf32, #tpu.memory_space<hbm>>
    %dma_start3A_45 = arith.constant 12288 : i32
    %dma_start3A_46 = tpu.memref_slice %arg6[%dma_start3A_45] : memref<16384xf32, #tpu.memory_space<vmem>> -> memref<4096xf32, #tpu.memory_space<vmem>>
    %dma_start3A_47 = arith.constant 0 : i32
    %dma_start3A_48 = tpu.memref_slice %arg2[%add3A_39, %dma_start3A_47] : memref<8192x4096xf32, #tpu.memory_space<hbm>> -> memref<1x4096xf32, #tpu.memory_space<hbm>>
    %dma_start3A_49 = tpu.memref_squeeze %dma_start3A_48 : memref<1x4096xf32, #tpu.memory_space<hbm>> -> memref<4096xf32, #tpu.memory_space<hbm>>
    tpu.enqueue_dma source(%dma_start3A_49 : memref<4096xf32, #tpu.memory_space<hbm>>) target(%dma_start3A_46 : memref<4096xf32, #tpu.memory_space<vmem>>) target_semaphore(%arg12 : memref<!tpu.dma_semaphore, #tpu.memory_space<semaphore_mem>>)
    %add3A_50 = arith.constant 4 : i32
    %add3A_51 = arith.addi %mul3A_2, %add3A_50 : i32
    %add3A_52 = arith.constant 0 : i32
    %add3A_53 = arith.addi %add3A_51, %add3A_52 : i32
    %dma_start3A_54 = arith.constant 0 : i32
    %dma_start3A_55 = tpu.memref_slice %arg7[%dma_start3A_54] : memref<16384xf32, #tpu.memory_space<vmem>> -> memref<4096xf32, #tpu.memory_space<vmem>>
    %dma_start3A_56 = arith.constant 0 : i32
    %dma_start3A_57 = tpu.memref_slice %arg2[%add3A_53, %dma_start3A_56] : memref<8192x4096xf32, #tpu.memory_space<hbm>> -> memref<1x4096xf32, #tpu.memory_space<hbm>>
    %dma_start3A_58 = tpu.memref_squeeze %dma_start3A_57 : memref<1x4096xf32, #tpu.memory_space<hbm>> -> memref<4096xf32, #tpu.memory_space<hbm>>
    %dma_start3A_59 = arith.constant 0 : i32
    %dma_start3A_60 = tpu.memref_slice %arg7[%dma_start3A_59] : memref<16384xf32, #tpu.memory_space<vmem>> -> memref<4096xf32, #tpu.memory_space<vmem>>
    %dma_start3A_61 = arith.constant 0 : i32
    %dma_start3A_62 = tpu.memref_slice %arg2[%add3A_53, %dma_start3A_61] : memref<8192x4096xf32, #tpu.memory_space<hbm>> -> memref<1x4096xf32, #tpu.memory_space<hbm>>
    %dma_start3A_63 = tpu.memref_squeeze %dma_start3A_62 : memref<1x4096xf32, #tpu.memory_space<hbm>> -> memref<4096xf32, #tpu.memory_space<hbm>>
    tpu.enqueue_dma source(%dma_start3A_63 : memref<4096xf32, #tpu.memory_space<hbm>>) target(%dma_start3A_60 : memref<4096xf32, #tpu.memory_space<vmem>>) target_semaphore(%arg13 : memref<!tpu.dma_semaphore, #tpu.memory_space<semaphore_mem>>)
    %add3A_64 = arith.constant 1 : i32
    %add3A_65 = arith.addi %add3A_51, %add3A_64 : i32
    %dma_start3A_66 = arith.constant 4096 : i32
    %dma_start3A_67 = tpu.memref_slice %arg7[%dma_start3A_66] : memref<16384xf32, #tpu.memory_space<vmem>> -> memref<4096xf32, #tpu.memory_space<vmem>>
    %dma_start3A_68 = arith.constant 0 : i32
    %dma_start3A_69 = tpu.memref_slice %arg2[%add3A_65, %dma_start3A_68] : memref<8192x4096xf32, #tpu.memory_space<hbm>> -> memref<1x4096xf32, #tpu.memory_space<hbm>>
    %dma_start3A_70 = tpu.memref_squeeze %dma_start3A_69 : memref<1x4096xf32, #tpu.memory_space<hbm>> -> memref<4096xf32, #tpu.memory_space<hbm>>
    %dma_start3A_71 = arith.constant 4096 : i32
    %dma_start3A_72 = tpu.memref_slice %arg7[%dma_start3A_71] : memref<16384xf32, #tpu.memory_space<vmem>> -> memref<4096xf32, #tpu.memory_space<vmem>>
    %dma_start3A_73 = arith.constant 0 : i32
    %dma_start3A_74 = tpu.memref_slice %arg2[%add3A_65, %dma_start3A_73] : memref<8192x4096xf32, #tpu.memory_space<hbm>> -> memref<1x4096xf32, #tpu.memory_space<hbm>>
    %dma_start3A_75 = tpu.memref_squeeze %dma_start3A_74 : memref<1x4096xf32, #tpu.memory_space<hbm>> -> memref<4096xf32, #tpu.memory_space<hbm>>
    tpu.enqueue_dma source(%dma_start3A_75 : memref<4096xf32, #tpu.memory_space<hbm>>) target(%dma_start3A_72 : memref<4096xf32, #tpu.memory_space<vmem>>) target_semaphore(%arg13 : memref<!tpu.dma_semaphore, #tpu.memory_space<semaphore_mem>>)
    %add3A_76 = arith.constant 2 : i32
    %add3A_77 = arith.addi %add3A_51, %add3A_76 : i32
    %dma_start3A_78 = arith.constant 8192 : i32
    %dma_start3A_79 = tpu.memref_slice %arg7[%dma_start3A_78] : memref<16384xf32, #tpu.memory_space<vmem>> -> memref<4096xf32, #tpu.memory_space<vmem>>
    %dma_start3A_80 = arith.constant 0 : i32
    %dma_start3A_81 = tpu.memref_slice %arg2[%add3A_77, %dma_start3A_80] : memref<8192x4096xf32, #tpu.memory_space<hbm>> -> memref<1x4096xf32, #tpu.memory_space<hbm>>
    %dma_start3A_82 = tpu.memref_squeeze %dma_start3A_81 : memref<1x4096xf32, #tpu.memory_space<hbm>> -> memref<4096xf32, #tpu.memory_space<hbm>>
    %dma_start3A_83 = arith.constant 8192 : i32
    %dma_start3A_84 = tpu.memref_slice %arg7[%dma_start3A_83] : memref<16384xf32, #tpu.memory_space<vmem>> -> memref<4096xf32, #tpu.memory_space<vmem>>
    %dma_start3A_85 = arith.constant 0 : i32
    %dma_start3A_86 = tpu.memref_slice %arg2[%add3A_77, %dma_start3A_85] : memref<8192x4096xf32, #tpu.memory_space<hbm>> -> memref<1x4096xf32, #tpu.memory_space<hbm>>
    %dma_start3A_87 = tpu.memref_squeeze %dma_start3A_86 : memref<1x4096xf32, #tpu.memory_space<hbm>> -> memref<4096xf32, #tpu.memory_space<hbm>>
    tpu.enqueue_dma source(%dma_start3A_87 : memref<4096xf32, #tpu.memory_space<hbm>>) target(%dma_start3A_84 : memref<4096xf32, #tpu.memory_space<vmem>>) target_semaphore(%arg13 : memref<!tpu.dma_semaphore, #tpu.memory_space<semaphore_mem>>)
    %add3A_88 = arith.constant 3 : i32
    %add3A_89 = arith.addi %add3A_51, %add3A_88 : i32
    %dma_start3A_90 = arith.constant 12288 : i32
    %dma_start3A_91 = tpu.memref_slice %arg7[%dma_start3A_90] : memref<16384xf32, #tpu.memory_space<vmem>> -> memref<4096xf32, #tpu.memory_space<vmem>>
    %dma_start3A_92 = arith.constant 0 : i32
    %dma_start3A_93 = tpu.memref_slice %arg2[%add3A_89, %dma_start3A_92] : memref<8192x4096xf32, #tpu.memory_space<hbm>> -> memref<1x4096xf32, #tpu.memory_space<hbm>>
    %dma_start3A_94 = tpu.memref_squeeze %dma_start3A_93 : memref<1x4096xf32, #tpu.memory_space<hbm>> -> memref<4096xf32, #tpu.memory_space<hbm>>
    %dma_start3A_95 = arith.constant 12288 : i32
    %dma_start3A_96 = tpu.memref_slice %arg7[%dma_start3A_95] : memref<16384xf32, #tpu.memory_space<vmem>> -> memref<4096xf32, #tpu.memory_space<vmem>>
    %dma_start3A_97 = arith.constant 0 : i32
    %dma_start3A_98 = tpu.memref_slice %arg2[%add3A_89, %dma_start3A_97] : memref<8192x4096xf32, #tpu.memory_space<hbm>> -> memref<1x4096xf32, #tpu.memory_space<hbm>>
    %dma_start3A_99 = tpu.memref_squeeze %dma_start3A_98 : memref<1x4096xf32, #tpu.memory_space<hbm>> -> memref<4096xf32, #tpu.memory_space<hbm>>
    tpu.enqueue_dma source(%dma_start3A_99 : memref<4096xf32, #tpu.memory_space<hbm>>) target(%dma_start3A_96 : memref<4096xf32, #tpu.memory_space<vmem>>) target_semaphore(%arg13 : memref<!tpu.dma_semaphore, #tpu.memory_space<semaphore_mem>>)
    "tpu.region"() ({
      %run_scoped3A = tpu.sem_alloc : memref<!tpu.dma_semaphore, #tpu.memory_space<semaphore_mem>>
      tpu.enqueue_dma source(%arg3 : memref<512xf32, #tpu.memory_space<hbm>>) target(%arg10 : memref<512xf32, #tpu.memory_space<vmem>>) target_semaphore(%run_scoped3A : memref<!tpu.dma_semaphore, #tpu.memory_space<semaphore_mem>>)
      tpu.wait_dma2 semaphore(%run_scoped3A : memref<!tpu.dma_semaphore, #tpu.memory_space<semaphore_mem>>) src(%arg3 : memref<512xf32, #tpu.memory_space<hbm>>) dst(%arg10 : memref<512xf32, #tpu.memory_space<vmem>>)
      tpu.yield
    }) : () -> ()
    "tpu.region"() ({
      %run_scoped3A = tpu.sem_alloc : memref<!tpu.dma_semaphore, #tpu.memory_space<semaphore_mem>>
      tpu.enqueue_dma source(%arg4 : memref<512xf32, #tpu.memory_space<hbm>>) target(%arg11 : memref<512xf32, #tpu.memory_space<vmem>>) target_semaphore(%run_scoped3A : memref<!tpu.dma_semaphore, #tpu.memory_space<semaphore_mem>>)
      tpu.wait_dma2 semaphore(%run_scoped3A : memref<!tpu.dma_semaphore, #tpu.memory_space<semaphore_mem>>) src(%arg4 : memref<512xf32, #tpu.memory_space<hbm>>) dst(%arg11 : memref<512xf32, #tpu.memory_space<vmem>>)
      tpu.yield
    }) : () -> ()
    %get3A = arith.constant 0 : index
    %get3A_100 = tpu.vector_load %arg10[%get3A] {strides = array<i32>} : memref<512xf32, #tpu.memory_space<vmem>>, vector<16xf32>,
    %get3A_101 = arith.constant 0 : index
    %get3A_102 = tpu.vector_load %arg11[%get3A_101] {strides = array<i32>} : memref<512xf32, #tpu.memory_space<vmem>>, vector<16xf32>,
    %get3A_103 = arith.constant 16 : index
    %get3A_104 = tpu.vector_load %arg10[%get3A_103] {strides = array<i32>} : memref<512xf32, #tpu.memory_space<vmem>>, vector<16xf32>,
    %min3A = arith.minimumf %get3A_100, %get3A_104 : vector<16xf32>
    %get3A_105 = arith.constant 16 : index
    %get3A_106 = tpu.vector_load %arg11[%get3A_105] {strides = array<i32>} : memref<512xf32, #tpu.memory_space<vmem>>, vector<16xf32>,
    %max3A = arith.maximumf %get3A_102, %get3A_106 : vector<16xf32>
    %get3A_107 = arith.constant 32 : index
    %get3A_108 = tpu.vector_load %arg10[%get3A_107] {strides = array<i32>} : memref<512xf32, #tpu.memory_space<vmem>>, vector<16xf32>,
    %min3A_109 = arith.minimumf %min3A, %get3A_108 : vector<16xf32>
    %get3A_110 = arith.constant 32 : index
    %get3A_111 = tpu.vector_load %arg11[%get3A_110] {strides = array<i32>} : memref<512xf32, #tpu.memory_space<vmem>>, vector<16xf32>,
    %max3A_112 = arith.maximumf %max3A, %get3A_111 : vector<16xf32>
    %get3A_113 = arith.constant 48 : index
    %get3A_114 = tpu.vector_load %arg10[%get3A_113] {strides = array<i32>} : memref<512xf32, #tpu.memory_space<vmem>>, vector<16xf32>,
    %min3A_115 = arith.minimumf %min3A_109, %get3A_114 : vector<16xf32>
    %get3A_116 = arith.constant 48 : index
    %get3A_117 = tpu.vector_load %arg11[%get3A_116] {strides = array<i32>} : memref<512xf32, #tpu.memory_space<vmem>>, vector<16xf32>,
    %max3A_118 = arith.maximumf %max3A_112, %get3A_117 : vector<16xf32>
    %get3A_119 = arith.constant 64 : index
    %get3A_120 = tpu.vector_load %arg10[%get3A_119] {strides = array<i32>} : memref<512xf32, #tpu.memory_space<vmem>>, vector<16xf32>,
    %min3A_121 = arith.minimumf %min3A_115, %get3A_120 : vector<16xf32>
    %get3A_122 = arith.constant 64 : index
    %get3A_123 = tpu.vector_load %arg11[%get3A_122] {strides = array<i32>} : memref<512xf32, #tpu.memory_space<vmem>>, vector<16xf32>,
    %max3A_124 = arith.maximumf %max3A_118, %get3A_123 : vector<16xf32>
    %get3A_125 = arith.constant 80 : index
    %get3A_126 = tpu.vector_load %arg10[%get3A_125] {strides = array<i32>} : memref<512xf32, #tpu.memory_space<vmem>>, vector<16xf32>,
    %min3A_127 = arith.minimumf %min3A_121, %get3A_126 : vector<16xf32>
    %get3A_128 = arith.constant 80 : index
    %get3A_129 = tpu.vector_load %arg11[%get3A_128] {strides = array<i32>} : memref<512xf32, #tpu.memory_space<vmem>>, vector<16xf32>,
    %max3A_130 = arith.maximumf %max3A_124, %get3A_129 : vector<16xf32>
    %get3A_131 = arith.constant 96 : index
    %get3A_132 = tpu.vector_load %arg10[%get3A_131] {strides = array<i32>} : memref<512xf32, #tpu.memory_space<vmem>>, vector<16xf32>,
    %min3A_133 = arith.minimumf %min3A_127, %get3A_132 : vector<16xf32>
    %get3A_134 = arith.constant 96 : index
    %get3A_135 = tpu.vector_load %arg11[%get3A_134] {strides = array<i32>} : memref<512xf32, #tpu.memory_space<vmem>>, vector<16xf32>,
    %max3A_136 = arith.maximumf %max3A_130, %get3A_135 : vector<16xf32>
    %get3A_137 = arith.constant 112 : index
    %get3A_138 = tpu.vector_load %arg10[%get3A_137] {strides = array<i32>} : memref<512xf32, #tpu.memory_space<vmem>>, vector<16xf32>,
    %min3A_139 = arith.minimumf %min3A_133, %get3A_138 : vector<16xf32>
    %get3A_140 = arith.constant 112 : index
    %get3A_141 = tpu.vector_load %arg11[%get3A_140] {strides = array<i32>} : memref<512xf32, #tpu.memory_space<vmem>>, vector<16xf32>,
    %max3A_142 = arith.maximumf %max3A_136, %get3A_141 : vector<16xf32>
    %get3A_143 = arith.constant 128 : index
    %get3A_144 = tpu.vector_load %arg10[%get3A_143] {strides = array<i32>} : memref<512xf32, #tpu.memory_space<vmem>>, vector<16xf32>,
    %min3A_145 = arith.minimumf %min3A_139, %get3A_144 : vector<16xf32>
    %get3A_146 = arith.constant 128 : index
    %get3A_147 = tpu.vector_load %arg11[%get3A_146] {strides = array<i32>} : memref<512xf32, #tpu.memory_space<vmem>>, vector<16xf32>,
    %max3A_148 = arith.maximumf %max3A_142, %get3A_147 : vector<16xf32>
    %get3A_149 = arith.constant 144 : index
    %get3A_150 = tpu.vector_load %arg10[%get3A_149] {strides = array<i32>} : memref<512xf32, #tpu.memory_space<vmem>>, vector<16xf32>,
    %min3A_151 = arith.minimumf %min3A_145, %get3A_150 : vector<16xf32>
    %get3A_152 = arith.constant 144 : index
    %get3A_153 = tpu.vector_load %arg11[%get3A_152] {strides = array<i32>} : memref<512xf32, #tpu.memory_space<vmem>>, vector<16xf32>,
    %max3A_154 = arith.maximumf %max3A_148, %get3A_153 : vector<16xf32>
    %get3A_155 = arith.constant 160 : index
    %get3A_156 = tpu.vector_load %arg10[%get3A_155] {strides = array<i32>} : memref<512xf32, #tpu.memory_space<vmem>>, vector<16xf32>,
    %min3A_157 = arith.minimumf %min3A_151, %get3A_156 : vector<16xf32>
    %get3A_158 = arith.constant 160 : index
    %get3A_159 = tpu.vector_load %arg11[%get3A_158] {strides = array<i32>} : memref<512xf32, #tpu.memory_space<vmem>>, vector<16xf32>,
    %max3A_160 = arith.maximumf %max3A_154, %get3A_159 : vector<16xf32>
    %get3A_161 = arith.constant 176 : index
    %get3A_162 = tpu.vector_load %arg10[%get3A_161] {strides = array<i32>} : memref<512xf32, #tpu.memory_space<vmem>>, vector<16xf32>,
    %min3A_163 = arith.minimumf %min3A_157, %get3A_162 : vector<16xf32>
    %get3A_164 = arith.constant 176 : index
    %get3A_165 = tpu.vector_load %arg11[%get3A_164] {strides = array<i32>} : memref<512xf32, #tpu.memory_space<vmem>>, vector<16xf32>,
    %max3A_166 = arith.maximumf %max3A_160, %get3A_165 : vector<16xf32>
    %get3A_167 = arith.constant 192 : index
    %get3A_168 = tpu.vector_load %arg10[%get3A_167] {strides = array<i32>} : memref<512xf32, #tpu.memory_space<vmem>>, vector<16xf32>,
    %min3A_169 = arith.minimumf %min3A_163, %get3A_168 : vector<16xf32>
    %get3A_170 = arith.constant 192 : index
    %get3A_171 = tpu.vector_load %arg11[%get3A_170] {strides = array<i32>} : memref<512xf32, #tpu.memory_space<vmem>>, vector<16xf32>,
    %max3A_172 = arith.maximumf %max3A_166, %get3A_171 : vector<16xf32>
    %get3A_173 = arith.constant 208 : index
    %get3A_174 = tpu.vector_load %arg10[%get3A_173] {strides = array<i32>} : memref<512xf32, #tpu.memory_space<vmem>>, vector<16xf32>,
    %min3A_175 = arith.minimumf %min3A_169, %get3A_174 : vector<16xf32>
    %get3A_176 = arith.constant 208 : index
    %get3A_177 = tpu.vector_load %arg11[%get3A_176] {strides = array<i32>} : memref<512xf32, #tpu.memory_space<vmem>>, vector<16xf32>,
    %max3A_178 = arith.maximumf %max3A_172, %get3A_177 : vector<16xf32>
    %get3A_179 = arith.constant 224 : index
    %get3A_180 = tpu.vector_load %arg10[%get3A_179] {strides = array<i32>} : memref<512xf32, #tpu.memory_space<vmem>>, vector<16xf32>,
    %min3A_181 = arith.minimumf %min3A_175, %get3A_180 : vector<16xf32>
    %get3A_182 = arith.constant 224 : index
    %get3A_183 = tpu.vector_load %arg11[%get3A_182] {strides = array<i32>} : memref<512xf32, #tpu.memory_space<vmem>>, vector<16xf32>,
    %max3A_184 = arith.maximumf %max3A_178, %get3A_183 : vector<16xf32>
    %get3A_185 = arith.constant 240 : index
    %get3A_186 = tpu.vector_load %arg10[%get3A_185] {strides = array<i32>} : memref<512xf32, #tpu.memory_space<vmem>>, vector<16xf32>,
    %min3A_187 = arith.minimumf %min3A_181, %get3A_186 : vector<16xf32>
    %get3A_188 = arith.constant 240 : index
    %get3A_189 = tpu.vector_load %arg11[%get3A_188] {strides = array<i32>} : memref<512xf32, #tpu.memory_space<vmem>>, vector<16xf32>,
    %max3A_190 = arith.maximumf %max3A_184, %get3A_189 : vector<16xf32>
    %get3A_191 = arith.constant 256 : index
    %get3A_192 = tpu.vector_load %arg10[%get3A_191] {strides = array<i32>} : memref<512xf32, #tpu.memory_space<vmem>>, vector<16xf32>,
    %min3A_193 = arith.minimumf %min3A_187, %get3A_192 : vector<16xf32>
    %get3A_194 = arith.constant 256 : index
    %get3A_195 = tpu.vector_load %arg11[%get3A_194] {strides = array<i32>} : memref<512xf32, #tpu.memory_space<vmem>>, vector<16xf32>,
    %max3A_196 = arith.maximumf %max3A_190, %get3A_195 : vector<16xf32>
    %get3A_197 = arith.constant 272 : index
    %get3A_198 = tpu.vector_load %arg10[%get3A_197] {strides = array<i32>} : memref<512xf32, #tpu.memory_space<vmem>>, vector<16xf32>,
    %min3A_199 = arith.minimumf %min3A_193, %get3A_198 : vector<16xf32>
    %get3A_200 = arith.constant 272 : index
    %get3A_201 = tpu.vector_load %arg11[%get3A_200] {strides = array<i32>} : memref<512xf32, #tpu.memory_space<vmem>>, vector<16xf32>,
    %max3A_202 = arith.maximumf %max3A_196, %get3A_201 : vector<16xf32>
    %get3A_203 = arith.constant 288 : index
    %get3A_204 = tpu.vector_load %arg10[%get3A_203] {strides = array<i32>} : memref<512xf32, #tpu.memory_space<vmem>>, vector<16xf32>,
    %min3A_205 = arith.minimumf %min3A_199, %get3A_204 : vector<16xf32>
    %get3A_206 = arith.constant 288 : index
    %get3A_207 = tpu.vector_load %arg11[%get3A_206] {strides = array<i32>} : memref<512xf32, #tpu.memory_space<vmem>>, vector<16xf32>,
    %max3A_208 = arith.maximumf %max3A_202, %get3A_207 : vector<16xf32>
    %get3A_209 = arith.constant 304 : index
    %get3A_210 = tpu.vector_load %arg10[%get3A_209] {strides = array<i32>} : memref<512xf32, #tpu.memory_space<vmem>>, vector<16xf32>,
    %min3A_211 = arith.minimumf %min3A_205, %get3A_210 : vector<16xf32>
    %get3A_212 = arith.constant 304 : index
    %get3A_213 = tpu.vector_load %arg11[%get3A_212] {strides = array<i32>} : memref<512xf32, #tpu.memory_space<vmem>>, vector<16xf32>,
    %max3A_214 = arith.maximumf %max3A_208, %get3A_213 : vector<16xf32>
    %get3A_215 = arith.constant 320 : index
    %get3A_216 = tpu.vector_load %arg10[%get3A_215] {strides = array<i32>} : memref<512xf32, #tpu.memory_space<vmem>>, vector<16xf32>,
    %min3A_217 = arith.minimumf %min3A_211, %get3A_216 : vector<16xf32>
    %get3A_218 = arith.constant 320 : index
    %get3A_219 = tpu.vector_load %arg11[%get3A_218] {strides = array<i32>} : memref<512xf32, #tpu.memory_space<vmem>>, vector<16xf32>,
    %max3A_220 = arith.maximumf %max3A_214, %get3A_219 : vector<16xf32>
    %get3A_221 = arith.constant 336 : index
    %get3A_222 = tpu.vector_load %arg10[%get3A_221] {strides = array<i32>} : memref<512xf32, #tpu.memory_space<vmem>>, vector<16xf32>,
    %min3A_223 = arith.minimumf %min3A_217, %get3A_222 : vector<16xf32>
    %get3A_224 = arith.constant 336 : index
    %get3A_225 = tpu.vector_load %arg11[%get3A_224] {strides = array<i32>} : memref<512xf32, #tpu.memory_space<vmem>>, vector<16xf32>,
    %max3A_226 = arith.maximumf %max3A_220, %get3A_225 : vector<16xf32>
    %get3A_227 = arith.constant 352 : index
    %get3A_228 = tpu.vector_load %arg10[%get3A_227] {strides = array<i32>} : memref<512xf32, #tpu.memory_space<vmem>>, vector<16xf32>,
    %min3A_229 = arith.minimumf %min3A_223, %get3A_228 : vector<16xf32>
    %get3A_230 = arith.constant 352 : index
    %get3A_231 = tpu.vector_load %arg11[%get3A_230] {strides = array<i32>} : memref<512xf32, #tpu.memory_space<vmem>>, vector<16xf32>,
    %max3A_232 = arith.maximumf %max3A_226, %get3A_231 : vector<16xf32>
    %get3A_233 = arith.constant 368 : index
    %get3A_234 = tpu.vector_load %arg10[%get3A_233] {strides = array<i32>} : memref<512xf32, #tpu.memory_space<vmem>>, vector<16xf32>,
    %min3A_235 = arith.minimumf %min3A_229, %get3A_234 : vector<16xf32>
    %get3A_236 = arith.constant 368 : index
    %get3A_237 = tpu.vector_load %arg11[%get3A_236] {strides = array<i32>} : memref<512xf32, #tpu.memory_space<vmem>>, vector<16xf32>,
    %max3A_238 = arith.maximumf %max3A_232, %get3A_237 : vector<16xf32>
    %get3A_239 = arith.constant 384 : index
    %get3A_240 = tpu.vector_load %arg10[%get3A_239] {strides = array<i32>} : memref<512xf32, #tpu.memory_space<vmem>>, vector<16xf32>,
    %min3A_241 = arith.minimumf %min3A_235, %get3A_240 : vector<16xf32>
    %get3A_242 = arith.constant 384 : index
    %get3A_243 = tpu.vector_load %arg11[%get3A_242] {strides = array<i32>} : memref<512xf32, #tpu.memory_space<vmem>>, vector<16xf32>,
    %max3A_244 = arith.maximumf %max3A_238, %get3A_243 : vector<16xf32>
    %get3A_245 = arith.constant 400 : index
    %get3A_246 = tpu.vector_load %arg10[%get3A_245] {strides = array<i32>} : memref<512xf32, #tpu.memory_space<vmem>>, vector<16xf32>,
    %min3A_247 = arith.minimumf %min3A_241, %get3A_246 : vector<16xf32>
    %get3A_248 = arith.constant 400 : index
    %get3A_249 = tpu.vector_load %arg11[%get3A_248] {strides = array<i32>} : memref<512xf32, #tpu.memory_space<vmem>>, vector<16xf32>,
    %max3A_250 = arith.maximumf %max3A_244, %get3A_249 : vector<16xf32>
    %get3A_251 = arith.constant 416 : index
    %get3A_252 = tpu.vector_load %arg10[%get3A_251] {strides = array<i32>} : memref<512xf32, #tpu.memory_space<vmem>>, vector<16xf32>,
    %min3A_253 = arith.minimumf %min3A_247, %get3A_252 : vector<16xf32>
    %get3A_254 = arith.constant 416 : index
    %get3A_255 = tpu.vector_load %arg11[%get3A_254] {strides = array<i32>} : memref<512xf32, #tpu.memory_space<vmem>>, vector<16xf32>,
    %max3A_256 = arith.maximumf %max3A_250, %get3A_255 : vector<16xf32>
    %get3A_257 = arith.constant 432 : index
    %get3A_258 = tpu.vector_load %arg10[%get3A_257] {strides = array<i32>} : memref<512xf32, #tpu.memory_space<vmem>>, vector<16xf32>,
    %min3A_259 = arith.minimumf %min3A_253, %get3A_258 : vector<16xf32>
    %get3A_260 = arith.constant 432 : index
    %get3A_261 = tpu.vector_load %arg11[%get3A_260] {strides = array<i32>} : memref<512xf32, #tpu.memory_space<vmem>>, vector<16xf32>,
    %max3A_262 = arith.maximumf %max3A_256, %get3A_261 : vector<16xf32>
    %get3A_263 = arith.constant 448 : index
    %get3A_264 = tpu.vector_load %arg10[%get3A_263] {strides = array<i32>} : memref<512xf32, #tpu.memory_space<vmem>>, vector<16xf32>,
    %min3A_265 = arith.minimumf %min3A_259, %get3A_264 : vector<16xf32>
    %get3A_266 = arith.constant 448 : index
    %get3A_267 = tpu.vector_load %arg11[%get3A_266] {strides = array<i32>} : memref<512xf32, #tpu.memory_space<vmem>>, vector<16xf32>,
    %max3A_268 = arith.maximumf %max3A_262, %get3A_267 : vector<16xf32>
    %get3A_269 = arith.constant 464 : index
    %get3A_270 = tpu.vector_load %arg10[%get3A_269] {strides = array<i32>} : memref<512xf32, #tpu.memory_space<vmem>>, vector<16xf32>,
    %min3A_271 = arith.minimumf %min3A_265, %get3A_270 : vector<16xf32>
    %get3A_272 = arith.constant 464 : index
    %get3A_273 = tpu.vector_load %arg11[%get3A_272] {strides = array<i32>} : memref<512xf32, #tpu.memory_space<vmem>>, vector<16xf32>,
    %max3A_274 = arith.maximumf %max3A_268, %get3A_273 : vector<16xf32>
    %get3A_275 = arith.constant 480 : index
    %get3A_276 = tpu.vector_load %arg10[%get3A_275] {strides = array<i32>} : memref<512xf32, #tpu.memory_space<vmem>>, vector<16xf32>,
    %min3A_277 = arith.minimumf %min3A_271, %get3A_276 : vector<16xf32>
    %get3A_278 = arith.constant 480 : index
    %get3A_279 = tpu.vector_load %arg11[%get3A_278] {strides = array<i32>} : memref<512xf32, #tpu.memory_space<vmem>>, vector<16xf32>,
    %max3A_280 = arith.maximumf %max3A_274, %get3A_279 : vector<16xf32>
    %get3A_281 = arith.constant 496 : index
    %get3A_282 = tpu.vector_load %arg10[%get3A_281] {strides = array<i32>} : memref<512xf32, #tpu.memory_space<vmem>>, vector<16xf32>,
    %min3A_283 = arith.minimumf %min3A_277, %get3A_282 : vector<16xf32>
    %get3A_284 = arith.constant 496 : index
    %get3A_285 = tpu.vector_load %arg11[%get3A_284] {strides = array<i32>} : memref<512xf32, #tpu.memory_space<vmem>>, vector<16xf32>,
    %max3A_286 = arith.maximumf %max3A_280, %get3A_285 : vector<16xf32>
    %reduce_min3A = arith.constant true
    %reduce_min3A_287 = vector.broadcast %reduce_min3A : i1 to vector<16xi1>
    %reduce_min3A_288 = tpu.scan <min>, %min3A_283 masked %reduce_min3A_287 : vector<16xf32>, vector<16xi1> -> vector<16xf32>
    %reduce_min3A_289 = vector.extract %reduce_min3A_288[15] : f32 from vector<16xf32>
    %broadcast_in_dim3A = vector.broadcast %reduce_min3A_289 : f32 to vector<16xf32>
    %reduce_max3A = arith.constant true
    %reduce_max3A_290 = vector.broadcast %reduce_max3A : i1 to vector<16xi1>
    %reduce_max3A_291 = tpu.scan <max>, %max3A_286 masked %reduce_max3A_290 : vector<16xf32>, vector<16xi1> -> vector<16xf32>
    %reduce_max3A_292 = vector.extract %reduce_max3A_291[15] : f32 from vector<16xf32>
    %broadcast_in_dim3A_293 = vector.broadcast %reduce_max3A_292 : f32 to vector<16xf32>
    %min3A_294 = arith.constant 0.000000e+00 : f32
    %min3A_295 = vector.broadcast %min3A_294 : f32 to vector<16xf32>
    %min3A_296 = arith.minimumf %broadcast_in_dim3A, %min3A_295 : vector<16xf32>
    %max3A_297 = arith.constant 0.000000e+00 : f32
    %max3A_298 = vector.broadcast %max3A_297 : f32 to vector<16xf32>
    %max3A_299 = arith.maximumf %broadcast_in_dim3A_293, %max3A_298 : vector<16xf32>
    %sub3A = arith.subf %max3A_299, %min3A_296 : vector<16xf32>
    %div3A = arith.constant 2.550000e+02 : f32
    %div3A_300 = vector.broadcast %div3A : f32 to vector<16xf32>
    %div3A_301 = arith.divf %sub3A, %div3A_300 : vector<16xf32>
    %max3A_302 = arith.constant 9.99999993E-9 : f32
    %max3A_303 = vector.broadcast %max3A_302 : f32 to vector<16xf32>
    %max3A_304 = arith.maximumf %div3A_301, %max3A_303 : vector<16xf32>
    %div3A_305 = arith.constant 1.000000e+00 : f32
    %div3A_306 = vector.broadcast %div3A_305 : f32 to vector<16xf32>
    %div3A_307 = arith.divf %div3A_306, %max3A_304 : vector<16xf32>
    %scan3A = arith.constant 0 : i32
    %scan3A_308 = arith.constant 0 : i32
    %scan3A_309 = arith.constant 32 : i32
    %scan3A_310 = arith.addi %scan3A_308, %scan3A_309 : i32
    %scan3A_311 = arith.constant 1 : i32
    %scan3A_312 = scf.for %scan3A_409 = %scan3A_308 to %scan3A_310 step %scan3A_311 iter_args(%scan3A_410 = %scan3A) -> (i32)  : i32 {
      %mul3A_411 = arith.constant 2 : i32
      %mul3A_412 = arith.muli %scan3A_409, %mul3A_411 : i32
      %add3A_413 = arith.constant 0 : i32
      %add3A_414 = arith.addi %mul3A_412, %add3A_413 : i32
      %mul3A_415 = arith.constant 4 : i32
      %mul3A_416 = arith.muli %add3A_414, %mul3A_415 : i32
      %add3A_417 = arith.addi %mul3A_2, %mul3A_416 : i32
      %add3A_418 = arith.constant 0 : i32
      %add3A_419 = arith.addi %add3A_417, %add3A_418 : i32
      %dma_wait3A_420 = arith.constant 0 : i32
      %dma_wait3A_421 = tpu.memref_slice %arg6[%dma_wait3A_420] : memref<16384xf32, #tpu.memory_space<vmem>> -> memref<4096xf32, #tpu.memory_space<vmem>>
      %dma_wait3A_422 = arith.constant 0 : i32
      %dma_wait3A_423 = tpu.memref_slice %arg2[%add3A_419, %dma_wait3A_422] : memref<8192x4096xf32, #tpu.memory_space<hbm>> -> memref<1x4096xf32, #tpu.memory_space<hbm>>
      %dma_wait3A_424 = tpu.memref_squeeze %dma_wait3A_423 : memref<1x4096xf32, #tpu.memory_space<hbm>> -> memref<4096xf32, #tpu.memory_space<hbm>>
      %dma_wait3A_425 = arith.constant 0 : i32
      %dma_wait3A_426 = tpu.memref_slice %arg6[%dma_wait3A_425] : memref<16384xf32, #tpu.memory_space<vmem>> -> memref<4096xf32, #tpu.memory_space<vmem>>
      %dma_wait3A_427 = arith.constant 0 : i32
      %dma_wait3A_428 = tpu.memref_slice %arg2[%add3A_419, %dma_wait3A_427] : memref<8192x4096xf32, #tpu.memory_space<hbm>> -> memref<1x4096xf32, #tpu.memory_space<hbm>>
      %dma_wait3A_429 = tpu.memref_squeeze %dma_wait3A_428 : memref<1x4096xf32, #tpu.memory_space<hbm>> -> memref<4096xf32, #tpu.memory_space<hbm>>
      tpu.wait_dma2 semaphore(%arg12 : memref<!tpu.dma_semaphore, #tpu.memory_space<semaphore_mem>>) src(%dma_wait3A_429 : memref<4096xf32, #tpu.memory_space<hbm>>) dst(%dma_wait3A_426 : memref<4096xf32, #tpu.memory_space<vmem>>)
      %add3A_430 = arith.constant 1 : i32
      %add3A_431 = arith.addi %add3A_417, %add3A_430 : i32
      %dma_wait3A_432 = arith.constant 4096 : i32
      %dma_wait3A_433 = tpu.memref_slice %arg6[%dma_wait3A_432] : memref<16384xf32, #tpu.memory_space<vmem>> -> memref<4096xf32, #tpu.memory_space<vmem>>
      %dma_wait3A_434 = arith.constant 0 : i32
      %dma_wait3A_435 = tpu.memref_slice %arg2[%add3A_431, %dma_wait3A_434] : memref<8192x4096xf32, #tpu.memory_space<hbm>> -> memref<1x4096xf32, #tpu.memory_space<hbm>>
      %dma_wait3A_436 = tpu.memref_squeeze %dma_wait3A_435 : memref<1x4096xf32, #tpu.memory_space<hbm>> -> memref<4096xf32, #tpu.memory_space<hbm>>
      %dma_wait3A_437 = arith.constant 4096 : i32
      %dma_wait3A_438 = tpu.memref_slice %arg6[%dma_wait3A_437] : memref<16384xf32, #tpu.memory_space<vmem>> -> memref<4096xf32, #tpu.memory_space<vmem>>
      %dma_wait3A_439 = arith.constant 0 : i32
      %dma_wait3A_440 = tpu.memref_slice %arg2[%add3A_431, %dma_wait3A_439] : memref<8192x4096xf32, #tpu.memory_space<hbm>> -> memref<1x4096xf32, #tpu.memory_space<hbm>>
      %dma_wait3A_441 = tpu.memref_squeeze %dma_wait3A_440 : memref<1x4096xf32, #tpu.memory_space<hbm>> -> memref<4096xf32, #tpu.memory_space<hbm>>
      tpu.wait_dma2 semaphore(%arg12 : memref<!tpu.dma_semaphore, #tpu.memory_space<semaphore_mem>>) src(%dma_wait3A_441 : memref<4096xf32, #tpu.memory_space<hbm>>) dst(%dma_wait3A_438 : memref<4096xf32, #tpu.memory_space<vmem>>)
      %add3A_442 = arith.constant 2 : i32
      %add3A_443 = arith.addi %add3A_417, %add3A_442 : i32
      %dma_wait3A_444 = arith.constant 8192 : i32
      %dma_wait3A_445 = tpu.memref_slice %arg6[%dma_wait3A_444] : memref<16384xf32, #tpu.memory_space<vmem>> -> memref<4096xf32, #tpu.memory_space<vmem>>
      %dma_wait3A_446 = arith.constant 0 : i32
      %dma_wait3A_447 = tpu.memref_slice %arg2[%add3A_443, %dma_wait3A_446] : memref<8192x4096xf32, #tpu.memory_space<hbm>> -> memref<1x4096xf32, #tpu.memory_space<hbm>>
      %dma_wait3A_448 = tpu.memref_squeeze %dma_wait3A_447 : memref<1x4096xf32, #tpu.memory_space<hbm>> -> memref<4096xf32, #tpu.memory_space<hbm>>
      %dma_wait3A_449 = arith.constant 8192 : i32
      %dma_wait3A_450 = tpu.memref_slice %arg6[%dma_wait3A_449] : memref<16384xf32, #tpu.memory_space<vmem>> -> memref<4096xf32, #tpu.memory_space<vmem>>
      %dma_wait3A_451 = arith.constant 0 : i32
      %dma_wait3A_452 = tpu.memref_slice %arg2[%add3A_443, %dma_wait3A_451] : memref<8192x4096xf32, #tpu.memory_space<hbm>> -> memref<1x4096xf32, #tpu.memory_space<hbm>>
      %dma_wait3A_453 = tpu.memref_squeeze %dma_wait3A_452 : memref<1x4096xf32, #tpu.memory_space<hbm>> -> memref<4096xf32, #tpu.memory_space<hbm>>
      tpu.wait_dma2 semaphore(%arg12 : memref<!tpu.dma_semaphore, #tpu.memory_space<semaphore_mem>>) src(%dma_wait3A_453 : memref<4096xf32, #tpu.memory_space<hbm>>) dst(%dma_wait3A_450 : memref<4096xf32, #tpu.memory_space<vmem>>)
      %add3A_454 = arith.constant 3 : i32
      %add3A_455 = arith.addi %add3A_417, %add3A_454 : i32
      %dma_wait3A_456 = arith.constant 12288 : i32
      %dma_wait3A_457 = tpu.memref_slice %arg6[%dma_wait3A_456] : memref<16384xf32, #tpu.memory_space<vmem>> -> memref<4096xf32, #tpu.memory_space<vmem>>
      %dma_wait3A_458 = arith.constant 0 : i32
      %dma_wait3A_459 = tpu.memref_slice %arg2[%add3A_455, %dma_wait3A_458] : memref<8192x4096xf32, #tpu.memory_space<hbm>> -> memref<1x4096xf32, #tpu.memory_space<hbm>>
      %dma_wait3A_460 = tpu.memref_squeeze %dma_wait3A_459 : memref<1x4096xf32, #tpu.memory_space<hbm>> -> memref<4096xf32, #tpu.memory_space<hbm>>
      %dma_wait3A_461 = arith.constant 12288 : i32
      %dma_wait3A_462 = tpu.memref_slice %arg6[%dma_wait3A_461] : memref<16384xf32, #tpu.memory_space<vmem>> -> memref<4096xf32, #tpu.memory_space<vmem>>
      %dma_wait3A_463 = arith.constant 0 : i32
      %dma_wait3A_464 = tpu.memref_slice %arg2[%add3A_455, %dma_wait3A_463] : memref<8192x4096xf32, #tpu.memory_space<hbm>> -> memref<1x4096xf32, #tpu.memory_space<hbm>>
      %dma_wait3A_465 = tpu.memref_squeeze %dma_wait3A_464 : memref<1x4096xf32, #tpu.memory_space<hbm>> -> memref<4096xf32, #tpu.memory_space<hbm>>
      tpu.wait_dma2 semaphore(%arg12 : memref<!tpu.dma_semaphore, #tpu.memory_space<semaphore_mem>>) src(%dma_wait3A_465 : memref<4096xf32, #tpu.memory_space<hbm>>) dst(%dma_wait3A_462 : memref<4096xf32, #tpu.memory_space<vmem>>)
      %ge3A = arith.constant 2 : i32
      %ge3A_466 = arith.cmpi sge, %add3A_414, %ge3A : i32
      %convert_element_type3A = arith.extui %ge3A_466 : i1 to i32
      %cond3A = arith.constant 0 : i32
      %cond3A_467 = arith.cmpi ne, %convert_element_type3A, %cond3A : i32
      scf.if %cond3A_467 {
        %add3A_650 = arith.constant 0 : i32
        %add3A_651 = arith.addi %mul3A_2, %add3A_650 : i32
        %dma_wait3A_652 = arith.constant 0 : i32
        %dma_wait3A_653 = tpu.memref_slice %arg8[%dma_wait3A_652] : memref<16384xf32, #tpu.memory_space<vmem>> -> memref<4096xf32, #tpu.memory_space<vmem>>
        %dma_wait3A_654 = arith.constant 0 : i32
        %dma_wait3A_655 = tpu.memref_slice %arg5[%add3A_651, %dma_wait3A_654] : memref<8192x4096xf32, #tpu.memory_space<hbm>> -> memref<1x4096xf32, #tpu.memory_space<hbm>>
        %dma_wait3A_656 = tpu.memref_squeeze %dma_wait3A_655 : memref<1x4096xf32, #tpu.memory_space<hbm>> -> memref<4096xf32, #tpu.memory_space<hbm>>
        %dma_wait3A_657 = arith.constant 0 : i32
        %dma_wait3A_658 = tpu.memref_slice %arg5[%add3A_651, %dma_wait3A_657] : memref<8192x4096xf32, #tpu.memory_space<hbm>> -> memref<1x4096xf32, #tpu.memory_space<hbm>>
        %dma_wait3A_659 = tpu.memref_squeeze %dma_wait3A_658 : memref<1x4096xf32, #tpu.memory_space<hbm>> -> memref<4096xf32, #tpu.memory_space<hbm>>
        %dma_wait3A_660 = arith.constant 0 : i32
        %dma_wait3A_661 = tpu.memref_slice %arg8[%dma_wait3A_660] : memref<16384xf32, #tpu.memory_space<vmem>> -> memref<4096xf32, #tpu.memory_space<vmem>>
        tpu.wait_dma2 semaphore(%arg14 : memref<!tpu.dma_semaphore, #tpu.memory_space<semaphore_mem>>) src(%dma_wait3A_661 : memref<4096xf32, #tpu.memory_space<vmem>>) dst(%dma_wait3A_659 : memref<4096xf32, #tpu.memory_space<hbm>>)
        %add3A_662 = arith.constant 1 : i32
        %add3A_663 = arith.addi %mul3A_2, %add3A_662 : i32
        %dma_wait3A_664 = arith.constant 4096 : i32
        %dma_wait3A_665 = tpu.memref_slice %arg8[%dma_wait3A_664] : memref<16384xf32, #tpu.memory_space<vmem>> -> memref<4096xf32, #tpu.memory_space<vmem>>
        %dma_wait3A_666 = arith.constant 0 : i32
        %dma_wait3A_667 = tpu.memref_slice %arg5[%add3A_663, %dma_wait3A_666] : memref<8192x4096xf32, #tpu.memory_space<hbm>> -> memref<1x4096xf32, #tpu.memory_space<hbm>>
        %dma_wait3A_668 = tpu.memref_squeeze %dma_wait3A_667 : memref<1x4096xf32, #tpu.memory_space<hbm>> -> memref<4096xf32, #tpu.memory_space<hbm>>
        %dma_wait3A_669 = arith.constant 0 : i32
        %dma_wait3A_670 = tpu.memref_slice %arg5[%add3A_663, %dma_wait3A_669] : memref<8192x4096xf32, #tpu.memory_space<hbm>> -> memref<1x4096xf32, #tpu.memory_space<hbm>>
        %dma_wait3A_671 = tpu.memref_squeeze %dma_wait3A_670 : memref<1x4096xf32, #tpu.memory_space<hbm>> -> memref<4096xf32, #tpu.memory_space<hbm>>
        %dma_wait3A_672 = arith.constant 4096 : i32
        %dma_wait3A_673 = tpu.memref_slice %arg8[%dma_wait3A_672] : memref<16384xf32, #tpu.memory_space<vmem>> -> memref<4096xf32, #tpu.memory_space<vmem>>
        tpu.wait_dma2 semaphore(%arg14 : memref<!tpu.dma_semaphore, #tpu.memory_space<semaphore_mem>>) src(%dma_wait3A_673 : memref<4096xf32, #tpu.memory_space<vmem>>) dst(%dma_wait3A_671 : memref<4096xf32, #tpu.memory_space<hbm>>)
        %add3A_674 = arith.constant 2 : i32
        %add3A_675 = arith.addi %mul3A_2, %add3A_674 : i32
        %dma_wait3A_676 = arith.constant 8192 : i32
        %dma_wait3A_677 = tpu.memref_slice %arg8[%dma_wait3A_676] : memref<16384xf32, #tpu.memory_space<vmem>> -> memref<4096xf32, #tpu.memory_space<vmem>>
        %dma_wait3A_678 = arith.constant 0 : i32
        %dma_wait3A_679 = tpu.memref_slice %arg5[%add3A_675, %dma_wait3A_678] : memref<8192x4096xf32, #tpu.memory_space<hbm>> -> memref<1x4096xf32, #tpu.memory_space<hbm>>
        %dma_wait3A_680 = tpu.memref_squeeze %dma_wait3A_679 : memref<1x4096xf32, #tpu.memory_space<hbm>> -> memref<4096xf32, #tpu.memory_space<hbm>>
        %dma_wait3A_681 = arith.constant 0 : i32
        %dma_wait3A_682 = tpu.memref_slice %arg5[%add3A_675, %dma_wait3A_681] : memref<8192x4096xf32, #tpu.memory_space<hbm>> -> memref<1x4096xf32, #tpu.memory_space<hbm>>
        %dma_wait3A_683 = tpu.memref_squeeze %dma_wait3A_682 : memref<1x4096xf32, #tpu.memory_space<hbm>> -> memref<4096xf32, #tpu.memory_space<hbm>>
        %dma_wait3A_684 = arith.constant 8192 : i32
        %dma_wait3A_685 = tpu.memref_slice %arg8[%dma_wait3A_684] : memref<16384xf32, #tpu.memory_space<vmem>> -> memref<4096xf32, #tpu.memory_space<vmem>>
        tpu.wait_dma2 semaphore(%arg14 : memref<!tpu.dma_semaphore, #tpu.memory_space<semaphore_mem>>) src(%dma_wait3A_685 : memref<4096xf32, #tpu.memory_space<vmem>>) dst(%dma_wait3A_683 : memref<4096xf32, #tpu.memory_space<hbm>>)
        %add3A_686 = arith.constant 3 : i32
        %add3A_687 = arith.addi %mul3A_2, %add3A_686 : i32
        %dma_wait3A_688 = arith.constant 12288 : i32
        %dma_wait3A_689 = tpu.memref_slice %arg8[%dma_wait3A_688] : memref<16384xf32, #tpu.memory_space<vmem>> -> memref<4096xf32, #tpu.memory_space<vmem>>
        %dma_wait3A_690 = arith.constant 0 : i32
        %dma_wait3A_691 = tpu.memref_slice %arg5[%add3A_687, %dma_wait3A_690] : memref<8192x4096xf32, #tpu.memory_space<hbm>> -> memref<1x4096xf32, #tpu.memory_space<hbm>>
        %dma_wait3A_692 = tpu.memref_squeeze %dma_wait3A_691 : memref<1x4096xf32, #tpu.memory_space<hbm>> -> memref<4096xf32, #tpu.memory_space<hbm>>
        %dma_wait3A_693 = arith.constant 0 : i32
        %dma_wait3A_694 = tpu.memref_slice %arg5[%add3A_687, %dma_wait3A_693] : memref<8192x4096xf32, #tpu.memory_space<hbm>> -> memref<1x4096xf32, #tpu.memory_space<hbm>>
        %dma_wait3A_695 = tpu.memref_squeeze %dma_wait3A_694 : memref<1x4096xf32, #tpu.memory_space<hbm>> -> memref<4096xf32, #tpu.memory_space<hbm>>
        %dma_wait3A_696 = arith.constant 12288 : i32
        %dma_wait3A_697 = tpu.memref_slice %arg8[%dma_wait3A_696] : memref<16384xf32, #tpu.memory_space<vmem>> -> memref<4096xf32, #tpu.memory_space<vmem>>
        tpu.wait_dma2 semaphore(%arg14 : memref<!tpu.dma_semaphore, #tpu.memory_space<semaphore_mem>>) src(%dma_wait3A_697 : memref<4096xf32, #tpu.memory_space<vmem>>) dst(%dma_wait3A_695 : memref<4096xf32, #tpu.memory_space<hbm>>)
      } else {
      }
      %iota3A = tpu.iota {dimensions = array<i32: 0>} : vector<16xi32>
      %mul3A_468 = arith.constant 8 : i32
      %mul3A_469 = vector.broadcast %mul3A_468 : i32 to vector<16xi32>
      %mul3A_470 = arith.muli %iota3A, %mul3A_469 : vector<16xi32>
      %parallel_loop3A = arith.constant 0 : i32
      %parallel_loop3A_471 = arith.constant 128 : i32
      %parallel_loop3A_472 = arith.constant 1 : i32
      scf.for %parallel_loop3A_650 = %parallel_loop3A to %parallel_loop3A_471 step %parallel_loop3A_472  : i32 {
        %parallel_loop3A_651 = arith.constant 128 : i32
        %parallel_loop3A_652 = arith.muli %parallel_loop3A_650, %parallel_loop3A_651 : i32
        %parallel_loop3A_653 = arith.constant 0 : i32
        %parallel_loop3A_654 = arith.addi %parallel_loop3A_652, %parallel_loop3A_653 : i32
        %parallel_loop3A_655 = vector.broadcast %parallel_loop3A_654 : i32 to vector<16xi32>
        %parallel_loop3A_656 = arith.addi %mul3A_470, %parallel_loop3A_655 : vector<16xi32>
        %parallel_loop3A_657 = arith.constant 1 : i32
        %parallel_loop3A_658 = arith.addi %parallel_loop3A_652, %parallel_loop3A_657 : i32
        %parallel_loop3A_659 = vector.broadcast %parallel_loop3A_658 : i32 to vector<16xi32>
        %parallel_loop3A_660 = arith.addi %mul3A_470, %parallel_loop3A_659 : vector<16xi32>
        %parallel_loop3A_661 = arith.constant 2 : i32
        %parallel_loop3A_662 = arith.addi %parallel_loop3A_652, %parallel_loop3A_661 : i32
        %parallel_loop3A_663 = vector.broadcast %parallel_loop3A_662 : i32 to vector<16xi32>
        %parallel_loop3A_664 = arith.addi %mul3A_470, %parallel_loop3A_663 : vector<16xi32>
        %parallel_loop3A_665 = arith.constant 3 : i32
        %parallel_loop3A_666 = arith.addi %parallel_loop3A_652, %parallel_loop3A_665 : i32
        %parallel_loop3A_667 = vector.broadcast %parallel_loop3A_666 : i32 to vector<16xi32>
        %parallel_loop3A_668 = arith.addi %mul3A_470, %parallel_loop3A_667 : vector<16xi32>
        %parallel_loop3A_669 = arith.constant 4 : i32
        %parallel_loop3A_670 = arith.addi %parallel_loop3A_652, %parallel_loop3A_669 : i32
        %parallel_loop3A_671 = vector.broadcast %parallel_loop3A_670 : i32 to vector<16xi32>
        %parallel_loop3A_672 = arith.addi %mul3A_470, %parallel_loop3A_671 : vector<16xi32>
        %parallel_loop3A_673 = arith.constant 5 : i32
        %parallel_loop3A_674 = arith.addi %parallel_loop3A_652, %parallel_loop3A_673 : i32
        %parallel_loop3A_675 = vector.broadcast %parallel_loop3A_674 : i32 to vector<16xi32>
        %parallel_loop3A_676 = arith.addi %mul3A_470, %parallel_loop3A_675 : vector<16xi32>
        %parallel_loop3A_677 = arith.constant 6 : i32
        %parallel_loop3A_678 = arith.addi %parallel_loop3A_652, %parallel_loop3A_677 : i32
        %parallel_loop3A_679 = vector.broadcast %parallel_loop3A_678 : i32 to vector<16xi32>
        %parallel_loop3A_680 = arith.addi %mul3A_470, %parallel_loop3A_679 : vector<16xi32>
        %parallel_loop3A_681 = arith.constant 7 : i32
        %parallel_loop3A_682 = arith.addi %parallel_loop3A_652, %parallel_loop3A_681 : i32
        %parallel_loop3A_683 = vector.broadcast %parallel_loop3A_682 : i32 to vector<16xi32>
        %parallel_loop3A_684 = arith.addi %mul3A_470, %parallel_loop3A_683 : vector<16xi32>
        %parallel_loop3A_685 = tpu.vector_load_idx %arg6[%parallel_loop3A_656] : memref<16384xf32, #tpu.memory_space<vmem>>[vector<16xi32>], vector<16xf32>,
        %parallel_loop3A_686 = tpu.vector_load_idx %arg6[%parallel_loop3A_660] : memref<16384xf32, #tpu.memory_space<vmem>>[vector<16xi32>], vector<16xf32>,
        %parallel_loop3A_687 = tpu.vector_load_idx %arg6[%parallel_loop3A_664] : memref<16384xf32, #tpu.memory_space<vmem>>[vector<16xi32>], vector<16xf32>,
        %parallel_loop3A_688 = tpu.vector_load_idx %arg6[%parallel_loop3A_668] : memref<16384xf32, #tpu.memory_space<vmem>>[vector<16xi32>], vector<16xf32>,
        %parallel_loop3A_689 = tpu.vector_load_idx %arg6[%parallel_loop3A_672] : memref<16384xf32, #tpu.memory_space<vmem>>[vector<16xi32>], vector<16xf32>,
        %parallel_loop3A_690 = tpu.vector_load_idx %arg6[%parallel_loop3A_676] : memref<16384xf32, #tpu.memory_space<vmem>>[vector<16xi32>], vector<16xf32>,
        %parallel_loop3A_691 = tpu.vector_load_idx %arg6[%parallel_loop3A_680] : memref<16384xf32, #tpu.memory_space<vmem>>[vector<16xi32>], vector<16xf32>,
        %parallel_loop3A_692 = tpu.vector_load_idx %arg6[%parallel_loop3A_684] : memref<16384xf32, #tpu.memory_space<vmem>>[vector<16xi32>], vector<16xf32>,
        %parallel_loop3A_693 = arith.mulf %parallel_loop3A_685, %div3A_307 : vector<16xf32>
        %parallel_loop3A_694 = arith.constant 0x4B400000 : f32
        %parallel_loop3A_695 = vector.broadcast %parallel_loop3A_694 : f32 to vector<16xf32>
        %parallel_loop3A_696 = arith.addf %parallel_loop3A_693, %parallel_loop3A_695 : vector<16xf32>
        %parallel_loop3A_697 = vector.bitcast %parallel_loop3A_696 : vector<16xf32> to vector<16xi32>
        %parallel_loop3A_698 = arith.constant 1262485504 : i32
        %parallel_loop3A_699 = vector.broadcast %parallel_loop3A_698 : i32 to vector<16xi32>
        %parallel_loop3A_700 = arith.subi %parallel_loop3A_697, %parallel_loop3A_699 : vector<16xi32>
        %parallel_loop3A_701 = arith.constant -128 : i32
        %parallel_loop3A_702 = vector.broadcast %parallel_loop3A_701 : i32 to vector<16xi32>
        %parallel_loop3A_703 = arith.maxsi %parallel_loop3A_700, %parallel_loop3A_702 : vector<16xi32>
        %parallel_loop3A_704 = arith.constant 127 : i32
        %parallel_loop3A_705 = vector.broadcast %parallel_loop3A_704 : i32 to vector<16xi32>
        %parallel_loop3A_706 = arith.minsi %parallel_loop3A_703, %parallel_loop3A_705 : vector<16xi32>
        %parallel_loop3A_707 = math.absi %parallel_loop3A_706 : vector<16xi32>
        %parallel_loop3A_708 = arith.mulf %parallel_loop3A_686, %div3A_307 : vector<16xf32>
        %parallel_loop3A_709 = arith.constant 0x4B400000 : f32
        %parallel_loop3A_710 = vector.broadcast %parallel_loop3A_709 : f32 to vector<16xf32>
        %parallel_loop3A_711 = arith.addf %parallel_loop3A_708, %parallel_loop3A_710 : vector<16xf32>
        %parallel_loop3A_712 = vector.bitcast %parallel_loop3A_711 : vector<16xf32> to vector<16xi32>
        %parallel_loop3A_713 = arith.constant 1262485504 : i32
        %parallel_loop3A_714 = vector.broadcast %parallel_loop3A_713 : i32 to vector<16xi32>
        %parallel_loop3A_715 = arith.subi %parallel_loop3A_712, %parallel_loop3A_714 : vector<16xi32>
        %parallel_loop3A_716 = arith.constant -128 : i32
        %parallel_loop3A_717 = vector.broadcast %parallel_loop3A_716 : i32 to vector<16xi32>
        %parallel_loop3A_718 = arith.maxsi %parallel_loop3A_715, %parallel_loop3A_717 : vector<16xi32>
        %parallel_loop3A_719 = arith.constant 127 : i32
        %parallel_loop3A_720 = vector.broadcast %parallel_loop3A_719 : i32 to vector<16xi32>
        %parallel_loop3A_721 = arith.minsi %parallel_loop3A_718, %parallel_loop3A_720 : vector<16xi32>
        %parallel_loop3A_722 = math.absi %parallel_loop3A_721 : vector<16xi32>
        %parallel_loop3A_723 = arith.mulf %parallel_loop3A_687, %div3A_307 : vector<16xf32>
        %parallel_loop3A_724 = arith.constant 0x4B400000 : f32
        %parallel_loop3A_725 = vector.broadcast %parallel_loop3A_724 : f32 to vector<16xf32>
        %parallel_loop3A_726 = arith.addf %parallel_loop3A_723, %parallel_loop3A_725 : vector<16xf32>
        %parallel_loop3A_727 = vector.bitcast %parallel_loop3A_726 : vector<16xf32> to vector<16xi32>
        %parallel_loop3A_728 = arith.constant 1262485504 : i32
        %parallel_loop3A_729 = vector.broadcast %parallel_loop3A_728 : i32 to vector<16xi32>
        %parallel_loop3A_730 = arith.subi %parallel_loop3A_727, %parallel_loop3A_729 : vector<16xi32>
        %parallel_loop3A_731 = arith.constant -128 : i32
        %parallel_loop3A_732 = vector.broadcast %parallel_loop3A_731 : i32 to vector<16xi32>
        %parallel_loop3A_733 = arith.maxsi %parallel_loop3A_730, %parallel_loop3A_732 : vector<16xi32>
        %parallel_loop3A_734 = arith.constant 127 : i32
        %parallel_loop3A_735 = vector.broadcast %parallel_loop3A_734 : i32 to vector<16xi32>
        %parallel_loop3A_736 = arith.minsi %parallel_loop3A_733, %parallel_loop3A_735 : vector<16xi32>
        %parallel_loop3A_737 = math.absi %parallel_loop3A_736 : vector<16xi32>
        %parallel_loop3A_738 = arith.mulf %parallel_loop3A_688, %div3A_307 : vector<16xf32>
        %parallel_loop3A_739 = arith.constant 0x4B400000 : f32
        %parallel_loop3A_740 = vector.broadcast %parallel_loop3A_739 : f32 to vector<16xf32>
        %parallel_loop3A_741 = arith.addf %parallel_loop3A_738, %parallel_loop3A_740 : vector<16xf32>
        %parallel_loop3A_742 = vector.bitcast %parallel_loop3A_741 : vector<16xf32> to vector<16xi32>
        %parallel_loop3A_743 = arith.constant 1262485504 : i32
        %parallel_loop3A_744 = vector.broadcast %parallel_loop3A_743 : i32 to vector<16xi32>
        %parallel_loop3A_745 = arith.subi %parallel_loop3A_742, %parallel_loop3A_744 : vector<16xi32>
        %parallel_loop3A_746 = arith.constant -128 : i32
        %parallel_loop3A_747 = vector.broadcast %parallel_loop3A_746 : i32 to vector<16xi32>
        %parallel_loop3A_748 = arith.maxsi %parallel_loop3A_745, %parallel_loop3A_747 : vector<16xi32>
        %parallel_loop3A_749 = arith.constant 127 : i32
        %parallel_loop3A_750 = vector.broadcast %parallel_loop3A_749 : i32 to vector<16xi32>
        %parallel_loop3A_751 = arith.minsi %parallel_loop3A_748, %parallel_loop3A_750 : vector<16xi32>
        %parallel_loop3A_752 = math.absi %parallel_loop3A_751 : vector<16xi32>
        %parallel_loop3A_753 = arith.mulf %parallel_loop3A_689, %div3A_307 : vector<16xf32>
        %parallel_loop3A_754 = arith.constant 0x4B400000 : f32
        %parallel_loop3A_755 = vector.broadcast %parallel_loop3A_754 : f32 to vector<16xf32>
        %parallel_loop3A_756 = arith.addf %parallel_loop3A_753, %parallel_loop3A_755 : vector<16xf32>
        %parallel_loop3A_757 = vector.bitcast %parallel_loop3A_756 : vector<16xf32> to vector<16xi32>
        %parallel_loop3A_758 = arith.constant 1262485504 : i32
        %parallel_loop3A_759 = vector.broadcast %parallel_loop3A_758 : i32 to vector<16xi32>
        %parallel_loop3A_760 = arith.subi %parallel_loop3A_757, %parallel_loop3A_759 : vector<16xi32>
        %parallel_loop3A_761 = arith.constant -128 : i32
        %parallel_loop3A_762 = vector.broadcast %parallel_loop3A_761 : i32 to vector<16xi32>
        %parallel_loop3A_763 = arith.maxsi %parallel_loop3A_760, %parallel_loop3A_762 : vector<16xi32>
        %parallel_loop3A_764 = arith.constant 127 : i32
        %parallel_loop3A_765 = vector.broadcast %parallel_loop3A_764 : i32 to vector<16xi32>
        %parallel_loop3A_766 = arith.minsi %parallel_loop3A_763, %parallel_loop3A_765 : vector<16xi32>
        %parallel_loop3A_767 = math.absi %parallel_loop3A_766 : vector<16xi32>
        %parallel_loop3A_768 = arith.mulf %parallel_loop3A_690, %div3A_307 : vector<16xf32>
        %parallel_loop3A_769 = arith.constant 0x4B400000 : f32
        %parallel_loop3A_770 = vector.broadcast %parallel_loop3A_769 : f32 to vector<16xf32>
        %parallel_loop3A_771 = arith.addf %parallel_loop3A_768, %parallel_loop3A_770 : vector<16xf32>
        %parallel_loop3A_772 = vector.bitcast %parallel_loop3A_771 : vector<16xf32> to vector<16xi32>
        %parallel_loop3A_773 = arith.constant 1262485504 : i32
        %parallel_loop3A_774 = vector.broadcast %parallel_loop3A_773 : i32 to vector<16xi32>
        %parallel_loop3A_775 = arith.subi %parallel_loop3A_772, %parallel_loop3A_774 : vector<16xi32>
        %parallel_loop3A_776 = arith.constant -128 : i32
        %parallel_loop3A_777 = vector.broadcast %parallel_loop3A_776 : i32 to vector<16xi32>
        %parallel_loop3A_778 = arith.maxsi %parallel_loop3A_775, %parallel_loop3A_777 : vector<16xi32>
        %parallel_loop3A_779 = arith.constant 127 : i32
        %parallel_loop3A_780 = vector.broadcast %parallel_loop3A_779 : i32 to vector<16xi32>
        %parallel_loop3A_781 = arith.minsi %parallel_loop3A_778, %parallel_loop3A_780 : vector<16xi32>
        %parallel_loop3A_782 = math.absi %parallel_loop3A_781 : vector<16xi32>
        %parallel_loop3A_783 = arith.mulf %parallel_loop3A_691, %div3A_307 : vector<16xf32>
        %parallel_loop3A_784 = arith.constant 0x4B400000 : f32
        %parallel_loop3A_785 = vector.broadcast %parallel_loop3A_784 : f32 to vector<16xf32>
        %parallel_loop3A_786 = arith.addf %parallel_loop3A_783, %parallel_loop3A_785 : vector<16xf32>
        %parallel_loop3A_787 = vector.bitcast %parallel_loop3A_786 : vector<16xf32> to vector<16xi32>
        %parallel_loop3A_788 = arith.constant 1262485504 : i32
        %parallel_loop3A_789 = vector.broadcast %parallel_loop3A_788 : i32 to vector<16xi32>
        %parallel_loop3A_790 = arith.subi %parallel_loop3A_787, %parallel_loop3A_789 : vector<16xi32>
        %parallel_loop3A_791 = arith.constant -128 : i32
        %parallel_loop3A_792 = vector.broadcast %parallel_loop3A_791 : i32 to vector<16xi32>
        %parallel_loop3A_793 = arith.maxsi %parallel_loop3A_790, %parallel_loop3A_792 : vector<16xi32>
        %parallel_loop3A_794 = arith.constant 127 : i32
        %parallel_loop3A_795 = vector.broadcast %parallel_loop3A_794 : i32 to vector<16xi32>
        %parallel_loop3A_796 = arith.minsi %parallel_loop3A_793, %parallel_loop3A_795 : vector<16xi32>
        %parallel_loop3A_797 = math.absi %parallel_loop3A_796 : vector<16xi32>
        %parallel_loop3A_798 = arith.mulf %parallel_loop3A_692, %div3A_307 : vector<16xf32>
        %parallel_loop3A_799 = arith.constant 0x4B400000 : f32
        %parallel_loop3A_800 = vector.broadcast %parallel_loop3A_799 : f32 to vector<16xf32>
        %parallel_loop3A_801 = arith.addf %parallel_loop3A_798, %parallel_loop3A_800 : vector<16xf32>
        %parallel_loop3A_802 = vector.bitcast %parallel_loop3A_801 : vector<16xf32> to vector<16xi32>
        %parallel_loop3A_803 = arith.constant 1262485504 : i32
        %parallel_loop3A_804 = vector.broadcast %parallel_loop3A_803 : i32 to vector<16xi32>
        %parallel_loop3A_805 = arith.subi %parallel_loop3A_802, %parallel_loop3A_804 : vector<16xi32>
        %parallel_loop3A_806 = arith.constant -128 : i32
        %parallel_loop3A_807 = vector.broadcast %parallel_loop3A_806 : i32 to vector<16xi32>
        %parallel_loop3A_808 = arith.maxsi %parallel_loop3A_805, %parallel_loop3A_807 : vector<16xi32>
        %parallel_loop3A_809 = arith.constant 127 : i32
        %parallel_loop3A_810 = vector.broadcast %parallel_loop3A_809 : i32 to vector<16xi32>
        %parallel_loop3A_811 = arith.minsi %parallel_loop3A_808, %parallel_loop3A_810 : vector<16xi32>
        %parallel_loop3A_812 = math.absi %parallel_loop3A_811 : vector<16xi32>
        %parallel_loop3A_813 = arith.maxsi %parallel_loop3A_707, %parallel_loop3A_722 : vector<16xi32>
        %parallel_loop3A_814 = arith.minsi %parallel_loop3A_707, %parallel_loop3A_722 : vector<16xi32>
        %parallel_loop3A_815 = arith.maxsi %parallel_loop3A_737, %parallel_loop3A_752 : vector<16xi32>
        %parallel_loop3A_816 = arith.minsi %parallel_loop3A_737, %parallel_loop3A_752 : vector<16xi32>
        %parallel_loop3A_817 = arith.maxsi %parallel_loop3A_813, %parallel_loop3A_815 : vector<16xi32>
        %parallel_loop3A_818 = arith.minsi %parallel_loop3A_813, %parallel_loop3A_815 : vector<16xi32>
        %parallel_loop3A_819 = arith.maxsi %parallel_loop3A_814, %parallel_loop3A_816 : vector<16xi32>
        %parallel_loop3A_820 = arith.minsi %parallel_loop3A_814, %parallel_loop3A_816 : vector<16xi32>
        %parallel_loop3A_821 = arith.maxsi %parallel_loop3A_819, %parallel_loop3A_818 : vector<16xi32>
        %parallel_loop3A_822 = arith.minsi %parallel_loop3A_819, %parallel_loop3A_818 : vector<16xi32>
        %parallel_loop3A_823 = arith.maxsi %parallel_loop3A_767, %parallel_loop3A_782 : vector<16xi32>
        %parallel_loop3A_824 = arith.minsi %parallel_loop3A_767, %parallel_loop3A_782 : vector<16xi32>
        %parallel_loop3A_825 = arith.maxsi %parallel_loop3A_797, %parallel_loop3A_812 : vector<16xi32>
        %parallel_loop3A_826 = arith.minsi %parallel_loop3A_797, %parallel_loop3A_812 : vector<16xi32>
        %parallel_loop3A_827 = arith.maxsi %parallel_loop3A_823, %parallel_loop3A_825 : vector<16xi32>
        %parallel_loop3A_828 = arith.minsi %parallel_loop3A_823, %parallel_loop3A_825 : vector<16xi32>
        %parallel_loop3A_829 = arith.maxsi %parallel_loop3A_824, %parallel_loop3A_826 : vector<16xi32>
        %parallel_loop3A_830 = arith.minsi %parallel_loop3A_824, %parallel_loop3A_826 : vector<16xi32>
        %parallel_loop3A_831 = arith.maxsi %parallel_loop3A_829, %parallel_loop3A_828 : vector<16xi32>
        %parallel_loop3A_832 = arith.minsi %parallel_loop3A_829, %parallel_loop3A_828 : vector<16xi32>
        %parallel_loop3A_833 = arith.minsi %parallel_loop3A_817, %parallel_loop3A_832 : vector<16xi32>
        %parallel_loop3A_834 = arith.maxsi %parallel_loop3A_830, %parallel_loop3A_833 : vector<16xi32>
        %parallel_loop3A_835 = arith.minsi %parallel_loop3A_821, %parallel_loop3A_831 : vector<16xi32>
        %parallel_loop3A_836 = arith.minsi %parallel_loop3A_822, %parallel_loop3A_827 : vector<16xi32>
        %parallel_loop3A_837 = arith.maxsi %parallel_loop3A_836, %parallel_loop3A_820 : vector<16xi32>
        %parallel_loop3A_838 = arith.maxsi %parallel_loop3A_835, %parallel_loop3A_837 : vector<16xi32>
        %parallel_loop3A_839 = arith.maxsi %parallel_loop3A_834, %parallel_loop3A_838 : vector<16xi32>
        %parallel_loop3A_840 = arith.constant -16 : i32
        %parallel_loop3A_841 = vector.broadcast %parallel_loop3A_840 : i32 to vector<16xi32>
        %parallel_loop3A_842 = arith.andi %parallel_loop3A_707, %parallel_loop3A_841 : vector<16xi32>
        %parallel_loop3A_843 = arith.cmpi sge, %parallel_loop3A_707, %parallel_loop3A_839 : vector<16xi32>
        %parallel_loop3A_844 = arith.select %parallel_loop3A_843, %parallel_loop3A_707, %parallel_loop3A_842 : vector<16xi1>, vector<16xi32>
        %parallel_loop3A_845 = arith.sitofp %parallel_loop3A_844 : vector<16xi32> to vector<16xf32>
        %parallel_loop3A_846 = arith.mulf %parallel_loop3A_845, %max3A_304 : vector<16xf32>
        %parallel_loop3A_847 = vector.bitcast %parallel_loop3A_846 : vector<16xf32> to vector<16xi32>
        %parallel_loop3A_848 = vector.bitcast %parallel_loop3A_685 : vector<16xf32> to vector<16xi32>
        %parallel_loop3A_849 = arith.constant -2147483648 : i32
        %parallel_loop3A_850 = vector.broadcast %parallel_loop3A_849 : i32 to vector<16xi32>
        %parallel_loop3A_851 = arith.andi %parallel_loop3A_848, %parallel_loop3A_850 : vector<16xi32>
        %parallel_loop3A_852 = arith.ori %parallel_loop3A_847, %parallel_loop3A_851 : vector<16xi32>
        %parallel_loop3A_853 = vector.bitcast %parallel_loop3A_852 : vector<16xi32> to vector<16xf32>
        tpu.vector_store_idx %arg8[%parallel_loop3A_656], %parallel_loop3A_853 : memref<16384xf32, #tpu.memory_space<vmem>>[vector<16xi32>], vector<16xf32>,
        %parallel_loop3A_854 = arith.constant -16 : i32
        %parallel_loop3A_855 = vector.broadcast %parallel_loop3A_854 : i32 to vector<16xi32>
        %parallel_loop3A_856 = arith.andi %parallel_loop3A_722, %parallel_loop3A_855 : vector<16xi32>
        %parallel_loop3A_857 = arith.cmpi sge, %parallel_loop3A_722, %parallel_loop3A_839 : vector<16xi32>
        %parallel_loop3A_858 = arith.select %parallel_loop3A_857, %parallel_loop3A_722, %parallel_loop3A_856 : vector<16xi1>, vector<16xi32>
        %parallel_loop3A_859 = arith.sitofp %parallel_loop3A_858 : vector<16xi32> to vector<16xf32>
        %parallel_loop3A_860 = arith.mulf %parallel_loop3A_859, %max3A_304 : vector<16xf32>
        %parallel_loop3A_861 = vector.bitcast %parallel_loop3A_860 : vector<16xf32> to vector<16xi32>
        %parallel_loop3A_862 = vector.bitcast %parallel_loop3A_686 : vector<16xf32> to vector<16xi32>
        %parallel_loop3A_863 = arith.constant -2147483648 : i32
        %parallel_loop3A_864 = vector.broadcast %parallel_loop3A_863 : i32 to vector<16xi32>
        %parallel_loop3A_865 = arith.andi %parallel_loop3A_862, %parallel_loop3A_864 : vector<16xi32>
        %parallel_loop3A_866 = arith.ori %parallel_loop3A_861, %parallel_loop3A_865 : vector<16xi32>
        %parallel_loop3A_867 = vector.bitcast %parallel_loop3A_866 : vector<16xi32> to vector<16xf32>
        tpu.vector_store_idx %arg8[%parallel_loop3A_660], %parallel_loop3A_867 : memref<16384xf32, #tpu.memory_space<vmem>>[vector<16xi32>], vector<16xf32>,
        %parallel_loop3A_868 = arith.constant -16 : i32
        %parallel_loop3A_869 = vector.broadcast %parallel_loop3A_868 : i32 to vector<16xi32>
        %parallel_loop3A_870 = arith.andi %parallel_loop3A_737, %parallel_loop3A_869 : vector<16xi32>
        %parallel_loop3A_871 = arith.cmpi sge, %parallel_loop3A_737, %parallel_loop3A_839 : vector<16xi32>
        %parallel_loop3A_872 = arith.select %parallel_loop3A_871, %parallel_loop3A_737, %parallel_loop3A_870 : vector<16xi1>, vector<16xi32>
        %parallel_loop3A_873 = arith.sitofp %parallel_loop3A_872 : vector<16xi32> to vector<16xf32>
        %parallel_loop3A_874 = arith.mulf %parallel_loop3A_873, %max3A_304 : vector<16xf32>
        %parallel_loop3A_875 = vector.bitcast %parallel_loop3A_874 : vector<16xf32> to vector<16xi32>
        %parallel_loop3A_876 = vector.bitcast %parallel_loop3A_687 : vector<16xf32> to vector<16xi32>
        %parallel_loop3A_877 = arith.constant -2147483648 : i32
        %parallel_loop3A_878 = vector.broadcast %parallel_loop3A_877 : i32 to vector<16xi32>
        %parallel_loop3A_879 = arith.andi %parallel_loop3A_876, %parallel_loop3A_878 : vector<16xi32>
        %parallel_loop3A_880 = arith.ori %parallel_loop3A_875, %parallel_loop3A_879 : vector<16xi32>
        %parallel_loop3A_881 = vector.bitcast %parallel_loop3A_880 : vector<16xi32> to vector<16xf32>
        tpu.vector_store_idx %arg8[%parallel_loop3A_664], %parallel_loop3A_881 : memref<16384xf32, #tpu.memory_space<vmem>>[vector<16xi32>], vector<16xf32>,
        %parallel_loop3A_882 = arith.constant -16 : i32
        %parallel_loop3A_883 = vector.broadcast %parallel_loop3A_882 : i32 to vector<16xi32>
        %parallel_loop3A_884 = arith.andi %parallel_loop3A_752, %parallel_loop3A_883 : vector<16xi32>
        %parallel_loop3A_885 = arith.cmpi sge, %parallel_loop3A_752, %parallel_loop3A_839 : vector<16xi32>
        %parallel_loop3A_886 = arith.select %parallel_loop3A_885, %parallel_loop3A_752, %parallel_loop3A_884 : vector<16xi1>, vector<16xi32>
        %parallel_loop3A_887 = arith.sitofp %parallel_loop3A_886 : vector<16xi32> to vector<16xf32>
        %parallel_loop3A_888 = arith.mulf %parallel_loop3A_887, %max3A_304 : vector<16xf32>
        %parallel_loop3A_889 = vector.bitcast %parallel_loop3A_888 : vector<16xf32> to vector<16xi32>
        %parallel_loop3A_890 = vector.bitcast %parallel_loop3A_688 : vector<16xf32> to vector<16xi32>
        %parallel_loop3A_891 = arith.constant -2147483648 : i32
        %parallel_loop3A_892 = vector.broadcast %parallel_loop3A_891 : i32 to vector<16xi32>
        %parallel_loop3A_893 = arith.andi %parallel_loop3A_890, %parallel_loop3A_892 : vector<16xi32>
        %parallel_loop3A_894 = arith.ori %parallel_loop3A_889, %parallel_loop3A_893 : vector<16xi32>
        %parallel_loop3A_895 = vector.bitcast %parallel_loop3A_894 : vector<16xi32> to vector<16xf32>
        tpu.vector_store_idx %arg8[%parallel_loop3A_668], %parallel_loop3A_895 : memref<16384xf32, #tpu.memory_space<vmem>>[vector<16xi32>], vector<16xf32>,
        %parallel_loop3A_896 = arith.constant -16 : i32
        %parallel_loop3A_897 = vector.broadcast %parallel_loop3A_896 : i32 to vector<16xi32>
        %parallel_loop3A_898 = arith.andi %parallel_loop3A_767, %parallel_loop3A_897 : vector<16xi32>
        %parallel_loop3A_899 = arith.cmpi sge, %parallel_loop3A_767, %parallel_loop3A_839 : vector<16xi32>
        %parallel_loop3A_900 = arith.select %parallel_loop3A_899, %parallel_loop3A_767, %parallel_loop3A_898 : vector<16xi1>, vector<16xi32>
        %parallel_loop3A_901 = arith.sitofp %parallel_loop3A_900 : vector<16xi32> to vector<16xf32>
        %parallel_loop3A_902 = arith.mulf %parallel_loop3A_901, %max3A_304 : vector<16xf32>
        %parallel_loop3A_903 = vector.bitcast %parallel_loop3A_902 : vector<16xf32> to vector<16xi32>
        %parallel_loop3A_904 = vector.bitcast %parallel_loop3A_689 : vector<16xf32> to vector<16xi32>
        %parallel_loop3A_905 = arith.constant -2147483648 : i32
        %parallel_loop3A_906 = vector.broadcast %parallel_loop3A_905 : i32 to vector<16xi32>
        %parallel_loop3A_907 = arith.andi %parallel_loop3A_904, %parallel_loop3A_906 : vector<16xi32>
        %parallel_loop3A_908 = arith.ori %parallel_loop3A_903, %parallel_loop3A_907 : vector<16xi32>
        %parallel_loop3A_909 = vector.bitcast %parallel_loop3A_908 : vector<16xi32> to vector<16xf32>
        tpu.vector_store_idx %arg8[%parallel_loop3A_672], %parallel_loop3A_909 : memref<16384xf32, #tpu.memory_space<vmem>>[vector<16xi32>], vector<16xf32>,
        %parallel_loop3A_910 = arith.constant -16 : i32
        %parallel_loop3A_911 = vector.broadcast %parallel_loop3A_910 : i32 to vector<16xi32>
        %parallel_loop3A_912 = arith.andi %parallel_loop3A_782, %parallel_loop3A_911 : vector<16xi32>
        %parallel_loop3A_913 = arith.cmpi sge, %parallel_loop3A_782, %parallel_loop3A_839 : vector<16xi32>
        %parallel_loop3A_914 = arith.select %parallel_loop3A_913, %parallel_loop3A_782, %parallel_loop3A_912 : vector<16xi1>, vector<16xi32>
        %parallel_loop3A_915 = arith.sitofp %parallel_loop3A_914 : vector<16xi32> to vector<16xf32>
        %parallel_loop3A_916 = arith.mulf %parallel_loop3A_915, %max3A_304 : vector<16xf32>
        %parallel_loop3A_917 = vector.bitcast %parallel_loop3A_916 : vector<16xf32> to vector<16xi32>
        %parallel_loop3A_918 = vector.bitcast %parallel_loop3A_690 : vector<16xf32> to vector<16xi32>
        %parallel_loop3A_919 = arith.constant -2147483648 : i32
        %parallel_loop3A_920 = vector.broadcast %parallel_loop3A_919 : i32 to vector<16xi32>
        %parallel_loop3A_921 = arith.andi %parallel_loop3A_918, %parallel_loop3A_920 : vector<16xi32>
        %parallel_loop3A_922 = arith.ori %parallel_loop3A_917, %parallel_loop3A_921 : vector<16xi32>
        %parallel_loop3A_923 = vector.bitcast %parallel_loop3A_922 : vector<16xi32> to vector<16xf32>
        tpu.vector_store_idx %arg8[%parallel_loop3A_676], %parallel_loop3A_923 : memref<16384xf32, #tpu.memory_space<vmem>>[vector<16xi32>], vector<16xf32>,
        %parallel_loop3A_924 = arith.constant -16 : i32
        %parallel_loop3A_925 = vector.broadcast %parallel_loop3A_924 : i32 to vector<16xi32>
        %parallel_loop3A_926 = arith.andi %parallel_loop3A_797, %parallel_loop3A_925 : vector<16xi32>
        %parallel_loop3A_927 = arith.cmpi sge, %parallel_loop3A_797, %parallel_loop3A_839 : vector<16xi32>
        %parallel_loop3A_928 = arith.select %parallel_loop3A_927, %parallel_loop3A_797, %parallel_loop3A_926 : vector<16xi1>, vector<16xi32>
        %parallel_loop3A_929 = arith.sitofp %parallel_loop3A_928 : vector<16xi32> to vector<16xf32>
        %parallel_loop3A_930 = arith.mulf %parallel_loop3A_929, %max3A_304 : vector<16xf32>
        %parallel_loop3A_931 = vector.bitcast %parallel_loop3A_930 : vector<16xf32> to vector<16xi32>
        %parallel_loop3A_932 = vector.bitcast %parallel_loop3A_691 : vector<16xf32> to vector<16xi32>
        %parallel_loop3A_933 = arith.constant -2147483648 : i32
        %parallel_loop3A_934 = vector.broadcast %parallel_loop3A_933 : i32 to vector<16xi32>
        %parallel_loop3A_935 = arith.andi %parallel_loop3A_932, %parallel_loop3A_934 : vector<16xi32>
        %parallel_loop3A_936 = arith.ori %parallel_loop3A_931, %parallel_loop3A_935 : vector<16xi32>
        %parallel_loop3A_937 = vector.bitcast %parallel_loop3A_936 : vector<16xi32> to vector<16xf32>
        tpu.vector_store_idx %arg8[%parallel_loop3A_680], %parallel_loop3A_937 : memref<16384xf32, #tpu.memory_space<vmem>>[vector<16xi32>], vector<16xf32>,
        %parallel_loop3A_938 = arith.constant -16 : i32
        %parallel_loop3A_939 = vector.broadcast %parallel_loop3A_938 : i32 to vector<16xi32>
        %parallel_loop3A_940 = arith.andi %parallel_loop3A_812, %parallel_loop3A_939 : vector<16xi32>
        %parallel_loop3A_941 = arith.cmpi sge, %parallel_loop3A_812, %parallel_loop3A_839 : vector<16xi32>
        %parallel_loop3A_942 = arith.select %parallel_loop3A_941, %parallel_loop3A_812, %parallel_loop3A_940 : vector<16xi1>, vector<16xi32>
        %parallel_loop3A_943 = arith.sitofp %parallel_loop3A_942 : vector<16xi32> to vector<16xf32>
        %parallel_loop3A_944 = arith.mulf %parallel_loop3A_943, %max3A_304 : vector<16xf32>
        %parallel_loop3A_945 = vector.bitcast %parallel_loop3A_944 : vector<16xf32> to vector<16xi32>
        %parallel_loop3A_946 = vector.bitcast %parallel_loop3A_692 : vector<16xf32> to vector<16xi32>
        %parallel_loop3A_947 = arith.constant -2147483648 : i32
        %parallel_loop3A_948 = vector.broadcast %parallel_loop3A_947 : i32 to vector<16xi32>
        %parallel_loop3A_949 = arith.andi %parallel_loop3A_946, %parallel_loop3A_948 : vector<16xi32>
        %parallel_loop3A_950 = arith.ori %parallel_loop3A_945, %parallel_loop3A_949 : vector<16xi32>
        %parallel_loop3A_951 = vector.bitcast %parallel_loop3A_950 : vector<16xi32> to vector<16xf32>
        tpu.vector_store_idx %arg8[%parallel_loop3A_684], %parallel_loop3A_951 : memref<16384xf32, #tpu.memory_space<vmem>>[vector<16xi32>], vector<16xf32>,
      } {sc.loop_unroll_factor = 2 : i64, sc.parallel_access}
      %add3A_473 = arith.constant 0 : i32
      %add3A_474 = arith.addi %add3A_417, %add3A_473 : i32
      %dma_start3A_475 = arith.constant 0 : i32
      %dma_start3A_476 = tpu.memref_slice %arg8[%dma_start3A_475] : memref<16384xf32, #tpu.memory_space<vmem>> -> memref<4096xf32, #tpu.memory_space<vmem>>
      %dma_start3A_477 = arith.constant 0 : i32
      %dma_start3A_478 = tpu.memref_slice %arg5[%add3A_474, %dma_start3A_477] : memref<8192x4096xf32, #tpu.memory_space<hbm>> -> memref<1x4096xf32, #tpu.memory_space<hbm>>
      %dma_start3A_479 = tpu.memref_squeeze %dma_start3A_478 : memref<1x4096xf32, #tpu.memory_space<hbm>> -> memref<4096xf32, #tpu.memory_space<hbm>>
      %dma_start3A_480 = arith.constant 0 : i32
      %dma_start3A_481 = tpu.memref_slice %arg5[%add3A_474, %dma_start3A_480] : memref<8192x4096xf32, #tpu.memory_space<hbm>> -> memref<1x4096xf32, #tpu.memory_space<hbm>>
      %dma_start3A_482 = tpu.memref_squeeze %dma_start3A_481 : memref<1x4096xf32, #tpu.memory_space<hbm>> -> memref<4096xf32, #tpu.memory_space<hbm>>
      %dma_start3A_483 = arith.constant 0 : i32
      %dma_start3A_484 = tpu.memref_slice %arg8[%dma_start3A_483] : memref<16384xf32, #tpu.memory_space<vmem>> -> memref<4096xf32, #tpu.memory_space<vmem>>
      tpu.enqueue_dma source(%dma_start3A_484 : memref<4096xf32, #tpu.memory_space<vmem>>) target(%dma_start3A_482 : memref<4096xf32, #tpu.memory_space<hbm>>) target_semaphore(%arg14 : memref<!tpu.dma_semaphore, #tpu.memory_space<semaphore_mem>>)
      %add3A_485 = arith.constant 1 : i32
      %add3A_486 = arith.addi %add3A_417, %add3A_485 : i32
      %dma_start3A_487 = arith.constant 4096 : i32
      %dma_start3A_488 = tpu.memref_slice %arg8[%dma_start3A_487] : memref<16384xf32, #tpu.memory_space<vmem>> -> memref<4096xf32, #tpu.memory_space<vmem>>
      %dma_start3A_489 = arith.constant 0 : i32
      %dma_start3A_490 = tpu.memref_slice %arg5[%add3A_486, %dma_start3A_489] : memref<8192x4096xf32, #tpu.memory_space<hbm>> -> memref<1x4096xf32, #tpu.memory_space<hbm>>
      %dma_start3A_491 = tpu.memref_squeeze %dma_start3A_490 : memref<1x4096xf32, #tpu.memory_space<hbm>> -> memref<4096xf32, #tpu.memory_space<hbm>>
      %dma_start3A_492 = arith.constant 0 : i32
      %dma_start3A_493 = tpu.memref_slice %arg5[%add3A_486, %dma_start3A_492] : memref<8192x4096xf32, #tpu.memory_space<hbm>> -> memref<1x4096xf32, #tpu.memory_space<hbm>>
      %dma_start3A_494 = tpu.memref_squeeze %dma_start3A_493 : memref<1x4096xf32, #tpu.memory_space<hbm>> -> memref<4096xf32, #tpu.memory_space<hbm>>
      %dma_start3A_495 = arith.constant 4096 : i32
      %dma_start3A_496 = tpu.memref_slice %arg8[%dma_start3A_495] : memref<16384xf32, #tpu.memory_space<vmem>> -> memref<4096xf32, #tpu.memory_space<vmem>>
      tpu.enqueue_dma source(%dma_start3A_496 : memref<4096xf32, #tpu.memory_space<vmem>>) target(%dma_start3A_494 : memref<4096xf32, #tpu.memory_space<hbm>>) target_semaphore(%arg14 : memref<!tpu.dma_semaphore, #tpu.memory_space<semaphore_mem>>)
      %add3A_497 = arith.constant 2 : i32
      %add3A_498 = arith.addi %add3A_417, %add3A_497 : i32
      %dma_start3A_499 = arith.constant 8192 : i32
      %dma_start3A_500 = tpu.memref_slice %arg8[%dma_start3A_499] : memref<16384xf32, #tpu.memory_space<vmem>> -> memref<4096xf32, #tpu.memory_space<vmem>>
      %dma_start3A_501 = arith.constant 0 : i32
      %dma_start3A_502 = tpu.memref_slice %arg5[%add3A_498, %dma_start3A_501] : memref<8192x4096xf32, #tpu.memory_space<hbm>> -> memref<1x4096xf32, #tpu.memory_space<hbm>>
      %dma_start3A_503 = tpu.memref_squeeze %dma_start3A_502 : memref<1x4096xf32, #tpu.memory_space<hbm>> -> memref<4096xf32, #tpu.memory_space<hbm>>
      %dma_start3A_504 = arith.constant 0 : i32
      %dma_start3A_505 = tpu.memref_slice %arg5[%add3A_498, %dma_start3A_504] : memref<8192x4096xf32, #tpu.memory_space<hbm>> -> memref<1x4096xf32, #tpu.memory_space<hbm>>
      %dma_start3A_506 = tpu.memref_squeeze %dma_start3A_505 : memref<1x4096xf32, #tpu.memory_space<hbm>> -> memref<4096xf32, #tpu.memory_space<hbm>>
      %dma_start3A_507 = arith.constant 8192 : i32
      %dma_start3A_508 = tpu.memref_slice %arg8[%dma_start3A_507] : memref<16384xf32, #tpu.memory_space<vmem>> -> memref<4096xf32, #tpu.memory_space<vmem>>
      tpu.enqueue_dma source(%dma_start3A_508 : memref<4096xf32, #tpu.memory_space<vmem>>) target(%dma_start3A_506 : memref<4096xf32, #tpu.memory_space<hbm>>) target_semaphore(%arg14 : memref<!tpu.dma_semaphore, #tpu.memory_space<semaphore_mem>>)
      %add3A_509 = arith.constant 3 : i32
      %add3A_510 = arith.addi %add3A_417, %add3A_509 : i32
      %dma_start3A_511 = arith.constant 12288 : i32
      %dma_start3A_512 = tpu.memref_slice %arg8[%dma_start3A_511] : memref<16384xf32, #tpu.memory_space<vmem>> -> memref<4096xf32, #tpu.memory_space<vmem>>
      %dma_start3A_513 = arith.constant 0 : i32
      %dma_start3A_514 = tpu.memref_slice %arg5[%add3A_510, %dma_start3A_513] : memref<8192x4096xf32, #tpu.memory_space<hbm>> -> memref<1x4096xf32, #tpu.memory_space<hbm>>
      %dma_start3A_515 = tpu.memref_squeeze %dma_start3A_514 : memref<1x4096xf32, #tpu.memory_space<hbm>> -> memref<4096xf32, #tpu.memory_space<hbm>>
      %dma_start3A_516 = arith.constant 0 : i32
      %dma_start3A_517 = tpu.memref_slice %arg5[%add3A_510, %dma_start3A_516] : memref<8192x4096xf32, #tpu.memory_space<hbm>> -> memref<1x4096xf32, #tpu.memory_space<hbm>>
      %dma_start3A_518 = tpu.memref_squeeze %dma_start3A_517 : memref<1x4096xf32, #tpu.memory_space<hbm>> -> memref<4096xf32, #tpu.memory_space<hbm>>
      %dma_start3A_519 = arith.constant 12288 : i32
      %dma_start3A_520 = tpu.memref_slice %arg8[%dma_start3A_519] : memref<16384xf32, #tpu.memory_space<vmem>> -> memref<4096xf32, #tpu.memory_space<vmem>>
      tpu.enqueue_dma source(%dma_start3A_520 : memref<4096xf32, #tpu.memory_space<vmem>>) target(%dma_start3A_518 : memref<4096xf32, #tpu.memory_space<hbm>>) target_semaphore(%arg14 : memref<!tpu.dma_semaphore, #tpu.memory_space<semaphore_mem>>)
      %add3A_521 = arith.constant 2 : i32
      %add3A_522 = arith.addi %add3A_414, %add3A_521 : i32
      %lt3A = arith.constant 64 : i32
      %lt3A_523 = arith.cmpi slt, %add3A_522, %lt3A : i32
      %convert_element_type3A_524 = arith.extui %lt3A_523 : i1 to i32
      %cond3A_525 = arith.constant 0 : i32
      %cond3A_526 = arith.cmpi ne, %convert_element_type3A_524, %cond3A_525 : i32
      scf.if %cond3A_526 {
        %add3A_650 = arith.constant 8 : i32
        %add3A_651 = arith.addi %add3A_417, %add3A_650 : i32
        %add3A_652 = arith.constant 0 : i32
        %add3A_653 = arith.addi %add3A_651, %add3A_652 : i32
        %dma_start3A_654 = arith.constant 0 : i32
        %dma_start3A_655 = tpu.memref_slice %arg6[%dma_start3A_654] : memref<16384xf32, #tpu.memory_space<vmem>> -> memref<4096xf32, #tpu.memory_space<vmem>>
        %dma_start3A_656 = arith.constant 0 : i32
        %dma_start3A_657 = tpu.memref_slice %arg2[%add3A_653, %dma_start3A_656] : memref<8192x4096xf32, #tpu.memory_space<hbm>> -> memref<1x4096xf32, #tpu.memory_space<hbm>>
        %dma_start3A_658 = tpu.memref_squeeze %dma_start3A_657 : memref<1x4096xf32, #tpu.memory_space<hbm>> -> memref<4096xf32, #tpu.memory_space<hbm>>
        %dma_start3A_659 = arith.constant 0 : i32
        %dma_start3A_660 = tpu.memref_slice %arg6[%dma_start3A_659] : memref<16384xf32, #tpu.memory_space<vmem>> -> memref<4096xf32, #tpu.memory_space<vmem>>
        %dma_start3A_661 = arith.constant 0 : i32
        %dma_start3A_662 = tpu.memref_slice %arg2[%add3A_653, %dma_start3A_661] : memref<8192x4096xf32, #tpu.memory_space<hbm>> -> memref<1x4096xf32, #tpu.memory_space<hbm>>
        %dma_start3A_663 = tpu.memref_squeeze %dma_start3A_662 : memref<1x4096xf32, #tpu.memory_space<hbm>> -> memref<4096xf32, #tpu.memory_space<hbm>>
        tpu.enqueue_dma source(%dma_start3A_663 : memref<4096xf32, #tpu.memory_space<hbm>>) target(%dma_start3A_660 : memref<4096xf32, #tpu.memory_space<vmem>>) target_semaphore(%arg12 : memref<!tpu.dma_semaphore, #tpu.memory_space<semaphore_mem>>)
        %add3A_664 = arith.constant 1 : i32
        %add3A_665 = arith.addi %add3A_651, %add3A_664 : i32
        %dma_start3A_666 = arith.constant 4096 : i32
        %dma_start3A_667 = tpu.memref_slice %arg6[%dma_start3A_666] : memref<16384xf32, #tpu.memory_space<vmem>> -> memref<4096xf32, #tpu.memory_space<vmem>>
        %dma_start3A_668 = arith.constant 0 : i32
        %dma_start3A_669 = tpu.memref_slice %arg2[%add3A_665, %dma_start3A_668] : memref<8192x4096xf32, #tpu.memory_space<hbm>> -> memref<1x4096xf32, #tpu.memory_space<hbm>>
        %dma_start3A_670 = tpu.memref_squeeze %dma_start3A_669 : memref<1x4096xf32, #tpu.memory_space<hbm>> -> memref<4096xf32, #tpu.memory_space<hbm>>
        %dma_start3A_671 = arith.constant 4096 : i32
        %dma_start3A_672 = tpu.memref_slice %arg6[%dma_start3A_671] : memref<16384xf32, #tpu.memory_space<vmem>> -> memref<4096xf32, #tpu.memory_space<vmem>>
        %dma_start3A_673 = arith.constant 0 : i32
        %dma_start3A_674 = tpu.memref_slice %arg2[%add3A_665, %dma_start3A_673] : memref<8192x4096xf32, #tpu.memory_space<hbm>> -> memref<1x4096xf32, #tpu.memory_space<hbm>>
        %dma_start3A_675 = tpu.memref_squeeze %dma_start3A_674 : memref<1x4096xf32, #tpu.memory_space<hbm>> -> memref<4096xf32, #tpu.memory_space<hbm>>
        tpu.enqueue_dma source(%dma_start3A_675 : memref<4096xf32, #tpu.memory_space<hbm>>) target(%dma_start3A_672 : memref<4096xf32, #tpu.memory_space<vmem>>) target_semaphore(%arg12 : memref<!tpu.dma_semaphore, #tpu.memory_space<semaphore_mem>>)
        %add3A_676 = arith.constant 2 : i32
        %add3A_677 = arith.addi %add3A_651, %add3A_676 : i32
        %dma_start3A_678 = arith.constant 8192 : i32
        %dma_start3A_679 = tpu.memref_slice %arg6[%dma_start3A_678] : memref<16384xf32, #tpu.memory_space<vmem>> -> memref<4096xf32, #tpu.memory_space<vmem>>
        %dma_start3A_680 = arith.constant 0 : i32
        %dma_start3A_681 = tpu.memref_slice %arg2[%add3A_677, %dma_start3A_680] : memref<8192x4096xf32, #tpu.memory_space<hbm>> -> memref<1x4096xf32, #tpu.memory_space<hbm>>
        %dma_start3A_682 = tpu.memref_squeeze %dma_start3A_681 : memref<1x4096xf32, #tpu.memory_space<hbm>> -> memref<4096xf32, #tpu.memory_space<hbm>>
        %dma_start3A_683 = arith.constant 8192 : i32
        %dma_start3A_684 = tpu.memref_slice %arg6[%dma_start3A_683] : memref<16384xf32, #tpu.memory_space<vmem>> -> memref<4096xf32, #tpu.memory_space<vmem>>
        %dma_start3A_685 = arith.constant 0 : i32
        %dma_start3A_686 = tpu.memref_slice %arg2[%add3A_677, %dma_start3A_685] : memref<8192x4096xf32, #tpu.memory_space<hbm>> -> memref<1x4096xf32, #tpu.memory_space<hbm>>
        %dma_start3A_687 = tpu.memref_squeeze %dma_start3A_686 : memref<1x4096xf32, #tpu.memory_space<hbm>> -> memref<4096xf32, #tpu.memory_space<hbm>>
        tpu.enqueue_dma source(%dma_start3A_687 : memref<4096xf32, #tpu.memory_space<hbm>>) target(%dma_start3A_684 : memref<4096xf32, #tpu.memory_space<vmem>>) target_semaphore(%arg12 : memref<!tpu.dma_semaphore, #tpu.memory_space<semaphore_mem>>)
        %add3A_688 = arith.constant 3 : i32
        %add3A_689 = arith.addi %add3A_651, %add3A_688 : i32
        %dma_start3A_690 = arith.constant 12288 : i32
        %dma_start3A_691 = tpu.memref_slice %arg6[%dma_start3A_690] : memref<16384xf32, #tpu.memory_space<vmem>> -> memref<4096xf32, #tpu.memory_space<vmem>>
        %dma_start3A_692 = arith.constant 0 : i32
        %dma_start3A_693 = tpu.memref_slice %arg2[%add3A_689, %dma_start3A_692] : memref<8192x4096xf32, #tpu.memory_space<hbm>> -> memref<1x4096xf32, #tpu.memory_space<hbm>>
        %dma_start3A_694 = tpu.memref_squeeze %dma_start3A_693 : memref<1x4096xf32, #tpu.memory_space<hbm>> -> memref<4096xf32, #tpu.memory_space<hbm>>
        %dma_start3A_695 = arith.constant 12288 : i32
        %dma_start3A_696 = tpu.memref_slice %arg6[%dma_start3A_695] : memref<16384xf32, #tpu.memory_space<vmem>> -> memref<4096xf32, #tpu.memory_space<vmem>>
        %dma_start3A_697 = arith.constant 0 : i32
        %dma_start3A_698 = tpu.memref_slice %arg2[%add3A_689, %dma_start3A_697] : memref<8192x4096xf32, #tpu.memory_space<hbm>> -> memref<1x4096xf32, #tpu.memory_space<hbm>>
        %dma_start3A_699 = tpu.memref_squeeze %dma_start3A_698 : memref<1x4096xf32, #tpu.memory_space<hbm>> -> memref<4096xf32, #tpu.memory_space<hbm>>
        tpu.enqueue_dma source(%dma_start3A_699 : memref<4096xf32, #tpu.memory_space<hbm>>) target(%dma_start3A_696 : memref<4096xf32, #tpu.memory_space<vmem>>) target_semaphore(%arg12 : memref<!tpu.dma_semaphore, #tpu.memory_space<semaphore_mem>>)
      } else {
      }
      %mul3A_527 = arith.constant 2 : i32
      %mul3A_528 = arith.muli %scan3A_409, %mul3A_527 : i32
      %add3A_529 = arith.constant 1 : i32
      %add3A_530 = arith.addi %mul3A_528, %add3A_529 : i32
      %mul3A_531 = arith.constant 4 : i32
      %mul3A_532 = arith.muli %add3A_530, %mul3A_531 : i32
      %add3A_533 = arith.addi %mul3A_2, %mul3A_532 : i32
      %add3A_534 = arith.constant 0 : i32
      %add3A_535 = arith.addi %add3A_533, %add3A_534 : i32
      %dma_wait3A_536 = arith.constant 0 : i32
      %dma_wait3A_537 = tpu.memref_slice %arg7[%dma_wait3A_536] : memref<16384xf32, #tpu.memory_space<vmem>> -> memref<4096xf32, #tpu.memory_space<vmem>>
      %dma_wait3A_538 = arith.constant 0 : i32
      %dma_wait3A_539 = tpu.memref_slice %arg2[%add3A_535, %dma_wait3A_538] : memref<8192x4096xf32, #tpu.memory_space<hbm>> -> memref<1x4096xf32, #tpu.memory_space<hbm>>
      %dma_wait3A_540 = tpu.memref_squeeze %dma_wait3A_539 : memref<1x4096xf32, #tpu.memory_space<hbm>> -> memref<4096xf32, #tpu.memory_space<hbm>>
      %dma_wait3A_541 = arith.constant 0 : i32
      %dma_wait3A_542 = tpu.memref_slice %arg7[%dma_wait3A_541] : memref<16384xf32, #tpu.memory_space<vmem>> -> memref<4096xf32, #tpu.memory_space<vmem>>
      %dma_wait3A_543 = arith.constant 0 : i32
      %dma_wait3A_544 = tpu.memref_slice %arg2[%add3A_535, %dma_wait3A_543] : memref<8192x4096xf32, #tpu.memory_space<hbm>> -> memref<1x4096xf32, #tpu.memory_space<hbm>>
      %dma_wait3A_545 = tpu.memref_squeeze %dma_wait3A_544 : memref<1x4096xf32, #tpu.memory_space<hbm>> -> memref<4096xf32, #tpu.memory_space<hbm>>
      tpu.wait_dma2 semaphore(%arg13 : memref<!tpu.dma_semaphore, #tpu.memory_space<semaphore_mem>>) src(%dma_wait3A_545 : memref<4096xf32, #tpu.memory_space<hbm>>) dst(%dma_wait3A_542 : memref<4096xf32, #tpu.memory_space<vmem>>)
      %add3A_546 = arith.constant 1 : i32
      %add3A_547 = arith.addi %add3A_533, %add3A_546 : i32
      %dma_wait3A_548 = arith.constant 4096 : i32
      %dma_wait3A_549 = tpu.memref_slice %arg7[%dma_wait3A_548] : memref<16384xf32, #tpu.memory_space<vmem>> -> memref<4096xf32, #tpu.memory_space<vmem>>
      %dma_wait3A_550 = arith.constant 0 : i32
      %dma_wait3A_551 = tpu.memref_slice %arg2[%add3A_547, %dma_wait3A_550] : memref<8192x4096xf32, #tpu.memory_space<hbm>> -> memref<1x4096xf32, #tpu.memory_space<hbm>>
      %dma_wait3A_552 = tpu.memref_squeeze %dma_wait3A_551 : memref<1x4096xf32, #tpu.memory_space<hbm>> -> memref<4096xf32, #tpu.memory_space<hbm>>
      %dma_wait3A_553 = arith.constant 4096 : i32
      %dma_wait3A_554 = tpu.memref_slice %arg7[%dma_wait3A_553] : memref<16384xf32, #tpu.memory_space<vmem>> -> memref<4096xf32, #tpu.memory_space<vmem>>
      %dma_wait3A_555 = arith.constant 0 : i32
      %dma_wait3A_556 = tpu.memref_slice %arg2[%add3A_547, %dma_wait3A_555] : memref<8192x4096xf32, #tpu.memory_space<hbm>> -> memref<1x4096xf32, #tpu.memory_space<hbm>>
      %dma_wait3A_557 = tpu.memref_squeeze %dma_wait3A_556 : memref<1x4096xf32, #tpu.memory_space<hbm>> -> memref<4096xf32, #tpu.memory_space<hbm>>
      tpu.wait_dma2 semaphore(%arg13 : memref<!tpu.dma_semaphore, #tpu.memory_space<semaphore_mem>>) src(%dma_wait3A_557 : memref<4096xf32, #tpu.memory_space<hbm>>) dst(%dma_wait3A_554 : memref<4096xf32, #tpu.memory_space<vmem>>)
      %add3A_558 = arith.constant 2 : i32
      %add3A_559 = arith.addi %add3A_533, %add3A_558 : i32
      %dma_wait3A_560 = arith.constant 8192 : i32
      %dma_wait3A_561 = tpu.memref_slice %arg7[%dma_wait3A_560] : memref<16384xf32, #tpu.memory_space<vmem>> -> memref<4096xf32, #tpu.memory_space<vmem>>
      %dma_wait3A_562 = arith.constant 0 : i32
      %dma_wait3A_563 = tpu.memref_slice %arg2[%add3A_559, %dma_wait3A_562] : memref<8192x4096xf32, #tpu.memory_space<hbm>> -> memref<1x4096xf32, #tpu.memory_space<hbm>>
      %dma_wait3A_564 = tpu.memref_squeeze %dma_wait3A_563 : memref<1x4096xf32, #tpu.memory_space<hbm>> -> memref<4096xf32, #tpu.memory_space<hbm>>
      %dma_wait3A_565 = arith.constant 8192 : i32
      %dma_wait3A_566 = tpu.memref_slice %arg7[%dma_wait3A_565] : memref<16384xf32, #tpu.memory_space<vmem>> -> memref<4096xf32, #tpu.memory_space<vmem>>
      %dma_wait3A_567 = arith.constant 0 : i32
      %dma_wait3A_568 = tpu.memref_slice %arg2[%add3A_559, %dma_wait3A_567] : memref<8192x4096xf32, #tpu.memory_space<hbm>> -> memref<1x4096xf32, #tpu.memory_space<hbm>>
      %dma_wait3A_569 = tpu.memref_squeeze %dma_wait3A_568 : memref<1x4096xf32, #tpu.memory_space<hbm>> -> memref<4096xf32, #tpu.memory_space<hbm>>
      tpu.wait_dma2 semaphore(%arg13 : memref<!tpu.dma_semaphore, #tpu.memory_space<semaphore_mem>>) src(%dma_wait3A_569 : memref<4096xf32, #tpu.memory_space<hbm>>) dst(%dma_wait3A_566 : memref<4096xf32, #tpu.memory_space<vmem>>)
      %add3A_570 = arith.constant 3 : i32
      %add3A_571 = arith.addi %add3A_533, %add3A_570 : i32
      %dma_wait3A_572 = arith.constant 12288 : i32
      %dma_wait3A_573 = tpu.memref_slice %arg7[%dma_wait3A_572] : memref<16384xf32, #tpu.memory_space<vmem>> -> memref<4096xf32, #tpu.memory_space<vmem>>
      %dma_wait3A_574 = arith.constant 0 : i32
      %dma_wait3A_575 = tpu.memref_slice %arg2[%add3A_571, %dma_wait3A_574] : memref<8192x4096xf32, #tpu.memory_space<hbm>> -> memref<1x4096xf32, #tpu.memory_space<hbm>>
      %dma_wait3A_576 = tpu.memref_squeeze %dma_wait3A_575 : memref<1x4096xf32, #tpu.memory_space<hbm>> -> memref<4096xf32, #tpu.memory_space<hbm>>
      %dma_wait3A_577 = arith.constant 12288 : i32
      %dma_wait3A_578 = tpu.memref_slice %arg7[%dma_wait3A_577] : memref<16384xf32, #tpu.memory_space<vmem>> -> memref<4096xf32, #tpu.memory_space<vmem>>
      %dma_wait3A_579 = arith.constant 0 : i32
      %dma_wait3A_580 = tpu.memref_slice %arg2[%add3A_571, %dma_wait3A_579] : memref<8192x4096xf32, #tpu.memory_space<hbm>> -> memref<1x4096xf32, #tpu.memory_space<hbm>>
      %dma_wait3A_581 = tpu.memref_squeeze %dma_wait3A_580 : memref<1x4096xf32, #tpu.memory_space<hbm>> -> memref<4096xf32, #tpu.memory_space<hbm>>
      tpu.wait_dma2 semaphore(%arg13 : memref<!tpu.dma_semaphore, #tpu.memory_space<semaphore_mem>>) src(%dma_wait3A_581 : memref<4096xf32, #tpu.memory_space<hbm>>) dst(%dma_wait3A_578 : memref<4096xf32, #tpu.memory_space<vmem>>)
      %ge3A_582 = arith.constant 2 : i32
      %ge3A_583 = arith.cmpi sge, %add3A_530, %ge3A_582 : i32
      %convert_element_type3A_584 = arith.extui %ge3A_583 : i1 to i32
      %cond3A_585 = arith.constant 0 : i32
      %cond3A_586 = arith.cmpi ne, %convert_element_type3A_584, %cond3A_585 : i32
      scf.if %cond3A_586 {
        %add3A_650 = arith.constant 0 : i32
        %add3A_651 = arith.addi %mul3A_2, %add3A_650 : i32
        %dma_wait3A_652 = arith.constant 0 : i32
        %dma_wait3A_653 = tpu.memref_slice %arg9[%dma_wait3A_652] : memref<16384xf32, #tpu.memory_space<vmem>> -> memref<4096xf32, #tpu.memory_space<vmem>>
        %dma_wait3A_654 = arith.constant 0 : i32
        %dma_wait3A_655 = tpu.memref_slice %arg5[%add3A_651, %dma_wait3A_654] : memref<8192x4096xf32, #tpu.memory_space<hbm>> -> memref<1x4096xf32, #tpu.memory_space<hbm>>
        %dma_wait3A_656 = tpu.memref_squeeze %dma_wait3A_655 : memref<1x4096xf32, #tpu.memory_space<hbm>> -> memref<4096xf32, #tpu.memory_space<hbm>>
        %dma_wait3A_657 = arith.constant 0 : i32
        %dma_wait3A_658 = tpu.memref_slice %arg5[%add3A_651, %dma_wait3A_657] : memref<8192x4096xf32, #tpu.memory_space<hbm>> -> memref<1x4096xf32, #tpu.memory_space<hbm>>
        %dma_wait3A_659 = tpu.memref_squeeze %dma_wait3A_658 : memref<1x4096xf32, #tpu.memory_space<hbm>> -> memref<4096xf32, #tpu.memory_space<hbm>>
        %dma_wait3A_660 = arith.constant 0 : i32
        %dma_wait3A_661 = tpu.memref_slice %arg9[%dma_wait3A_660] : memref<16384xf32, #tpu.memory_space<vmem>> -> memref<4096xf32, #tpu.memory_space<vmem>>
        tpu.wait_dma2 semaphore(%arg15 : memref<!tpu.dma_semaphore, #tpu.memory_space<semaphore_mem>>) src(%dma_wait3A_661 : memref<4096xf32, #tpu.memory_space<vmem>>) dst(%dma_wait3A_659 : memref<4096xf32, #tpu.memory_space<hbm>>)
        %add3A_662 = arith.constant 1 : i32
        %add3A_663 = arith.addi %mul3A_2, %add3A_662 : i32
        %dma_wait3A_664 = arith.constant 4096 : i32
        %dma_wait3A_665 = tpu.memref_slice %arg9[%dma_wait3A_664] : memref<16384xf32, #tpu.memory_space<vmem>> -> memref<4096xf32, #tpu.memory_space<vmem>>
        %dma_wait3A_666 = arith.constant 0 : i32
        %dma_wait3A_667 = tpu.memref_slice %arg5[%add3A_663, %dma_wait3A_666] : memref<8192x4096xf32, #tpu.memory_space<hbm>> -> memref<1x4096xf32, #tpu.memory_space<hbm>>
        %dma_wait3A_668 = tpu.memref_squeeze %dma_wait3A_667 : memref<1x4096xf32, #tpu.memory_space<hbm>> -> memref<4096xf32, #tpu.memory_space<hbm>>
        %dma_wait3A_669 = arith.constant 0 : i32
        %dma_wait3A_670 = tpu.memref_slice %arg5[%add3A_663, %dma_wait3A_669] : memref<8192x4096xf32, #tpu.memory_space<hbm>> -> memref<1x4096xf32, #tpu.memory_space<hbm>>
        %dma_wait3A_671 = tpu.memref_squeeze %dma_wait3A_670 : memref<1x4096xf32, #tpu.memory_space<hbm>> -> memref<4096xf32, #tpu.memory_space<hbm>>
        %dma_wait3A_672 = arith.constant 4096 : i32
        %dma_wait3A_673 = tpu.memref_slice %arg9[%dma_wait3A_672] : memref<16384xf32, #tpu.memory_space<vmem>> -> memref<4096xf32, #tpu.memory_space<vmem>>
        tpu.wait_dma2 semaphore(%arg15 : memref<!tpu.dma_semaphore, #tpu.memory_space<semaphore_mem>>) src(%dma_wait3A_673 : memref<4096xf32, #tpu.memory_space<vmem>>) dst(%dma_wait3A_671 : memref<4096xf32, #tpu.memory_space<hbm>>)
        %add3A_674 = arith.constant 2 : i32
        %add3A_675 = arith.addi %mul3A_2, %add3A_674 : i32
        %dma_wait3A_676 = arith.constant 8192 : i32
        %dma_wait3A_677 = tpu.memref_slice %arg9[%dma_wait3A_676] : memref<16384xf32, #tpu.memory_space<vmem>> -> memref<4096xf32, #tpu.memory_space<vmem>>
        %dma_wait3A_678 = arith.constant 0 : i32
        %dma_wait3A_679 = tpu.memref_slice %arg5[%add3A_675, %dma_wait3A_678] : memref<8192x4096xf32, #tpu.memory_space<hbm>> -> memref<1x4096xf32, #tpu.memory_space<hbm>>
        %dma_wait3A_680 = tpu.memref_squeeze %dma_wait3A_679 : memref<1x4096xf32, #tpu.memory_space<hbm>> -> memref<4096xf32, #tpu.memory_space<hbm>>
        %dma_wait3A_681 = arith.constant 0 : i32
        %dma_wait3A_682 = tpu.memref_slice %arg5[%add3A_675, %dma_wait3A_681] : memref<8192x4096xf32, #tpu.memory_space<hbm>> -> memref<1x4096xf32, #tpu.memory_space<hbm>>
        %dma_wait3A_683 = tpu.memref_squeeze %dma_wait3A_682 : memref<1x4096xf32, #tpu.memory_space<hbm>> -> memref<4096xf32, #tpu.memory_space<hbm>>
        %dma_wait3A_684 = arith.constant 8192 : i32
        %dma_wait3A_685 = tpu.memref_slice %arg9[%dma_wait3A_684] : memref<16384xf32, #tpu.memory_space<vmem>> -> memref<4096xf32, #tpu.memory_space<vmem>>
        tpu.wait_dma2 semaphore(%arg15 : memref<!tpu.dma_semaphore, #tpu.memory_space<semaphore_mem>>) src(%dma_wait3A_685 : memref<4096xf32, #tpu.memory_space<vmem>>) dst(%dma_wait3A_683 : memref<4096xf32, #tpu.memory_space<hbm>>)
        %add3A_686 = arith.constant 3 : i32
        %add3A_687 = arith.addi %mul3A_2, %add3A_686 : i32
        %dma_wait3A_688 = arith.constant 12288 : i32
        %dma_wait3A_689 = tpu.memref_slice %arg9[%dma_wait3A_688] : memref<16384xf32, #tpu.memory_space<vmem>> -> memref<4096xf32, #tpu.memory_space<vmem>>
        %dma_wait3A_690 = arith.constant 0 : i32
        %dma_wait3A_691 = tpu.memref_slice %arg5[%add3A_687, %dma_wait3A_690] : memref<8192x4096xf32, #tpu.memory_space<hbm>> -> memref<1x4096xf32, #tpu.memory_space<hbm>>
        %dma_wait3A_692 = tpu.memref_squeeze %dma_wait3A_691 : memref<1x4096xf32, #tpu.memory_space<hbm>> -> memref<4096xf32, #tpu.memory_space<hbm>>
        %dma_wait3A_693 = arith.constant 0 : i32
        %dma_wait3A_694 = tpu.memref_slice %arg5[%add3A_687, %dma_wait3A_693] : memref<8192x4096xf32, #tpu.memory_space<hbm>> -> memref<1x4096xf32, #tpu.memory_space<hbm>>
        %dma_wait3A_695 = tpu.memref_squeeze %dma_wait3A_694 : memref<1x4096xf32, #tpu.memory_space<hbm>> -> memref<4096xf32, #tpu.memory_space<hbm>>
        %dma_wait3A_696 = arith.constant 12288 : i32
        %dma_wait3A_697 = tpu.memref_slice %arg9[%dma_wait3A_696] : memref<16384xf32, #tpu.memory_space<vmem>> -> memref<4096xf32, #tpu.memory_space<vmem>>
        tpu.wait_dma2 semaphore(%arg15 : memref<!tpu.dma_semaphore, #tpu.memory_space<semaphore_mem>>) src(%dma_wait3A_697 : memref<4096xf32, #tpu.memory_space<vmem>>) dst(%dma_wait3A_695 : memref<4096xf32, #tpu.memory_space<hbm>>)
      } else {
      }
      %iota3A_587 = tpu.iota {dimensions = array<i32: 0>} : vector<16xi32>
      %mul3A_588 = arith.constant 8 : i32
      %mul3A_589 = vector.broadcast %mul3A_588 : i32 to vector<16xi32>
      %mul3A_590 = arith.muli %iota3A_587, %mul3A_589 : vector<16xi32>
      %parallel_loop3A_591 = arith.constant 0 : i32
      %parallel_loop3A_592 = arith.constant 128 : i32
      %parallel_loop3A_593 = arith.constant 1 : i32
      scf.for %parallel_loop3A_650 = %parallel_loop3A_591 to %parallel_loop3A_592 step %parallel_loop3A_593  : i32 {
        %parallel_loop3A_651 = arith.constant 128 : i32
        %parallel_loop3A_652 = arith.muli %parallel_loop3A_650, %parallel_loop3A_651 : i32
        %parallel_loop3A_653 = arith.constant 0 : i32
        %parallel_loop3A_654 = arith.addi %parallel_loop3A_652, %parallel_loop3A_653 : i32
        %parallel_loop3A_655 = vector.broadcast %parallel_loop3A_654 : i32 to vector<16xi32>
        %parallel_loop3A_656 = arith.addi %mul3A_590, %parallel_loop3A_655 : vector<16xi32>
        %parallel_loop3A_657 = arith.constant 1 : i32
        %parallel_loop3A_658 = arith.addi %parallel_loop3A_652, %parallel_loop3A_657 : i32
        %parallel_loop3A_659 = vector.broadcast %parallel_loop3A_658 : i32 to vector<16xi32>
        %parallel_loop3A_660 = arith.addi %mul3A_590, %parallel_loop3A_659 : vector<16xi32>
        %parallel_loop3A_661 = arith.constant 2 : i32
        %parallel_loop3A_662 = arith.addi %parallel_loop3A_652, %parallel_loop3A_661 : i32
        %parallel_loop3A_663 = vector.broadcast %parallel_loop3A_662 : i32 to vector<16xi32>
        %parallel_loop3A_664 = arith.addi %mul3A_590, %parallel_loop3A_663 : vector<16xi32>
        %parallel_loop3A_665 = arith.constant 3 : i32
        %parallel_loop3A_666 = arith.addi %parallel_loop3A_652, %parallel_loop3A_665 : i32
        %parallel_loop3A_667 = vector.broadcast %parallel_loop3A_666 : i32 to vector<16xi32>
        %parallel_loop3A_668 = arith.addi %mul3A_590, %parallel_loop3A_667 : vector<16xi32>
        %parallel_loop3A_669 = arith.constant 4 : i32
        %parallel_loop3A_670 = arith.addi %parallel_loop3A_652, %parallel_loop3A_669 : i32
        %parallel_loop3A_671 = vector.broadcast %parallel_loop3A_670 : i32 to vector<16xi32>
        %parallel_loop3A_672 = arith.addi %mul3A_590, %parallel_loop3A_671 : vector<16xi32>
        %parallel_loop3A_673 = arith.constant 5 : i32
        %parallel_loop3A_674 = arith.addi %parallel_loop3A_652, %parallel_loop3A_673 : i32
        %parallel_loop3A_675 = vector.broadcast %parallel_loop3A_674 : i32 to vector<16xi32>
        %parallel_loop3A_676 = arith.addi %mul3A_590, %parallel_loop3A_675 : vector<16xi32>
        %parallel_loop3A_677 = arith.constant 6 : i32
        %parallel_loop3A_678 = arith.addi %parallel_loop3A_652, %parallel_loop3A_677 : i32
        %parallel_loop3A_679 = vector.broadcast %parallel_loop3A_678 : i32 to vector<16xi32>
        %parallel_loop3A_680 = arith.addi %mul3A_590, %parallel_loop3A_679 : vector<16xi32>
        %parallel_loop3A_681 = arith.constant 7 : i32
        %parallel_loop3A_682 = arith.addi %parallel_loop3A_652, %parallel_loop3A_681 : i32
        %parallel_loop3A_683 = vector.broadcast %parallel_loop3A_682 : i32 to vector<16xi32>
        %parallel_loop3A_684 = arith.addi %mul3A_590, %parallel_loop3A_683 : vector<16xi32>
        %parallel_loop3A_685 = tpu.vector_load_idx %arg7[%parallel_loop3A_656] : memref<16384xf32, #tpu.memory_space<vmem>>[vector<16xi32>], vector<16xf32>,
        %parallel_loop3A_686 = tpu.vector_load_idx %arg7[%parallel_loop3A_660] : memref<16384xf32, #tpu.memory_space<vmem>>[vector<16xi32>], vector<16xf32>,
        %parallel_loop3A_687 = tpu.vector_load_idx %arg7[%parallel_loop3A_664] : memref<16384xf32, #tpu.memory_space<vmem>>[vector<16xi32>], vector<16xf32>,
        %parallel_loop3A_688 = tpu.vector_load_idx %arg7[%parallel_loop3A_668] : memref<16384xf32, #tpu.memory_space<vmem>>[vector<16xi32>], vector<16xf32>,
        %parallel_loop3A_689 = tpu.vector_load_idx %arg7[%parallel_loop3A_672] : memref<16384xf32, #tpu.memory_space<vmem>>[vector<16xi32>], vector<16xf32>,
        %parallel_loop3A_690 = tpu.vector_load_idx %arg7[%parallel_loop3A_676] : memref<16384xf32, #tpu.memory_space<vmem>>[vector<16xi32>], vector<16xf32>,
        %parallel_loop3A_691 = tpu.vector_load_idx %arg7[%parallel_loop3A_680] : memref<16384xf32, #tpu.memory_space<vmem>>[vector<16xi32>], vector<16xf32>,
        %parallel_loop3A_692 = tpu.vector_load_idx %arg7[%parallel_loop3A_684] : memref<16384xf32, #tpu.memory_space<vmem>>[vector<16xi32>], vector<16xf32>,
        %parallel_loop3A_693 = arith.mulf %parallel_loop3A_685, %div3A_307 : vector<16xf32>
        %parallel_loop3A_694 = arith.constant 0x4B400000 : f32
        %parallel_loop3A_695 = vector.broadcast %parallel_loop3A_694 : f32 to vector<16xf32>
        %parallel_loop3A_696 = arith.addf %parallel_loop3A_693, %parallel_loop3A_695 : vector<16xf32>
        %parallel_loop3A_697 = vector.bitcast %parallel_loop3A_696 : vector<16xf32> to vector<16xi32>
        %parallel_loop3A_698 = arith.constant 1262485504 : i32
        %parallel_loop3A_699 = vector.broadcast %parallel_loop3A_698 : i32 to vector<16xi32>
        %parallel_loop3A_700 = arith.subi %parallel_loop3A_697, %parallel_loop3A_699 : vector<16xi32>
        %parallel_loop3A_701 = arith.constant -128 : i32
        %parallel_loop3A_702 = vector.broadcast %parallel_loop3A_701 : i32 to vector<16xi32>
        %parallel_loop3A_703 = arith.maxsi %parallel_loop3A_700, %parallel_loop3A_702 : vector<16xi32>
        %parallel_loop3A_704 = arith.constant 127 : i32
        %parallel_loop3A_705 = vector.broadcast %parallel_loop3A_704 : i32 to vector<16xi32>
        %parallel_loop3A_706 = arith.minsi %parallel_loop3A_703, %parallel_loop3A_705 : vector<16xi32>
        %parallel_loop3A_707 = math.absi %parallel_loop3A_706 : vector<16xi32>
        %parallel_loop3A_708 = arith.mulf %parallel_loop3A_686, %div3A_307 : vector<16xf32>
        %parallel_loop3A_709 = arith.constant 0x4B400000 : f32
        %parallel_loop3A_710 = vector.broadcast %parallel_loop3A_709 : f32 to vector<16xf32>
        %parallel_loop3A_711 = arith.addf %parallel_loop3A_708, %parallel_loop3A_710 : vector<16xf32>
        %parallel_loop3A_712 = vector.bitcast %parallel_loop3A_711 : vector<16xf32> to vector<16xi32>
        %parallel_loop3A_713 = arith.constant 1262485504 : i32
        %parallel_loop3A_714 = vector.broadcast %parallel_loop3A_713 : i32 to vector<16xi32>
        %parallel_loop3A_715 = arith.subi %parallel_loop3A_712, %parallel_loop3A_714 : vector<16xi32>
        %parallel_loop3A_716 = arith.constant -128 : i32
        %parallel_loop3A_717 = vector.broadcast %parallel_loop3A_716 : i32 to vector<16xi32>
        %parallel_loop3A_718 = arith.maxsi %parallel_loop3A_715, %parallel_loop3A_717 : vector<16xi32>
        %parallel_loop3A_719 = arith.constant 127 : i32
        %parallel_loop3A_720 = vector.broadcast %parallel_loop3A_719 : i32 to vector<16xi32>
        %parallel_loop3A_721 = arith.minsi %parallel_loop3A_718, %parallel_loop3A_720 : vector<16xi32>
        %parallel_loop3A_722 = math.absi %parallel_loop3A_721 : vector<16xi32>
        %parallel_loop3A_723 = arith.mulf %parallel_loop3A_687, %div3A_307 : vector<16xf32>
        %parallel_loop3A_724 = arith.constant 0x4B400000 : f32
        %parallel_loop3A_725 = vector.broadcast %parallel_loop3A_724 : f32 to vector<16xf32>
        %parallel_loop3A_726 = arith.addf %parallel_loop3A_723, %parallel_loop3A_725 : vector<16xf32>
        %parallel_loop3A_727 = vector.bitcast %parallel_loop3A_726 : vector<16xf32> to vector<16xi32>
        %parallel_loop3A_728 = arith.constant 1262485504 : i32
        %parallel_loop3A_729 = vector.broadcast %parallel_loop3A_728 : i32 to vector<16xi32>
        %parallel_loop3A_730 = arith.subi %parallel_loop3A_727, %parallel_loop3A_729 : vector<16xi32>
        %parallel_loop3A_731 = arith.constant -128 : i32
        %parallel_loop3A_732 = vector.broadcast %parallel_loop3A_731 : i32 to vector<16xi32>
        %parallel_loop3A_733 = arith.maxsi %parallel_loop3A_730, %parallel_loop3A_732 : vector<16xi32>
        %parallel_loop3A_734 = arith.constant 127 : i32
        %parallel_loop3A_735 = vector.broadcast %parallel_loop3A_734 : i32 to vector<16xi32>
        %parallel_loop3A_736 = arith.minsi %parallel_loop3A_733, %parallel_loop3A_735 : vector<16xi32>
        %parallel_loop3A_737 = math.absi %parallel_loop3A_736 : vector<16xi32>
        %parallel_loop3A_738 = arith.mulf %parallel_loop3A_688, %div3A_307 : vector<16xf32>
        %parallel_loop3A_739 = arith.constant 0x4B400000 : f32
        %parallel_loop3A_740 = vector.broadcast %parallel_loop3A_739 : f32 to vector<16xf32>
        %parallel_loop3A_741 = arith.addf %parallel_loop3A_738, %parallel_loop3A_740 : vector<16xf32>
        %parallel_loop3A_742 = vector.bitcast %parallel_loop3A_741 : vector<16xf32> to vector<16xi32>
        %parallel_loop3A_743 = arith.constant 1262485504 : i32
        %parallel_loop3A_744 = vector.broadcast %parallel_loop3A_743 : i32 to vector<16xi32>
        %parallel_loop3A_745 = arith.subi %parallel_loop3A_742, %parallel_loop3A_744 : vector<16xi32>
        %parallel_loop3A_746 = arith.constant -128 : i32
        %parallel_loop3A_747 = vector.broadcast %parallel_loop3A_746 : i32 to vector<16xi32>
        %parallel_loop3A_748 = arith.maxsi %parallel_loop3A_745, %parallel_loop3A_747 : vector<16xi32>
        %parallel_loop3A_749 = arith.constant 127 : i32
        %parallel_loop3A_750 = vector.broadcast %parallel_loop3A_749 : i32 to vector<16xi32>
        %parallel_loop3A_751 = arith.minsi %parallel_loop3A_748, %parallel_loop3A_750 : vector<16xi32>
        %parallel_loop3A_752 = math.absi %parallel_loop3A_751 : vector<16xi32>
        %parallel_loop3A_753 = arith.mulf %parallel_loop3A_689, %div3A_307 : vector<16xf32>
        %parallel_loop3A_754 = arith.constant 0x4B400000 : f32
        %parallel_loop3A_755 = vector.broadcast %parallel_loop3A_754 : f32 to vector<16xf32>
        %parallel_loop3A_756 = arith.addf %parallel_loop3A_753, %parallel_loop3A_755 : vector<16xf32>
        %parallel_loop3A_757 = vector.bitcast %parallel_loop3A_756 : vector<16xf32> to vector<16xi32>
        %parallel_loop3A_758 = arith.constant 1262485504 : i32
        %parallel_loop3A_759 = vector.broadcast %parallel_loop3A_758 : i32 to vector<16xi32>
        %parallel_loop3A_760 = arith.subi %parallel_loop3A_757, %parallel_loop3A_759 : vector<16xi32>
        %parallel_loop3A_761 = arith.constant -128 : i32
        %parallel_loop3A_762 = vector.broadcast %parallel_loop3A_761 : i32 to vector<16xi32>
        %parallel_loop3A_763 = arith.maxsi %parallel_loop3A_760, %parallel_loop3A_762 : vector<16xi32>
        %parallel_loop3A_764 = arith.constant 127 : i32
        %parallel_loop3A_765 = vector.broadcast %parallel_loop3A_764 : i32 to vector<16xi32>
        %parallel_loop3A_766 = arith.minsi %parallel_loop3A_763, %parallel_loop3A_765 : vector<16xi32>
        %parallel_loop3A_767 = math.absi %parallel_loop3A_766 : vector<16xi32>
        %parallel_loop3A_768 = arith.mulf %parallel_loop3A_690, %div3A_307 : vector<16xf32>
        %parallel_loop3A_769 = arith.constant 0x4B400000 : f32
        %parallel_loop3A_770 = vector.broadcast %parallel_loop3A_769 : f32 to vector<16xf32>
        %parallel_loop3A_771 = arith.addf %parallel_loop3A_768, %parallel_loop3A_770 : vector<16xf32>
        %parallel_loop3A_772 = vector.bitcast %parallel_loop3A_771 : vector<16xf32> to vector<16xi32>
        %parallel_loop3A_773 = arith.constant 1262485504 : i32
        %parallel_loop3A_774 = vector.broadcast %parallel_loop3A_773 : i32 to vector<16xi32>
        %parallel_loop3A_775 = arith.subi %parallel_loop3A_772, %parallel_loop3A_774 : vector<16xi32>
        %parallel_loop3A_776 = arith.constant -128 : i32
        %parallel_loop3A_777 = vector.broadcast %parallel_loop3A_776 : i32 to vector<16xi32>
        %parallel_loop3A_778 = arith.maxsi %parallel_loop3A_775, %parallel_loop3A_777 : vector<16xi32>
        %parallel_loop3A_779 = arith.constant 127 : i32
        %parallel_loop3A_780 = vector.broadcast %parallel_loop3A_779 : i32 to vector<16xi32>
        %parallel_loop3A_781 = arith.minsi %parallel_loop3A_778, %parallel_loop3A_780 : vector<16xi32>
        %parallel_loop3A_782 = math.absi %parallel_loop3A_781 : vector<16xi32>
        %parallel_loop3A_783 = arith.mulf %parallel_loop3A_691, %div3A_307 : vector<16xf32>
        %parallel_loop3A_784 = arith.constant 0x4B400000 : f32
        %parallel_loop3A_785 = vector.broadcast %parallel_loop3A_784 : f32 to vector<16xf32>
        %parallel_loop3A_786 = arith.addf %parallel_loop3A_783, %parallel_loop3A_785 : vector<16xf32>
        %parallel_loop3A_787 = vector.bitcast %parallel_loop3A_786 : vector<16xf32> to vector<16xi32>
        %parallel_loop3A_788 = arith.constant 1262485504 : i32
        %parallel_loop3A_789 = vector.broadcast %parallel_loop3A_788 : i32 to vector<16xi32>
        %parallel_loop3A_790 = arith.subi %parallel_loop3A_787, %parallel_loop3A_789 : vector<16xi32>
        %parallel_loop3A_791 = arith.constant -128 : i32
        %parallel_loop3A_792 = vector.broadcast %parallel_loop3A_791 : i32 to vector<16xi32>
        %parallel_loop3A_793 = arith.maxsi %parallel_loop3A_790, %parallel_loop3A_792 : vector<16xi32>
        %parallel_loop3A_794 = arith.constant 127 : i32
        %parallel_loop3A_795 = vector.broadcast %parallel_loop3A_794 : i32 to vector<16xi32>
        %parallel_loop3A_796 = arith.minsi %parallel_loop3A_793, %parallel_loop3A_795 : vector<16xi32>
        %parallel_loop3A_797 = math.absi %parallel_loop3A_796 : vector<16xi32>
        %parallel_loop3A_798 = arith.mulf %parallel_loop3A_692, %div3A_307 : vector<16xf32>
        %parallel_loop3A_799 = arith.constant 0x4B400000 : f32
        %parallel_loop3A_800 = vector.broadcast %parallel_loop3A_799 : f32 to vector<16xf32>
        %parallel_loop3A_801 = arith.addf %parallel_loop3A_798, %parallel_loop3A_800 : vector<16xf32>
        %parallel_loop3A_802 = vector.bitcast %parallel_loop3A_801 : vector<16xf32> to vector<16xi32>
        %parallel_loop3A_803 = arith.constant 1262485504 : i32
        %parallel_loop3A_804 = vector.broadcast %parallel_loop3A_803 : i32 to vector<16xi32>
        %parallel_loop3A_805 = arith.subi %parallel_loop3A_802, %parallel_loop3A_804 : vector<16xi32>
        %parallel_loop3A_806 = arith.constant -128 : i32
        %parallel_loop3A_807 = vector.broadcast %parallel_loop3A_806 : i32 to vector<16xi32>
        %parallel_loop3A_808 = arith.maxsi %parallel_loop3A_805, %parallel_loop3A_807 : vector<16xi32>
        %parallel_loop3A_809 = arith.constant 127 : i32
        %parallel_loop3A_810 = vector.broadcast %parallel_loop3A_809 : i32 to vector<16xi32>
        %parallel_loop3A_811 = arith.minsi %parallel_loop3A_808, %parallel_loop3A_810 : vector<16xi32>
        %parallel_loop3A_812 = math.absi %parallel_loop3A_811 : vector<16xi32>
        %parallel_loop3A_813 = arith.maxsi %parallel_loop3A_707, %parallel_loop3A_722 : vector<16xi32>
        %parallel_loop3A_814 = arith.minsi %parallel_loop3A_707, %parallel_loop3A_722 : vector<16xi32>
        %parallel_loop3A_815 = arith.maxsi %parallel_loop3A_737, %parallel_loop3A_752 : vector<16xi32>
        %parallel_loop3A_816 = arith.minsi %parallel_loop3A_737, %parallel_loop3A_752 : vector<16xi32>
        %parallel_loop3A_817 = arith.maxsi %parallel_loop3A_813, %parallel_loop3A_815 : vector<16xi32>
        %parallel_loop3A_818 = arith.minsi %parallel_loop3A_813, %parallel_loop3A_815 : vector<16xi32>
        %parallel_loop3A_819 = arith.maxsi %parallel_loop3A_814, %parallel_loop3A_816 : vector<16xi32>
        %parallel_loop3A_820 = arith.minsi %parallel_loop3A_814, %parallel_loop3A_816 : vector<16xi32>
        %parallel_loop3A_821 = arith.maxsi %parallel_loop3A_819, %parallel_loop3A_818 : vector<16xi32>
        %parallel_loop3A_822 = arith.minsi %parallel_loop3A_819, %parallel_loop3A_818 : vector<16xi32>
        %parallel_loop3A_823 = arith.maxsi %parallel_loop3A_767, %parallel_loop3A_782 : vector<16xi32>
        %parallel_loop3A_824 = arith.minsi %parallel_loop3A_767, %parallel_loop3A_782 : vector<16xi32>
        %parallel_loop3A_825 = arith.maxsi %parallel_loop3A_797, %parallel_loop3A_812 : vector<16xi32>
        %parallel_loop3A_826 = arith.minsi %parallel_loop3A_797, %parallel_loop3A_812 : vector<16xi32>
        %parallel_loop3A_827 = arith.maxsi %parallel_loop3A_823, %parallel_loop3A_825 : vector<16xi32>
        %parallel_loop3A_828 = arith.minsi %parallel_loop3A_823, %parallel_loop3A_825 : vector<16xi32>
        %parallel_loop3A_829 = arith.maxsi %parallel_loop3A_824, %parallel_loop3A_826 : vector<16xi32>
        %parallel_loop3A_830 = arith.minsi %parallel_loop3A_824, %parallel_loop3A_826 : vector<16xi32>
        %parallel_loop3A_831 = arith.maxsi %parallel_loop3A_829, %parallel_loop3A_828 : vector<16xi32>
        %parallel_loop3A_832 = arith.minsi %parallel_loop3A_829, %parallel_loop3A_828 : vector<16xi32>
        %parallel_loop3A_833 = arith.minsi %parallel_loop3A_817, %parallel_loop3A_832 : vector<16xi32>
        %parallel_loop3A_834 = arith.maxsi %parallel_loop3A_830, %parallel_loop3A_833 : vector<16xi32>
        %parallel_loop3A_835 = arith.minsi %parallel_loop3A_821, %parallel_loop3A_831 : vector<16xi32>
        %parallel_loop3A_836 = arith.minsi %parallel_loop3A_822, %parallel_loop3A_827 : vector<16xi32>
        %parallel_loop3A_837 = arith.maxsi %parallel_loop3A_836, %parallel_loop3A_820 : vector<16xi32>
        %parallel_loop3A_838 = arith.maxsi %parallel_loop3A_835, %parallel_loop3A_837 : vector<16xi32>
        %parallel_loop3A_839 = arith.maxsi %parallel_loop3A_834, %parallel_loop3A_838 : vector<16xi32>
        %parallel_loop3A_840 = arith.constant -16 : i32
        %parallel_loop3A_841 = vector.broadcast %parallel_loop3A_840 : i32 to vector<16xi32>
        %parallel_loop3A_842 = arith.andi %parallel_loop3A_707, %parallel_loop3A_841 : vector<16xi32>
        %parallel_loop3A_843 = arith.cmpi sge, %parallel_loop3A_707, %parallel_loop3A_839 : vector<16xi32>
        %parallel_loop3A_844 = arith.select %parallel_loop3A_843, %parallel_loop3A_707, %parallel_loop3A_842 : vector<16xi1>, vector<16xi32>
        %parallel_loop3A_845 = arith.sitofp %parallel_loop3A_844 : vector<16xi32> to vector<16xf32>
        %parallel_loop3A_846 = arith.mulf %parallel_loop3A_845, %max3A_304 : vector<16xf32>
        %parallel_loop3A_847 = vector.bitcast %parallel_loop3A_846 : vector<16xf32> to vector<16xi32>
        %parallel_loop3A_848 = vector.bitcast %parallel_loop3A_685 : vector<16xf32> to vector<16xi32>
        %parallel_loop3A_849 = arith.constant -2147483648 : i32
        %parallel_loop3A_850 = vector.broadcast %parallel_loop3A_849 : i32 to vector<16xi32>
        %parallel_loop3A_851 = arith.andi %parallel_loop3A_848, %parallel_loop3A_850 : vector<16xi32>
        %parallel_loop3A_852 = arith.ori %parallel_loop3A_847, %parallel_loop3A_851 : vector<16xi32>
        %parallel_loop3A_853 = vector.bitcast %parallel_loop3A_852 : vector<16xi32> to vector<16xf32>
        tpu.vector_store_idx %arg9[%parallel_loop3A_656], %parallel_loop3A_853 : memref<16384xf32, #tpu.memory_space<vmem>>[vector<16xi32>], vector<16xf32>,
        %parallel_loop3A_854 = arith.constant -16 : i32
        %parallel_loop3A_855 = vector.broadcast %parallel_loop3A_854 : i32 to vector<16xi32>
        %parallel_loop3A_856 = arith.andi %parallel_loop3A_722, %parallel_loop3A_855 : vector<16xi32>
        %parallel_loop3A_857 = arith.cmpi sge, %parallel_loop3A_722, %parallel_loop3A_839 : vector<16xi32>
        %parallel_loop3A_858 = arith.select %parallel_loop3A_857, %parallel_loop3A_722, %parallel_loop3A_856 : vector<16xi1>, vector<16xi32>
        %parallel_loop3A_859 = arith.sitofp %parallel_loop3A_858 : vector<16xi32> to vector<16xf32>
        %parallel_loop3A_860 = arith.mulf %parallel_loop3A_859, %max3A_304 : vector<16xf32>
        %parallel_loop3A_861 = vector.bitcast %parallel_loop3A_860 : vector<16xf32> to vector<16xi32>
        %parallel_loop3A_862 = vector.bitcast %parallel_loop3A_686 : vector<16xf32> to vector<16xi32>
        %parallel_loop3A_863 = arith.constant -2147483648 : i32
        %parallel_loop3A_864 = vector.broadcast %parallel_loop3A_863 : i32 to vector<16xi32>
        %parallel_loop3A_865 = arith.andi %parallel_loop3A_862, %parallel_loop3A_864 : vector<16xi32>
        %parallel_loop3A_866 = arith.ori %parallel_loop3A_861, %parallel_loop3A_865 : vector<16xi32>
        %parallel_loop3A_867 = vector.bitcast %parallel_loop3A_866 : vector<16xi32> to vector<16xf32>
        tpu.vector_store_idx %arg9[%parallel_loop3A_660], %parallel_loop3A_867 : memref<16384xf32, #tpu.memory_space<vmem>>[vector<16xi32>], vector<16xf32>,
        %parallel_loop3A_868 = arith.constant -16 : i32
        %parallel_loop3A_869 = vector.broadcast %parallel_loop3A_868 : i32 to vector<16xi32>
        %parallel_loop3A_870 = arith.andi %parallel_loop3A_737, %parallel_loop3A_869 : vector<16xi32>
        %parallel_loop3A_871 = arith.cmpi sge, %parallel_loop3A_737, %parallel_loop3A_839 : vector<16xi32>
        %parallel_loop3A_872 = arith.select %parallel_loop3A_871, %parallel_loop3A_737, %parallel_loop3A_870 : vector<16xi1>, vector<16xi32>
        %parallel_loop3A_873 = arith.sitofp %parallel_loop3A_872 : vector<16xi32> to vector<16xf32>
        %parallel_loop3A_874 = arith.mulf %parallel_loop3A_873, %max3A_304 : vector<16xf32>
        %parallel_loop3A_875 = vector.bitcast %parallel_loop3A_874 : vector<16xf32> to vector<16xi32>
        %parallel_loop3A_876 = vector.bitcast %parallel_loop3A_687 : vector<16xf32> to vector<16xi32>
        %parallel_loop3A_877 = arith.constant -2147483648 : i32
        %parallel_loop3A_878 = vector.broadcast %parallel_loop3A_877 : i32 to vector<16xi32>
        %parallel_loop3A_879 = arith.andi %parallel_loop3A_876, %parallel_loop3A_878 : vector<16xi32>
        %parallel_loop3A_880 = arith.ori %parallel_loop3A_875, %parallel_loop3A_879 : vector<16xi32>
        %parallel_loop3A_881 = vector.bitcast %parallel_loop3A_880 : vector<16xi32> to vector<16xf32>
        tpu.vector_store_idx %arg9[%parallel_loop3A_664], %parallel_loop3A_881 : memref<16384xf32, #tpu.memory_space<vmem>>[vector<16xi32>], vector<16xf32>,
        %parallel_loop3A_882 = arith.constant -16 : i32
        %parallel_loop3A_883 = vector.broadcast %parallel_loop3A_882 : i32 to vector<16xi32>
        %parallel_loop3A_884 = arith.andi %parallel_loop3A_752, %parallel_loop3A_883 : vector<16xi32>
        %parallel_loop3A_885 = arith.cmpi sge, %parallel_loop3A_752, %parallel_loop3A_839 : vector<16xi32>
        %parallel_loop3A_886 = arith.select %parallel_loop3A_885, %parallel_loop3A_752, %parallel_loop3A_884 : vector<16xi1>, vector<16xi32>
        %parallel_loop3A_887 = arith.sitofp %parallel_loop3A_886 : vector<16xi32> to vector<16xf32>
        %parallel_loop3A_888 = arith.mulf %parallel_loop3A_887, %max3A_304 : vector<16xf32>
        %parallel_loop3A_889 = vector.bitcast %parallel_loop3A_888 : vector<16xf32> to vector<16xi32>
        %parallel_loop3A_890 = vector.bitcast %parallel_loop3A_688 : vector<16xf32> to vector<16xi32>
        %parallel_loop3A_891 = arith.constant -2147483648 : i32
        %parallel_loop3A_892 = vector.broadcast %parallel_loop3A_891 : i32 to vector<16xi32>
        %parallel_loop3A_893 = arith.andi %parallel_loop3A_890, %parallel_loop3A_892 : vector<16xi32>
        %parallel_loop3A_894 = arith.ori %parallel_loop3A_889, %parallel_loop3A_893 : vector<16xi32>
        %parallel_loop3A_895 = vector.bitcast %parallel_loop3A_894 : vector<16xi32> to vector<16xf32>
        tpu.vector_store_idx %arg9[%parallel_loop3A_668], %parallel_loop3A_895 : memref<16384xf32, #tpu.memory_space<vmem>>[vector<16xi32>], vector<16xf32>,
        %parallel_loop3A_896 = arith.constant -16 : i32
        %parallel_loop3A_897 = vector.broadcast %parallel_loop3A_896 : i32 to vector<16xi32>
        %parallel_loop3A_898 = arith.andi %parallel_loop3A_767, %parallel_loop3A_897 : vector<16xi32>
        %parallel_loop3A_899 = arith.cmpi sge, %parallel_loop3A_767, %parallel_loop3A_839 : vector<16xi32>
        %parallel_loop3A_900 = arith.select %parallel_loop3A_899, %parallel_loop3A_767, %parallel_loop3A_898 : vector<16xi1>, vector<16xi32>
        %parallel_loop3A_901 = arith.sitofp %parallel_loop3A_900 : vector<16xi32> to vector<16xf32>
        %parallel_loop3A_902 = arith.mulf %parallel_loop3A_901, %max3A_304 : vector<16xf32>
        %parallel_loop3A_903 = vector.bitcast %parallel_loop3A_902 : vector<16xf32> to vector<16xi32>
        %parallel_loop3A_904 = vector.bitcast %parallel_loop3A_689 : vector<16xf32> to vector<16xi32>
        %parallel_loop3A_905 = arith.constant -2147483648 : i32
        %parallel_loop3A_906 = vector.broadcast %parallel_loop3A_905 : i32 to vector<16xi32>
        %parallel_loop3A_907 = arith.andi %parallel_loop3A_904, %parallel_loop3A_906 : vector<16xi32>
        %parallel_loop3A_908 = arith.ori %parallel_loop3A_903, %parallel_loop3A_907 : vector<16xi32>
        %parallel_loop3A_909 = vector.bitcast %parallel_loop3A_908 : vector<16xi32> to vector<16xf32>
        tpu.vector_store_idx %arg9[%parallel_loop3A_672], %parallel_loop3A_909 : memref<16384xf32, #tpu.memory_space<vmem>>[vector<16xi32>], vector<16xf32>,
        %parallel_loop3A_910 = arith.constant -16 : i32
        %parallel_loop3A_911 = vector.broadcast %parallel_loop3A_910 : i32 to vector<16xi32>
        %parallel_loop3A_912 = arith.andi %parallel_loop3A_782, %parallel_loop3A_911 : vector<16xi32>
        %parallel_loop3A_913 = arith.cmpi sge, %parallel_loop3A_782, %parallel_loop3A_839 : vector<16xi32>
        %parallel_loop3A_914 = arith.select %parallel_loop3A_913, %parallel_loop3A_782, %parallel_loop3A_912 : vector<16xi1>, vector<16xi32>
        %parallel_loop3A_915 = arith.sitofp %parallel_loop3A_914 : vector<16xi32> to vector<16xf32>
        %parallel_loop3A_916 = arith.mulf %parallel_loop3A_915, %max3A_304 : vector<16xf32>
        %parallel_loop3A_917 = vector.bitcast %parallel_loop3A_916 : vector<16xf32> to vector<16xi32>
        %parallel_loop3A_918 = vector.bitcast %parallel_loop3A_690 : vector<16xf32> to vector<16xi32>
        %parallel_loop3A_919 = arith.constant -2147483648 : i32
        %parallel_loop3A_920 = vector.broadcast %parallel_loop3A_919 : i32 to vector<16xi32>
        %parallel_loop3A_921 = arith.andi %parallel_loop3A_918, %parallel_loop3A_920 : vector<16xi32>
        %parallel_loop3A_922 = arith.ori %parallel_loop3A_917, %parallel_loop3A_921 : vector<16xi32>
        %parallel_loop3A_923 = vector.bitcast %parallel_loop3A_922 : vector<16xi32> to vector<16xf32>
        tpu.vector_store_idx %arg9[%parallel_loop3A_676], %parallel_loop3A_923 : memref<16384xf32, #tpu.memory_space<vmem>>[vector<16xi32>], vector<16xf32>,
        %parallel_loop3A_924 = arith.constant -16 : i32
        %parallel_loop3A_925 = vector.broadcast %parallel_loop3A_924 : i32 to vector<16xi32>
        %parallel_loop3A_926 = arith.andi %parallel_loop3A_797, %parallel_loop3A_925 : vector<16xi32>
        %parallel_loop3A_927 = arith.cmpi sge, %parallel_loop3A_797, %parallel_loop3A_839 : vector<16xi32>
        %parallel_loop3A_928 = arith.select %parallel_loop3A_927, %parallel_loop3A_797, %parallel_loop3A_926 : vector<16xi1>, vector<16xi32>
        %parallel_loop3A_929 = arith.sitofp %parallel_loop3A_928 : vector<16xi32> to vector<16xf32>
        %parallel_loop3A_930 = arith.mulf %parallel_loop3A_929, %max3A_304 : vector<16xf32>
        %parallel_loop3A_931 = vector.bitcast %parallel_loop3A_930 : vector<16xf32> to vector<16xi32>
        %parallel_loop3A_932 = vector.bitcast %parallel_loop3A_691 : vector<16xf32> to vector<16xi32>
        %parallel_loop3A_933 = arith.constant -2147483648 : i32
        %parallel_loop3A_934 = vector.broadcast %parallel_loop3A_933 : i32 to vector<16xi32>
        %parallel_loop3A_935 = arith.andi %parallel_loop3A_932, %parallel_loop3A_934 : vector<16xi32>
        %parallel_loop3A_936 = arith.ori %parallel_loop3A_931, %parallel_loop3A_935 : vector<16xi32>
        %parallel_loop3A_937 = vector.bitcast %parallel_loop3A_936 : vector<16xi32> to vector<16xf32>
        tpu.vector_store_idx %arg9[%parallel_loop3A_680], %parallel_loop3A_937 : memref<16384xf32, #tpu.memory_space<vmem>>[vector<16xi32>], vector<16xf32>,
        %parallel_loop3A_938 = arith.constant -16 : i32
        %parallel_loop3A_939 = vector.broadcast %parallel_loop3A_938 : i32 to vector<16xi32>
        %parallel_loop3A_940 = arith.andi %parallel_loop3A_812, %parallel_loop3A_939 : vector<16xi32>
        %parallel_loop3A_941 = arith.cmpi sge, %parallel_loop3A_812, %parallel_loop3A_839 : vector<16xi32>
        %parallel_loop3A_942 = arith.select %parallel_loop3A_941, %parallel_loop3A_812, %parallel_loop3A_940 : vector<16xi1>, vector<16xi32>
        %parallel_loop3A_943 = arith.sitofp %parallel_loop3A_942 : vector<16xi32> to vector<16xf32>
        %parallel_loop3A_944 = arith.mulf %parallel_loop3A_943, %max3A_304 : vector<16xf32>
        %parallel_loop3A_945 = vector.bitcast %parallel_loop3A_944 : vector<16xf32> to vector<16xi32>
        %parallel_loop3A_946 = vector.bitcast %parallel_loop3A_692 : vector<16xf32> to vector<16xi32>
        %parallel_loop3A_947 = arith.constant -2147483648 : i32
        %parallel_loop3A_948 = vector.broadcast %parallel_loop3A_947 : i32 to vector<16xi32>
        %parallel_loop3A_949 = arith.andi %parallel_loop3A_946, %parallel_loop3A_948 : vector<16xi32>
        %parallel_loop3A_950 = arith.ori %parallel_loop3A_945, %parallel_loop3A_949 : vector<16xi32>
        %parallel_loop3A_951 = vector.bitcast %parallel_loop3A_950 : vector<16xi32> to vector<16xf32>
        tpu.vector_store_idx %arg9[%parallel_loop3A_684], %parallel_loop3A_951 : memref<16384xf32, #tpu.memory_space<vmem>>[vector<16xi32>], vector<16xf32>,
      } {sc.loop_unroll_factor = 2 : i64, sc.parallel_access}
      %add3A_594 = arith.constant 0 : i32
      %add3A_595 = arith.addi %add3A_533, %add3A_594 : i32
      %dma_start3A_596 = arith.constant 0 : i32
      %dma_start3A_597 = tpu.memref_slice %arg9[%dma_start3A_596] : memref<16384xf32, #tpu.memory_space<vmem>> -> memref<4096xf32, #tpu.memory_space<vmem>>
      %dma_start3A_598 = arith.constant 0 : i32
      %dma_start3A_599 = tpu.memref_slice %arg5[%add3A_595, %dma_start3A_598] : memref<8192x4096xf32, #tpu.memory_space<hbm>> -> memref<1x4096xf32, #tpu.memory_space<hbm>>
      %dma_start3A_600 = tpu.memref_squeeze %dma_start3A_599 : memref<1x4096xf32, #tpu.memory_space<hbm>> -> memref<4096xf32, #tpu.memory_space<hbm>>
      %dma_start3A_601 = arith.constant 0 : i32
      %dma_start3A_602 = tpu.memref_slice %arg5[%add3A_595, %dma_start3A_601] : memref<8192x4096xf32, #tpu.memory_space<hbm>> -> memref<1x4096xf32, #tpu.memory_space<hbm>>
      %dma_start3A_603 = tpu.memref_squeeze %dma_start3A_602 : memref<1x4096xf32, #tpu.memory_space<hbm>> -> memref<4096xf32, #tpu.memory_space<hbm>>
      %dma_start3A_604 = arith.constant 0 : i32
      %dma_start3A_605 = tpu.memref_slice %arg9[%dma_start3A_604] : memref<16384xf32, #tpu.memory_space<vmem>> -> memref<4096xf32, #tpu.memory_space<vmem>>
      tpu.enqueue_dma source(%dma_start3A_605 : memref<4096xf32, #tpu.memory_space<vmem>>) target(%dma_start3A_603 : memref<4096xf32, #tpu.memory_space<hbm>>) target_semaphore(%arg15 : memref<!tpu.dma_semaphore, #tpu.memory_space<semaphore_mem>>)
      %add3A_606 = arith.constant 1 : i32
      %add3A_607 = arith.addi %add3A_533, %add3A_606 : i32
      %dma_start3A_608 = arith.constant 4096 : i32
      %dma_start3A_609 = tpu.memref_slice %arg9[%dma_start3A_608] : memref<16384xf32, #tpu.memory_space<vmem>> -> memref<4096xf32, #tpu.memory_space<vmem>>
      %dma_start3A_610 = arith.constant 0 : i32
      %dma_start3A_611 = tpu.memref_slice %arg5[%add3A_607, %dma_start3A_610] : memref<8192x4096xf32, #tpu.memory_space<hbm>> -> memref<1x4096xf32, #tpu.memory_space<hbm>>
      %dma_start3A_612 = tpu.memref_squeeze %dma_start3A_611 : memref<1x4096xf32, #tpu.memory_space<hbm>> -> memref<4096xf32, #tpu.memory_space<hbm>>
      %dma_start3A_613 = arith.constant 0 : i32
      %dma_start3A_614 = tpu.memref_slice %arg5[%add3A_607, %dma_start3A_613] : memref<8192x4096xf32, #tpu.memory_space<hbm>> -> memref<1x4096xf32, #tpu.memory_space<hbm>>
      %dma_start3A_615 = tpu.memref_squeeze %dma_start3A_614 : memref<1x4096xf32, #tpu.memory_space<hbm>> -> memref<4096xf32, #tpu.memory_space<hbm>>
      %dma_start3A_616 = arith.constant 4096 : i32
      %dma_start3A_617 = tpu.memref_slice %arg9[%dma_start3A_616] : memref<16384xf32, #tpu.memory_space<vmem>> -> memref<4096xf32, #tpu.memory_space<vmem>>
      tpu.enqueue_dma source(%dma_start3A_617 : memref<4096xf32, #tpu.memory_space<vmem>>) target(%dma_start3A_615 : memref<4096xf32, #tpu.memory_space<hbm>>) target_semaphore(%arg15 : memref<!tpu.dma_semaphore, #tpu.memory_space<semaphore_mem>>)
      %add3A_618 = arith.constant 2 : i32
      %add3A_619 = arith.addi %add3A_533, %add3A_618 : i32
      %dma_start3A_620 = arith.constant 8192 : i32
      %dma_start3A_621 = tpu.memref_slice %arg9[%dma_start3A_620] : memref<16384xf32, #tpu.memory_space<vmem>> -> memref<4096xf32, #tpu.memory_space<vmem>>
      %dma_start3A_622 = arith.constant 0 : i32
      %dma_start3A_623 = tpu.memref_slice %arg5[%add3A_619, %dma_start3A_622] : memref<8192x4096xf32, #tpu.memory_space<hbm>> -> memref<1x4096xf32, #tpu.memory_space<hbm>>
      %dma_start3A_624 = tpu.memref_squeeze %dma_start3A_623 : memref<1x4096xf32, #tpu.memory_space<hbm>> -> memref<4096xf32, #tpu.memory_space<hbm>>
      %dma_start3A_625 = arith.constant 0 : i32
      %dma_start3A_626 = tpu.memref_slice %arg5[%add3A_619, %dma_start3A_625] : memref<8192x4096xf32, #tpu.memory_space<hbm>> -> memref<1x4096xf32, #tpu.memory_space<hbm>>
      %dma_start3A_627 = tpu.memref_squeeze %dma_start3A_626 : memref<1x4096xf32, #tpu.memory_space<hbm>> -> memref<4096xf32, #tpu.memory_space<hbm>>
      %dma_start3A_628 = arith.constant 8192 : i32
      %dma_start3A_629 = tpu.memref_slice %arg9[%dma_start3A_628] : memref<16384xf32, #tpu.memory_space<vmem>> -> memref<4096xf32, #tpu.memory_space<vmem>>
      tpu.enqueue_dma source(%dma_start3A_629 : memref<4096xf32, #tpu.memory_space<vmem>>) target(%dma_start3A_627 : memref<4096xf32, #tpu.memory_space<hbm>>) target_semaphore(%arg15 : memref<!tpu.dma_semaphore, #tpu.memory_space<semaphore_mem>>)
      %add3A_630 = arith.constant 3 : i32
      %add3A_631 = arith.addi %add3A_533, %add3A_630 : i32
      %dma_start3A_632 = arith.constant 12288 : i32
      %dma_start3A_633 = tpu.memref_slice %arg9[%dma_start3A_632] : memref<16384xf32, #tpu.memory_space<vmem>> -> memref<4096xf32, #tpu.memory_space<vmem>>
      %dma_start3A_634 = arith.constant 0 : i32
      %dma_start3A_635 = tpu.memref_slice %arg5[%add3A_631, %dma_start3A_634] : memref<8192x4096xf32, #tpu.memory_space<hbm>> -> memref<1x4096xf32, #tpu.memory_space<hbm>>
      %dma_start3A_636 = tpu.memref_squeeze %dma_start3A_635 : memref<1x4096xf32, #tpu.memory_space<hbm>> -> memref<4096xf32, #tpu.memory_space<hbm>>
      %dma_start3A_637 = arith.constant 0 : i32
      %dma_start3A_638 = tpu.memref_slice %arg5[%add3A_631, %dma_start3A_637] : memref<8192x4096xf32, #tpu.memory_space<hbm>> -> memref<1x4096xf32, #tpu.memory_space<hbm>>
      %dma_start3A_639 = tpu.memref_squeeze %dma_start3A_638 : memref<1x4096xf32, #tpu.memory_space<hbm>> -> memref<4096xf32, #tpu.memory_space<hbm>>
      %dma_start3A_640 = arith.constant 12288 : i32
      %dma_start3A_641 = tpu.memref_slice %arg9[%dma_start3A_640] : memref<16384xf32, #tpu.memory_space<vmem>> -> memref<4096xf32, #tpu.memory_space<vmem>>
      tpu.enqueue_dma source(%dma_start3A_641 : memref<4096xf32, #tpu.memory_space<vmem>>) target(%dma_start3A_639 : memref<4096xf32, #tpu.memory_space<hbm>>) target_semaphore(%arg15 : memref<!tpu.dma_semaphore, #tpu.memory_space<semaphore_mem>>)
      %add3A_642 = arith.constant 2 : i32
      %add3A_643 = arith.addi %add3A_530, %add3A_642 : i32
      %lt3A_644 = arith.constant 64 : i32
      %lt3A_645 = arith.cmpi slt, %add3A_643, %lt3A_644 : i32
      %convert_element_type3A_646 = arith.extui %lt3A_645 : i1 to i32
      %cond3A_647 = arith.constant 0 : i32
      %cond3A_648 = arith.cmpi ne, %convert_element_type3A_646, %cond3A_647 : i32
      scf.if %cond3A_648 {
        %add3A_650 = arith.constant 8 : i32
        %add3A_651 = arith.addi %add3A_533, %add3A_650 : i32
        %add3A_652 = arith.constant 0 : i32
        %add3A_653 = arith.addi %add3A_651, %add3A_652 : i32
        %dma_start3A_654 = arith.constant 0 : i32
        %dma_start3A_655 = tpu.memref_slice %arg7[%dma_start3A_654] : memref<16384xf32, #tpu.memory_space<vmem>> -> memref<4096xf32, #tpu.memory_space<vmem>>
        %dma_start3A_656 = arith.constant 0 : i32
        %dma_start3A_657 = tpu.memref_slice %arg2[%add3A_653, %dma_start3A_656] : memref<8192x4096xf32, #tpu.memory_space<hbm>> -> memref<1x4096xf32, #tpu.memory_space<hbm>>
        %dma_start3A_658 = tpu.memref_squeeze %dma_start3A_657 : memref<1x4096xf32, #tpu.memory_space<hbm>> -> memref<4096xf32, #tpu.memory_space<hbm>>
        %dma_start3A_659 = arith.constant 0 : i32
        %dma_start3A_660 = tpu.memref_slice %arg7[%dma_start3A_659] : memref<16384xf32, #tpu.memory_space<vmem>> -> memref<4096xf32, #tpu.memory_space<vmem>>
        %dma_start3A_661 = arith.constant 0 : i32
        %dma_start3A_662 = tpu.memref_slice %arg2[%add3A_653, %dma_start3A_661] : memref<8192x4096xf32, #tpu.memory_space<hbm>> -> memref<1x4096xf32, #tpu.memory_space<hbm>>
        %dma_start3A_663 = tpu.memref_squeeze %dma_start3A_662 : memref<1x4096xf32, #tpu.memory_space<hbm>> -> memref<4096xf32, #tpu.memory_space<hbm>>
        tpu.enqueue_dma source(%dma_start3A_663 : memref<4096xf32, #tpu.memory_space<hbm>>) target(%dma_start3A_660 : memref<4096xf32, #tpu.memory_space<vmem>>) target_semaphore(%arg13 : memref<!tpu.dma_semaphore, #tpu.memory_space<semaphore_mem>>)
        %add3A_664 = arith.constant 1 : i32
        %add3A_665 = arith.addi %add3A_651, %add3A_664 : i32
        %dma_start3A_666 = arith.constant 4096 : i32
        %dma_start3A_667 = tpu.memref_slice %arg7[%dma_start3A_666] : memref<16384xf32, #tpu.memory_space<vmem>> -> memref<4096xf32, #tpu.memory_space<vmem>>
        %dma_start3A_668 = arith.constant 0 : i32
        %dma_start3A_669 = tpu.memref_slice %arg2[%add3A_665, %dma_start3A_668] : memref<8192x4096xf32, #tpu.memory_space<hbm>> -> memref<1x4096xf32, #tpu.memory_space<hbm>>
        %dma_start3A_670 = tpu.memref_squeeze %dma_start3A_669 : memref<1x4096xf32, #tpu.memory_space<hbm>> -> memref<4096xf32, #tpu.memory_space<hbm>>
        %dma_start3A_671 = arith.constant 4096 : i32
        %dma_start3A_672 = tpu.memref_slice %arg7[%dma_start3A_671] : memref<16384xf32, #tpu.memory_space<vmem>> -> memref<4096xf32, #tpu.memory_space<vmem>>
        %dma_start3A_673 = arith.constant 0 : i32
        %dma_start3A_674 = tpu.memref_slice %arg2[%add3A_665, %dma_start3A_673] : memref<8192x4096xf32, #tpu.memory_space<hbm>> -> memref<1x4096xf32, #tpu.memory_space<hbm>>
        %dma_start3A_675 = tpu.memref_squeeze %dma_start3A_674 : memref<1x4096xf32, #tpu.memory_space<hbm>> -> memref<4096xf32, #tpu.memory_space<hbm>>
        tpu.enqueue_dma source(%dma_start3A_675 : memref<4096xf32, #tpu.memory_space<hbm>>) target(%dma_start3A_672 : memref<4096xf32, #tpu.memory_space<vmem>>) target_semaphore(%arg13 : memref<!tpu.dma_semaphore, #tpu.memory_space<semaphore_mem>>)
        %add3A_676 = arith.constant 2 : i32
        %add3A_677 = arith.addi %add3A_651, %add3A_676 : i32
        %dma_start3A_678 = arith.constant 8192 : i32
        %dma_start3A_679 = tpu.memref_slice %arg7[%dma_start3A_678] : memref<16384xf32, #tpu.memory_space<vmem>> -> memref<4096xf32, #tpu.memory_space<vmem>>
        %dma_start3A_680 = arith.constant 0 : i32
        %dma_start3A_681 = tpu.memref_slice %arg2[%add3A_677, %dma_start3A_680] : memref<8192x4096xf32, #tpu.memory_space<hbm>> -> memref<1x4096xf32, #tpu.memory_space<hbm>>
        %dma_start3A_682 = tpu.memref_squeeze %dma_start3A_681 : memref<1x4096xf32, #tpu.memory_space<hbm>> -> memref<4096xf32, #tpu.memory_space<hbm>>
        %dma_start3A_683 = arith.constant 8192 : i32
        %dma_start3A_684 = tpu.memref_slice %arg7[%dma_start3A_683] : memref<16384xf32, #tpu.memory_space<vmem>> -> memref<4096xf32, #tpu.memory_space<vmem>>
        %dma_start3A_685 = arith.constant 0 : i32
        %dma_start3A_686 = tpu.memref_slice %arg2[%add3A_677, %dma_start3A_685] : memref<8192x4096xf32, #tpu.memory_space<hbm>> -> memref<1x4096xf32, #tpu.memory_space<hbm>>
        %dma_start3A_687 = tpu.memref_squeeze %dma_start3A_686 : memref<1x4096xf32, #tpu.memory_space<hbm>> -> memref<4096xf32, #tpu.memory_space<hbm>>
        tpu.enqueue_dma source(%dma_start3A_687 : memref<4096xf32, #tpu.memory_space<hbm>>) target(%dma_start3A_684 : memref<4096xf32, #tpu.memory_space<vmem>>) target_semaphore(%arg13 : memref<!tpu.dma_semaphore, #tpu.memory_space<semaphore_mem>>)
        %add3A_688 = arith.constant 3 : i32
        %add3A_689 = arith.addi %add3A_651, %add3A_688 : i32
        %dma_start3A_690 = arith.constant 12288 : i32
        %dma_start3A_691 = tpu.memref_slice %arg7[%dma_start3A_690] : memref<16384xf32, #tpu.memory_space<vmem>> -> memref<4096xf32, #tpu.memory_space<vmem>>
        %dma_start3A_692 = arith.constant 0 : i32
        %dma_start3A_693 = tpu.memref_slice %arg2[%add3A_689, %dma_start3A_692] : memref<8192x4096xf32, #tpu.memory_space<hbm>> -> memref<1x4096xf32, #tpu.memory_space<hbm>>
        %dma_start3A_694 = tpu.memref_squeeze %dma_start3A_693 : memref<1x4096xf32, #tpu.memory_space<hbm>> -> memref<4096xf32, #tpu.memory_space<hbm>>
        %dma_start3A_695 = arith.constant 12288 : i32
        %dma_start3A_696 = tpu.memref_slice %arg7[%dma_start3A_695] : memref<16384xf32, #tpu.memory_space<vmem>> -> memref<4096xf32, #tpu.memory_space<vmem>>
        %dma_start3A_697 = arith.constant 0 : i32
        %dma_start3A_698 = tpu.memref_slice %arg2[%add3A_689, %dma_start3A_697] : memref<8192x4096xf32, #tpu.memory_space<hbm>> -> memref<1x4096xf32, #tpu.memory_space<hbm>>
        %dma_start3A_699 = tpu.memref_squeeze %dma_start3A_698 : memref<1x4096xf32, #tpu.memory_space<hbm>> -> memref<4096xf32, #tpu.memory_space<hbm>>
        tpu.enqueue_dma source(%dma_start3A_699 : memref<4096xf32, #tpu.memory_space<hbm>>) target(%dma_start3A_696 : memref<4096xf32, #tpu.memory_space<vmem>>) target_semaphore(%arg13 : memref<!tpu.dma_semaphore, #tpu.memory_space<semaphore_mem>>)
      } else {
      }
      %scan3A_649 = arith.constant 0 : i32
      scf.yield %scan3A_649 : i32
    }
    %scan3A_313 = arith.constant 32 : i32
    %add3A_314 = arith.constant 0 : i32
    %add3A_315 = arith.addi %mul3A_2, %add3A_314 : i32
    %dma_wait3A = arith.constant 0 : i32
    %dma_wait3A_316 = tpu.memref_slice %arg8[%dma_wait3A] : memref<16384xf32, #tpu.memory_space<vmem>> -> memref<4096xf32, #tpu.memory_space<vmem>>
    %dma_wait3A_317 = arith.constant 0 : i32
    %dma_wait3A_318 = tpu.memref_slice %arg5[%add3A_315, %dma_wait3A_317] : memref<8192x4096xf32, #tpu.memory_space<hbm>> -> memref<1x4096xf32, #tpu.memory_space<hbm>>
    %dma_wait3A_319 = tpu.memref_squeeze %dma_wait3A_318 : memref<1x4096xf32, #tpu.memory_space<hbm>> -> memref<4096xf32, #tpu.memory_space<hbm>>
    %dma_wait3A_320 = arith.constant 0 : i32
    %dma_wait3A_321 = tpu.memref_slice %arg5[%add3A_315, %dma_wait3A_320] : memref<8192x4096xf32, #tpu.memory_space<hbm>> -> memref<1x4096xf32, #tpu.memory_space<hbm>>
    %dma_wait3A_322 = tpu.memref_squeeze %dma_wait3A_321 : memref<1x4096xf32, #tpu.memory_space<hbm>> -> memref<4096xf32, #tpu.memory_space<hbm>>
    %dma_wait3A_323 = arith.constant 0 : i32
    %dma_wait3A_324 = tpu.memref_slice %arg8[%dma_wait3A_323] : memref<16384xf32, #tpu.memory_space<vmem>> -> memref<4096xf32, #tpu.memory_space<vmem>>
    tpu.wait_dma2 semaphore(%arg14 : memref<!tpu.dma_semaphore, #tpu.memory_space<semaphore_mem>>) src(%dma_wait3A_324 : memref<4096xf32, #tpu.memory_space<vmem>>) dst(%dma_wait3A_322 : memref<4096xf32, #tpu.memory_space<hbm>>)
    %add3A_325 = arith.constant 1 : i32
    %add3A_326 = arith.addi %mul3A_2, %add3A_325 : i32
    %dma_wait3A_327 = arith.constant 4096 : i32
    %dma_wait3A_328 = tpu.memref_slice %arg8[%dma_wait3A_327] : memref<16384xf32, #tpu.memory_space<vmem>> -> memref<4096xf32, #tpu.memory_space<vmem>>
    %dma_wait3A_329 = arith.constant 0 : i32
    %dma_wait3A_330 = tpu.memref_slice %arg5[%add3A_326, %dma_wait3A_329] : memref<8192x4096xf32, #tpu.memory_space<hbm>> -> memref<1x4096xf32, #tpu.memory_space<hbm>>
    %dma_wait3A_331 = tpu.memref_squeeze %dma_wait3A_330 : memref<1x4096xf32, #tpu.memory_space<hbm>> -> memref<4096xf32, #tpu.memory_space<hbm>>
    %dma_wait3A_332 = arith.constant 0 : i32
    %dma_wait3A_333 = tpu.memref_slice %arg5[%add3A_326, %dma_wait3A_332] : memref<8192x4096xf32, #tpu.memory_space<hbm>> -> memref<1x4096xf32, #tpu.memory_space<hbm>>
    %dma_wait3A_334 = tpu.memref_squeeze %dma_wait3A_333 : memref<1x4096xf32, #tpu.memory_space<hbm>> -> memref<4096xf32, #tpu.memory_space<hbm>>
    %dma_wait3A_335 = arith.constant 4096 : i32
    %dma_wait3A_336 = tpu.memref_slice %arg8[%dma_wait3A_335] : memref<16384xf32, #tpu.memory_space<vmem>> -> memref<4096xf32, #tpu.memory_space<vmem>>
    tpu.wait_dma2 semaphore(%arg14 : memref<!tpu.dma_semaphore, #tpu.memory_space<semaphore_mem>>) src(%dma_wait3A_336 : memref<4096xf32, #tpu.memory_space<vmem>>) dst(%dma_wait3A_334 : memref<4096xf32, #tpu.memory_space<hbm>>)
    %add3A_337 = arith.constant 2 : i32
    %add3A_338 = arith.addi %mul3A_2, %add3A_337 : i32
    %dma_wait3A_339 = arith.constant 8192 : i32
    %dma_wait3A_340 = tpu.memref_slice %arg8[%dma_wait3A_339] : memref<16384xf32, #tpu.memory_space<vmem>> -> memref<4096xf32, #tpu.memory_space<vmem>>
    %dma_wait3A_341 = arith.constant 0 : i32
    %dma_wait3A_342 = tpu.memref_slice %arg5[%add3A_338, %dma_wait3A_341] : memref<8192x4096xf32, #tpu.memory_space<hbm>> -> memref<1x4096xf32, #tpu.memory_space<hbm>>
    %dma_wait3A_343 = tpu.memref_squeeze %dma_wait3A_342 : memref<1x4096xf32, #tpu.memory_space<hbm>> -> memref<4096xf32, #tpu.memory_space<hbm>>
    %dma_wait3A_344 = arith.constant 0 : i32
    %dma_wait3A_345 = tpu.memref_slice %arg5[%add3A_338, %dma_wait3A_344] : memref<8192x4096xf32, #tpu.memory_space<hbm>> -> memref<1x4096xf32, #tpu.memory_space<hbm>>
    %dma_wait3A_346 = tpu.memref_squeeze %dma_wait3A_345 : memref<1x4096xf32, #tpu.memory_space<hbm>> -> memref<4096xf32, #tpu.memory_space<hbm>>
    %dma_wait3A_347 = arith.constant 8192 : i32
    %dma_wait3A_348 = tpu.memref_slice %arg8[%dma_wait3A_347] : memref<16384xf32, #tpu.memory_space<vmem>> -> memref<4096xf32, #tpu.memory_space<vmem>>
    tpu.wait_dma2 semaphore(%arg14 : memref<!tpu.dma_semaphore, #tpu.memory_space<semaphore_mem>>) src(%dma_wait3A_348 : memref<4096xf32, #tpu.memory_space<vmem>>) dst(%dma_wait3A_346 : memref<4096xf32, #tpu.memory_space<hbm>>)
    %add3A_349 = arith.constant 3 : i32
    %add3A_350 = arith.addi %mul3A_2, %add3A_349 : i32
    %dma_wait3A_351 = arith.constant 12288 : i32
    %dma_wait3A_352 = tpu.memref_slice %arg8[%dma_wait3A_351] : memref<16384xf32, #tpu.memory_space<vmem>> -> memref<4096xf32, #tpu.memory_space<vmem>>
    %dma_wait3A_353 = arith.constant 0 : i32
    %dma_wait3A_354 = tpu.memref_slice %arg5[%add3A_350, %dma_wait3A_353] : memref<8192x4096xf32, #tpu.memory_space<hbm>> -> memref<1x4096xf32, #tpu.memory_space<hbm>>
    %dma_wait3A_355 = tpu.memref_squeeze %dma_wait3A_354 : memref<1x4096xf32, #tpu.memory_space<hbm>> -> memref<4096xf32, #tpu.memory_space<hbm>>
    %dma_wait3A_356 = arith.constant 0 : i32
    %dma_wait3A_357 = tpu.memref_slice %arg5[%add3A_350, %dma_wait3A_356] : memref<8192x4096xf32, #tpu.memory_space<hbm>> -> memref<1x4096xf32, #tpu.memory_space<hbm>>
    %dma_wait3A_358 = tpu.memref_squeeze %dma_wait3A_357 : memref<1x4096xf32, #tpu.memory_space<hbm>> -> memref<4096xf32, #tpu.memory_space<hbm>>
    %dma_wait3A_359 = arith.constant 12288 : i32
    %dma_wait3A_360 = tpu.memref_slice %arg8[%dma_wait3A_359] : memref<16384xf32, #tpu.memory_space<vmem>> -> memref<4096xf32, #tpu.memory_space<vmem>>
    tpu.wait_dma2 semaphore(%arg14 : memref<!tpu.dma_semaphore, #tpu.memory_space<semaphore_mem>>) src(%dma_wait3A_360 : memref<4096xf32, #tpu.memory_space<vmem>>) dst(%dma_wait3A_358 : memref<4096xf32, #tpu.memory_space<hbm>>)
    %add3A_361 = arith.constant 0 : i32
    %add3A_362 = arith.addi %mul3A_2, %add3A_361 : i32
    %dma_wait3A_363 = arith.constant 0 : i32
    %dma_wait3A_364 = tpu.memref_slice %arg9[%dma_wait3A_363] : memref<16384xf32, #tpu.memory_space<vmem>> -> memref<4096xf32, #tpu.memory_space<vmem>>
    %dma_wait3A_365 = arith.constant 0 : i32
    %dma_wait3A_366 = tpu.memref_slice %arg5[%add3A_362, %dma_wait3A_365] : memref<8192x4096xf32, #tpu.memory_space<hbm>> -> memref<1x4096xf32, #tpu.memory_space<hbm>>
    %dma_wait3A_367 = tpu.memref_squeeze %dma_wait3A_366 : memref<1x4096xf32, #tpu.memory_space<hbm>> -> memref<4096xf32, #tpu.memory_space<hbm>>
    %dma_wait3A_368 = arith.constant 0 : i32
    %dma_wait3A_369 = tpu.memref_slice %arg5[%add3A_362, %dma_wait3A_368] : memref<8192x4096xf32, #tpu.memory_space<hbm>> -> memref<1x4096xf32, #tpu.memory_space<hbm>>
    %dma_wait3A_370 = tpu.memref_squeeze %dma_wait3A_369 : memref<1x4096xf32, #tpu.memory_space<hbm>> -> memref<4096xf32, #tpu.memory_space<hbm>>
    %dma_wait3A_371 = arith.constant 0 : i32
    %dma_wait3A_372 = tpu.memref_slice %arg9[%dma_wait3A_371] : memref<16384xf32, #tpu.memory_space<vmem>> -> memref<4096xf32, #tpu.memory_space<vmem>>
    tpu.wait_dma2 semaphore(%arg15 : memref<!tpu.dma_semaphore, #tpu.memory_space<semaphore_mem>>) src(%dma_wait3A_372 : memref<4096xf32, #tpu.memory_space<vmem>>) dst(%dma_wait3A_370 : memref<4096xf32, #tpu.memory_space<hbm>>)
    %add3A_373 = arith.constant 1 : i32
    %add3A_374 = arith.addi %mul3A_2, %add3A_373 : i32
    %dma_wait3A_375 = arith.constant 4096 : i32
    %dma_wait3A_376 = tpu.memref_slice %arg9[%dma_wait3A_375] : memref<16384xf32, #tpu.memory_space<vmem>> -> memref<4096xf32, #tpu.memory_space<vmem>>
    %dma_wait3A_377 = arith.constant 0 : i32
    %dma_wait3A_378 = tpu.memref_slice %arg5[%add3A_374, %dma_wait3A_377] : memref<8192x4096xf32, #tpu.memory_space<hbm>> -> memref<1x4096xf32, #tpu.memory_space<hbm>>
    %dma_wait3A_379 = tpu.memref_squeeze %dma_wait3A_378 : memref<1x4096xf32, #tpu.memory_space<hbm>> -> memref<4096xf32, #tpu.memory_space<hbm>>
    %dma_wait3A_380 = arith.constant 0 : i32
    %dma_wait3A_381 = tpu.memref_slice %arg5[%add3A_374, %dma_wait3A_380] : memref<8192x4096xf32, #tpu.memory_space<hbm>> -> memref<1x4096xf32, #tpu.memory_space<hbm>>
    %dma_wait3A_382 = tpu.memref_squeeze %dma_wait3A_381 : memref<1x4096xf32, #tpu.memory_space<hbm>> -> memref<4096xf32, #tpu.memory_space<hbm>>
    %dma_wait3A_383 = arith.constant 4096 : i32
    %dma_wait3A_384 = tpu.memref_slice %arg9[%dma_wait3A_383] : memref<16384xf32, #tpu.memory_space<vmem>> -> memref<4096xf32, #tpu.memory_space<vmem>>
    tpu.wait_dma2 semaphore(%arg15 : memref<!tpu.dma_semaphore, #tpu.memory_space<semaphore_mem>>) src(%dma_wait3A_384 : memref<4096xf32, #tpu.memory_space<vmem>>) dst(%dma_wait3A_382 : memref<4096xf32, #tpu.memory_space<hbm>>)
    %add3A_385 = arith.constant 2 : i32
    %add3A_386 = arith.addi %mul3A_2, %add3A_385 : i32
    %dma_wait3A_387 = arith.constant 8192 : i32
    %dma_wait3A_388 = tpu.memref_slice %arg9[%dma_wait3A_387] : memref<16384xf32, #tpu.memory_space<vmem>> -> memref<4096xf32, #tpu.memory_space<vmem>>
    %dma_wait3A_389 = arith.constant 0 : i32
    %dma_wait3A_390 = tpu.memref_slice %arg5[%add3A_386, %dma_wait3A_389] : memref<8192x4096xf32, #tpu.memory_space<hbm>> -> memref<1x4096xf32, #tpu.memory_space<hbm>>
    %dma_wait3A_391 = tpu.memref_squeeze %dma_wait3A_390 : memref<1x4096xf32, #tpu.memory_space<hbm>> -> memref<4096xf32, #tpu.memory_space<hbm>>
    %dma_wait3A_392 = arith.constant 0 : i32
    %dma_wait3A_393 = tpu.memref_slice %arg5[%add3A_386, %dma_wait3A_392] : memref<8192x4096xf32, #tpu.memory_space<hbm>> -> memref<1x4096xf32, #tpu.memory_space<hbm>>
    %dma_wait3A_394 = tpu.memref_squeeze %dma_wait3A_393 : memref<1x4096xf32, #tpu.memory_space<hbm>> -> memref<4096xf32, #tpu.memory_space<hbm>>
    %dma_wait3A_395 = arith.constant 8192 : i32
    %dma_wait3A_396 = tpu.memref_slice %arg9[%dma_wait3A_395] : memref<16384xf32, #tpu.memory_space<vmem>> -> memref<4096xf32, #tpu.memory_space<vmem>>
    tpu.wait_dma2 semaphore(%arg15 : memref<!tpu.dma_semaphore, #tpu.memory_space<semaphore_mem>>) src(%dma_wait3A_396 : memref<4096xf32, #tpu.memory_space<vmem>>) dst(%dma_wait3A_394 : memref<4096xf32, #tpu.memory_space<hbm>>)
    %add3A_397 = arith.constant 3 : i32
    %add3A_398 = arith.addi %mul3A_2, %add3A_397 : i32
    %dma_wait3A_399 = arith.constant 12288 : i32
    %dma_wait3A_400 = tpu.memref_slice %arg9[%dma_wait3A_399] : memref<16384xf32, #tpu.memory_space<vmem>> -> memref<4096xf32, #tpu.memory_space<vmem>>
    %dma_wait3A_401 = arith.constant 0 : i32
    %dma_wait3A_402 = tpu.memref_slice %arg5[%add3A_398, %dma_wait3A_401] : memref<8192x4096xf32, #tpu.memory_space<hbm>> -> memref<1x4096xf32, #tpu.memory_space<hbm>>
    %dma_wait3A_403 = tpu.memref_squeeze %dma_wait3A_402 : memref<1x4096xf32, #tpu.memory_space<hbm>> -> memref<4096xf32, #tpu.memory_space<hbm>>
    %dma_wait3A_404 = arith.constant 0 : i32
    %dma_wait3A_405 = tpu.memref_slice %arg5[%add3A_398, %dma_wait3A_404] : memref<8192x4096xf32, #tpu.memory_space<hbm>> -> memref<1x4096xf32, #tpu.memory_space<hbm>>
    %dma_wait3A_406 = tpu.memref_squeeze %dma_wait3A_405 : memref<1x4096xf32, #tpu.memory_space<hbm>> -> memref<4096xf32, #tpu.memory_space<hbm>>
    %dma_wait3A_407 = arith.constant 12288 : i32
    %dma_wait3A_408 = tpu.memref_slice %arg9[%dma_wait3A_407] : memref<16384xf32, #tpu.memory_space<vmem>> -> memref<4096xf32, #tpu.memory_space<vmem>>
    tpu.wait_dma2 semaphore(%arg15 : memref<!tpu.dma_semaphore, #tpu.memory_space<semaphore_mem>>) src(%dma_wait3A_408 : memref<4096xf32, #tpu.memory_space<vmem>>) dst(%dma_wait3A_406 : memref<4096xf32, #tpu.memory_space<hbm>>)
    return
  }
}

#map = affine_map<(d0, d1) -> (0, 0)>
#map1 = affine_map<(d0, d1) -> (0)>
module attributes {stable_mosaic.version = 14 : i64} {
  func.func @_minmax_kernel(%arg0: i32, %arg1: i32, %arg2: memref<8192x4096xf32, #tpu.memory_space<hbm>>, %arg3: memref<512xf32, #tpu.memory_space<hbm>>, %arg4: memref<512xf32, #tpu.memory_space<hbm>>, %arg5: memref<32768xf32, #tpu.memory_space<vmem>>, %arg6: memref<32768xf32, #tpu.memory_space<vmem>>, %arg7: memref<16xf32, #tpu.memory_space<vmem>>, %arg8: memref<16xf32, #tpu.memory_space<vmem>>, %arg9: memref<!tpu.dma_semaphore, #tpu.memory_space<semaphore_mem>>, %arg10: memref<!tpu.dma_semaphore, #tpu.memory_space<semaphore_mem>>) attributes {dimension_semantics = [#tpu.dimension_semantics<core_parallel>, #tpu.dimension_semantics<subcore_parallel>], iteration_bounds = array<i64: 2, 16>, scalar_prefetch = 0 : i64, scratch_operands = 6 : i64, tpu.core_type = #tpu.core_type<sc_vector_subcore>, window_params = [{transform_indices = #map}, {transform_indices = #map1}, {transform_indices = #map1}]} {
    %mul3A = arith.constant 2 : i32
    %mul3A_0 = arith.muli %arg1, %mul3A : i32
    %add3A = arith.addi %mul3A_0, %arg0 : i32
    %mul3A_1 = arith.constant 256 : i32
    %mul3A_2 = arith.muli %add3A, %mul3A_1 : i32
    %add3A_3 = arith.constant 0 : i32
    %add3A_4 = arith.addi %mul3A_2, %add3A_3 : i32
    %dma_start3A = arith.constant 0 : i32
    %dma_start3A_5 = tpu.memref_slice %arg5[%dma_start3A] : memref<32768xf32, #tpu.memory_space<vmem>> -> memref<4096xf32, #tpu.memory_space<vmem>>
    %dma_start3A_6 = arith.constant 0 : i32
    %dma_start3A_7 = tpu.memref_slice %arg2[%add3A_4, %dma_start3A_6] : memref<8192x4096xf32, #tpu.memory_space<hbm>> -> memref<1x4096xf32, #tpu.memory_space<hbm>>
    %dma_start3A_8 = tpu.memref_squeeze %dma_start3A_7 : memref<1x4096xf32, #tpu.memory_space<hbm>> -> memref<4096xf32, #tpu.memory_space<hbm>>
    %dma_start3A_9 = arith.constant 0 : i32
    %dma_start3A_10 = tpu.memref_slice %arg5[%dma_start3A_9] : memref<32768xf32, #tpu.memory_space<vmem>> -> memref<4096xf32, #tpu.memory_space<vmem>>
    %dma_start3A_11 = arith.constant 0 : i32
    %dma_start3A_12 = tpu.memref_slice %arg2[%add3A_4, %dma_start3A_11] : memref<8192x4096xf32, #tpu.memory_space<hbm>> -> memref<1x4096xf32, #tpu.memory_space<hbm>>
    %dma_start3A_13 = tpu.memref_squeeze %dma_start3A_12 : memref<1x4096xf32, #tpu.memory_space<hbm>> -> memref<4096xf32, #tpu.memory_space<hbm>>
    tpu.enqueue_dma source(%dma_start3A_13 : memref<4096xf32, #tpu.memory_space<hbm>>) target(%dma_start3A_10 : memref<4096xf32, #tpu.memory_space<vmem>>) target_semaphore(%arg9 : memref<!tpu.dma_semaphore, #tpu.memory_space<semaphore_mem>>)
    %add3A_14 = arith.constant 1 : i32
    %add3A_15 = arith.addi %mul3A_2, %add3A_14 : i32
    %dma_start3A_16 = arith.constant 4096 : i32
    %dma_start3A_17 = tpu.memref_slice %arg5[%dma_start3A_16] : memref<32768xf32, #tpu.memory_space<vmem>> -> memref<4096xf32, #tpu.memory_space<vmem>>
    %dma_start3A_18 = arith.constant 0 : i32
    %dma_start3A_19 = tpu.memref_slice %arg2[%add3A_15, %dma_start3A_18] : memref<8192x4096xf32, #tpu.memory_space<hbm>> -> memref<1x4096xf32, #tpu.memory_space<hbm>>
    %dma_start3A_20 = tpu.memref_squeeze %dma_start3A_19 : memref<1x4096xf32, #tpu.memory_space<hbm>> -> memref<4096xf32, #tpu.memory_space<hbm>>
    %dma_start3A_21 = arith.constant 4096 : i32
    %dma_start3A_22 = tpu.memref_slice %arg5[%dma_start3A_21] : memref<32768xf32, #tpu.memory_space<vmem>> -> memref<4096xf32, #tpu.memory_space<vmem>>
    %dma_start3A_23 = arith.constant 0 : i32
    %dma_start3A_24 = tpu.memref_slice %arg2[%add3A_15, %dma_start3A_23] : memref<8192x4096xf32, #tpu.memory_space<hbm>> -> memref<1x4096xf32, #tpu.memory_space<hbm>>
    %dma_start3A_25 = tpu.memref_squeeze %dma_start3A_24 : memref<1x4096xf32, #tpu.memory_space<hbm>> -> memref<4096xf32, #tpu.memory_space<hbm>>
    tpu.enqueue_dma source(%dma_start3A_25 : memref<4096xf32, #tpu.memory_space<hbm>>) target(%dma_start3A_22 : memref<4096xf32, #tpu.memory_space<vmem>>) target_semaphore(%arg9 : memref<!tpu.dma_semaphore, #tpu.memory_space<semaphore_mem>>)
    %add3A_26 = arith.constant 2 : i32
    %add3A_27 = arith.addi %mul3A_2, %add3A_26 : i32
    %dma_start3A_28 = arith.constant 8192 : i32
    %dma_start3A_29 = tpu.memref_slice %arg5[%dma_start3A_28] : memref<32768xf32, #tpu.memory_space<vmem>> -> memref<4096xf32, #tpu.memory_space<vmem>>
    %dma_start3A_30 = arith.constant 0 : i32
    %dma_start3A_31 = tpu.memref_slice %arg2[%add3A_27, %dma_start3A_30] : memref<8192x4096xf32, #tpu.memory_space<hbm>> -> memref<1x4096xf32, #tpu.memory_space<hbm>>
    %dma_start3A_32 = tpu.memref_squeeze %dma_start3A_31 : memref<1x4096xf32, #tpu.memory_space<hbm>> -> memref<4096xf32, #tpu.memory_space<hbm>>
    %dma_start3A_33 = arith.constant 8192 : i32
    %dma_start3A_34 = tpu.memref_slice %arg5[%dma_start3A_33] : memref<32768xf32, #tpu.memory_space<vmem>> -> memref<4096xf32, #tpu.memory_space<vmem>>
    %dma_start3A_35 = arith.constant 0 : i32
    %dma_start3A_36 = tpu.memref_slice %arg2[%add3A_27, %dma_start3A_35] : memref<8192x4096xf32, #tpu.memory_space<hbm>> -> memref<1x4096xf32, #tpu.memory_space<hbm>>
    %dma_start3A_37 = tpu.memref_squeeze %dma_start3A_36 : memref<1x4096xf32, #tpu.memory_space<hbm>> -> memref<4096xf32, #tpu.memory_space<hbm>>
    tpu.enqueue_dma source(%dma_start3A_37 : memref<4096xf32, #tpu.memory_space<hbm>>) target(%dma_start3A_34 : memref<4096xf32, #tpu.memory_space<vmem>>) target_semaphore(%arg9 : memref<!tpu.dma_semaphore, #tpu.memory_space<semaphore_mem>>)
    %add3A_38 = arith.constant 3 : i32
    %add3A_39 = arith.addi %mul3A_2, %add3A_38 : i32
    %dma_start3A_40 = arith.constant 12288 : i32
    %dma_start3A_41 = tpu.memref_slice %arg5[%dma_start3A_40] : memref<32768xf32, #tpu.memory_space<vmem>> -> memref<4096xf32, #tpu.memory_space<vmem>>
    %dma_start3A_42 = arith.constant 0 : i32
    %dma_start3A_43 = tpu.memref_slice %arg2[%add3A_39, %dma_start3A_42] : memref<8192x4096xf32, #tpu.memory_space<hbm>> -> memref<1x4096xf32, #tpu.memory_space<hbm>>
    %dma_start3A_44 = tpu.memref_squeeze %dma_start3A_43 : memref<1x4096xf32, #tpu.memory_space<hbm>> -> memref<4096xf32, #tpu.memory_space<hbm>>
    %dma_start3A_45 = arith.constant 12288 : i32
    %dma_start3A_46 = tpu.memref_slice %arg5[%dma_start3A_45] : memref<32768xf32, #tpu.memory_space<vmem>> -> memref<4096xf32, #tpu.memory_space<vmem>>
    %dma_start3A_47 = arith.constant 0 : i32
    %dma_start3A_48 = tpu.memref_slice %arg2[%add3A_39, %dma_start3A_47] : memref<8192x4096xf32, #tpu.memory_space<hbm>> -> memref<1x4096xf32, #tpu.memory_space<hbm>>
    %dma_start3A_49 = tpu.memref_squeeze %dma_start3A_48 : memref<1x4096xf32, #tpu.memory_space<hbm>> -> memref<4096xf32, #tpu.memory_space<hbm>>
    tpu.enqueue_dma source(%dma_start3A_49 : memref<4096xf32, #tpu.memory_space<hbm>>) target(%dma_start3A_46 : memref<4096xf32, #tpu.memory_space<vmem>>) target_semaphore(%arg9 : memref<!tpu.dma_semaphore, #tpu.memory_space<semaphore_mem>>)
    %add3A_50 = arith.constant 4 : i32
    %add3A_51 = arith.addi %mul3A_2, %add3A_50 : i32
    %dma_start3A_52 = arith.constant 16384 : i32
    %dma_start3A_53 = tpu.memref_slice %arg5[%dma_start3A_52] : memref<32768xf32, #tpu.memory_space<vmem>> -> memref<4096xf32, #tpu.memory_space<vmem>>
    %dma_start3A_54 = arith.constant 0 : i32
    %dma_start3A_55 = tpu.memref_slice %arg2[%add3A_51, %dma_start3A_54] : memref<8192x4096xf32, #tpu.memory_space<hbm>> -> memref<1x4096xf32, #tpu.memory_space<hbm>>
    %dma_start3A_56 = tpu.memref_squeeze %dma_start3A_55 : memref<1x4096xf32, #tpu.memory_space<hbm>> -> memref<4096xf32, #tpu.memory_space<hbm>>
    %dma_start3A_57 = arith.constant 16384 : i32
    %dma_start3A_58 = tpu.memref_slice %arg5[%dma_start3A_57] : memref<32768xf32, #tpu.memory_space<vmem>> -> memref<4096xf32, #tpu.memory_space<vmem>>
    %dma_start3A_59 = arith.constant 0 : i32
    %dma_start3A_60 = tpu.memref_slice %arg2[%add3A_51, %dma_start3A_59] : memref<8192x4096xf32, #tpu.memory_space<hbm>> -> memref<1x4096xf32, #tpu.memory_space<hbm>>
    %dma_start3A_61 = tpu.memref_squeeze %dma_start3A_60 : memref<1x4096xf32, #tpu.memory_space<hbm>> -> memref<4096xf32, #tpu.memory_space<hbm>>
    tpu.enqueue_dma source(%dma_start3A_61 : memref<4096xf32, #tpu.memory_space<hbm>>) target(%dma_start3A_58 : memref<4096xf32, #tpu.memory_space<vmem>>) target_semaphore(%arg9 : memref<!tpu.dma_semaphore, #tpu.memory_space<semaphore_mem>>)
    %add3A_62 = arith.constant 5 : i32
    %add3A_63 = arith.addi %mul3A_2, %add3A_62 : i32
    %dma_start3A_64 = arith.constant 20480 : i32
    %dma_start3A_65 = tpu.memref_slice %arg5[%dma_start3A_64] : memref<32768xf32, #tpu.memory_space<vmem>> -> memref<4096xf32, #tpu.memory_space<vmem>>
    %dma_start3A_66 = arith.constant 0 : i32
    %dma_start3A_67 = tpu.memref_slice %arg2[%add3A_63, %dma_start3A_66] : memref<8192x4096xf32, #tpu.memory_space<hbm>> -> memref<1x4096xf32, #tpu.memory_space<hbm>>
    %dma_start3A_68 = tpu.memref_squeeze %dma_start3A_67 : memref<1x4096xf32, #tpu.memory_space<hbm>> -> memref<4096xf32, #tpu.memory_space<hbm>>
    %dma_start3A_69 = arith.constant 20480 : i32
    %dma_start3A_70 = tpu.memref_slice %arg5[%dma_start3A_69] : memref<32768xf32, #tpu.memory_space<vmem>> -> memref<4096xf32, #tpu.memory_space<vmem>>
    %dma_start3A_71 = arith.constant 0 : i32
    %dma_start3A_72 = tpu.memref_slice %arg2[%add3A_63, %dma_start3A_71] : memref<8192x4096xf32, #tpu.memory_space<hbm>> -> memref<1x4096xf32, #tpu.memory_space<hbm>>
    %dma_start3A_73 = tpu.memref_squeeze %dma_start3A_72 : memref<1x4096xf32, #tpu.memory_space<hbm>> -> memref<4096xf32, #tpu.memory_space<hbm>>
    tpu.enqueue_dma source(%dma_start3A_73 : memref<4096xf32, #tpu.memory_space<hbm>>) target(%dma_start3A_70 : memref<4096xf32, #tpu.memory_space<vmem>>) target_semaphore(%arg9 : memref<!tpu.dma_semaphore, #tpu.memory_space<semaphore_mem>>)
    %add3A_74 = arith.constant 6 : i32
    %add3A_75 = arith.addi %mul3A_2, %add3A_74 : i32
    %dma_start3A_76 = arith.constant 24576 : i32
    %dma_start3A_77 = tpu.memref_slice %arg5[%dma_start3A_76] : memref<32768xf32, #tpu.memory_space<vmem>> -> memref<4096xf32, #tpu.memory_space<vmem>>
    %dma_start3A_78 = arith.constant 0 : i32
    %dma_start3A_79 = tpu.memref_slice %arg2[%add3A_75, %dma_start3A_78] : memref<8192x4096xf32, #tpu.memory_space<hbm>> -> memref<1x4096xf32, #tpu.memory_space<hbm>>
    %dma_start3A_80 = tpu.memref_squeeze %dma_start3A_79 : memref<1x4096xf32, #tpu.memory_space<hbm>> -> memref<4096xf32, #tpu.memory_space<hbm>>
    %dma_start3A_81 = arith.constant 24576 : i32
    %dma_start3A_82 = tpu.memref_slice %arg5[%dma_start3A_81] : memref<32768xf32, #tpu.memory_space<vmem>> -> memref<4096xf32, #tpu.memory_space<vmem>>
    %dma_start3A_83 = arith.constant 0 : i32
    %dma_start3A_84 = tpu.memref_slice %arg2[%add3A_75, %dma_start3A_83] : memref<8192x4096xf32, #tpu.memory_space<hbm>> -> memref<1x4096xf32, #tpu.memory_space<hbm>>
    %dma_start3A_85 = tpu.memref_squeeze %dma_start3A_84 : memref<1x4096xf32, #tpu.memory_space<hbm>> -> memref<4096xf32, #tpu.memory_space<hbm>>
    tpu.enqueue_dma source(%dma_start3A_85 : memref<4096xf32, #tpu.memory_space<hbm>>) target(%dma_start3A_82 : memref<4096xf32, #tpu.memory_space<vmem>>) target_semaphore(%arg9 : memref<!tpu.dma_semaphore, #tpu.memory_space<semaphore_mem>>)
    %add3A_86 = arith.constant 7 : i32
    %add3A_87 = arith.addi %mul3A_2, %add3A_86 : i32
    %dma_start3A_88 = arith.constant 28672 : i32
    %dma_start3A_89 = tpu.memref_slice %arg5[%dma_start3A_88] : memref<32768xf32, #tpu.memory_space<vmem>> -> memref<4096xf32, #tpu.memory_space<vmem>>
    %dma_start3A_90 = arith.constant 0 : i32
    %dma_start3A_91 = tpu.memref_slice %arg2[%add3A_87, %dma_start3A_90] : memref<8192x4096xf32, #tpu.memory_space<hbm>> -> memref<1x4096xf32, #tpu.memory_space<hbm>>
    %dma_start3A_92 = tpu.memref_squeeze %dma_start3A_91 : memref<1x4096xf32, #tpu.memory_space<hbm>> -> memref<4096xf32, #tpu.memory_space<hbm>>
    %dma_start3A_93 = arith.constant 28672 : i32
    %dma_start3A_94 = tpu.memref_slice %arg5[%dma_start3A_93] : memref<32768xf32, #tpu.memory_space<vmem>> -> memref<4096xf32, #tpu.memory_space<vmem>>
    %dma_start3A_95 = arith.constant 0 : i32
    %dma_start3A_96 = tpu.memref_slice %arg2[%add3A_87, %dma_start3A_95] : memref<8192x4096xf32, #tpu.memory_space<hbm>> -> memref<1x4096xf32, #tpu.memory_space<hbm>>
    %dma_start3A_97 = tpu.memref_squeeze %dma_start3A_96 : memref<1x4096xf32, #tpu.memory_space<hbm>> -> memref<4096xf32, #tpu.memory_space<hbm>>
    tpu.enqueue_dma source(%dma_start3A_97 : memref<4096xf32, #tpu.memory_space<hbm>>) target(%dma_start3A_94 : memref<4096xf32, #tpu.memory_space<vmem>>) target_semaphore(%arg9 : memref<!tpu.dma_semaphore, #tpu.memory_space<semaphore_mem>>)
    %add3A_98 = arith.constant 8 : i32
    %add3A_99 = arith.addi %mul3A_2, %add3A_98 : i32
    %add3A_100 = arith.constant 0 : i32
    %add3A_101 = arith.addi %add3A_99, %add3A_100 : i32
    %dma_start3A_102 = arith.constant 0 : i32
    %dma_start3A_103 = tpu.memref_slice %arg6[%dma_start3A_102] : memref<32768xf32, #tpu.memory_space<vmem>> -> memref<4096xf32, #tpu.memory_space<vmem>>
    %dma_start3A_104 = arith.constant 0 : i32
    %dma_start3A_105 = tpu.memref_slice %arg2[%add3A_101, %dma_start3A_104] : memref<8192x4096xf32, #tpu.memory_space<hbm>> -> memref<1x4096xf32, #tpu.memory_space<hbm>>
    %dma_start3A_106 = tpu.memref_squeeze %dma_start3A_105 : memref<1x4096xf32, #tpu.memory_space<hbm>> -> memref<4096xf32, #tpu.memory_space<hbm>>
    %dma_start3A_107 = arith.constant 0 : i32
    %dma_start3A_108 = tpu.memref_slice %arg6[%dma_start3A_107] : memref<32768xf32, #tpu.memory_space<vmem>> -> memref<4096xf32, #tpu.memory_space<vmem>>
    %dma_start3A_109 = arith.constant 0 : i32
    %dma_start3A_110 = tpu.memref_slice %arg2[%add3A_101, %dma_start3A_109] : memref<8192x4096xf32, #tpu.memory_space<hbm>> -> memref<1x4096xf32, #tpu.memory_space<hbm>>
    %dma_start3A_111 = tpu.memref_squeeze %dma_start3A_110 : memref<1x4096xf32, #tpu.memory_space<hbm>> -> memref<4096xf32, #tpu.memory_space<hbm>>
    tpu.enqueue_dma source(%dma_start3A_111 : memref<4096xf32, #tpu.memory_space<hbm>>) target(%dma_start3A_108 : memref<4096xf32, #tpu.memory_space<vmem>>) target_semaphore(%arg10 : memref<!tpu.dma_semaphore, #tpu.memory_space<semaphore_mem>>)
    %add3A_112 = arith.constant 1 : i32
    %add3A_113 = arith.addi %add3A_99, %add3A_112 : i32
    %dma_start3A_114 = arith.constant 4096 : i32
    %dma_start3A_115 = tpu.memref_slice %arg6[%dma_start3A_114] : memref<32768xf32, #tpu.memory_space<vmem>> -> memref<4096xf32, #tpu.memory_space<vmem>>
    %dma_start3A_116 = arith.constant 0 : i32
    %dma_start3A_117 = tpu.memref_slice %arg2[%add3A_113, %dma_start3A_116] : memref<8192x4096xf32, #tpu.memory_space<hbm>> -> memref<1x4096xf32, #tpu.memory_space<hbm>>
    %dma_start3A_118 = tpu.memref_squeeze %dma_start3A_117 : memref<1x4096xf32, #tpu.memory_space<hbm>> -> memref<4096xf32, #tpu.memory_space<hbm>>
    %dma_start3A_119 = arith.constant 4096 : i32
    %dma_start3A_120 = tpu.memref_slice %arg6[%dma_start3A_119] : memref<32768xf32, #tpu.memory_space<vmem>> -> memref<4096xf32, #tpu.memory_space<vmem>>
    %dma_start3A_121 = arith.constant 0 : i32
    %dma_start3A_122 = tpu.memref_slice %arg2[%add3A_113, %dma_start3A_121] : memref<8192x4096xf32, #tpu.memory_space<hbm>> -> memref<1x4096xf32, #tpu.memory_space<hbm>>
    %dma_start3A_123 = tpu.memref_squeeze %dma_start3A_122 : memref<1x4096xf32, #tpu.memory_space<hbm>> -> memref<4096xf32, #tpu.memory_space<hbm>>
    tpu.enqueue_dma source(%dma_start3A_123 : memref<4096xf32, #tpu.memory_space<hbm>>) target(%dma_start3A_120 : memref<4096xf32, #tpu.memory_space<vmem>>) target_semaphore(%arg10 : memref<!tpu.dma_semaphore, #tpu.memory_space<semaphore_mem>>)
    %add3A_124 = arith.constant 2 : i32
    %add3A_125 = arith.addi %add3A_99, %add3A_124 : i32
    %dma_start3A_126 = arith.constant 8192 : i32
    %dma_start3A_127 = tpu.memref_slice %arg6[%dma_start3A_126] : memref<32768xf32, #tpu.memory_space<vmem>> -> memref<4096xf32, #tpu.memory_space<vmem>>
    %dma_start3A_128 = arith.constant 0 : i32
    %dma_start3A_129 = tpu.memref_slice %arg2[%add3A_125, %dma_start3A_128] : memref<8192x4096xf32, #tpu.memory_space<hbm>> -> memref<1x4096xf32, #tpu.memory_space<hbm>>
    %dma_start3A_130 = tpu.memref_squeeze %dma_start3A_129 : memref<1x4096xf32, #tpu.memory_space<hbm>> -> memref<4096xf32, #tpu.memory_space<hbm>>
    %dma_start3A_131 = arith.constant 8192 : i32
    %dma_start3A_132 = tpu.memref_slice %arg6[%dma_start3A_131] : memref<32768xf32, #tpu.memory_space<vmem>> -> memref<4096xf32, #tpu.memory_space<vmem>>
    %dma_start3A_133 = arith.constant 0 : i32
    %dma_start3A_134 = tpu.memref_slice %arg2[%add3A_125, %dma_start3A_133] : memref<8192x4096xf32, #tpu.memory_space<hbm>> -> memref<1x4096xf32, #tpu.memory_space<hbm>>
    %dma_start3A_135 = tpu.memref_squeeze %dma_start3A_134 : memref<1x4096xf32, #tpu.memory_space<hbm>> -> memref<4096xf32, #tpu.memory_space<hbm>>
    tpu.enqueue_dma source(%dma_start3A_135 : memref<4096xf32, #tpu.memory_space<hbm>>) target(%dma_start3A_132 : memref<4096xf32, #tpu.memory_space<vmem>>) target_semaphore(%arg10 : memref<!tpu.dma_semaphore, #tpu.memory_space<semaphore_mem>>)
    %add3A_136 = arith.constant 3 : i32
    %add3A_137 = arith.addi %add3A_99, %add3A_136 : i32
    %dma_start3A_138 = arith.constant 12288 : i32
    %dma_start3A_139 = tpu.memref_slice %arg6[%dma_start3A_138] : memref<32768xf32, #tpu.memory_space<vmem>> -> memref<4096xf32, #tpu.memory_space<vmem>>
    %dma_start3A_140 = arith.constant 0 : i32
    %dma_start3A_141 = tpu.memref_slice %arg2[%add3A_137, %dma_start3A_140] : memref<8192x4096xf32, #tpu.memory_space<hbm>> -> memref<1x4096xf32, #tpu.memory_space<hbm>>
    %dma_start3A_142 = tpu.memref_squeeze %dma_start3A_141 : memref<1x4096xf32, #tpu.memory_space<hbm>> -> memref<4096xf32, #tpu.memory_space<hbm>>
    %dma_start3A_143 = arith.constant 12288 : i32
    %dma_start3A_144 = tpu.memref_slice %arg6[%dma_start3A_143] : memref<32768xf32, #tpu.memory_space<vmem>> -> memref<4096xf32, #tpu.memory_space<vmem>>
    %dma_start3A_145 = arith.constant 0 : i32
    %dma_start3A_146 = tpu.memref_slice %arg2[%add3A_137, %dma_start3A_145] : memref<8192x4096xf32, #tpu.memory_space<hbm>> -> memref<1x4096xf32, #tpu.memory_space<hbm>>
    %dma_start3A_147 = tpu.memref_squeeze %dma_start3A_146 : memref<1x4096xf32, #tpu.memory_space<hbm>> -> memref<4096xf32, #tpu.memory_space<hbm>>
    tpu.enqueue_dma source(%dma_start3A_147 : memref<4096xf32, #tpu.memory_space<hbm>>) target(%dma_start3A_144 : memref<4096xf32, #tpu.memory_space<vmem>>) target_semaphore(%arg10 : memref<!tpu.dma_semaphore, #tpu.memory_space<semaphore_mem>>)
    %add3A_148 = arith.constant 4 : i32
    %add3A_149 = arith.addi %add3A_99, %add3A_148 : i32
    %dma_start3A_150 = arith.constant 16384 : i32
    %dma_start3A_151 = tpu.memref_slice %arg6[%dma_start3A_150] : memref<32768xf32, #tpu.memory_space<vmem>> -> memref<4096xf32, #tpu.memory_space<vmem>>
    %dma_start3A_152 = arith.constant 0 : i32
    %dma_start3A_153 = tpu.memref_slice %arg2[%add3A_149, %dma_start3A_152] : memref<8192x4096xf32, #tpu.memory_space<hbm>> -> memref<1x4096xf32, #tpu.memory_space<hbm>>
    %dma_start3A_154 = tpu.memref_squeeze %dma_start3A_153 : memref<1x4096xf32, #tpu.memory_space<hbm>> -> memref<4096xf32, #tpu.memory_space<hbm>>
    %dma_start3A_155 = arith.constant 16384 : i32
    %dma_start3A_156 = tpu.memref_slice %arg6[%dma_start3A_155] : memref<32768xf32, #tpu.memory_space<vmem>> -> memref<4096xf32, #tpu.memory_space<vmem>>
    %dma_start3A_157 = arith.constant 0 : i32
    %dma_start3A_158 = tpu.memref_slice %arg2[%add3A_149, %dma_start3A_157] : memref<8192x4096xf32, #tpu.memory_space<hbm>> -> memref<1x4096xf32, #tpu.memory_space<hbm>>
    %dma_start3A_159 = tpu.memref_squeeze %dma_start3A_158 : memref<1x4096xf32, #tpu.memory_space<hbm>> -> memref<4096xf32, #tpu.memory_space<hbm>>
    tpu.enqueue_dma source(%dma_start3A_159 : memref<4096xf32, #tpu.memory_space<hbm>>) target(%dma_start3A_156 : memref<4096xf32, #tpu.memory_space<vmem>>) target_semaphore(%arg10 : memref<!tpu.dma_semaphore, #tpu.memory_space<semaphore_mem>>)
    %add3A_160 = arith.constant 5 : i32
    %add3A_161 = arith.addi %add3A_99, %add3A_160 : i32
    %dma_start3A_162 = arith.constant 20480 : i32
    %dma_start3A_163 = tpu.memref_slice %arg6[%dma_start3A_162] : memref<32768xf32, #tpu.memory_space<vmem>> -> memref<4096xf32, #tpu.memory_space<vmem>>
    %dma_start3A_164 = arith.constant 0 : i32
    %dma_start3A_165 = tpu.memref_slice %arg2[%add3A_161, %dma_start3A_164] : memref<8192x4096xf32, #tpu.memory_space<hbm>> -> memref<1x4096xf32, #tpu.memory_space<hbm>>
    %dma_start3A_166 = tpu.memref_squeeze %dma_start3A_165 : memref<1x4096xf32, #tpu.memory_space<hbm>> -> memref<4096xf32, #tpu.memory_space<hbm>>
    %dma_start3A_167 = arith.constant 20480 : i32
    %dma_start3A_168 = tpu.memref_slice %arg6[%dma_start3A_167] : memref<32768xf32, #tpu.memory_space<vmem>> -> memref<4096xf32, #tpu.memory_space<vmem>>
    %dma_start3A_169 = arith.constant 0 : i32
    %dma_start3A_170 = tpu.memref_slice %arg2[%add3A_161, %dma_start3A_169] : memref<8192x4096xf32, #tpu.memory_space<hbm>> -> memref<1x4096xf32, #tpu.memory_space<hbm>>
    %dma_start3A_171 = tpu.memref_squeeze %dma_start3A_170 : memref<1x4096xf32, #tpu.memory_space<hbm>> -> memref<4096xf32, #tpu.memory_space<hbm>>
    tpu.enqueue_dma source(%dma_start3A_171 : memref<4096xf32, #tpu.memory_space<hbm>>) target(%dma_start3A_168 : memref<4096xf32, #tpu.memory_space<vmem>>) target_semaphore(%arg10 : memref<!tpu.dma_semaphore, #tpu.memory_space<semaphore_mem>>)
    %add3A_172 = arith.constant 6 : i32
    %add3A_173 = arith.addi %add3A_99, %add3A_172 : i32
    %dma_start3A_174 = arith.constant 24576 : i32
    %dma_start3A_175 = tpu.memref_slice %arg6[%dma_start3A_174] : memref<32768xf32, #tpu.memory_space<vmem>> -> memref<4096xf32, #tpu.memory_space<vmem>>
    %dma_start3A_176 = arith.constant 0 : i32
    %dma_start3A_177 = tpu.memref_slice %arg2[%add3A_173, %dma_start3A_176] : memref<8192x4096xf32, #tpu.memory_space<hbm>> -> memref<1x4096xf32, #tpu.memory_space<hbm>>
    %dma_start3A_178 = tpu.memref_squeeze %dma_start3A_177 : memref<1x4096xf32, #tpu.memory_space<hbm>> -> memref<4096xf32, #tpu.memory_space<hbm>>
    %dma_start3A_179 = arith.constant 24576 : i32
    %dma_start3A_180 = tpu.memref_slice %arg6[%dma_start3A_179] : memref<32768xf32, #tpu.memory_space<vmem>> -> memref<4096xf32, #tpu.memory_space<vmem>>
    %dma_start3A_181 = arith.constant 0 : i32
    %dma_start3A_182 = tpu.memref_slice %arg2[%add3A_173, %dma_start3A_181] : memref<8192x4096xf32, #tpu.memory_space<hbm>> -> memref<1x4096xf32, #tpu.memory_space<hbm>>
    %dma_start3A_183 = tpu.memref_squeeze %dma_start3A_182 : memref<1x4096xf32, #tpu.memory_space<hbm>> -> memref<4096xf32, #tpu.memory_space<hbm>>
    tpu.enqueue_dma source(%dma_start3A_183 : memref<4096xf32, #tpu.memory_space<hbm>>) target(%dma_start3A_180 : memref<4096xf32, #tpu.memory_space<vmem>>) target_semaphore(%arg10 : memref<!tpu.dma_semaphore, #tpu.memory_space<semaphore_mem>>)
    %add3A_184 = arith.constant 7 : i32
    %add3A_185 = arith.addi %add3A_99, %add3A_184 : i32
    %dma_start3A_186 = arith.constant 28672 : i32
    %dma_start3A_187 = tpu.memref_slice %arg6[%dma_start3A_186] : memref<32768xf32, #tpu.memory_space<vmem>> -> memref<4096xf32, #tpu.memory_space<vmem>>
    %dma_start3A_188 = arith.constant 0 : i32
    %dma_start3A_189 = tpu.memref_slice %arg2[%add3A_185, %dma_start3A_188] : memref<8192x4096xf32, #tpu.memory_space<hbm>> -> memref<1x4096xf32, #tpu.memory_space<hbm>>
    %dma_start3A_190 = tpu.memref_squeeze %dma_start3A_189 : memref<1x4096xf32, #tpu.memory_space<hbm>> -> memref<4096xf32, #tpu.memory_space<hbm>>
    %dma_start3A_191 = arith.constant 28672 : i32
    %dma_start3A_192 = tpu.memref_slice %arg6[%dma_start3A_191] : memref<32768xf32, #tpu.memory_space<vmem>> -> memref<4096xf32, #tpu.memory_space<vmem>>
    %dma_start3A_193 = arith.constant 0 : i32
    %dma_start3A_194 = tpu.memref_slice %arg2[%add3A_185, %dma_start3A_193] : memref<8192x4096xf32, #tpu.memory_space<hbm>> -> memref<1x4096xf32, #tpu.memory_space<hbm>>
    %dma_start3A_195 = tpu.memref_squeeze %dma_start3A_194 : memref<1x4096xf32, #tpu.memory_space<hbm>> -> memref<4096xf32, #tpu.memory_space<hbm>>
    tpu.enqueue_dma source(%dma_start3A_195 : memref<4096xf32, #tpu.memory_space<hbm>>) target(%dma_start3A_192 : memref<4096xf32, #tpu.memory_space<vmem>>) target_semaphore(%arg10 : memref<!tpu.dma_semaphore, #tpu.memory_space<semaphore_mem>>)
    %broadcast_in_dim3A = arith.constant 0x7F800000 : f32
    %broadcast_in_dim3A_196 = vector.broadcast %broadcast_in_dim3A : f32 to vector<16xf32>
    %broadcast_in_dim3A_197 = arith.constant 0x7F800000 : f32
    %broadcast_in_dim3A_198 = vector.broadcast %broadcast_in_dim3A_197 : f32 to vector<16xf32>
    %broadcast_in_dim3A_199 = arith.constant 0x7F800000 : f32
    %broadcast_in_dim3A_200 = vector.broadcast %broadcast_in_dim3A_199 : f32 to vector<16xf32>
    %broadcast_in_dim3A_201 = arith.constant 0x7F800000 : f32
    %broadcast_in_dim3A_202 = vector.broadcast %broadcast_in_dim3A_201 : f32 to vector<16xf32>
    %broadcast_in_dim3A_203 = arith.constant 0x7F800000 : f32
    %broadcast_in_dim3A_204 = vector.broadcast %broadcast_in_dim3A_203 : f32 to vector<16xf32>
    %broadcast_in_dim3A_205 = arith.constant 0x7F800000 : f32
    %broadcast_in_dim3A_206 = vector.broadcast %broadcast_in_dim3A_205 : f32 to vector<16xf32>
    %broadcast_in_dim3A_207 = arith.constant 0x7F800000 : f32
    %broadcast_in_dim3A_208 = vector.broadcast %broadcast_in_dim3A_207 : f32 to vector<16xf32>
    %broadcast_in_dim3A_209 = arith.constant 0x7F800000 : f32
    %broadcast_in_dim3A_210 = vector.broadcast %broadcast_in_dim3A_209 : f32 to vector<16xf32>
    %broadcast_in_dim3A_211 = arith.constant 0xFF800000 : f32
    %broadcast_in_dim3A_212 = vector.broadcast %broadcast_in_dim3A_211 : f32 to vector<16xf32>
    %broadcast_in_dim3A_213 = arith.constant 0xFF800000 : f32
    %broadcast_in_dim3A_214 = vector.broadcast %broadcast_in_dim3A_213 : f32 to vector<16xf32>
    %broadcast_in_dim3A_215 = arith.constant 0xFF800000 : f32
    %broadcast_in_dim3A_216 = vector.broadcast %broadcast_in_dim3A_215 : f32 to vector<16xf32>
    %broadcast_in_dim3A_217 = arith.constant 0xFF800000 : f32
    %broadcast_in_dim3A_218 = vector.broadcast %broadcast_in_dim3A_217 : f32 to vector<16xf32>
    %broadcast_in_dim3A_219 = arith.constant 0xFF800000 : f32
    %broadcast_in_dim3A_220 = vector.broadcast %broadcast_in_dim3A_219 : f32 to vector<16xf32>
    %broadcast_in_dim3A_221 = arith.constant 0xFF800000 : f32
    %broadcast_in_dim3A_222 = vector.broadcast %broadcast_in_dim3A_221 : f32 to vector<16xf32>
    %broadcast_in_dim3A_223 = arith.constant 0xFF800000 : f32
    %broadcast_in_dim3A_224 = vector.broadcast %broadcast_in_dim3A_223 : f32 to vector<16xf32>
    %broadcast_in_dim3A_225 = arith.constant 0xFF800000 : f32
    %broadcast_in_dim3A_226 = vector.broadcast %broadcast_in_dim3A_225 : f32 to vector<16xf32>
    %scan3A = arith.constant 0 : i32
    %scan3A_227 = arith.constant 16 : i32
    %scan3A_228 = arith.addi %scan3A, %scan3A_227 : i32
    %scan3A_229 = arith.constant 1 : i32
    %scan3A_230:16 = scf.for %scan3A_251 = %scan3A to %scan3A_228 step %scan3A_229 iter_args(%scan3A_252 = %broadcast_in_dim3A_196, %scan3A_253 = %broadcast_in_dim3A_198, %scan3A_254 = %broadcast_in_dim3A_200, %scan3A_255 = %broadcast_in_dim3A_202, %scan3A_256 = %broadcast_in_dim3A_204, %scan3A_257 = %broadcast_in_dim3A_206, %scan3A_258 = %broadcast_in_dim3A_208, %scan3A_259 = %broadcast_in_dim3A_210, %scan3A_260 = %broadcast_in_dim3A_212, %scan3A_261 = %broadcast_in_dim3A_214, %scan3A_262 = %broadcast_in_dim3A_216, %scan3A_263 = %broadcast_in_dim3A_218, %scan3A_264 = %broadcast_in_dim3A_220, %scan3A_265 = %broadcast_in_dim3A_222, %scan3A_266 = %broadcast_in_dim3A_224, %scan3A_267 = %broadcast_in_dim3A_226) -> (vector<16xf32>, vector<16xf32>, vector<16xf32>, vector<16xf32>, vector<16xf32>, vector<16xf32>, vector<16xf32>, vector<16xf32>, vector<16xf32>, vector<16xf32>, vector<16xf32>, vector<16xf32>, vector<16xf32>, vector<16xf32>, vector<16xf32>, vector<16xf32>)  : i32 {
      %mul3A_268 = arith.constant 2 : i32
      %mul3A_269 = arith.muli %scan3A_251, %mul3A_268 : i32
      %add3A_270 = arith.constant 0 : i32
      %add3A_271 = arith.addi %mul3A_269, %add3A_270 : i32
      %mul3A_272 = arith.constant 8 : i32
      %mul3A_273 = arith.muli %add3A_271, %mul3A_272 : i32
      %add3A_274 = arith.addi %mul3A_2, %mul3A_273 : i32
      %add3A_275 = arith.constant 0 : i32
      %add3A_276 = arith.addi %add3A_274, %add3A_275 : i32
      %dma_wait3A = arith.constant 0 : i32
      %dma_wait3A_277 = tpu.memref_slice %arg5[%dma_wait3A] : memref<32768xf32, #tpu.memory_space<vmem>> -> memref<4096xf32, #tpu.memory_space<vmem>>
      %dma_wait3A_278 = arith.constant 0 : i32
      %dma_wait3A_279 = tpu.memref_slice %arg2[%add3A_276, %dma_wait3A_278] : memref<8192x4096xf32, #tpu.memory_space<hbm>> -> memref<1x4096xf32, #tpu.memory_space<hbm>>
      %dma_wait3A_280 = tpu.memref_squeeze %dma_wait3A_279 : memref<1x4096xf32, #tpu.memory_space<hbm>> -> memref<4096xf32, #tpu.memory_space<hbm>>
      %dma_wait3A_281 = arith.constant 0 : i32
      %dma_wait3A_282 = tpu.memref_slice %arg5[%dma_wait3A_281] : memref<32768xf32, #tpu.memory_space<vmem>> -> memref<4096xf32, #tpu.memory_space<vmem>>
      %dma_wait3A_283 = arith.constant 0 : i32
      %dma_wait3A_284 = tpu.memref_slice %arg2[%add3A_276, %dma_wait3A_283] : memref<8192x4096xf32, #tpu.memory_space<hbm>> -> memref<1x4096xf32, #tpu.memory_space<hbm>>
      %dma_wait3A_285 = tpu.memref_squeeze %dma_wait3A_284 : memref<1x4096xf32, #tpu.memory_space<hbm>> -> memref<4096xf32, #tpu.memory_space<hbm>>
      tpu.wait_dma2 semaphore(%arg9 : memref<!tpu.dma_semaphore, #tpu.memory_space<semaphore_mem>>) src(%dma_wait3A_285 : memref<4096xf32, #tpu.memory_space<hbm>>) dst(%dma_wait3A_282 : memref<4096xf32, #tpu.memory_space<vmem>>)
      %add3A_286 = arith.constant 1 : i32
      %add3A_287 = arith.addi %add3A_274, %add3A_286 : i32
      %dma_wait3A_288 = arith.constant 4096 : i32
      %dma_wait3A_289 = tpu.memref_slice %arg5[%dma_wait3A_288] : memref<32768xf32, #tpu.memory_space<vmem>> -> memref<4096xf32, #tpu.memory_space<vmem>>
      %dma_wait3A_290 = arith.constant 0 : i32
      %dma_wait3A_291 = tpu.memref_slice %arg2[%add3A_287, %dma_wait3A_290] : memref<8192x4096xf32, #tpu.memory_space<hbm>> -> memref<1x4096xf32, #tpu.memory_space<hbm>>
      %dma_wait3A_292 = tpu.memref_squeeze %dma_wait3A_291 : memref<1x4096xf32, #tpu.memory_space<hbm>> -> memref<4096xf32, #tpu.memory_space<hbm>>
      %dma_wait3A_293 = arith.constant 4096 : i32
      %dma_wait3A_294 = tpu.memref_slice %arg5[%dma_wait3A_293] : memref<32768xf32, #tpu.memory_space<vmem>> -> memref<4096xf32, #tpu.memory_space<vmem>>
      %dma_wait3A_295 = arith.constant 0 : i32
      %dma_wait3A_296 = tpu.memref_slice %arg2[%add3A_287, %dma_wait3A_295] : memref<8192x4096xf32, #tpu.memory_space<hbm>> -> memref<1x4096xf32, #tpu.memory_space<hbm>>
      %dma_wait3A_297 = tpu.memref_squeeze %dma_wait3A_296 : memref<1x4096xf32, #tpu.memory_space<hbm>> -> memref<4096xf32, #tpu.memory_space<hbm>>
      tpu.wait_dma2 semaphore(%arg9 : memref<!tpu.dma_semaphore, #tpu.memory_space<semaphore_mem>>) src(%dma_wait3A_297 : memref<4096xf32, #tpu.memory_space<hbm>>) dst(%dma_wait3A_294 : memref<4096xf32, #tpu.memory_space<vmem>>)
      %add3A_298 = arith.constant 2 : i32
      %add3A_299 = arith.addi %add3A_274, %add3A_298 : i32
      %dma_wait3A_300 = arith.constant 8192 : i32
      %dma_wait3A_301 = tpu.memref_slice %arg5[%dma_wait3A_300] : memref<32768xf32, #tpu.memory_space<vmem>> -> memref<4096xf32, #tpu.memory_space<vmem>>
      %dma_wait3A_302 = arith.constant 0 : i32
      %dma_wait3A_303 = tpu.memref_slice %arg2[%add3A_299, %dma_wait3A_302] : memref<8192x4096xf32, #tpu.memory_space<hbm>> -> memref<1x4096xf32, #tpu.memory_space<hbm>>
      %dma_wait3A_304 = tpu.memref_squeeze %dma_wait3A_303 : memref<1x4096xf32, #tpu.memory_space<hbm>> -> memref<4096xf32, #tpu.memory_space<hbm>>
      %dma_wait3A_305 = arith.constant 8192 : i32
      %dma_wait3A_306 = tpu.memref_slice %arg5[%dma_wait3A_305] : memref<32768xf32, #tpu.memory_space<vmem>> -> memref<4096xf32, #tpu.memory_space<vmem>>
      %dma_wait3A_307 = arith.constant 0 : i32
      %dma_wait3A_308 = tpu.memref_slice %arg2[%add3A_299, %dma_wait3A_307] : memref<8192x4096xf32, #tpu.memory_space<hbm>> -> memref<1x4096xf32, #tpu.memory_space<hbm>>
      %dma_wait3A_309 = tpu.memref_squeeze %dma_wait3A_308 : memref<1x4096xf32, #tpu.memory_space<hbm>> -> memref<4096xf32, #tpu.memory_space<hbm>>
      tpu.wait_dma2 semaphore(%arg9 : memref<!tpu.dma_semaphore, #tpu.memory_space<semaphore_mem>>) src(%dma_wait3A_309 : memref<4096xf32, #tpu.memory_space<hbm>>) dst(%dma_wait3A_306 : memref<4096xf32, #tpu.memory_space<vmem>>)
      %add3A_310 = arith.constant 3 : i32
      %add3A_311 = arith.addi %add3A_274, %add3A_310 : i32
      %dma_wait3A_312 = arith.constant 12288 : i32
      %dma_wait3A_313 = tpu.memref_slice %arg5[%dma_wait3A_312] : memref<32768xf32, #tpu.memory_space<vmem>> -> memref<4096xf32, #tpu.memory_space<vmem>>
      %dma_wait3A_314 = arith.constant 0 : i32
      %dma_wait3A_315 = tpu.memref_slice %arg2[%add3A_311, %dma_wait3A_314] : memref<8192x4096xf32, #tpu.memory_space<hbm>> -> memref<1x4096xf32, #tpu.memory_space<hbm>>
      %dma_wait3A_316 = tpu.memref_squeeze %dma_wait3A_315 : memref<1x4096xf32, #tpu.memory_space<hbm>> -> memref<4096xf32, #tpu.memory_space<hbm>>
      %dma_wait3A_317 = arith.constant 12288 : i32
      %dma_wait3A_318 = tpu.memref_slice %arg5[%dma_wait3A_317] : memref<32768xf32, #tpu.memory_space<vmem>> -> memref<4096xf32, #tpu.memory_space<vmem>>
      %dma_wait3A_319 = arith.constant 0 : i32
      %dma_wait3A_320 = tpu.memref_slice %arg2[%add3A_311, %dma_wait3A_319] : memref<8192x4096xf32, #tpu.memory_space<hbm>> -> memref<1x4096xf32, #tpu.memory_space<hbm>>
      %dma_wait3A_321 = tpu.memref_squeeze %dma_wait3A_320 : memref<1x4096xf32, #tpu.memory_space<hbm>> -> memref<4096xf32, #tpu.memory_space<hbm>>
      tpu.wait_dma2 semaphore(%arg9 : memref<!tpu.dma_semaphore, #tpu.memory_space<semaphore_mem>>) src(%dma_wait3A_321 : memref<4096xf32, #tpu.memory_space<hbm>>) dst(%dma_wait3A_318 : memref<4096xf32, #tpu.memory_space<vmem>>)
      %add3A_322 = arith.constant 4 : i32
      %add3A_323 = arith.addi %add3A_274, %add3A_322 : i32
      %dma_wait3A_324 = arith.constant 16384 : i32
      %dma_wait3A_325 = tpu.memref_slice %arg5[%dma_wait3A_324] : memref<32768xf32, #tpu.memory_space<vmem>> -> memref<4096xf32, #tpu.memory_space<vmem>>
      %dma_wait3A_326 = arith.constant 0 : i32
      %dma_wait3A_327 = tpu.memref_slice %arg2[%add3A_323, %dma_wait3A_326] : memref<8192x4096xf32, #tpu.memory_space<hbm>> -> memref<1x4096xf32, #tpu.memory_space<hbm>>
      %dma_wait3A_328 = tpu.memref_squeeze %dma_wait3A_327 : memref<1x4096xf32, #tpu.memory_space<hbm>> -> memref<4096xf32, #tpu.memory_space<hbm>>
      %dma_wait3A_329 = arith.constant 16384 : i32
      %dma_wait3A_330 = tpu.memref_slice %arg5[%dma_wait3A_329] : memref<32768xf32, #tpu.memory_space<vmem>> -> memref<4096xf32, #tpu.memory_space<vmem>>
      %dma_wait3A_331 = arith.constant 0 : i32
      %dma_wait3A_332 = tpu.memref_slice %arg2[%add3A_323, %dma_wait3A_331] : memref<8192x4096xf32, #tpu.memory_space<hbm>> -> memref<1x4096xf32, #tpu.memory_space<hbm>>
      %dma_wait3A_333 = tpu.memref_squeeze %dma_wait3A_332 : memref<1x4096xf32, #tpu.memory_space<hbm>> -> memref<4096xf32, #tpu.memory_space<hbm>>
      tpu.wait_dma2 semaphore(%arg9 : memref<!tpu.dma_semaphore, #tpu.memory_space<semaphore_mem>>) src(%dma_wait3A_333 : memref<4096xf32, #tpu.memory_space<hbm>>) dst(%dma_wait3A_330 : memref<4096xf32, #tpu.memory_space<vmem>>)
      %add3A_334 = arith.constant 5 : i32
      %add3A_335 = arith.addi %add3A_274, %add3A_334 : i32
      %dma_wait3A_336 = arith.constant 20480 : i32
      %dma_wait3A_337 = tpu.memref_slice %arg5[%dma_wait3A_336] : memref<32768xf32, #tpu.memory_space<vmem>> -> memref<4096xf32, #tpu.memory_space<vmem>>
      %dma_wait3A_338 = arith.constant 0 : i32
      %dma_wait3A_339 = tpu.memref_slice %arg2[%add3A_335, %dma_wait3A_338] : memref<8192x4096xf32, #tpu.memory_space<hbm>> -> memref<1x4096xf32, #tpu.memory_space<hbm>>
      %dma_wait3A_340 = tpu.memref_squeeze %dma_wait3A_339 : memref<1x4096xf32, #tpu.memory_space<hbm>> -> memref<4096xf32, #tpu.memory_space<hbm>>
      %dma_wait3A_341 = arith.constant 20480 : i32
      %dma_wait3A_342 = tpu.memref_slice %arg5[%dma_wait3A_341] : memref<32768xf32, #tpu.memory_space<vmem>> -> memref<4096xf32, #tpu.memory_space<vmem>>
      %dma_wait3A_343 = arith.constant 0 : i32
      %dma_wait3A_344 = tpu.memref_slice %arg2[%add3A_335, %dma_wait3A_343] : memref<8192x4096xf32, #tpu.memory_space<hbm>> -> memref<1x4096xf32, #tpu.memory_space<hbm>>
      %dma_wait3A_345 = tpu.memref_squeeze %dma_wait3A_344 : memref<1x4096xf32, #tpu.memory_space<hbm>> -> memref<4096xf32, #tpu.memory_space<hbm>>
      tpu.wait_dma2 semaphore(%arg9 : memref<!tpu.dma_semaphore, #tpu.memory_space<semaphore_mem>>) src(%dma_wait3A_345 : memref<4096xf32, #tpu.memory_space<hbm>>) dst(%dma_wait3A_342 : memref<4096xf32, #tpu.memory_space<vmem>>)
      %add3A_346 = arith.constant 6 : i32
      %add3A_347 = arith.addi %add3A_274, %add3A_346 : i32
      %dma_wait3A_348 = arith.constant 24576 : i32
      %dma_wait3A_349 = tpu.memref_slice %arg5[%dma_wait3A_348] : memref<32768xf32, #tpu.memory_space<vmem>> -> memref<4096xf32, #tpu.memory_space<vmem>>
      %dma_wait3A_350 = arith.constant 0 : i32
      %dma_wait3A_351 = tpu.memref_slice %arg2[%add3A_347, %dma_wait3A_350] : memref<8192x4096xf32, #tpu.memory_space<hbm>> -> memref<1x4096xf32, #tpu.memory_space<hbm>>
      %dma_wait3A_352 = tpu.memref_squeeze %dma_wait3A_351 : memref<1x4096xf32, #tpu.memory_space<hbm>> -> memref<4096xf32, #tpu.memory_space<hbm>>
      %dma_wait3A_353 = arith.constant 24576 : i32
      %dma_wait3A_354 = tpu.memref_slice %arg5[%dma_wait3A_353] : memref<32768xf32, #tpu.memory_space<vmem>> -> memref<4096xf32, #tpu.memory_space<vmem>>
      %dma_wait3A_355 = arith.constant 0 : i32
      %dma_wait3A_356 = tpu.memref_slice %arg2[%add3A_347, %dma_wait3A_355] : memref<8192x4096xf32, #tpu.memory_space<hbm>> -> memref<1x4096xf32, #tpu.memory_space<hbm>>
      %dma_wait3A_357 = tpu.memref_squeeze %dma_wait3A_356 : memref<1x4096xf32, #tpu.memory_space<hbm>> -> memref<4096xf32, #tpu.memory_space<hbm>>
      tpu.wait_dma2 semaphore(%arg9 : memref<!tpu.dma_semaphore, #tpu.memory_space<semaphore_mem>>) src(%dma_wait3A_357 : memref<4096xf32, #tpu.memory_space<hbm>>) dst(%dma_wait3A_354 : memref<4096xf32, #tpu.memory_space<vmem>>)
      %add3A_358 = arith.constant 7 : i32
      %add3A_359 = arith.addi %add3A_274, %add3A_358 : i32
      %dma_wait3A_360 = arith.constant 28672 : i32
      %dma_wait3A_361 = tpu.memref_slice %arg5[%dma_wait3A_360] : memref<32768xf32, #tpu.memory_space<vmem>> -> memref<4096xf32, #tpu.memory_space<vmem>>
      %dma_wait3A_362 = arith.constant 0 : i32
      %dma_wait3A_363 = tpu.memref_slice %arg2[%add3A_359, %dma_wait3A_362] : memref<8192x4096xf32, #tpu.memory_space<hbm>> -> memref<1x4096xf32, #tpu.memory_space<hbm>>
      %dma_wait3A_364 = tpu.memref_squeeze %dma_wait3A_363 : memref<1x4096xf32, #tpu.memory_space<hbm>> -> memref<4096xf32, #tpu.memory_space<hbm>>
      %dma_wait3A_365 = arith.constant 28672 : i32
      %dma_wait3A_366 = tpu.memref_slice %arg5[%dma_wait3A_365] : memref<32768xf32, #tpu.memory_space<vmem>> -> memref<4096xf32, #tpu.memory_space<vmem>>
      %dma_wait3A_367 = arith.constant 0 : i32
      %dma_wait3A_368 = tpu.memref_slice %arg2[%add3A_359, %dma_wait3A_367] : memref<8192x4096xf32, #tpu.memory_space<hbm>> -> memref<1x4096xf32, #tpu.memory_space<hbm>>
      %dma_wait3A_369 = tpu.memref_squeeze %dma_wait3A_368 : memref<1x4096xf32, #tpu.memory_space<hbm>> -> memref<4096xf32, #tpu.memory_space<hbm>>
      tpu.wait_dma2 semaphore(%arg9 : memref<!tpu.dma_semaphore, #tpu.memory_space<semaphore_mem>>) src(%dma_wait3A_369 : memref<4096xf32, #tpu.memory_space<hbm>>) dst(%dma_wait3A_366 : memref<4096xf32, #tpu.memory_space<vmem>>)
      %scan3A_370 = arith.constant 0 : i32
      %scan3A_371 = arith.constant 256 : i32
      %scan3A_372 = arith.addi %scan3A_370, %scan3A_371 : i32
      %scan3A_373 = arith.constant 1 : i32
      %scan3A_374:16 = scf.for %scan3A_496 = %scan3A_370 to %scan3A_372 step %scan3A_373 iter_args(%scan3A_497 = %scan3A_252, %scan3A_498 = %scan3A_253, %scan3A_499 = %scan3A_254, %scan3A_500 = %scan3A_255, %scan3A_501 = %scan3A_256, %scan3A_502 = %scan3A_257, %scan3A_503 = %scan3A_258, %scan3A_504 = %scan3A_259, %scan3A_505 = %scan3A_260, %scan3A_506 = %scan3A_261, %scan3A_507 = %scan3A_262, %scan3A_508 = %scan3A_263, %scan3A_509 = %scan3A_264, %scan3A_510 = %scan3A_265, %scan3A_511 = %scan3A_266, %scan3A_512 = %scan3A_267) -> (vector<16xf32>, vector<16xf32>, vector<16xf32>, vector<16xf32>, vector<16xf32>, vector<16xf32>, vector<16xf32>, vector<16xf32>, vector<16xf32>, vector<16xf32>, vector<16xf32>, vector<16xf32>, vector<16xf32>, vector<16xf32>, vector<16xf32>, vector<16xf32>)  : i32 {
        %mul3A_513 = arith.constant 128 : i32
        %mul3A_514 = arith.muli %scan3A_496, %mul3A_513 : i32
        %add3A_515 = arith.constant 0 : i32
        %add3A_516 = arith.addi %mul3A_514, %add3A_515 : i32
        %get3A = arith.index_cast %add3A_516 : i32 to index
        %get3A_517 = tpu.vector_load %arg5[%get3A] {strides = array<i32>} : memref<32768xf32, #tpu.memory_space<vmem>>, vector<16xf32>,
        %min3A_518 = arith.minimumf %scan3A_497, %get3A_517 : vector<16xf32>
        %add3A_519 = arith.constant 16 : i32
        %add3A_520 = arith.addi %mul3A_514, %add3A_519 : i32
        %get3A_521 = arith.index_cast %add3A_520 : i32 to index
        %get3A_522 = tpu.vector_load %arg5[%get3A_521] {strides = array<i32>} : memref<32768xf32, #tpu.memory_space<vmem>>, vector<16xf32>,
        %min3A_523 = arith.minimumf %scan3A_498, %get3A_522 : vector<16xf32>
        %add3A_524 = arith.constant 32 : i32
        %add3A_525 = arith.addi %mul3A_514, %add3A_524 : i32
        %get3A_526 = arith.index_cast %add3A_525 : i32 to index
        %get3A_527 = tpu.vector_load %arg5[%get3A_526] {strides = array<i32>} : memref<32768xf32, #tpu.memory_space<vmem>>, vector<16xf32>,
        %min3A_528 = arith.minimumf %scan3A_499, %get3A_527 : vector<16xf32>
        %add3A_529 = arith.constant 48 : i32
        %add3A_530 = arith.addi %mul3A_514, %add3A_529 : i32
        %get3A_531 = arith.index_cast %add3A_530 : i32 to index
        %get3A_532 = tpu.vector_load %arg5[%get3A_531] {strides = array<i32>} : memref<32768xf32, #tpu.memory_space<vmem>>, vector<16xf32>,
        %min3A_533 = arith.minimumf %scan3A_500, %get3A_532 : vector<16xf32>
        %add3A_534 = arith.constant 64 : i32
        %add3A_535 = arith.addi %mul3A_514, %add3A_534 : i32
        %get3A_536 = arith.index_cast %add3A_535 : i32 to index
        %get3A_537 = tpu.vector_load %arg5[%get3A_536] {strides = array<i32>} : memref<32768xf32, #tpu.memory_space<vmem>>, vector<16xf32>,
        %min3A_538 = arith.minimumf %scan3A_501, %get3A_537 : vector<16xf32>
        %add3A_539 = arith.constant 80 : i32
        %add3A_540 = arith.addi %mul3A_514, %add3A_539 : i32
        %get3A_541 = arith.index_cast %add3A_540 : i32 to index
        %get3A_542 = tpu.vector_load %arg5[%get3A_541] {strides = array<i32>} : memref<32768xf32, #tpu.memory_space<vmem>>, vector<16xf32>,
        %min3A_543 = arith.minimumf %scan3A_502, %get3A_542 : vector<16xf32>
        %add3A_544 = arith.constant 96 : i32
        %add3A_545 = arith.addi %mul3A_514, %add3A_544 : i32
        %get3A_546 = arith.index_cast %add3A_545 : i32 to index
        %get3A_547 = tpu.vector_load %arg5[%get3A_546] {strides = array<i32>} : memref<32768xf32, #tpu.memory_space<vmem>>, vector<16xf32>,
        %min3A_548 = arith.minimumf %scan3A_503, %get3A_547 : vector<16xf32>
        %add3A_549 = arith.constant 112 : i32
        %add3A_550 = arith.addi %mul3A_514, %add3A_549 : i32
        %get3A_551 = arith.index_cast %add3A_550 : i32 to index
        %get3A_552 = tpu.vector_load %arg5[%get3A_551] {strides = array<i32>} : memref<32768xf32, #tpu.memory_space<vmem>>, vector<16xf32>,
        %min3A_553 = arith.minimumf %scan3A_504, %get3A_552 : vector<16xf32>
        %add3A_554 = arith.constant 0 : i32
        %add3A_555 = arith.addi %mul3A_514, %add3A_554 : i32
        %get3A_556 = arith.index_cast %add3A_555 : i32 to index
        %get3A_557 = tpu.vector_load %arg5[%get3A_556] {strides = array<i32>} : memref<32768xf32, #tpu.memory_space<vmem>>, vector<16xf32>,
        %max3A_558 = arith.maximumf %scan3A_505, %get3A_557 : vector<16xf32>
        %add3A_559 = arith.constant 16 : i32
        %add3A_560 = arith.addi %mul3A_514, %add3A_559 : i32
        %get3A_561 = arith.index_cast %add3A_560 : i32 to index
        %get3A_562 = tpu.vector_load %arg5[%get3A_561] {strides = array<i32>} : memref<32768xf32, #tpu.memory_space<vmem>>, vector<16xf32>,
        %max3A_563 = arith.maximumf %scan3A_506, %get3A_562 : vector<16xf32>
        %add3A_564 = arith.constant 32 : i32
        %add3A_565 = arith.addi %mul3A_514, %add3A_564 : i32
        %get3A_566 = arith.index_cast %add3A_565 : i32 to index
        %get3A_567 = tpu.vector_load %arg5[%get3A_566] {strides = array<i32>} : memref<32768xf32, #tpu.memory_space<vmem>>, vector<16xf32>,
        %max3A_568 = arith.maximumf %scan3A_507, %get3A_567 : vector<16xf32>
        %add3A_569 = arith.constant 48 : i32
        %add3A_570 = arith.addi %mul3A_514, %add3A_569 : i32
        %get3A_571 = arith.index_cast %add3A_570 : i32 to index
        %get3A_572 = tpu.vector_load %arg5[%get3A_571] {strides = array<i32>} : memref<32768xf32, #tpu.memory_space<vmem>>, vector<16xf32>,
        %max3A_573 = arith.maximumf %scan3A_508, %get3A_572 : vector<16xf32>
        %add3A_574 = arith.constant 64 : i32
        %add3A_575 = arith.addi %mul3A_514, %add3A_574 : i32
        %get3A_576 = arith.index_cast %add3A_575 : i32 to index
        %get3A_577 = tpu.vector_load %arg5[%get3A_576] {strides = array<i32>} : memref<32768xf32, #tpu.memory_space<vmem>>, vector<16xf32>,
        %max3A_578 = arith.maximumf %scan3A_509, %get3A_577 : vector<16xf32>
        %add3A_579 = arith.constant 80 : i32
        %add3A_580 = arith.addi %mul3A_514, %add3A_579 : i32
        %get3A_581 = arith.index_cast %add3A_580 : i32 to index
        %get3A_582 = tpu.vector_load %arg5[%get3A_581] {strides = array<i32>} : memref<32768xf32, #tpu.memory_space<vmem>>, vector<16xf32>,
        %max3A_583 = arith.maximumf %scan3A_510, %get3A_582 : vector<16xf32>
        %add3A_584 = arith.constant 96 : i32
        %add3A_585 = arith.addi %mul3A_514, %add3A_584 : i32
        %get3A_586 = arith.index_cast %add3A_585 : i32 to index
        %get3A_587 = tpu.vector_load %arg5[%get3A_586] {strides = array<i32>} : memref<32768xf32, #tpu.memory_space<vmem>>, vector<16xf32>,
        %max3A_588 = arith.maximumf %scan3A_511, %get3A_587 : vector<16xf32>
        %add3A_589 = arith.constant 112 : i32
        %add3A_590 = arith.addi %mul3A_514, %add3A_589 : i32
        %get3A_591 = arith.index_cast %add3A_590 : i32 to index
        %get3A_592 = tpu.vector_load %arg5[%get3A_591] {strides = array<i32>} : memref<32768xf32, #tpu.memory_space<vmem>>, vector<16xf32>,
        %max3A_593 = arith.maximumf %scan3A_512, %get3A_592 : vector<16xf32>
        scf.yield %min3A_518, %min3A_523, %min3A_528, %min3A_533, %min3A_538, %min3A_543, %min3A_548, %min3A_553, %max3A_558, %max3A_563, %max3A_568, %max3A_573, %max3A_578, %max3A_583, %max3A_588, %max3A_593 : vector<16xf32>, vector<16xf32>, vector<16xf32>, vector<16xf32>, vector<16xf32>, vector<16xf32>, vector<16xf32>, vector<16xf32>, vector<16xf32>, vector<16xf32>, vector<16xf32>, vector<16xf32>, vector<16xf32>, vector<16xf32>, vector<16xf32>, vector<16xf32>
      }
      %scan3A_375 = arith.constant 256 : i32
      %add3A_376 = arith.constant 2 : i32
      %add3A_377 = arith.addi %add3A_271, %add3A_376 : i32
      %lt3A = arith.constant 32 : i32
      %lt3A_378 = arith.cmpi slt, %add3A_377, %lt3A : i32
      %convert_element_type3A = arith.extui %lt3A_378 : i1 to i32
      %cond3A = arith.constant 0 : i32
      %cond3A_379 = arith.cmpi ne, %convert_element_type3A, %cond3A : i32
      scf.if %cond3A_379 {
        %add3A_496 = arith.constant 16 : i32
        %add3A_497 = arith.addi %add3A_274, %add3A_496 : i32
        %add3A_498 = arith.constant 0 : i32
        %add3A_499 = arith.addi %add3A_497, %add3A_498 : i32
        %dma_start3A_500 = arith.constant 0 : i32
        %dma_start3A_501 = tpu.memref_slice %arg5[%dma_start3A_500] : memref<32768xf32, #tpu.memory_space<vmem>> -> memref<4096xf32, #tpu.memory_space<vmem>>
        %dma_start3A_502 = arith.constant 0 : i32
        %dma_start3A_503 = tpu.memref_slice %arg2[%add3A_499, %dma_start3A_502] : memref<8192x4096xf32, #tpu.memory_space<hbm>> -> memref<1x4096xf32, #tpu.memory_space<hbm>>
        %dma_start3A_504 = tpu.memref_squeeze %dma_start3A_503 : memref<1x4096xf32, #tpu.memory_space<hbm>> -> memref<4096xf32, #tpu.memory_space<hbm>>
        %dma_start3A_505 = arith.constant 0 : i32
        %dma_start3A_506 = tpu.memref_slice %arg5[%dma_start3A_505] : memref<32768xf32, #tpu.memory_space<vmem>> -> memref<4096xf32, #tpu.memory_space<vmem>>
        %dma_start3A_507 = arith.constant 0 : i32
        %dma_start3A_508 = tpu.memref_slice %arg2[%add3A_499, %dma_start3A_507] : memref<8192x4096xf32, #tpu.memory_space<hbm>> -> memref<1x4096xf32, #tpu.memory_space<hbm>>
        %dma_start3A_509 = tpu.memref_squeeze %dma_start3A_508 : memref<1x4096xf32, #tpu.memory_space<hbm>> -> memref<4096xf32, #tpu.memory_space<hbm>>
        tpu.enqueue_dma source(%dma_start3A_509 : memref<4096xf32, #tpu.memory_space<hbm>>) target(%dma_start3A_506 : memref<4096xf32, #tpu.memory_space<vmem>>) target_semaphore(%arg9 : memref<!tpu.dma_semaphore, #tpu.memory_space<semaphore_mem>>)
        %add3A_510 = arith.constant 1 : i32
        %add3A_511 = arith.addi %add3A_497, %add3A_510 : i32
        %dma_start3A_512 = arith.constant 4096 : i32
        %dma_start3A_513 = tpu.memref_slice %arg5[%dma_start3A_512] : memref<32768xf32, #tpu.memory_space<vmem>> -> memref<4096xf32, #tpu.memory_space<vmem>>
        %dma_start3A_514 = arith.constant 0 : i32
        %dma_start3A_515 = tpu.memref_slice %arg2[%add3A_511, %dma_start3A_514] : memref<8192x4096xf32, #tpu.memory_space<hbm>> -> memref<1x4096xf32, #tpu.memory_space<hbm>>
        %dma_start3A_516 = tpu.memref_squeeze %dma_start3A_515 : memref<1x4096xf32, #tpu.memory_space<hbm>> -> memref<4096xf32, #tpu.memory_space<hbm>>
        %dma_start3A_517 = arith.constant 4096 : i32
        %dma_start3A_518 = tpu.memref_slice %arg5[%dma_start3A_517] : memref<32768xf32, #tpu.memory_space<vmem>> -> memref<4096xf32, #tpu.memory_space<vmem>>
        %dma_start3A_519 = arith.constant 0 : i32
        %dma_start3A_520 = tpu.memref_slice %arg2[%add3A_511, %dma_start3A_519] : memref<8192x4096xf32, #tpu.memory_space<hbm>> -> memref<1x4096xf32, #tpu.memory_space<hbm>>
        %dma_start3A_521 = tpu.memref_squeeze %dma_start3A_520 : memref<1x4096xf32, #tpu.memory_space<hbm>> -> memref<4096xf32, #tpu.memory_space<hbm>>
        tpu.enqueue_dma source(%dma_start3A_521 : memref<4096xf32, #tpu.memory_space<hbm>>) target(%dma_start3A_518 : memref<4096xf32, #tpu.memory_space<vmem>>) target_semaphore(%arg9 : memref<!tpu.dma_semaphore, #tpu.memory_space<semaphore_mem>>)
        %add3A_522 = arith.constant 2 : i32
        %add3A_523 = arith.addi %add3A_497, %add3A_522 : i32
        %dma_start3A_524 = arith.constant 8192 : i32
        %dma_start3A_525 = tpu.memref_slice %arg5[%dma_start3A_524] : memref<32768xf32, #tpu.memory_space<vmem>> -> memref<4096xf32, #tpu.memory_space<vmem>>
        %dma_start3A_526 = arith.constant 0 : i32
        %dma_start3A_527 = tpu.memref_slice %arg2[%add3A_523, %dma_start3A_526] : memref<8192x4096xf32, #tpu.memory_space<hbm>> -> memref<1x4096xf32, #tpu.memory_space<hbm>>
        %dma_start3A_528 = tpu.memref_squeeze %dma_start3A_527 : memref<1x4096xf32, #tpu.memory_space<hbm>> -> memref<4096xf32, #tpu.memory_space<hbm>>
        %dma_start3A_529 = arith.constant 8192 : i32
        %dma_start3A_530 = tpu.memref_slice %arg5[%dma_start3A_529] : memref<32768xf32, #tpu.memory_space<vmem>> -> memref<4096xf32, #tpu.memory_space<vmem>>
        %dma_start3A_531 = arith.constant 0 : i32
        %dma_start3A_532 = tpu.memref_slice %arg2[%add3A_523, %dma_start3A_531] : memref<8192x4096xf32, #tpu.memory_space<hbm>> -> memref<1x4096xf32, #tpu.memory_space<hbm>>
        %dma_start3A_533 = tpu.memref_squeeze %dma_start3A_532 : memref<1x4096xf32, #tpu.memory_space<hbm>> -> memref<4096xf32, #tpu.memory_space<hbm>>
        tpu.enqueue_dma source(%dma_start3A_533 : memref<4096xf32, #tpu.memory_space<hbm>>) target(%dma_start3A_530 : memref<4096xf32, #tpu.memory_space<vmem>>) target_semaphore(%arg9 : memref<!tpu.dma_semaphore, #tpu.memory_space<semaphore_mem>>)
        %add3A_534 = arith.constant 3 : i32
        %add3A_535 = arith.addi %add3A_497, %add3A_534 : i32
        %dma_start3A_536 = arith.constant 12288 : i32
        %dma_start3A_537 = tpu.memref_slice %arg5[%dma_start3A_536] : memref<32768xf32, #tpu.memory_space<vmem>> -> memref<4096xf32, #tpu.memory_space<vmem>>
        %dma_start3A_538 = arith.constant 0 : i32
        %dma_start3A_539 = tpu.memref_slice %arg2[%add3A_535, %dma_start3A_538] : memref<8192x4096xf32, #tpu.memory_space<hbm>> -> memref<1x4096xf32, #tpu.memory_space<hbm>>
        %dma_start3A_540 = tpu.memref_squeeze %dma_start3A_539 : memref<1x4096xf32, #tpu.memory_space<hbm>> -> memref<4096xf32, #tpu.memory_space<hbm>>
        %dma_start3A_541 = arith.constant 12288 : i32
        %dma_start3A_542 = tpu.memref_slice %arg5[%dma_start3A_541] : memref<32768xf32, #tpu.memory_space<vmem>> -> memref<4096xf32, #tpu.memory_space<vmem>>
        %dma_start3A_543 = arith.constant 0 : i32
        %dma_start3A_544 = tpu.memref_slice %arg2[%add3A_535, %dma_start3A_543] : memref<8192x4096xf32, #tpu.memory_space<hbm>> -> memref<1x4096xf32, #tpu.memory_space<hbm>>
        %dma_start3A_545 = tpu.memref_squeeze %dma_start3A_544 : memref<1x4096xf32, #tpu.memory_space<hbm>> -> memref<4096xf32, #tpu.memory_space<hbm>>
        tpu.enqueue_dma source(%dma_start3A_545 : memref<4096xf32, #tpu.memory_space<hbm>>) target(%dma_start3A_542 : memref<4096xf32, #tpu.memory_space<vmem>>) target_semaphore(%arg9 : memref<!tpu.dma_semaphore, #tpu.memory_space<semaphore_mem>>)
        %add3A_546 = arith.constant 4 : i32
        %add3A_547 = arith.addi %add3A_497, %add3A_546 : i32
        %dma_start3A_548 = arith.constant 16384 : i32
        %dma_start3A_549 = tpu.memref_slice %arg5[%dma_start3A_548] : memref<32768xf32, #tpu.memory_space<vmem>> -> memref<4096xf32, #tpu.memory_space<vmem>>
        %dma_start3A_550 = arith.constant 0 : i32
        %dma_start3A_551 = tpu.memref_slice %arg2[%add3A_547, %dma_start3A_550] : memref<8192x4096xf32, #tpu.memory_space<hbm>> -> memref<1x4096xf32, #tpu.memory_space<hbm>>
        %dma_start3A_552 = tpu.memref_squeeze %dma_start3A_551 : memref<1x4096xf32, #tpu.memory_space<hbm>> -> memref<4096xf32, #tpu.memory_space<hbm>>
        %dma_start3A_553 = arith.constant 16384 : i32
        %dma_start3A_554 = tpu.memref_slice %arg5[%dma_start3A_553] : memref<32768xf32, #tpu.memory_space<vmem>> -> memref<4096xf32, #tpu.memory_space<vmem>>
        %dma_start3A_555 = arith.constant 0 : i32
        %dma_start3A_556 = tpu.memref_slice %arg2[%add3A_547, %dma_start3A_555] : memref<8192x4096xf32, #tpu.memory_space<hbm>> -> memref<1x4096xf32, #tpu.memory_space<hbm>>
        %dma_start3A_557 = tpu.memref_squeeze %dma_start3A_556 : memref<1x4096xf32, #tpu.memory_space<hbm>> -> memref<4096xf32, #tpu.memory_space<hbm>>
        tpu.enqueue_dma source(%dma_start3A_557 : memref<4096xf32, #tpu.memory_space<hbm>>) target(%dma_start3A_554 : memref<4096xf32, #tpu.memory_space<vmem>>) target_semaphore(%arg9 : memref<!tpu.dma_semaphore, #tpu.memory_space<semaphore_mem>>)
        %add3A_558 = arith.constant 5 : i32
        %add3A_559 = arith.addi %add3A_497, %add3A_558 : i32
        %dma_start3A_560 = arith.constant 20480 : i32
        %dma_start3A_561 = tpu.memref_slice %arg5[%dma_start3A_560] : memref<32768xf32, #tpu.memory_space<vmem>> -> memref<4096xf32, #tpu.memory_space<vmem>>
        %dma_start3A_562 = arith.constant 0 : i32
        %dma_start3A_563 = tpu.memref_slice %arg2[%add3A_559, %dma_start3A_562] : memref<8192x4096xf32, #tpu.memory_space<hbm>> -> memref<1x4096xf32, #tpu.memory_space<hbm>>
        %dma_start3A_564 = tpu.memref_squeeze %dma_start3A_563 : memref<1x4096xf32, #tpu.memory_space<hbm>> -> memref<4096xf32, #tpu.memory_space<hbm>>
        %dma_start3A_565 = arith.constant 20480 : i32
        %dma_start3A_566 = tpu.memref_slice %arg5[%dma_start3A_565] : memref<32768xf32, #tpu.memory_space<vmem>> -> memref<4096xf32, #tpu.memory_space<vmem>>
        %dma_start3A_567 = arith.constant 0 : i32
        %dma_start3A_568 = tpu.memref_slice %arg2[%add3A_559, %dma_start3A_567] : memref<8192x4096xf32, #tpu.memory_space<hbm>> -> memref<1x4096xf32, #tpu.memory_space<hbm>>
        %dma_start3A_569 = tpu.memref_squeeze %dma_start3A_568 : memref<1x4096xf32, #tpu.memory_space<hbm>> -> memref<4096xf32, #tpu.memory_space<hbm>>
        tpu.enqueue_dma source(%dma_start3A_569 : memref<4096xf32, #tpu.memory_space<hbm>>) target(%dma_start3A_566 : memref<4096xf32, #tpu.memory_space<vmem>>) target_semaphore(%arg9 : memref<!tpu.dma_semaphore, #tpu.memory_space<semaphore_mem>>)
        %add3A_570 = arith.constant 6 : i32
        %add3A_571 = arith.addi %add3A_497, %add3A_570 : i32
        %dma_start3A_572 = arith.constant 24576 : i32
        %dma_start3A_573 = tpu.memref_slice %arg5[%dma_start3A_572] : memref<32768xf32, #tpu.memory_space<vmem>> -> memref<4096xf32, #tpu.memory_space<vmem>>
        %dma_start3A_574 = arith.constant 0 : i32
        %dma_start3A_575 = tpu.memref_slice %arg2[%add3A_571, %dma_start3A_574] : memref<8192x4096xf32, #tpu.memory_space<hbm>> -> memref<1x4096xf32, #tpu.memory_space<hbm>>
        %dma_start3A_576 = tpu.memref_squeeze %dma_start3A_575 : memref<1x4096xf32, #tpu.memory_space<hbm>> -> memref<4096xf32, #tpu.memory_space<hbm>>
        %dma_start3A_577 = arith.constant 24576 : i32
        %dma_start3A_578 = tpu.memref_slice %arg5[%dma_start3A_577] : memref<32768xf32, #tpu.memory_space<vmem>> -> memref<4096xf32, #tpu.memory_space<vmem>>
        %dma_start3A_579 = arith.constant 0 : i32
        %dma_start3A_580 = tpu.memref_slice %arg2[%add3A_571, %dma_start3A_579] : memref<8192x4096xf32, #tpu.memory_space<hbm>> -> memref<1x4096xf32, #tpu.memory_space<hbm>>
        %dma_start3A_581 = tpu.memref_squeeze %dma_start3A_580 : memref<1x4096xf32, #tpu.memory_space<hbm>> -> memref<4096xf32, #tpu.memory_space<hbm>>
        tpu.enqueue_dma source(%dma_start3A_581 : memref<4096xf32, #tpu.memory_space<hbm>>) target(%dma_start3A_578 : memref<4096xf32, #tpu.memory_space<vmem>>) target_semaphore(%arg9 : memref<!tpu.dma_semaphore, #tpu.memory_space<semaphore_mem>>)
        %add3A_582 = arith.constant 7 : i32
        %add3A_583 = arith.addi %add3A_497, %add3A_582 : i32
        %dma_start3A_584 = arith.constant 28672 : i32
        %dma_start3A_585 = tpu.memref_slice %arg5[%dma_start3A_584] : memref<32768xf32, #tpu.memory_space<vmem>> -> memref<4096xf32, #tpu.memory_space<vmem>>
        %dma_start3A_586 = arith.constant 0 : i32
        %dma_start3A_587 = tpu.memref_slice %arg2[%add3A_583, %dma_start3A_586] : memref<8192x4096xf32, #tpu.memory_space<hbm>> -> memref<1x4096xf32, #tpu.memory_space<hbm>>
        %dma_start3A_588 = tpu.memref_squeeze %dma_start3A_587 : memref<1x4096xf32, #tpu.memory_space<hbm>> -> memref<4096xf32, #tpu.memory_space<hbm>>
        %dma_start3A_589 = arith.constant 28672 : i32
        %dma_start3A_590 = tpu.memref_slice %arg5[%dma_start3A_589] : memref<32768xf32, #tpu.memory_space<vmem>> -> memref<4096xf32, #tpu.memory_space<vmem>>
        %dma_start3A_591 = arith.constant 0 : i32
        %dma_start3A_592 = tpu.memref_slice %arg2[%add3A_583, %dma_start3A_591] : memref<8192x4096xf32, #tpu.memory_space<hbm>> -> memref<1x4096xf32, #tpu.memory_space<hbm>>
        %dma_start3A_593 = tpu.memref_squeeze %dma_start3A_592 : memref<1x4096xf32, #tpu.memory_space<hbm>> -> memref<4096xf32, #tpu.memory_space<hbm>>
        tpu.enqueue_dma source(%dma_start3A_593 : memref<4096xf32, #tpu.memory_space<hbm>>) target(%dma_start3A_590 : memref<4096xf32, #tpu.memory_space<vmem>>) target_semaphore(%arg9 : memref<!tpu.dma_semaphore, #tpu.memory_space<semaphore_mem>>)
      } else {
      }
      %mul3A_380 = arith.constant 2 : i32
      %mul3A_381 = arith.muli %scan3A_251, %mul3A_380 : i32
      %add3A_382 = arith.constant 1 : i32
      %add3A_383 = arith.addi %mul3A_381, %add3A_382 : i32
      %mul3A_384 = arith.constant 8 : i32
      %mul3A_385 = arith.muli %add3A_383, %mul3A_384 : i32
      %add3A_386 = arith.addi %mul3A_2, %mul3A_385 : i32
      %add3A_387 = arith.constant 0 : i32
      %add3A_388 = arith.addi %add3A_386, %add3A_387 : i32
      %dma_wait3A_389 = arith.constant 0 : i32
      %dma_wait3A_390 = tpu.memref_slice %arg6[%dma_wait3A_389] : memref<32768xf32, #tpu.memory_space<vmem>> -> memref<4096xf32, #tpu.memory_space<vmem>>
      %dma_wait3A_391 = arith.constant 0 : i32
      %dma_wait3A_392 = tpu.memref_slice %arg2[%add3A_388, %dma_wait3A_391] : memref<8192x4096xf32, #tpu.memory_space<hbm>> -> memref<1x4096xf32, #tpu.memory_space<hbm>>
      %dma_wait3A_393 = tpu.memref_squeeze %dma_wait3A_392 : memref<1x4096xf32, #tpu.memory_space<hbm>> -> memref<4096xf32, #tpu.memory_space<hbm>>
      %dma_wait3A_394 = arith.constant 0 : i32
      %dma_wait3A_395 = tpu.memref_slice %arg6[%dma_wait3A_394] : memref<32768xf32, #tpu.memory_space<vmem>> -> memref<4096xf32, #tpu.memory_space<vmem>>
      %dma_wait3A_396 = arith.constant 0 : i32
      %dma_wait3A_397 = tpu.memref_slice %arg2[%add3A_388, %dma_wait3A_396] : memref<8192x4096xf32, #tpu.memory_space<hbm>> -> memref<1x4096xf32, #tpu.memory_space<hbm>>
      %dma_wait3A_398 = tpu.memref_squeeze %dma_wait3A_397 : memref<1x4096xf32, #tpu.memory_space<hbm>> -> memref<4096xf32, #tpu.memory_space<hbm>>
      tpu.wait_dma2 semaphore(%arg10 : memref<!tpu.dma_semaphore, #tpu.memory_space<semaphore_mem>>) src(%dma_wait3A_398 : memref<4096xf32, #tpu.memory_space<hbm>>) dst(%dma_wait3A_395 : memref<4096xf32, #tpu.memory_space<vmem>>)
      %add3A_399 = arith.constant 1 : i32
      %add3A_400 = arith.addi %add3A_386, %add3A_399 : i32
      %dma_wait3A_401 = arith.constant 4096 : i32
      %dma_wait3A_402 = tpu.memref_slice %arg6[%dma_wait3A_401] : memref<32768xf32, #tpu.memory_space<vmem>> -> memref<4096xf32, #tpu.memory_space<vmem>>
      %dma_wait3A_403 = arith.constant 0 : i32
      %dma_wait3A_404 = tpu.memref_slice %arg2[%add3A_400, %dma_wait3A_403] : memref<8192x4096xf32, #tpu.memory_space<hbm>> -> memref<1x4096xf32, #tpu.memory_space<hbm>>
      %dma_wait3A_405 = tpu.memref_squeeze %dma_wait3A_404 : memref<1x4096xf32, #tpu.memory_space<hbm>> -> memref<4096xf32, #tpu.memory_space<hbm>>
      %dma_wait3A_406 = arith.constant 4096 : i32
      %dma_wait3A_407 = tpu.memref_slice %arg6[%dma_wait3A_406] : memref<32768xf32, #tpu.memory_space<vmem>> -> memref<4096xf32, #tpu.memory_space<vmem>>
      %dma_wait3A_408 = arith.constant 0 : i32
      %dma_wait3A_409 = tpu.memref_slice %arg2[%add3A_400, %dma_wait3A_408] : memref<8192x4096xf32, #tpu.memory_space<hbm>> -> memref<1x4096xf32, #tpu.memory_space<hbm>>
      %dma_wait3A_410 = tpu.memref_squeeze %dma_wait3A_409 : memref<1x4096xf32, #tpu.memory_space<hbm>> -> memref<4096xf32, #tpu.memory_space<hbm>>
      tpu.wait_dma2 semaphore(%arg10 : memref<!tpu.dma_semaphore, #tpu.memory_space<semaphore_mem>>) src(%dma_wait3A_410 : memref<4096xf32, #tpu.memory_space<hbm>>) dst(%dma_wait3A_407 : memref<4096xf32, #tpu.memory_space<vmem>>)
      %add3A_411 = arith.constant 2 : i32
      %add3A_412 = arith.addi %add3A_386, %add3A_411 : i32
      %dma_wait3A_413 = arith.constant 8192 : i32
      %dma_wait3A_414 = tpu.memref_slice %arg6[%dma_wait3A_413] : memref<32768xf32, #tpu.memory_space<vmem>> -> memref<4096xf32, #tpu.memory_space<vmem>>
      %dma_wait3A_415 = arith.constant 0 : i32
      %dma_wait3A_416 = tpu.memref_slice %arg2[%add3A_412, %dma_wait3A_415] : memref<8192x4096xf32, #tpu.memory_space<hbm>> -> memref<1x4096xf32, #tpu.memory_space<hbm>>
      %dma_wait3A_417 = tpu.memref_squeeze %dma_wait3A_416 : memref<1x4096xf32, #tpu.memory_space<hbm>> -> memref<4096xf32, #tpu.memory_space<hbm>>
      %dma_wait3A_418 = arith.constant 8192 : i32
      %dma_wait3A_419 = tpu.memref_slice %arg6[%dma_wait3A_418] : memref<32768xf32, #tpu.memory_space<vmem>> -> memref<4096xf32, #tpu.memory_space<vmem>>
      %dma_wait3A_420 = arith.constant 0 : i32
      %dma_wait3A_421 = tpu.memref_slice %arg2[%add3A_412, %dma_wait3A_420] : memref<8192x4096xf32, #tpu.memory_space<hbm>> -> memref<1x4096xf32, #tpu.memory_space<hbm>>
      %dma_wait3A_422 = tpu.memref_squeeze %dma_wait3A_421 : memref<1x4096xf32, #tpu.memory_space<hbm>> -> memref<4096xf32, #tpu.memory_space<hbm>>
      tpu.wait_dma2 semaphore(%arg10 : memref<!tpu.dma_semaphore, #tpu.memory_space<semaphore_mem>>) src(%dma_wait3A_422 : memref<4096xf32, #tpu.memory_space<hbm>>) dst(%dma_wait3A_419 : memref<4096xf32, #tpu.memory_space<vmem>>)
      %add3A_423 = arith.constant 3 : i32
      %add3A_424 = arith.addi %add3A_386, %add3A_423 : i32
      %dma_wait3A_425 = arith.constant 12288 : i32
      %dma_wait3A_426 = tpu.memref_slice %arg6[%dma_wait3A_425] : memref<32768xf32, #tpu.memory_space<vmem>> -> memref<4096xf32, #tpu.memory_space<vmem>>
      %dma_wait3A_427 = arith.constant 0 : i32
      %dma_wait3A_428 = tpu.memref_slice %arg2[%add3A_424, %dma_wait3A_427] : memref<8192x4096xf32, #tpu.memory_space<hbm>> -> memref<1x4096xf32, #tpu.memory_space<hbm>>
      %dma_wait3A_429 = tpu.memref_squeeze %dma_wait3A_428 : memref<1x4096xf32, #tpu.memory_space<hbm>> -> memref<4096xf32, #tpu.memory_space<hbm>>
      %dma_wait3A_430 = arith.constant 12288 : i32
      %dma_wait3A_431 = tpu.memref_slice %arg6[%dma_wait3A_430] : memref<32768xf32, #tpu.memory_space<vmem>> -> memref<4096xf32, #tpu.memory_space<vmem>>
      %dma_wait3A_432 = arith.constant 0 : i32
      %dma_wait3A_433 = tpu.memref_slice %arg2[%add3A_424, %dma_wait3A_432] : memref<8192x4096xf32, #tpu.memory_space<hbm>> -> memref<1x4096xf32, #tpu.memory_space<hbm>>
      %dma_wait3A_434 = tpu.memref_squeeze %dma_wait3A_433 : memref<1x4096xf32, #tpu.memory_space<hbm>> -> memref<4096xf32, #tpu.memory_space<hbm>>
      tpu.wait_dma2 semaphore(%arg10 : memref<!tpu.dma_semaphore, #tpu.memory_space<semaphore_mem>>) src(%dma_wait3A_434 : memref<4096xf32, #tpu.memory_space<hbm>>) dst(%dma_wait3A_431 : memref<4096xf32, #tpu.memory_space<vmem>>)
      %add3A_435 = arith.constant 4 : i32
      %add3A_436 = arith.addi %add3A_386, %add3A_435 : i32
      %dma_wait3A_437 = arith.constant 16384 : i32
      %dma_wait3A_438 = tpu.memref_slice %arg6[%dma_wait3A_437] : memref<32768xf32, #tpu.memory_space<vmem>> -> memref<4096xf32, #tpu.memory_space<vmem>>
      %dma_wait3A_439 = arith.constant 0 : i32
      %dma_wait3A_440 = tpu.memref_slice %arg2[%add3A_436, %dma_wait3A_439] : memref<8192x4096xf32, #tpu.memory_space<hbm>> -> memref<1x4096xf32, #tpu.memory_space<hbm>>
      %dma_wait3A_441 = tpu.memref_squeeze %dma_wait3A_440 : memref<1x4096xf32, #tpu.memory_space<hbm>> -> memref<4096xf32, #tpu.memory_space<hbm>>
      %dma_wait3A_442 = arith.constant 16384 : i32
      %dma_wait3A_443 = tpu.memref_slice %arg6[%dma_wait3A_442] : memref<32768xf32, #tpu.memory_space<vmem>> -> memref<4096xf32, #tpu.memory_space<vmem>>
      %dma_wait3A_444 = arith.constant 0 : i32
      %dma_wait3A_445 = tpu.memref_slice %arg2[%add3A_436, %dma_wait3A_444] : memref<8192x4096xf32, #tpu.memory_space<hbm>> -> memref<1x4096xf32, #tpu.memory_space<hbm>>
      %dma_wait3A_446 = tpu.memref_squeeze %dma_wait3A_445 : memref<1x4096xf32, #tpu.memory_space<hbm>> -> memref<4096xf32, #tpu.memory_space<hbm>>
      tpu.wait_dma2 semaphore(%arg10 : memref<!tpu.dma_semaphore, #tpu.memory_space<semaphore_mem>>) src(%dma_wait3A_446 : memref<4096xf32, #tpu.memory_space<hbm>>) dst(%dma_wait3A_443 : memref<4096xf32, #tpu.memory_space<vmem>>)
      %add3A_447 = arith.constant 5 : i32
      %add3A_448 = arith.addi %add3A_386, %add3A_447 : i32
      %dma_wait3A_449 = arith.constant 20480 : i32
      %dma_wait3A_450 = tpu.memref_slice %arg6[%dma_wait3A_449] : memref<32768xf32, #tpu.memory_space<vmem>> -> memref<4096xf32, #tpu.memory_space<vmem>>
      %dma_wait3A_451 = arith.constant 0 : i32
      %dma_wait3A_452 = tpu.memref_slice %arg2[%add3A_448, %dma_wait3A_451] : memref<8192x4096xf32, #tpu.memory_space<hbm>> -> memref<1x4096xf32, #tpu.memory_space<hbm>>
      %dma_wait3A_453 = tpu.memref_squeeze %dma_wait3A_452 : memref<1x4096xf32, #tpu.memory_space<hbm>> -> memref<4096xf32, #tpu.memory_space<hbm>>
      %dma_wait3A_454 = arith.constant 20480 : i32
      %dma_wait3A_455 = tpu.memref_slice %arg6[%dma_wait3A_454] : memref<32768xf32, #tpu.memory_space<vmem>> -> memref<4096xf32, #tpu.memory_space<vmem>>
      %dma_wait3A_456 = arith.constant 0 : i32
      %dma_wait3A_457 = tpu.memref_slice %arg2[%add3A_448, %dma_wait3A_456] : memref<8192x4096xf32, #tpu.memory_space<hbm>> -> memref<1x4096xf32, #tpu.memory_space<hbm>>
      %dma_wait3A_458 = tpu.memref_squeeze %dma_wait3A_457 : memref<1x4096xf32, #tpu.memory_space<hbm>> -> memref<4096xf32, #tpu.memory_space<hbm>>
      tpu.wait_dma2 semaphore(%arg10 : memref<!tpu.dma_semaphore, #tpu.memory_space<semaphore_mem>>) src(%dma_wait3A_458 : memref<4096xf32, #tpu.memory_space<hbm>>) dst(%dma_wait3A_455 : memref<4096xf32, #tpu.memory_space<vmem>>)
      %add3A_459 = arith.constant 6 : i32
      %add3A_460 = arith.addi %add3A_386, %add3A_459 : i32
      %dma_wait3A_461 = arith.constant 24576 : i32
      %dma_wait3A_462 = tpu.memref_slice %arg6[%dma_wait3A_461] : memref<32768xf32, #tpu.memory_space<vmem>> -> memref<4096xf32, #tpu.memory_space<vmem>>
      %dma_wait3A_463 = arith.constant 0 : i32
      %dma_wait3A_464 = tpu.memref_slice %arg2[%add3A_460, %dma_wait3A_463] : memref<8192x4096xf32, #tpu.memory_space<hbm>> -> memref<1x4096xf32, #tpu.memory_space<hbm>>
      %dma_wait3A_465 = tpu.memref_squeeze %dma_wait3A_464 : memref<1x4096xf32, #tpu.memory_space<hbm>> -> memref<4096xf32, #tpu.memory_space<hbm>>
      %dma_wait3A_466 = arith.constant 24576 : i32
      %dma_wait3A_467 = tpu.memref_slice %arg6[%dma_wait3A_466] : memref<32768xf32, #tpu.memory_space<vmem>> -> memref<4096xf32, #tpu.memory_space<vmem>>
      %dma_wait3A_468 = arith.constant 0 : i32
      %dma_wait3A_469 = tpu.memref_slice %arg2[%add3A_460, %dma_wait3A_468] : memref<8192x4096xf32, #tpu.memory_space<hbm>> -> memref<1x4096xf32, #tpu.memory_space<hbm>>
      %dma_wait3A_470 = tpu.memref_squeeze %dma_wait3A_469 : memref<1x4096xf32, #tpu.memory_space<hbm>> -> memref<4096xf32, #tpu.memory_space<hbm>>
      tpu.wait_dma2 semaphore(%arg10 : memref<!tpu.dma_semaphore, #tpu.memory_space<semaphore_mem>>) src(%dma_wait3A_470 : memref<4096xf32, #tpu.memory_space<hbm>>) dst(%dma_wait3A_467 : memref<4096xf32, #tpu.memory_space<vmem>>)
      %add3A_471 = arith.constant 7 : i32
      %add3A_472 = arith.addi %add3A_386, %add3A_471 : i32
      %dma_wait3A_473 = arith.constant 28672 : i32
      %dma_wait3A_474 = tpu.memref_slice %arg6[%dma_wait3A_473] : memref<32768xf32, #tpu.memory_space<vmem>> -> memref<4096xf32, #tpu.memory_space<vmem>>
      %dma_wait3A_475 = arith.constant 0 : i32
      %dma_wait3A_476 = tpu.memref_slice %arg2[%add3A_472, %dma_wait3A_475] : memref<8192x4096xf32, #tpu.memory_space<hbm>> -> memref<1x4096xf32, #tpu.memory_space<hbm>>
      %dma_wait3A_477 = tpu.memref_squeeze %dma_wait3A_476 : memref<1x4096xf32, #tpu.memory_space<hbm>> -> memref<4096xf32, #tpu.memory_space<hbm>>
      %dma_wait3A_478 = arith.constant 28672 : i32
      %dma_wait3A_479 = tpu.memref_slice %arg6[%dma_wait3A_478] : memref<32768xf32, #tpu.memory_space<vmem>> -> memref<4096xf32, #tpu.memory_space<vmem>>
      %dma_wait3A_480 = arith.constant 0 : i32
      %dma_wait3A_481 = tpu.memref_slice %arg2[%add3A_472, %dma_wait3A_480] : memref<8192x4096xf32, #tpu.memory_space<hbm>> -> memref<1x4096xf32, #tpu.memory_space<hbm>>
      %dma_wait3A_482 = tpu.memref_squeeze %dma_wait3A_481 : memref<1x4096xf32, #tpu.memory_space<hbm>> -> memref<4096xf32, #tpu.memory_space<hbm>>
      tpu.wait_dma2 semaphore(%arg10 : memref<!tpu.dma_semaphore, #tpu.memory_space<semaphore_mem>>) src(%dma_wait3A_482 : memref<4096xf32, #tpu.memory_space<hbm>>) dst(%dma_wait3A_479 : memref<4096xf32, #tpu.memory_space<vmem>>)
      %scan3A_483 = arith.constant 0 : i32
      %scan3A_484 = arith.constant 256 : i32
      %scan3A_485 = arith.addi %scan3A_483, %scan3A_484 : i32
      %scan3A_486 = arith.constant 1 : i32
      %scan3A_487:16 = scf.for %scan3A_496 = %scan3A_483 to %scan3A_485 step %scan3A_486 iter_args(%scan3A_497 = %scan3A_374#0, %scan3A_498 = %scan3A_374#1, %scan3A_499 = %scan3A_374#2, %scan3A_500 = %scan3A_374#3, %scan3A_501 = %scan3A_374#4, %scan3A_502 = %scan3A_374#5, %scan3A_503 = %scan3A_374#6, %scan3A_504 = %scan3A_374#7, %scan3A_505 = %scan3A_374#8, %scan3A_506 = %scan3A_374#9, %scan3A_507 = %scan3A_374#10, %scan3A_508 = %scan3A_374#11, %scan3A_509 = %scan3A_374#12, %scan3A_510 = %scan3A_374#13, %scan3A_511 = %scan3A_374#14, %scan3A_512 = %scan3A_374#15) -> (vector<16xf32>, vector<16xf32>, vector<16xf32>, vector<16xf32>, vector<16xf32>, vector<16xf32>, vector<16xf32>, vector<16xf32>, vector<16xf32>, vector<16xf32>, vector<16xf32>, vector<16xf32>, vector<16xf32>, vector<16xf32>, vector<16xf32>, vector<16xf32>)  : i32 {
        %mul3A_513 = arith.constant 128 : i32
        %mul3A_514 = arith.muli %scan3A_496, %mul3A_513 : i32
        %add3A_515 = arith.constant 0 : i32
        %add3A_516 = arith.addi %mul3A_514, %add3A_515 : i32
        %get3A = arith.index_cast %add3A_516 : i32 to index
        %get3A_517 = tpu.vector_load %arg6[%get3A] {strides = array<i32>} : memref<32768xf32, #tpu.memory_space<vmem>>, vector<16xf32>,
        %min3A_518 = arith.minimumf %scan3A_497, %get3A_517 : vector<16xf32>
        %add3A_519 = arith.constant 16 : i32
        %add3A_520 = arith.addi %mul3A_514, %add3A_519 : i32
        %get3A_521 = arith.index_cast %add3A_520 : i32 to index
        %get3A_522 = tpu.vector_load %arg6[%get3A_521] {strides = array<i32>} : memref<32768xf32, #tpu.memory_space<vmem>>, vector<16xf32>,
        %min3A_523 = arith.minimumf %scan3A_498, %get3A_522 : vector<16xf32>
        %add3A_524 = arith.constant 32 : i32
        %add3A_525 = arith.addi %mul3A_514, %add3A_524 : i32
        %get3A_526 = arith.index_cast %add3A_525 : i32 to index
        %get3A_527 = tpu.vector_load %arg6[%get3A_526] {strides = array<i32>} : memref<32768xf32, #tpu.memory_space<vmem>>, vector<16xf32>,
        %min3A_528 = arith.minimumf %scan3A_499, %get3A_527 : vector<16xf32>
        %add3A_529 = arith.constant 48 : i32
        %add3A_530 = arith.addi %mul3A_514, %add3A_529 : i32
        %get3A_531 = arith.index_cast %add3A_530 : i32 to index
        %get3A_532 = tpu.vector_load %arg6[%get3A_531] {strides = array<i32>} : memref<32768xf32, #tpu.memory_space<vmem>>, vector<16xf32>,
        %min3A_533 = arith.minimumf %scan3A_500, %get3A_532 : vector<16xf32>
        %add3A_534 = arith.constant 64 : i32
        %add3A_535 = arith.addi %mul3A_514, %add3A_534 : i32
        %get3A_536 = arith.index_cast %add3A_535 : i32 to index
        %get3A_537 = tpu.vector_load %arg6[%get3A_536] {strides = array<i32>} : memref<32768xf32, #tpu.memory_space<vmem>>, vector<16xf32>,
        %min3A_538 = arith.minimumf %scan3A_501, %get3A_537 : vector<16xf32>
        %add3A_539 = arith.constant 80 : i32
        %add3A_540 = arith.addi %mul3A_514, %add3A_539 : i32
        %get3A_541 = arith.index_cast %add3A_540 : i32 to index
        %get3A_542 = tpu.vector_load %arg6[%get3A_541] {strides = array<i32>} : memref<32768xf32, #tpu.memory_space<vmem>>, vector<16xf32>,
        %min3A_543 = arith.minimumf %scan3A_502, %get3A_542 : vector<16xf32>
        %add3A_544 = arith.constant 96 : i32
        %add3A_545 = arith.addi %mul3A_514, %add3A_544 : i32
        %get3A_546 = arith.index_cast %add3A_545 : i32 to index
        %get3A_547 = tpu.vector_load %arg6[%get3A_546] {strides = array<i32>} : memref<32768xf32, #tpu.memory_space<vmem>>, vector<16xf32>,
        %min3A_548 = arith.minimumf %scan3A_503, %get3A_547 : vector<16xf32>
        %add3A_549 = arith.constant 112 : i32
        %add3A_550 = arith.addi %mul3A_514, %add3A_549 : i32
        %get3A_551 = arith.index_cast %add3A_550 : i32 to index
        %get3A_552 = tpu.vector_load %arg6[%get3A_551] {strides = array<i32>} : memref<32768xf32, #tpu.memory_space<vmem>>, vector<16xf32>,
        %min3A_553 = arith.minimumf %scan3A_504, %get3A_552 : vector<16xf32>
        %add3A_554 = arith.constant 0 : i32
        %add3A_555 = arith.addi %mul3A_514, %add3A_554 : i32
        %get3A_556 = arith.index_cast %add3A_555 : i32 to index
        %get3A_557 = tpu.vector_load %arg6[%get3A_556] {strides = array<i32>} : memref<32768xf32, #tpu.memory_space<vmem>>, vector<16xf32>,
        %max3A_558 = arith.maximumf %scan3A_505, %get3A_557 : vector<16xf32>
        %add3A_559 = arith.constant 16 : i32
        %add3A_560 = arith.addi %mul3A_514, %add3A_559 : i32
        %get3A_561 = arith.index_cast %add3A_560 : i32 to index
        %get3A_562 = tpu.vector_load %arg6[%get3A_561] {strides = array<i32>} : memref<32768xf32, #tpu.memory_space<vmem>>, vector<16xf32>,
        %max3A_563 = arith.maximumf %scan3A_506, %get3A_562 : vector<16xf32>
        %add3A_564 = arith.constant 32 : i32
        %add3A_565 = arith.addi %mul3A_514, %add3A_564 : i32
        %get3A_566 = arith.index_cast %add3A_565 : i32 to index
        %get3A_567 = tpu.vector_load %arg6[%get3A_566] {strides = array<i32>} : memref<32768xf32, #tpu.memory_space<vmem>>, vector<16xf32>,
        %max3A_568 = arith.maximumf %scan3A_507, %get3A_567 : vector<16xf32>
        %add3A_569 = arith.constant 48 : i32
        %add3A_570 = arith.addi %mul3A_514, %add3A_569 : i32
        %get3A_571 = arith.index_cast %add3A_570 : i32 to index
        %get3A_572 = tpu.vector_load %arg6[%get3A_571] {strides = array<i32>} : memref<32768xf32, #tpu.memory_space<vmem>>, vector<16xf32>,
        %max3A_573 = arith.maximumf %scan3A_508, %get3A_572 : vector<16xf32>
        %add3A_574 = arith.constant 64 : i32
        %add3A_575 = arith.addi %mul3A_514, %add3A_574 : i32
        %get3A_576 = arith.index_cast %add3A_575 : i32 to index
        %get3A_577 = tpu.vector_load %arg6[%get3A_576] {strides = array<i32>} : memref<32768xf32, #tpu.memory_space<vmem>>, vector<16xf32>,
        %max3A_578 = arith.maximumf %scan3A_509, %get3A_577 : vector<16xf32>
        %add3A_579 = arith.constant 80 : i32
        %add3A_580 = arith.addi %mul3A_514, %add3A_579 : i32
        %get3A_581 = arith.index_cast %add3A_580 : i32 to index
        %get3A_582 = tpu.vector_load %arg6[%get3A_581] {strides = array<i32>} : memref<32768xf32, #tpu.memory_space<vmem>>, vector<16xf32>,
        %max3A_583 = arith.maximumf %scan3A_510, %get3A_582 : vector<16xf32>
        %add3A_584 = arith.constant 96 : i32
        %add3A_585 = arith.addi %mul3A_514, %add3A_584 : i32
        %get3A_586 = arith.index_cast %add3A_585 : i32 to index
        %get3A_587 = tpu.vector_load %arg6[%get3A_586] {strides = array<i32>} : memref<32768xf32, #tpu.memory_space<vmem>>, vector<16xf32>,
        %max3A_588 = arith.maximumf %scan3A_511, %get3A_587 : vector<16xf32>
        %add3A_589 = arith.constant 112 : i32
        %add3A_590 = arith.addi %mul3A_514, %add3A_589 : i32
        %get3A_591 = arith.index_cast %add3A_590 : i32 to index
        %get3A_592 = tpu.vector_load %arg6[%get3A_591] {strides = array<i32>} : memref<32768xf32, #tpu.memory_space<vmem>>, vector<16xf32>,
        %max3A_593 = arith.maximumf %scan3A_512, %get3A_592 : vector<16xf32>
        scf.yield %min3A_518, %min3A_523, %min3A_528, %min3A_533, %min3A_538, %min3A_543, %min3A_548, %min3A_553, %max3A_558, %max3A_563, %max3A_568, %max3A_573, %max3A_578, %max3A_583, %max3A_588, %max3A_593 : vector<16xf32>, vector<16xf32>, vector<16xf32>, vector<16xf32>, vector<16xf32>, vector<16xf32>, vector<16xf32>, vector<16xf32>, vector<16xf32>, vector<16xf32>, vector<16xf32>, vector<16xf32>, vector<16xf32>, vector<16xf32>, vector<16xf32>, vector<16xf32>
      }
      %scan3A_488 = arith.constant 256 : i32
      %add3A_489 = arith.constant 2 : i32
      %add3A_490 = arith.addi %add3A_383, %add3A_489 : i32
      %lt3A_491 = arith.constant 32 : i32
      %lt3A_492 = arith.cmpi slt, %add3A_490, %lt3A_491 : i32
      %convert_element_type3A_493 = arith.extui %lt3A_492 : i1 to i32
      %cond3A_494 = arith.constant 0 : i32
      %cond3A_495 = arith.cmpi ne, %convert_element_type3A_493, %cond3A_494 : i32
      scf.if %cond3A_495 {
        %add3A_496 = arith.constant 16 : i32
        %add3A_497 = arith.addi %add3A_386, %add3A_496 : i32
        %add3A_498 = arith.constant 0 : i32
        %add3A_499 = arith.addi %add3A_497, %add3A_498 : i32
        %dma_start3A_500 = arith.constant 0 : i32
        %dma_start3A_501 = tpu.memref_slice %arg6[%dma_start3A_500] : memref<32768xf32, #tpu.memory_space<vmem>> -> memref<4096xf32, #tpu.memory_space<vmem>>
        %dma_start3A_502 = arith.constant 0 : i32
        %dma_start3A_503 = tpu.memref_slice %arg2[%add3A_499, %dma_start3A_502] : memref<8192x4096xf32, #tpu.memory_space<hbm>> -> memref<1x4096xf32, #tpu.memory_space<hbm>>
        %dma_start3A_504 = tpu.memref_squeeze %dma_start3A_503 : memref<1x4096xf32, #tpu.memory_space<hbm>> -> memref<4096xf32, #tpu.memory_space<hbm>>
        %dma_start3A_505 = arith.constant 0 : i32
        %dma_start3A_506 = tpu.memref_slice %arg6[%dma_start3A_505] : memref<32768xf32, #tpu.memory_space<vmem>> -> memref<4096xf32, #tpu.memory_space<vmem>>
        %dma_start3A_507 = arith.constant 0 : i32
        %dma_start3A_508 = tpu.memref_slice %arg2[%add3A_499, %dma_start3A_507] : memref<8192x4096xf32, #tpu.memory_space<hbm>> -> memref<1x4096xf32, #tpu.memory_space<hbm>>
        %dma_start3A_509 = tpu.memref_squeeze %dma_start3A_508 : memref<1x4096xf32, #tpu.memory_space<hbm>> -> memref<4096xf32, #tpu.memory_space<hbm>>
        tpu.enqueue_dma source(%dma_start3A_509 : memref<4096xf32, #tpu.memory_space<hbm>>) target(%dma_start3A_506 : memref<4096xf32, #tpu.memory_space<vmem>>) target_semaphore(%arg10 : memref<!tpu.dma_semaphore, #tpu.memory_space<semaphore_mem>>)
        %add3A_510 = arith.constant 1 : i32
        %add3A_511 = arith.addi %add3A_497, %add3A_510 : i32
        %dma_start3A_512 = arith.constant 4096 : i32
        %dma_start3A_513 = tpu.memref_slice %arg6[%dma_start3A_512] : memref<32768xf32, #tpu.memory_space<vmem>> -> memref<4096xf32, #tpu.memory_space<vmem>>
        %dma_start3A_514 = arith.constant 0 : i32
        %dma_start3A_515 = tpu.memref_slice %arg2[%add3A_511, %dma_start3A_514] : memref<8192x4096xf32, #tpu.memory_space<hbm>> -> memref<1x4096xf32, #tpu.memory_space<hbm>>
        %dma_start3A_516 = tpu.memref_squeeze %dma_start3A_515 : memref<1x4096xf32, #tpu.memory_space<hbm>> -> memref<4096xf32, #tpu.memory_space<hbm>>
        %dma_start3A_517 = arith.constant 4096 : i32
        %dma_start3A_518 = tpu.memref_slice %arg6[%dma_start3A_517] : memref<32768xf32, #tpu.memory_space<vmem>> -> memref<4096xf32, #tpu.memory_space<vmem>>
        %dma_start3A_519 = arith.constant 0 : i32
        %dma_start3A_520 = tpu.memref_slice %arg2[%add3A_511, %dma_start3A_519] : memref<8192x4096xf32, #tpu.memory_space<hbm>> -> memref<1x4096xf32, #tpu.memory_space<hbm>>
        %dma_start3A_521 = tpu.memref_squeeze %dma_start3A_520 : memref<1x4096xf32, #tpu.memory_space<hbm>> -> memref<4096xf32, #tpu.memory_space<hbm>>
        tpu.enqueue_dma source(%dma_start3A_521 : memref<4096xf32, #tpu.memory_space<hbm>>) target(%dma_start3A_518 : memref<4096xf32, #tpu.memory_space<vmem>>) target_semaphore(%arg10 : memref<!tpu.dma_semaphore, #tpu.memory_space<semaphore_mem>>)
        %add3A_522 = arith.constant 2 : i32
        %add3A_523 = arith.addi %add3A_497, %add3A_522 : i32
        %dma_start3A_524 = arith.constant 8192 : i32
        %dma_start3A_525 = tpu.memref_slice %arg6[%dma_start3A_524] : memref<32768xf32, #tpu.memory_space<vmem>> -> memref<4096xf32, #tpu.memory_space<vmem>>
        %dma_start3A_526 = arith.constant 0 : i32
        %dma_start3A_527 = tpu.memref_slice %arg2[%add3A_523, %dma_start3A_526] : memref<8192x4096xf32, #tpu.memory_space<hbm>> -> memref<1x4096xf32, #tpu.memory_space<hbm>>
        %dma_start3A_528 = tpu.memref_squeeze %dma_start3A_527 : memref<1x4096xf32, #tpu.memory_space<hbm>> -> memref<4096xf32, #tpu.memory_space<hbm>>
        %dma_start3A_529 = arith.constant 8192 : i32
        %dma_start3A_530 = tpu.memref_slice %arg6[%dma_start3A_529] : memref<32768xf32, #tpu.memory_space<vmem>> -> memref<4096xf32, #tpu.memory_space<vmem>>
        %dma_start3A_531 = arith.constant 0 : i32
        %dma_start3A_532 = tpu.memref_slice %arg2[%add3A_523, %dma_start3A_531] : memref<8192x4096xf32, #tpu.memory_space<hbm>> -> memref<1x4096xf32, #tpu.memory_space<hbm>>
        %dma_start3A_533 = tpu.memref_squeeze %dma_start3A_532 : memref<1x4096xf32, #tpu.memory_space<hbm>> -> memref<4096xf32, #tpu.memory_space<hbm>>
        tpu.enqueue_dma source(%dma_start3A_533 : memref<4096xf32, #tpu.memory_space<hbm>>) target(%dma_start3A_530 : memref<4096xf32, #tpu.memory_space<vmem>>) target_semaphore(%arg10 : memref<!tpu.dma_semaphore, #tpu.memory_space<semaphore_mem>>)
        %add3A_534 = arith.constant 3 : i32
        %add3A_535 = arith.addi %add3A_497, %add3A_534 : i32
        %dma_start3A_536 = arith.constant 12288 : i32
        %dma_start3A_537 = tpu.memref_slice %arg6[%dma_start3A_536] : memref<32768xf32, #tpu.memory_space<vmem>> -> memref<4096xf32, #tpu.memory_space<vmem>>
        %dma_start3A_538 = arith.constant 0 : i32
        %dma_start3A_539 = tpu.memref_slice %arg2[%add3A_535, %dma_start3A_538] : memref<8192x4096xf32, #tpu.memory_space<hbm>> -> memref<1x4096xf32, #tpu.memory_space<hbm>>
        %dma_start3A_540 = tpu.memref_squeeze %dma_start3A_539 : memref<1x4096xf32, #tpu.memory_space<hbm>> -> memref<4096xf32, #tpu.memory_space<hbm>>
        %dma_start3A_541 = arith.constant 12288 : i32
        %dma_start3A_542 = tpu.memref_slice %arg6[%dma_start3A_541] : memref<32768xf32, #tpu.memory_space<vmem>> -> memref<4096xf32, #tpu.memory_space<vmem>>
        %dma_start3A_543 = arith.constant 0 : i32
        %dma_start3A_544 = tpu.memref_slice %arg2[%add3A_535, %dma_start3A_543] : memref<8192x4096xf32, #tpu.memory_space<hbm>> -> memref<1x4096xf32, #tpu.memory_space<hbm>>
        %dma_start3A_545 = tpu.memref_squeeze %dma_start3A_544 : memref<1x4096xf32, #tpu.memory_space<hbm>> -> memref<4096xf32, #tpu.memory_space<hbm>>
        tpu.enqueue_dma source(%dma_start3A_545 : memref<4096xf32, #tpu.memory_space<hbm>>) target(%dma_start3A_542 : memref<4096xf32, #tpu.memory_space<vmem>>) target_semaphore(%arg10 : memref<!tpu.dma_semaphore, #tpu.memory_space<semaphore_mem>>)
        %add3A_546 = arith.constant 4 : i32
        %add3A_547 = arith.addi %add3A_497, %add3A_546 : i32
        %dma_start3A_548 = arith.constant 16384 : i32
        %dma_start3A_549 = tpu.memref_slice %arg6[%dma_start3A_548] : memref<32768xf32, #tpu.memory_space<vmem>> -> memref<4096xf32, #tpu.memory_space<vmem>>
        %dma_start3A_550 = arith.constant 0 : i32
        %dma_start3A_551 = tpu.memref_slice %arg2[%add3A_547, %dma_start3A_550] : memref<8192x4096xf32, #tpu.memory_space<hbm>> -> memref<1x4096xf32, #tpu.memory_space<hbm>>
        %dma_start3A_552 = tpu.memref_squeeze %dma_start3A_551 : memref<1x4096xf32, #tpu.memory_space<hbm>> -> memref<4096xf32, #tpu.memory_space<hbm>>
        %dma_start3A_553 = arith.constant 16384 : i32
        %dma_start3A_554 = tpu.memref_slice %arg6[%dma_start3A_553] : memref<32768xf32, #tpu.memory_space<vmem>> -> memref<4096xf32, #tpu.memory_space<vmem>>
        %dma_start3A_555 = arith.constant 0 : i32
        %dma_start3A_556 = tpu.memref_slice %arg2[%add3A_547, %dma_start3A_555] : memref<8192x4096xf32, #tpu.memory_space<hbm>> -> memref<1x4096xf32, #tpu.memory_space<hbm>>
        %dma_start3A_557 = tpu.memref_squeeze %dma_start3A_556 : memref<1x4096xf32, #tpu.memory_space<hbm>> -> memref<4096xf32, #tpu.memory_space<hbm>>
        tpu.enqueue_dma source(%dma_start3A_557 : memref<4096xf32, #tpu.memory_space<hbm>>) target(%dma_start3A_554 : memref<4096xf32, #tpu.memory_space<vmem>>) target_semaphore(%arg10 : memref<!tpu.dma_semaphore, #tpu.memory_space<semaphore_mem>>)
        %add3A_558 = arith.constant 5 : i32
        %add3A_559 = arith.addi %add3A_497, %add3A_558 : i32
        %dma_start3A_560 = arith.constant 20480 : i32
        %dma_start3A_561 = tpu.memref_slice %arg6[%dma_start3A_560] : memref<32768xf32, #tpu.memory_space<vmem>> -> memref<4096xf32, #tpu.memory_space<vmem>>
        %dma_start3A_562 = arith.constant 0 : i32
        %dma_start3A_563 = tpu.memref_slice %arg2[%add3A_559, %dma_start3A_562] : memref<8192x4096xf32, #tpu.memory_space<hbm>> -> memref<1x4096xf32, #tpu.memory_space<hbm>>
        %dma_start3A_564 = tpu.memref_squeeze %dma_start3A_563 : memref<1x4096xf32, #tpu.memory_space<hbm>> -> memref<4096xf32, #tpu.memory_space<hbm>>
        %dma_start3A_565 = arith.constant 20480 : i32
        %dma_start3A_566 = tpu.memref_slice %arg6[%dma_start3A_565] : memref<32768xf32, #tpu.memory_space<vmem>> -> memref<4096xf32, #tpu.memory_space<vmem>>
        %dma_start3A_567 = arith.constant 0 : i32
        %dma_start3A_568 = tpu.memref_slice %arg2[%add3A_559, %dma_start3A_567] : memref<8192x4096xf32, #tpu.memory_space<hbm>> -> memref<1x4096xf32, #tpu.memory_space<hbm>>
        %dma_start3A_569 = tpu.memref_squeeze %dma_start3A_568 : memref<1x4096xf32, #tpu.memory_space<hbm>> -> memref<4096xf32, #tpu.memory_space<hbm>>
        tpu.enqueue_dma source(%dma_start3A_569 : memref<4096xf32, #tpu.memory_space<hbm>>) target(%dma_start3A_566 : memref<4096xf32, #tpu.memory_space<vmem>>) target_semaphore(%arg10 : memref<!tpu.dma_semaphore, #tpu.memory_space<semaphore_mem>>)
        %add3A_570 = arith.constant 6 : i32
        %add3A_571 = arith.addi %add3A_497, %add3A_570 : i32
        %dma_start3A_572 = arith.constant 24576 : i32
        %dma_start3A_573 = tpu.memref_slice %arg6[%dma_start3A_572] : memref<32768xf32, #tpu.memory_space<vmem>> -> memref<4096xf32, #tpu.memory_space<vmem>>
        %dma_start3A_574 = arith.constant 0 : i32
        %dma_start3A_575 = tpu.memref_slice %arg2[%add3A_571, %dma_start3A_574] : memref<8192x4096xf32, #tpu.memory_space<hbm>> -> memref<1x4096xf32, #tpu.memory_space<hbm>>
        %dma_start3A_576 = tpu.memref_squeeze %dma_start3A_575 : memref<1x4096xf32, #tpu.memory_space<hbm>> -> memref<4096xf32, #tpu.memory_space<hbm>>
        %dma_start3A_577 = arith.constant 24576 : i32
        %dma_start3A_578 = tpu.memref_slice %arg6[%dma_start3A_577] : memref<32768xf32, #tpu.memory_space<vmem>> -> memref<4096xf32, #tpu.memory_space<vmem>>
        %dma_start3A_579 = arith.constant 0 : i32
        %dma_start3A_580 = tpu.memref_slice %arg2[%add3A_571, %dma_start3A_579] : memref<8192x4096xf32, #tpu.memory_space<hbm>> -> memref<1x4096xf32, #tpu.memory_space<hbm>>
        %dma_start3A_581 = tpu.memref_squeeze %dma_start3A_580 : memref<1x4096xf32, #tpu.memory_space<hbm>> -> memref<4096xf32, #tpu.memory_space<hbm>>
        tpu.enqueue_dma source(%dma_start3A_581 : memref<4096xf32, #tpu.memory_space<hbm>>) target(%dma_start3A_578 : memref<4096xf32, #tpu.memory_space<vmem>>) target_semaphore(%arg10 : memref<!tpu.dma_semaphore, #tpu.memory_space<semaphore_mem>>)
        %add3A_582 = arith.constant 7 : i32
        %add3A_583 = arith.addi %add3A_497, %add3A_582 : i32
        %dma_start3A_584 = arith.constant 28672 : i32
        %dma_start3A_585 = tpu.memref_slice %arg6[%dma_start3A_584] : memref<32768xf32, #tpu.memory_space<vmem>> -> memref<4096xf32, #tpu.memory_space<vmem>>
        %dma_start3A_586 = arith.constant 0 : i32
        %dma_start3A_587 = tpu.memref_slice %arg2[%add3A_583, %dma_start3A_586] : memref<8192x4096xf32, #tpu.memory_space<hbm>> -> memref<1x4096xf32, #tpu.memory_space<hbm>>
        %dma_start3A_588 = tpu.memref_squeeze %dma_start3A_587 : memref<1x4096xf32, #tpu.memory_space<hbm>> -> memref<4096xf32, #tpu.memory_space<hbm>>
        %dma_start3A_589 = arith.constant 28672 : i32
        %dma_start3A_590 = tpu.memref_slice %arg6[%dma_start3A_589] : memref<32768xf32, #tpu.memory_space<vmem>> -> memref<4096xf32, #tpu.memory_space<vmem>>
        %dma_start3A_591 = arith.constant 0 : i32
        %dma_start3A_592 = tpu.memref_slice %arg2[%add3A_583, %dma_start3A_591] : memref<8192x4096xf32, #tpu.memory_space<hbm>> -> memref<1x4096xf32, #tpu.memory_space<hbm>>
        %dma_start3A_593 = tpu.memref_squeeze %dma_start3A_592 : memref<1x4096xf32, #tpu.memory_space<hbm>> -> memref<4096xf32, #tpu.memory_space<hbm>>
        tpu.enqueue_dma source(%dma_start3A_593 : memref<4096xf32, #tpu.memory_space<hbm>>) target(%dma_start3A_590 : memref<4096xf32, #tpu.memory_space<vmem>>) target_semaphore(%arg10 : memref<!tpu.dma_semaphore, #tpu.memory_space<semaphore_mem>>)
      } else {
      }
      scf.yield %scan3A_487#0, %scan3A_487#1, %scan3A_487#2, %scan3A_487#3, %scan3A_487#4, %scan3A_487#5, %scan3A_487#6, %scan3A_487#7, %scan3A_487#8, %scan3A_487#9, %scan3A_487#10, %scan3A_487#11, %scan3A_487#12, %scan3A_487#13, %scan3A_487#14, %scan3A_487#15 : vector<16xf32>, vector<16xf32>, vector<16xf32>, vector<16xf32>, vector<16xf32>, vector<16xf32>, vector<16xf32>, vector<16xf32>, vector<16xf32>, vector<16xf32>, vector<16xf32>, vector<16xf32>, vector<16xf32>, vector<16xf32>, vector<16xf32>, vector<16xf32>
    }
    %scan3A_231 = arith.constant 16 : i32
    %min3A = arith.minimumf %scan3A_230#0, %scan3A_230#1 : vector<16xf32>
    %max3A = arith.maximumf %scan3A_230#8, %scan3A_230#9 : vector<16xf32>
    %min3A_232 = arith.minimumf %min3A, %scan3A_230#2 : vector<16xf32>
    %max3A_233 = arith.maximumf %max3A, %scan3A_230#10 : vector<16xf32>
    %min3A_234 = arith.minimumf %min3A_232, %scan3A_230#3 : vector<16xf32>
    %max3A_235 = arith.maximumf %max3A_233, %scan3A_230#11 : vector<16xf32>
    %min3A_236 = arith.minimumf %min3A_234, %scan3A_230#4 : vector<16xf32>
    %max3A_237 = arith.maximumf %max3A_235, %scan3A_230#12 : vector<16xf32>
    %min3A_238 = arith.minimumf %min3A_236, %scan3A_230#5 : vector<16xf32>
    %max3A_239 = arith.maximumf %max3A_237, %scan3A_230#13 : vector<16xf32>
    %min3A_240 = arith.minimumf %min3A_238, %scan3A_230#6 : vector<16xf32>
    %max3A_241 = arith.maximumf %max3A_239, %scan3A_230#14 : vector<16xf32>
    %min3A_242 = arith.minimumf %min3A_240, %scan3A_230#7 : vector<16xf32>
    %max3A_243 = arith.maximumf %max3A_241, %scan3A_230#15 : vector<16xf32>
    %swap3A = arith.constant 0 : index
    %swap3A_244 = tpu.vector_load %arg7[%swap3A] {strides = array<i32>} : memref<16xf32, #tpu.memory_space<vmem>>, vector<16xf32>,
    tpu.vector_store %arg7[%swap3A], %min3A_242 {strides = array<i32>} : memref<16xf32, #tpu.memory_space<vmem>>, vector<16xf32>,
    %swap3A_245 = arith.constant 0 : index
    %swap3A_246 = tpu.vector_load %arg8[%swap3A_245] {strides = array<i32>} : memref<16xf32, #tpu.memory_space<vmem>>, vector<16xf32>,
    tpu.vector_store %arg8[%swap3A_245], %max3A_243 {strides = array<i32>} : memref<16xf32, #tpu.memory_space<vmem>>, vector<16xf32>,
    %mul3A_247 = arith.constant 16 : i32
    %mul3A_248 = arith.muli %add3A, %mul3A_247 : i32
    "tpu.region"() ({
      %run_scoped3A = tpu.sem_alloc : memref<!tpu.dma_semaphore, #tpu.memory_space<semaphore_mem>>
      %dma_start3A_251 = tpu.memref_slice %arg3[%mul3A_248] : memref<512xf32, #tpu.memory_space<hbm>> -> memref<16xf32, #tpu.memory_space<hbm>>
      %dma_start3A_252 = tpu.memref_slice %arg3[%mul3A_248] : memref<512xf32, #tpu.memory_space<hbm>> -> memref<16xf32, #tpu.memory_space<hbm>>
      tpu.enqueue_dma source(%arg7 : memref<16xf32, #tpu.memory_space<vmem>>) target(%dma_start3A_252 : memref<16xf32, #tpu.memory_space<hbm>>) target_semaphore(%run_scoped3A : memref<!tpu.dma_semaphore, #tpu.memory_space<semaphore_mem>>)
      %dma_wait3A = tpu.memref_slice %arg3[%mul3A_248] : memref<512xf32, #tpu.memory_space<hbm>> -> memref<16xf32, #tpu.memory_space<hbm>>
      %dma_wait3A_253 = tpu.memref_slice %arg3[%mul3A_248] : memref<512xf32, #tpu.memory_space<hbm>> -> memref<16xf32, #tpu.memory_space<hbm>>
      tpu.wait_dma2 semaphore(%run_scoped3A : memref<!tpu.dma_semaphore, #tpu.memory_space<semaphore_mem>>) src(%arg7 : memref<16xf32, #tpu.memory_space<vmem>>) dst(%dma_wait3A_253 : memref<16xf32, #tpu.memory_space<hbm>>)
      tpu.yield
    }) : () -> ()
    %mul3A_249 = arith.constant 16 : i32
    %mul3A_250 = arith.muli %add3A, %mul3A_249 : i32
    "tpu.region"() ({
      %run_scoped3A = tpu.sem_alloc : memref<!tpu.dma_semaphore, #tpu.memory_space<semaphore_mem>>
      %dma_start3A_251 = tpu.memref_slice %arg4[%mul3A_250] : memref<512xf32, #tpu.memory_space<hbm>> -> memref<16xf32, #tpu.memory_space<hbm>>
      %dma_start3A_252 = tpu.memref_slice %arg4[%mul3A_250] : memref<512xf32, #tpu.memory_space<hbm>> -> memref<16xf32, #tpu.memory_space<hbm>>
      tpu.enqueue_dma source(%arg8 : memref<16xf32, #tpu.memory_space<vmem>>) target(%dma_start3A_252 : memref<16xf32, #tpu.memory_space<hbm>>) target_semaphore(%run_scoped3A : memref<!tpu.dma_semaphore, #tpu.memory_space<semaphore_mem>>)
      %dma_wait3A = tpu.memref_slice %arg4[%mul3A_250] : memref<512xf32, #tpu.memory_space<hbm>> -> memref<16xf32, #tpu.memory_space<hbm>>
      %dma_wait3A_253 = tpu.memref_slice %arg4[%mul3A_250] : memref<512xf32, #tpu.memory_space<hbm>> -> memref<16xf32, #tpu.memory_space<hbm>>
      tpu.wait_dma2 semaphore(%run_scoped3A : memref<!tpu.dma_semaphore, #tpu.memory_space<semaphore_mem>>) src(%arg8 : memref<16xf32, #tpu.memory_space<vmem>>) dst(%dma_wait3A_253 : memref<16xf32, #tpu.memory_space<hbm>>)
      tpu.yield
    }) : () -> ()
    return
  }
}

</mosaic_0001>

<sc_bundles>
// kernel: kernel.4.cloned.1.call-start
scs
__scs_entry_jumppad:
0x0: {  	(pc) =	sbr.rel $0x88, $3  }
0x1: {  	(tag) =	ssettag $0x0;
	lr =	simm.s32 $0x1  }
0x2: {  	[smem:$0x3FA0] =	sst lr;
	_ =	strace $0xD0000000  }
0x3: {  	_ = 	snop  }
0x4: {  	_ = 	snop  }
0x5: {  	_ = 	snop  }
0x6: {  	_ = 	snop  }
0x7: {  	_ = 	snop  }
__scs_overlays_trampoline_lowered:
0x8: {  	[smem:$0x3FAF] =	sst s0  }
0x9: {  	[smem:$0x3FB0] =	sst s1  }
0xa: {  	[smem:$0x3FB1] =	sst s2  }
0xb: {  	[smem:$0x3FB2] =	sst s3  }
0xc: {  	[smem:$0x3FB3] =	sst s4  }
0xd: {  	[smem:$0x3FB4] =	sst s5  }
0xe: {  	[smem:$0x3FB5] =	sst s6  }
0xf: {  	[smem:$0x3FB6] =	sst s7  }
0x10: {  	[smem:$0x3FB7] =	sst s8  }
0x11: {  	[smem:$0x3FB8] =	sst s9;
	s0 =	simm.s32 @!p0 $0x0  }
0x12: {  	s1 =	sld [smem:$0x3F9E];
	s0 =	simm.s32 @p0 $0x1  }
0x13: {  	[smem:$0x3FB9] =	sst s0;
	s0 =	simm.s32 @!p1 $0x0  }
0x14: {  	s2 =	sld [smem:$0x3F9D];
	s0 =	simm.s32 @p1 $0x1  }
0x15: {  	[smem:$0x3FBA] =	sst s0;
	s0 =	simm.s32 @!p2 $0x0  }
0x16: {  	s3 =	sld [smem:$0x3FDB];
	s0 =	simm.s32 @p2 $0x1  }
0x17: {  	s4 =	simm.s32 $0x1BF5;
	[smem:$0x3FBC] =	sst s0  }
0x18: {  	s0 =	sld [smem:$0x3F9F];
	_ =	swait.ge [sflag:s4], $0x0  }
0x19: {  	s7 =	sld [smem:$0x3FA0]  }
0x1a: {  	s8 =	sadd.s32 $0xFFFFE003, lr  }
0x1b: {  	s9 =	sadd.s32 $0xFFFFFEF7, lr;
	s5 =	simm.s32 $0xFFFFFFFF;
	p2 =	slt.u32 s8, $0xFFFFF086  }
0x1c: {  	p1 =	slt.u32 s9, $0xF7A;
	s5 =	simm.s32 @!p2 $0x0  }
0x1d: {  	s5 =	simm.s32 @p1 $0x1;
	p0 =	seq.s32 s7, s2  }
0x1e: {  	s7 =	smul.u32 @!p0 $0xF7A, s2;
	p2 =	seq.s32 @!p0 s5, $0x0  }
0x1f: {  	s9 =	smul.u32 $0xF7A, s1;
	s8 =	simm.s32 @!p0 $0x1BF5;
	p2 =	por !p2, p0  }
0x20: {  	[sflag:s8] =	ssyncset.s32 @!p0 $0xFFFFF086;
	s6 =	sadd.s32 @!p0 s3, s7;
	s7 =	simm.s32 @!p0 $0x108  }
0x21: {  	s3 =	sadd.s32 s3, s9;
	s6 =	sadd.s32 @!p0 $0x88, s6;
	s7 =	simm.s32 @p2 $0x1082  }
0x22: {  	[simem:s7], [sflag:s8] =	dma.local @!p0 [hbm:s6], $0xF7A  }
0x23: {  	s9 =	sor.u32 $0xD0000000, s2;
	s6 =	simm.s32 $0x108;
	_ =	swait.ge @!p0 [sflag:s8], $0x0  }
0x24: {  	s3 =	sadd.s32 $0x88, s3;
	s6 =	simm.s32 @!p1 $0x1082;
	[sflag:s4] =	ssyncset.s32 $0xFFFFF086  }
0x25: {  	[simem:s6], [sflag:s4] =	dma.local [hbm:s3], $0xF7A  }
0x26: {  	[smem:$0x3FA0] =	sst s1;
	(tag) =	ssettag s2;
	_ =	strace s9  }
0x27: {  	s1 =	sld [smem:$0x3FB0]  }
0x28: {  	s2 =	sld [smem:$0x3FB1]  }
0x29: {  	s4 =	sld [smem:$0x3FB3]  }
0x2a: {  	p0 =	seq.s32 s5, $0x0;
	s5 =	sld [smem:$0x3FB4]  }
0x2b: {  	s6 =	sld [smem:$0x3FB5]  }
0x2c: {  	s7 =	sld [smem:$0x3FB6]  }
0x2d: {  	s3 =	simm.s32 $0x108;
	s8 =	sld [smem:$0x3FB7]  }
0x2e: {  	s3 =	simm.s32 @!p0 $0x1082;
	s9 =	sld [smem:$0x3FB8]  }
0x2f: {  	lr =	sadd.s32 s0, s3;
	s0 =	sld [smem:$0x3FAF]  }
0x30: {  	s3 =	sld [smem:$0x3FB2]  }
0x31: {  	[smem:$0x3FBB] =	sst s10  }
0x32: {  	s10 =	sld [smem:$0x3FB9];
	_ =	sdelay $0x3  }
0x33: {  	p0 =	seq.s32 s10, $0x1;
	s10 =	sld [smem:$0x3FBB];
	_ =	sdelay $0x3  }
0x34: {  	[smem:$0x3FBB] =	sst s10  }
0x35: {  	s10 =	sld [smem:$0x3FBA];
	_ =	sdelay $0x3  }
0x36: {  	p1 =	seq.s32 s10, $0x1;
	s10 =	sld [smem:$0x3FBB];
	_ =	sdelay $0x3  }
0x37: {  	[smem:$0x3FBB] =	sst s10  }
0x38: {  	s10 =	sld [smem:$0x3FBC]  }
0x39: {  	_ = 	snop;
	(pc) =	sbr.ind lr, $3  }
0x3a: {  	_ = 	snop  }
0x3b: {  	_ = 	snop  }
0x3c: {  	p2 =	seq.s32 s10, $0x1;
	s10 =	sld [smem:$0x3FBB]  }
0x3d: {  	_ =	shalt  }
0x3e: {  	_ =	shalt  }
0x3f: {  	_ =	shalt  }
0x40: {  	_ =	shalt  }
0x41: {  	_ =	shalt  }
0x42: {  	_ =	shalt  }
0x43: {  	_ =	shalt  }
0x44: {  	_ =	shalt  }
0x45: {  	_ =	shalt  }
0x46: {  	_ =	shalt  }
0x47: {  	_ =	shalt  }
0x48: {  	_ =	shalt  }
0x49: {  	_ =	shalt  }
0x4a: {  	_ =	shalt  }
0x4b: {  	_ =	shalt  }
0x4c: {  	_ =	shalt  }
0x4d: {  	_ =	shalt  }
0x4e: {  	_ =	shalt  }
0x4f: {  	_ =	shalt  }
0x50: {  	_ =	shalt  }
0x51: {  	_ =	shalt  }
0x52: {  	_ =	shalt  }
0x53: {  	_ =	shalt  }
0x54: {  	_ =	shalt  }
0x55: {  	_ =	shalt  }
0x56: {  	_ =	shalt  }
0x57: {  	_ =	shalt  }
0x58: {  	_ =	shalt  }
0x59: {  	_ =	shalt  }
0x5a: {  	_ =	shalt  }
0x5b: {  	_ =	shalt  }
0x5c: {  	_ =	shalt  }
0x5d: {  	_ =	shalt  }
0x5e: {  	_ =	shalt  }
0x5f: {  	_ =	shalt  }
0x60: {  	_ =	shalt  }
0x61: {  	_ =	shalt  }
0x62: {  	_ =	shalt  }
0x63: {  	_ =	shalt  }
0x64: {  	_ =	shalt  }
0x65: {  	_ =	shalt  }
0x66: {  	_ =	shalt  }
0x67: {  	_ =	shalt  }
0x68: {  	_ =	shalt  }
0x69: {  	_ =	shalt  }
0x6a: {  	_ =	shalt  }
0x6b: {  	_ =	shalt  }
0x6c: {  	_ =	shalt  }
0x6d: {  	_ =	shalt  }
0x6e: {  	_ =	shalt  }
0x6f: {  	_ =	shalt  }
0x70: {  	_ =	shalt  }
0x71: {  	_ =	shalt  }
0x72: {  	_ =	shalt  }
0x73: {  	_ =	shalt  }
0x74: {  	_ =	shalt  }
0x75: {  	_ =	shalt  }
0x76: {  	_ =	shalt  }
0x77: {  	_ =	shalt  }
0x78: {  	_ =	shalt  }
0x79: {  	_ =	shalt  }
0x7a: {  	_ =	shalt  }
0x7b: {  	_ =	shalt  }
0x7c: {  	_ =	shalt  }
0x7d: {  	_ =	shalt  }
0x7e: {  	_ =	shalt  }
0x7f: {  	_ =	shalt  }
0x80: {  	_ =	shalt  }
0x81: {  	_ =	shalt  }
0x82: {  	_ =	shalt  }
0x83: {  	_ =	shalt  }
0x84: {  	_ =	shalt  }
0x85: {  	_ =	shalt  }
0x86: {  	_ =	shalt  }
0x87: {  	_ =	shalt  }
.Lfunc_end0:
.L_simem_size_0:
called_computation_lowered:
.L_overlay_start_0:
0x88: {  	s2 =	sld [smem:$0x3FD9]  }
0x89: {  	s3 =	sld [smem:$0x3FFE];
	_ =	sdelay $0x1  }
0x8a: {  	s1 =	srdreg.scid  }
0x8b: {  	s0 =	sand.u32 $0x1, s1  }
0x8c: {  	s17 =	sshll.u32 s0, $0xA;
	s2 =	sadd.s32 s3, s2  }
0x8d: {  	s2 =	sadd.s32 s2, s17  }
0x8e: {  	[smem:$0x3FC7] =	sst s2  }
0x8f: {  	_ = 	snop  }
0x90: {  	s2 =	sld [smem:$0x3FC9];
	(tm) =	ssettm $0x1  }
0x91: {  	s18 =	sld [smem:$0x3FFB];
	_ =	sdelay $0x3  }
0x92: {  	_ =	strace s18  }
0x93: {  	s3 =	sld [smem:$0x3FFC];
	_ =	sdelay $0x3  }
0x94: {  	_ =	strace s3  }
0x95: {  	s3 =	sld [smem:$0x3FFD];
	_ =	sdelay $0x3  }
0x96: {  	_ =	strace s3  }
0x97: {  	_ =	strace $0x8FFFFFFF  }
0x98: {  	s19 =	sld [smem:$0x3FDB];
	_ =	sdelay $0x1  }
0x99: {  	s4 =	simm.s32 $_scs_section_size  }
0x9a: {  	s5 =	simm.s32 $_size__tile_overlayer_lowered;
	s6 =	simm.s32 $_tile_overlayer_lowered  }
0x9b: {  	s22 =	simm.s32 $0x1BFF;
	s21 =	sshll.u32 s6, $0x1;
	s3 =	sadd.s32 s4, s19  }
0x9c: {  	s7 =	simm.s32 $0x0;
	s20 =	sshll.u32 s5, $0x1;
	s5 =	sadd.s32 s21, s3  }
0x9d: {  	[timem:s7], [sflag:s22] =	dma.local [hbm:s5], s20  }
0x9e: {  	_ =	swait.ge [sflag:s22], s20  }
0x9f: {  	s4 =	ssub.s32 $0x0, s20;
	[sflag:s22] =	ssyncset.done $0x0  }
0xa0: {  	[sflag:s22] =	ssyncadd.s32 s4;
	_ =	sdelay $0x1  }
0xa1: {  	s23 =	simm.s32 $0x1B8B  }
0xa2: {  	_ =	swait.ge [sflag:s23], $0x1  }
0xa3: {  	[sflag:s23] =	ssyncset.done $0x0  }
0xa4: {  	s25 =	simm.s32 $0x1B8E;
	s24 =	sld [smem:$0x3FFE];
	[sflag:s23] =	ssyncadd.s32 $0xFFFFFFFF  }
0xa5: {  	s26 =	simm.s32 $execute0_lowered;
	[smem:$0x3FD2] =	sst s25  }
0xa6: {  	s5 =	sshll.u32 s26, $0x1;
	_ =	strace $0x80000046;
	[dreg:$0x1] =	wrdreg $0xFFFFFFFF  }
0xa7: {  	s28 =	simm.s32 $_size_execute0_lowered;
	s3 =	sadd.s32 s3, s5;
	[dreg:$0x0] =	wrdreg $0x0  }
0xa8: {  	s5 =	sshll.u32 s28, $0x1;
	[dreg:$0x2] =	wrdreg s3  }
0xa9: {  	[dreg:$0x3] =	wrdreg s5  }
0xaa: {  	[dreg:$0x4] =	wrdreg $0xC0  }
0xab: {  	_ =	task [dreg:s7], $0x5FFFF  }
0xac: {  	[dreg:$0x1] =	wrdreg $0xFFFFFFFF  }
0xad: {  	[dreg:$0x0] =	wrdreg $0x60  }
0xae: {  	[dreg:$0x2] =	wrdreg s2  }
0xaf: {  	[dreg:$0x3] =	wrdreg s24  }
0xb0: {  	[dreg:$0x4] =	wrdreg $0x9  }
0xb1: {  	_ =	task.clear_ibuf [dreg:s7], $0x5FFFF;
	_ =	strace $0x90000046  }
0xb2: {  	s29 =	simm.s32 $0x9;
	_ =	strace $0x80000048  }
0xb3: {  	_ =	swait.ge [sflag:s29], $0x1  }
0xb4: {  	[sflag:s29] =	ssyncadd.s32 $0xFFFFFFFF  }
0xb5: {  	_ =	strace $0x90000048  }
0xb6: {  	_ =	sfence  }
0xb7: {  	s30 =	sld [smem:$0x0];
	_ =	sdelay $0x2  }
0xb8: {  	s31 =	sshll.u32 s1, $0xD;
	s1 =	sshrl.u32 s1, $0x2  }
0xb9: {  	s3 =	sand.u32 $0x4000, s31;
	s1 =	sadd.s32 s1, s30  }
0xba: {  	s0 =	sor.u32 s3, s0;
	s1 =	sshll.u32 s1, $0x11  }
0xbb: {  	s0 =	sor.u32 s1, s0  }
0xbc: {  	s0 =	sadd.s32 $0x8F2B, s0  }
0xbd: {  	[sflag:s0] =	ssyncadd.remote.s32 $0x1  }
0xbe: {  	_ =	sfence.sel $0xFFFF  }
0xbf: {  	[dreg:$0x0] =	wrdreg $0xFFFFFFFF;
	(pc) =	sbr.abs _section_cstart, $3  }
0xc0: {  	[dreg:$0x1] =	wrdreg $0xFFFFFFFF  }
0xc1: {  	_ =	task.clear_ibuf [dreg:s7], $0x2FFFF;
	_ =	strace $0x9FFFFFFF  }
0xc2: {  	(tm) =	ssettm $0x7FFFFFFF  }
0xc3: {  	_ =	shalt  }
tec
execute0_lowered:
.L_overlay_start_1:
0x0: {  	(tag) =	ssettag $0x1  }
0x1: {  	s3 =	srdreg.scid;
	s2 =	stileid.u32  }
0x2: {  	s0 =	rddreg [dreg:$0x0];
	s3 =	sand.u32 $0x1, s3;
	s4 =	sshll.u32 s2, $0x1  }
0x3: {  	s1 =	rddreg [dreg:$0x1];
	s25 =	simm.s32 $0x0;
	s4 =	sor.u32 s3, s4  }
0x4: {  	[smem:$0x7FF] =	sst s25;
	s28 =	sshll.u32 s4, $0x11  }
0x5: {  	_ =	strace $0x80000047;
	s6 =	ssub.s32 $0x2, s3;
	s3 =	sadd.s32 s0, s28  }
0x6: {  	s5 =	sshll.u32 s4, $0x1;
	s29 =	sshrl.u32 s6, $0x1;
	s30 =	sadd.s32 $0x10, s3  }
0x7: {  	s1 =	sadd.s32 s5, s1;
	s31 =	sadd.s32 $0x20, s3;
	[dreg:$0x3] =	wrdreg s30  }
0x8: {  	s5 =	ssub.s32 s6, s29;
	s6 =	sadd.s32 $0x30, s3;
	[dreg:$0x4] =	wrdreg s31  }
0x9: {  	s7 =	sadd.s32 $0x40, s3;
	[dreg:$0x5] =	wrdreg s6  }
0xa: {  	s8 =	sadd.s32 $0x50, s3;
	[dreg:$0x6] =	wrdreg s7  }
0xb: {  	s15 =	sadd.s32 $0x2000, s0;
	s9 =	sadd.s32 $0x60, s3;
	[dreg:$0x7] =	wrdreg s8  }
0xc: {  	s16 =	sadd.s32 $0x2010, s0;
	s10 =	sadd.s32 $0x70, s3;
	[dreg:$0x8] =	wrdreg s9  }
0xd: {  	s17 =	sadd.s32 $0x2020, s0;
	s11 =	sadd.s32 $0x1000, s3;
	[dreg:$0x9] =	wrdreg s10  }
0xe: {  	s18 =	sadd.s32 $0x2030, s0;
	s12 =	sadd.s32 $0x1010, s3;
	[dreg:$0xa] =	wrdreg s11  }
0xf: {  	s19 =	sadd.s32 $0x2040, s0;
	s13 =	sadd.s32 $0x1020, s3;
	[dreg:$0xb] =	wrdreg s12  }
0x10: {  	s20 =	sadd.s32 $0x2050, s0;
	s14 =	sadd.s32 $0xC00, s1;
	[dreg:$0xc] =	wrdreg s13  }
0x11: {  	s21 =	sadd.s32 $0x2060, s0;
	s23 =	sadd.s32 $0xE00, s1;
	[dreg:$0xd] =	wrdreg s14  }
0x12: {  	s22 =	sadd.s32 $0x2070, s0;
	s24 =	smax.u32 s5, $0x1;
	[dreg:$0xe] =	wrdreg s23  }
0x13: {  	s4 =	sshll.u32 s4, $0x8;
	s26 =	sadd.s32 $0x1030, s3;
	[dreg:$0xf] =	wrdreg s24  }
0x14: {  	s0 =	simm.s32 $0x80;
	s28 =	sadd.s32 $0x1040, s3;
	[dreg:$0x10] =	wrdreg s26  }
0x15: {  	s29 =	sadd.s32 $0x1050, s3;
	s1 =	simm.s32 $0x400;
	[dreg:$0x11] =	wrdreg s28  }
0x16: {  	s5 =	simm.s32 $0x8000;
	[dreg:$0x12] =	wrdreg s29;
	s30 =	sadd.s32 $0x1060, s3  }
.Ltmp0:
0x17: {  	s31 =	sadd.s32 $0x1070, s3;
	s6 =	simm.s32 $0x9000;
	(pc) =	sbr.rel .LBB2_1-.Ltmp0, $4  }
0x18: {  	s7 =	simm.s32 $0xA000;
	s8 =	simm.s32 $0xB000;
	s9 =	simm.s32 $0xC000  }
0x19: {  	s10 =	simm.s32 $0xD000;
	s11 =	simm.s32 $0xE000;
	s12 =	simm.s32 $0xF000  }
0x1a: {  	s13 =	simm.s32 $0x1;
	s14 =	simm.s32 $0x2;
	[dreg:$0x13] =	wrdreg s30  }
0x1b: {  	s23 =	simm.s32 $0x3;
	s24 =	simm.s32 $0x0;
	[dreg:$0x14] =	wrdreg s31  }
.LBB2_8:
0x1c: {  	v12 =	vmin.f32 v18, v14  }
0x1d: {  	v13 =	vmax.f32 v13, v15;
	v9 =	vmin.f32 v12, v9  }
0x1e: {  	v6 =	vmax.f32 v13, v6;
	v8 =	vmin.f32 v9, v8  }
0x1f: {  	v4 =	vmax.f32 v6, v4;
	v60 =	vmin.f32 v8, v7  }
0x20: {  	v2 =	vmax.f32 v4, v2;
	v61 =	vmin.f32 v60, v5  }
0x21: {  	v1 =	vmax.f32 v2, v1;
	v62 =	vmin.f32 v61, v3  }
0x22: {  	v0 =	vmax.f32 v1, v0;
	v63 =	vmin.f32 v62, v10  }
0x23: {  	v0 =	vmax.f32 v0, v11;
	[tilespmem:$0x10000] =	vst v63  }
0x24: {  	s25 =	simm.s32 $0x0;
	s2 =	rddreg [dreg:$0xd];
	s26 =	simm.s32 $0x10000;
	[tilespmem:$0x10080] =	vst v0  }
0x25: {  	[hbm4b:s2+s25] =	stream.linear.scatter [tilespmem:s26], [sflag:$0x3], $0x10, $0x38;
	[tilespmem:$0x10100] =	vst v63  }
0x26: {  	_ =	swait.ge [sflag:s23], $0x10  }
0x27: {  	[sflag:s23] =	ssyncset.done $0x0  }
0x28: {  	s30 =	simm.s32 $0x10080;
	s29 =	rddreg [dreg:$0xe];
	[sflag:s23] =	ssyncadd.s32 $0xFFFFFFF0  }
0x29: {  	[hbm4b:s29+s25] =	stream.linear.scatter [tilespmem:s30], [sflag:$0x3], $0x10, $0x38;
	[tilespmem:$0x10100] =	vst v63  }
0x2a: {  	_ =	swait.ge [sflag:s23], $0x10  }
0x2b: {  	s24 =	sadd.s32 $0x1, s24;
	s31 =	rddreg [dreg:$0xf]  }
0x2c: {  	p0 =	sne.s32 s24, s31  }
.Ltmp1:
0x2d: {  	_ = 	snop;
	(pc) =	sbr.rel @!p0 .LBB2_9-.Ltmp1, $3  }
0x2e: {  	_ =	sdelay $0x1  }
0x2f: {  	[sflag:s23] =	ssyncset.done $0x0  }
0x30: {  	[sflag:s23] =	ssyncadd.s32 $0xFFFFFFF0  }
.LBB2_1:
0x31: {  	[tilespmem:s25], [sflag:$0x1] =	stream.strided.gather [hbm4b:s3+s0], $0x1000, s1, s0, $0x38;
	[tilespmem:$0x10100] =	vst v63  }
0x32: {  	s2 =	rddreg [dreg:$0x3];
	s29 =	simm.s32 $0x1000  }
0x33: {  	[tilespmem:s29], [sflag:$0x1] =	stream.strided.gather [hbm4b:s2+s0], $0x1000, s1, s0, $0x38;
	[tilespmem:$0x10100] =	vst v63  }
0x34: {  	s30 =	rddreg [dreg:$0x4];
	s31 =	simm.s32 $0x2000  }
0x35: {  	[tilespmem:s31], [sflag:$0x1] =	stream.strided.gather [hbm4b:s30+s0], $0x1000, s1, s0, $0x38;
	[tilespmem:$0x10100] =	vst v63  }
0x36: {  	s25 =	rddreg [dreg:$0x5];
	s26 =	simm.s32 $0x3000  }
0x37: {  	[tilespmem:s26], [sflag:$0x1] =	stream.strided.gather [hbm4b:s25+s0], $0x1000, s1, s0, $0x38;
	[tilespmem:$0x10100] =	vst v63  }
0x38: {  	s28 =	rddreg [dreg:$0x6];
	s29 =	simm.s32 $0x4000  }
0x39: {  	[tilespmem:s29], [sflag:$0x1] =	stream.strided.gather [hbm4b:s28+s0], $0x1000, s1, s0, $0x38;
	[tilespmem:$0x10100] =	vst v63  }
0x3a: {  	s30 =	rddreg [dreg:$0x7];
	s31 =	simm.s32 $0x5000  }
0x3b: {  	[tilespmem:s31], [sflag:$0x1] =	stream.strided.gather [hbm4b:s30+s0], $0x1000, s1, s0, $0x38;
	[tilespmem:$0x10100] =	vst v63  }
0x3c: {  	s25 =	rddreg [dreg:$0x8];
	s26 =	simm.s32 $0x6000  }
0x3d: {  	[tilespmem:s26], [sflag:$0x1] =	stream.strided.gather [hbm4b:s25+s0], $0x1000, s1, s0, $0x38;
	[tilespmem:$0x10100] =	vst v63  }
0x3e: {  	s28 =	rddreg [dreg:$0x9];
	s29 =	simm.s32 $0x7000  }
0x3f: {  	[tilespmem:s29], [sflag:$0x1] =	stream.strided.gather [hbm4b:s28+s0], $0x1000, s1, s0, $0x38;
	[tilespmem:$0x10100] =	vst v63  }
0x40: {  	s30 =	rddreg [dreg:$0xa]  }
0x41: {  	[tilespmem:s5], [sflag:$0x2] =	stream.strided.gather [hbm4b:s30+s0], $0x1000, s1, s0, $0x38;
	[tilespmem:$0x10100] =	vst v63  }
0x42: {  	s31 =	rddreg [dreg:$0xb]  }
0x43: {  	[tilespmem:s6], [sflag:$0x2] =	stream.strided.gather [hbm4b:s31+s0], $0x1000, s1, s0, $0x38;
	[tilespmem:$0x10100] =	vst v63  }
0x44: {  	s25 =	rddreg [dreg:$0xc]  }
0x45: {  	[tilespmem:s7], [sflag:$0x2] =	stream.strided.gather [hbm4b:s25+s0], $0x1000, s1, s0, $0x38;
	[tilespmem:$0x10100] =	vst v63  }
0x46: {  	s26 =	rddreg [dreg:$0x10]  }
0x47: {  	[tilespmem:s8], [sflag:$0x2] =	stream.strided.gather [hbm4b:s26+s0], $0x1000, s1, s0, $0x38;
	[tilespmem:$0x10100] =	vst v63  }
0x48: {  	s28 =	rddreg [dreg:$0x11]  }
0x49: {  	[tilespmem:s9], [sflag:$0x2] =	stream.strided.gather [hbm4b:s28+s0], $0x1000, s1, s0, $0x38;
	[tilespmem:$0x10100] =	vst v63  }
0x4a: {  	v10 =	vimm.f32 $+Inf;
	s29 =	rddreg [dreg:$0x12]  }
0x4b: {  	v11 =	vimm.f32 $-Inf;
	v0 =	vimm.f32 $-Inf;
	v1 =	vimm.f32 $-Inf;
	[tilespmem:s10], [sflag:$0x2] =	stream.strided.gather [hbm4b:s29+s0], $0x1000, s1, s0, $0x38;
	[tilespmem:$0x10100] =	vst v63  }
0x4c: {  	v2 =	vimm.f32 $-Inf;
	v4 =	vimm.f32 $-Inf;
	v6 =	vimm.f32 $-Inf;
	s30 =	rddreg [dreg:$0x13]  }
0x4d: {  	v15 =	vimm.f32 $-Inf;
	v13 =	vimm.f32 $-Inf;
	v3 =	vimm.f32 $+Inf;
	[tilespmem:s11], [sflag:$0x2] =	stream.strided.gather [hbm4b:s30+s0], $0x1000, s1, s0, $0x38;
	[tilespmem:$0x10100] =	vst v63  }
0x4e: {  	v5 =	vimm.f32 $+Inf;
	v7 =	vimm.f32 $+Inf;
	v8 =	vimm.f32 $+Inf;
	s31 =	rddreg [dreg:$0x14];
	s25 =	simm.s32 $0x0  }
0x4f: {  	v9 =	vimm.f32 $+Inf;
	v14 =	vimm.f32 $+Inf;
	v18 =	vimm.f32 $+Inf;
	[tilespmem:s12], [sflag:$0x2] =	stream.strided.gather [hbm4b:s31+s0], $0x1000, s1, s0, $0x38;
	[tilespmem:$0x10100] =	vst v63  }
.LBB2_2:
0x50: {  	_ =	swait.ge [sflag:s13], $0x1000  }
0x51: {  	[sflag:s13] =	ssyncset.done $0x0  }
0x52: {  	[sflag:s13] =	ssyncadd.s32 $0xFFFFF000  }
0x53: {  	_ =	swait.ge [sflag:s13], $0x1000  }
0x54: {  	[sflag:s13] =	ssyncset.done $0x0  }
0x55: {  	[sflag:s13] =	ssyncadd.s32 $0xFFFFF000  }
0x56: {  	_ =	swait.ge [sflag:s13], $0x1000  }
0x57: {  	[sflag:s13] =	ssyncset.done $0x0  }
0x58: {  	[sflag:s13] =	ssyncadd.s32 $0xFFFFF000  }
0x59: {  	_ =	swait.ge [sflag:s13], $0x1000  }
0x5a: {  	[sflag:s13] =	ssyncset.done $0x0  }
0x5b: {  	[sflag:s13] =	ssyncadd.s32 $0xFFFFF000  }
0x5c: {  	_ =	swait.ge [sflag:s13], $0x1000  }
0x5d: {  	[sflag:s13] =	ssyncset.done $0x0  }
0x5e: {  	[sflag:s13] =	ssyncadd.s32 $0xFFFFF000  }
0x5f: {  	_ =	swait.ge [sflag:s13], $0x1000  }
0x60: {  	[sflag:s13] =	ssyncset.done $0x0  }
0x61: {  	[sflag:s13] =	ssyncadd.s32 $0xFFFFF000  }
0x62: {  	_ =	swait.ge [sflag:s13], $0x1000  }
0x63: {  	[sflag:s13] =	ssyncset.done $0x0  }
0x64: {  	[sflag:s13] =	ssyncadd.s32 $0xFFFFF000  }
0x65: {  	_ =	swait.ge [sflag:s13], $0x1000  }
0x66: {  	[sflag:s13] =	ssyncset.done $0x0  }
0x67: {  	s29 =	simm.s32 $0x0;
	[sflag:s13] =	ssyncadd.s32 $0xFFFFF000  }
0x68: {  	v20 =	vld [tilespmem:s29+$0x70]  }
0x69: {  	v21 =	vld [tilespmem:s29+$0x0]  }
0x6a: {  	v22 =	vld [tilespmem:s29+$0x10]  }
0x6b: {  	v19 =	vld [tilespmem:s29+$0x20]  }
0x6c: {  	v17 =	vld [tilespmem:s29+$0x30]  }
0x6d: {  	v16 =	vld [tilespmem:s29+$0x40]  }
0x6e: {  	v12 =	vmin.f32 v10, v20;
	v10 =	vmax.f32 v11, v20;
	v11 =	vmin.f32 v18, v21;
	v18 =	vld [tilespmem:s29+$0x50]  }
0x6f: {  	s28 =	simm.s32 $0x80;
	s26 =	simm.s32 $0x400;
	v13 =	vmax.f32 v13, v21;
	v14 =	vmin.f32 v14, v22;
	v20 =	vld [tilespmem:s29+$0x60];
	v15 =	vmax.f32 v15, v22  }
.LBB2_3:
0x70: {  	p0 =	sne.s32 s26, $0x1FE00;
	v21 =	vld [tilespmem:s28+$0x70];
	v9 =	vmin.f32 v9, v19;
	v6 =	vmax.f32 v6, v19  }
0x71: {  	v22 =	vld [tilespmem:s28+$0x0];
	v8 =	vmin.f32 v8, v17;
	v4 =	vmax.f32 v4, v17  }
0x72: {  	v23 =	vld [tilespmem:s28+$0x10];
	v7 =	vmin.f32 v7, v16;
	v2 =	vmax.f32 v2, v16  }
.Ltmp2:
0x73: {  	v19 =	vld [tilespmem:s28+$0x20];
	v5 =	vmin.f32 v5, v18;
	v1 =	vmax.f32 v1, v18;
	(pc) =	sbr.rel @p0 .LBB2_3-.Ltmp2, $4  }
0x74: {  	v17 =	vld [tilespmem:s28+$0x30];
	v3 =	vmin.f32 v3, v20;
	v0 =	vmax.f32 v0, v20  }
0x75: {  	v16 =	vld [tilespmem:s28+$0x40];
	v12 =	vmin.f32 v12, v21;
	v10 =	vmax.f32 v10, v21  }
0x76: {  	v11 =	vmin.f32 v11, v22;
	v18 =	vld [tilespmem:s28+$0x50];
	v13 =	vmax.f32 v13, v22  }
0x77: {  	v14 =	vmin.f32 v14, v23;
	v20 =	vld [tilespmem:s28+$0x60];
	s28 =	sshra.s32 s26, $0x2;
	s26 =	sadd.s32 $0x200, s26;
	v15 =	vmax.f32 v15, v23  }
0x78: {  	v21 =	vld [tilespmem:s28+$0x70]  }
0x79: {  	v22 =	vld [tilespmem:s28+$0x0]  }
0x7a: {  	v23 =	vld [tilespmem:s28+$0x10]  }
0x7b: {  	v24 =	vld [tilespmem:s28+$0x20]  }
0x7c: {  	v25 =	vld [tilespmem:s28+$0x30]  }
0x7d: {  	s26 =	sshll.u32 s25, $0x4;
	v26 =	vld [tilespmem:s28+$0x40]  }
0x7e: {  	p0 =	seq.s32 s25, $0xF;
	v27 =	vld [tilespmem:s28+$0x50];
	s26 =	sor.u32 s4, s26  }
0x7f: {  	v28 =	vld [tilespmem:s28+$0x60];
	s28 =	simm.s32 @!p0 $0x80;
	s29 =	sshll.u32 @!p0 s26, $0x9  }
0x80: {  	s31 =	simm.s32 @!p0 $0x400;
	s2 =	simm.s32 @!p0 $0x0;
	s30 =	sadd.s32 @!p0 s29, s15  }
0x81: {  	[tilespmem:s2], [sflag:$0x1] =	stream.strided.gather @!p0 [hbm4b:s30+s28], $0x1000, s31, s28, $0x38;
	[tilespmem:$0x10100] =	vst v63  }
0x82: {  	s2 =	sadd.s32 @!p0 s29, s16;
	s30 =	simm.s32 @!p0 $0x1000  }
0x83: {  	[tilespmem:s30], [sflag:$0x1] =	stream.strided.gather @!p0 [hbm4b:s2+s28], $0x1000, s31, s28, $0x38;
	[tilespmem:$0x10100] =	vst v63  }
0x84: {  	s2 =	sadd.s32 @!p0 s29, s17;
	s30 =	simm.s32 @!p0 $0x2000  }
0x85: {  	[tilespmem:s30], [sflag:$0x1] =	stream.strided.gather @!p0 [hbm4b:s2+s28], $0x1000, s31, s28, $0x38;
	[tilespmem:$0x10100] =	vst v63  }
0x86: {  	s2 =	sadd.s32 @!p0 s29, s18;
	s30 =	simm.s32 @!p0 $0x3000  }
0x87: {  	[tilespmem:s30], [sflag:$0x1] =	stream.strided.gather @!p0 [hbm4b:s2+s28], $0x1000, s31, s28, $0x38;
	[tilespmem:$0x10100] =	vst v63  }
0x88: {  	s2 =	sadd.s32 @!p0 s29, s19;
	s30 =	simm.s32 @!p0 $0x4000  }
0x89: {  	[tilespmem:s30], [sflag:$0x1] =	stream.strided.gather @!p0 [hbm4b:s2+s28], $0x1000, s31, s28, $0x38;
	[tilespmem:$0x10100] =	vst v63  }
0x8a: {  	s2 =	sadd.s32 @!p0 s29, s20;
	s30 =	simm.s32 @!p0 $0x5000  }
0x8b: {  	[tilespmem:s30], [sflag:$0x1] =	stream.strided.gather @!p0 [hbm4b:s2+s28], $0x1000, s31, s28, $0x38;
	[tilespmem:$0x10100] =	vst v63  }
0x8c: {  	s2 =	sadd.s32 @!p0 s29, s21;
	s30 =	simm.s32 @!p0 $0x6000  }
0x8d: {  	[tilespmem:s30], [sflag:$0x1] =	stream.strided.gather @!p0 [hbm4b:s2+s28], $0x1000, s31, s28, $0x38;
	[tilespmem:$0x10100] =	vst v63  }
0x8e: {  	s2 =	sadd.s32 @!p0 s29, s22;
	s29 =	simm.s32 @!p0 $0x7000  }
0x8f: {  	[tilespmem:s29], [sflag:$0x1] =	stream.strided.gather @!p0 [hbm4b:s2+s28], $0x1000, s31, s28, $0x38;
	[tilespmem:$0x10100] =	vst v63  }
0x90: {  	_ =	swait.ge [sflag:s14], $0x1000  }
0x91: {  	[sflag:s14] =	ssyncset.done $0x0  }
0x92: {  	[sflag:s14] =	ssyncadd.s32 $0xFFFFF000  }
0x93: {  	_ =	swait.ge [sflag:s14], $0x1000  }
0x94: {  	[sflag:s14] =	ssyncset.done $0x0  }
0x95: {  	[sflag:s14] =	ssyncadd.s32 $0xFFFFF000  }
0x96: {  	_ =	swait.ge [sflag:s14], $0x1000  }
0x97: {  	[sflag:s14] =	ssyncset.done $0x0  }
0x98: {  	[sflag:s14] =	ssyncadd.s32 $0xFFFFF000  }
0x99: {  	_ =	swait.ge [sflag:s14], $0x1000  }
0x9a: {  	[sflag:s14] =	ssyncset.done $0x0  }
0x9b: {  	[sflag:s14] =	ssyncadd.s32 $0xFFFFF000  }
0x9c: {  	_ =	swait.ge [sflag:s14], $0x1000  }
0x9d: {  	[sflag:s14] =	ssyncset.done $0x0  }
0x9e: {  	[sflag:s14] =	ssyncadd.s32 $0xFFFFF000  }
0x9f: {  	_ =	swait.ge [sflag:s14], $0x1000  }
0xa0: {  	[sflag:s14] =	ssyncset.done $0x0  }
0xa1: {  	[sflag:s14] =	ssyncadd.s32 $0xFFFFF000  }
0xa2: {  	_ =	swait.ge [sflag:s14], $0x1000  }
0xa3: {  	[sflag:s14] =	ssyncset.done $0x0  }
0xa4: {  	[sflag:s14] =	ssyncadd.s32 $0xFFFFF000  }
0xa5: {  	v9 =	vmin.f32 v9, v19;
	v6 =	vmax.f32 v6, v19;
	_ =	swait.ge [sflag:s14], $0x1000  }
0xa6: {  	v8 =	vmin.f32 v8, v17;
	v4 =	vmax.f32 v4, v17;
	v7 =	vmin.f32 v7, v16;
	[sflag:s14] =	ssyncset.done $0x0  }
0xa7: {  	v17 =	vmax.f32 v2, v16;
	v5 =	vmin.f32 v5, v18;
	v18 =	vmax.f32 v1, v18;
	s31 =	simm.s32 $0x0;
	[sflag:s14] =	ssyncadd.s32 $0xFFFFF000  }
0xa8: {  	v19 =	vmin.f32 v3, v20;
	v20 =	vmax.f32 v0, v20;
	v12 =	vmin.f32 v12, v21;
	v29 =	vld [tilespmem:s31+$0x8070]  }
0xa9: {  	v21 =	vmax.f32 v10, v21;
	v30 =	vmin.f32 v11, v22;
	v13 =	vmax.f32 v13, v22;
	v22 =	vld [tilespmem:s31+$0x8000]  }
0xaa: {  	v14 =	vmin.f32 v14, v23;
	v15 =	vmax.f32 v15, v23;
	v0 =	vmin.f32 v9, v24;
	v23 =	vld [tilespmem:s31+$0x8010]  }
0xab: {  	v9 =	vmax.f32 v6, v24;
	v1 =	vmin.f32 v8, v25;
	v2 =	vmax.f32 v4, v25;
	v16 =	vld [tilespmem:s31+$0x8020]  }
0xac: {  	v10 =	vmin.f32 v7, v26;
	v3 =	vmax.f32 v17, v26;
	v4 =	vmin.f32 v5, v27;
	v17 =	vld [tilespmem:s31+$0x8030]  }
0xad: {  	v11 =	vmax.f32 v18, v27;
	v5 =	vmin.f32 v19, v28;
	v6 =	vmax.f32 v20, v28;
	v18 =	vld [tilespmem:s31+$0x8040]  }
0xae: {  	v19 =	vld [tilespmem:s31+$0x8050];
	v12 =	vmin.f32 v12, v29;
	v7 =	vmax.f32 v21, v29;
	v8 =	vmin.f32 v30, v22  }
0xaf: {  	s28 =	simm.s32 $0x80;
	s29 =	simm.s32 $0x400;
	v20 =	vld [tilespmem:s31+$0x8060];
	v13 =	vmax.f32 v13, v22;
	v14 =	vmin.f32 v14, v23;
	v15 =	vmax.f32 v15, v23  }
.LBB2_5:
0xb0: {  	p1 =	sne.s32 s29, $0x1FE00;
	v21 =	vld [tilespmem:s28+$0x8070];
	v0 =	vmin.f32 v0, v16;
	v9 =	vmax.f32 v9, v16  }
0xb1: {  	v22 =	vld [tilespmem:s28+$0x8000];
	v1 =	vmin.f32 v1, v17;
	v2 =	vmax.f32 v2, v17  }
0xb2: {  	v23 =	vld [tilespmem:s28+$0x8010];
	v10 =	vmin.f32 v10, v18;
	v3 =	vmax.f32 v3, v18  }
.Ltmp3:
0xb3: {  	v16 =	vld [tilespmem:s28+$0x8020];
	v4 =	vmin.f32 v4, v19;
	v11 =	vmax.f32 v11, v19;
	(pc) =	sbr.rel @p1 .LBB2_5-.Ltmp3, $4  }
0xb4: {  	v17 =	vld [tilespmem:s28+$0x8030];
	v5 =	vmin.f32 v5, v20;
	v6 =	vmax.f32 v6, v20  }
0xb5: {  	v18 =	vld [tilespmem:s28+$0x8040];
	v12 =	vmin.f32 v12, v21;
	v7 =	vmax.f32 v7, v21  }
0xb6: {  	v8 =	vmin.f32 v8, v22;
	v19 =	vld [tilespmem:s28+$0x8050];
	v13 =	vmax.f32 v13, v22  }
0xb7: {  	v14 =	vmin.f32 v14, v23;
	v20 =	vld [tilespmem:s28+$0x8060];
	s28 =	sshra.s32 s29, $0x2;
	s29 =	sadd.s32 $0x200, s29;
	v15 =	vmax.f32 v15, v23  }
0xb8: {  	v21 =	vld [tilespmem:s28+$0x8070]  }
0xb9: {  	v22 =	vld [tilespmem:s28+$0x8000]  }
0xba: {  	v23 =	vld [tilespmem:s28+$0x8010]  }
0xbb: {  	v24 =	vld [tilespmem:s28+$0x8020]  }
0xbc: {  	v0 =	vmin.f32 v0, v16;
	v16 =	vmax.f32 v9, v16;
	v25 =	vld [tilespmem:s28+$0x8030]  }
0xbd: {  	v26 =	vld [tilespmem:s28+$0x8040];
	v1 =	vmin.f32 v1, v17;
	v2 =	vmax.f32 v2, v17;
	v17 =	vmin.f32 v10, v18  }
0xbe: {  	v28 =	vld [tilespmem:s28+$0x8050];
	v3 =	vmax.f32 v3, v18;
	v27 =	vmin.f32 v4, v19;
	v19 =	vmax.f32 v11, v19  }
0xbf: {  	v29 =	vmin.f32 v5, v20;
	v20 =	vmax.f32 v6, v20;
	v10 =	vmin.f32 v12, v21;
	v12 =	vld [tilespmem:s28+$0x8060]  }
.Ltmp4:
0xc0: {  	v11 =	vmax.f32 v7, v21;
	v18 =	vmin.f32 v8, v22;
	v13 =	vmax.f32 v13, v22;
	(pc) =	sbr.rel @p0 .LBB2_8-.Ltmp4, $4  }
0xc1: {  	v14 =	vmin.f32 v14, v23;
	v15 =	vmax.f32 v15, v23;
	v9 =	vmin.f32 v0, v24  }
0xc2: {  	v6 =	vmax.f32 v16, v24;
	v8 =	vmin.f32 v1, v25;
	v4 =	vmax.f32 v2, v25  }
0xc3: {  	v7 =	vmin.f32 v17, v26;
	v2 =	vmax.f32 v3, v26;
	v5 =	vmin.f32 v27, v28  }
0xc4: {  	v1 =	vmax.f32 v19, v28;
	v3 =	vmin.f32 v29, v12;
	v0 =	vmax.f32 v20, v12  }
0xc5: {  	s2 =	sshll.u32 s26, $0x9  }
0xc6: {  	s2 =	sor.u32 $0x1000, s2  }
0xc7: {  	s29 =	sadd.s32 s2, s15  }
0xc8: {  	[tilespmem:s5], [sflag:$0x2] =	stream.strided.gather [hbm4b:s29+s0], $0x1000, s1, s0, $0x38;
	[tilespmem:$0x10100] =	vst v63  }
0xc9: {  	s30 =	sadd.s32 s2, s16  }
0xca: {  	[tilespmem:s6], [sflag:$0x2] =	stream.strided.gather [hbm4b:s30+s0], $0x1000, s1, s0, $0x38;
	[tilespmem:$0x10100] =	vst v63  }
0xcb: {  	s31 =	sadd.s32 s2, s17  }
0xcc: {  	[tilespmem:s7], [sflag:$0x2] =	stream.strided.gather [hbm4b:s31+s0], $0x1000, s1, s0, $0x38;
	[tilespmem:$0x10100] =	vst v63  }
0xcd: {  	s28 =	sadd.s32 s2, s18  }
0xce: {  	[tilespmem:s8], [sflag:$0x2] =	stream.strided.gather [hbm4b:s28+s0], $0x1000, s1, s0, $0x38;
	[tilespmem:$0x10100] =	vst v63  }
0xcf: {  	s29 =	sadd.s32 s2, s19  }
0xd0: {  	[tilespmem:s9], [sflag:$0x2] =	stream.strided.gather [hbm4b:s29+s0], $0x1000, s1, s0, $0x38;
	[tilespmem:$0x10100] =	vst v63  }
0xd1: {  	s30 =	sadd.s32 s2, s20  }
0xd2: {  	[tilespmem:s10], [sflag:$0x2] =	stream.strided.gather [hbm4b:s30+s0], $0x1000, s1, s0, $0x38;
	[tilespmem:$0x10100] =	vst v63  }
.Ltmp5:
0xd3: {  	_ = 	snop;
	(pc) =	sbr.rel .LBB2_2-.Ltmp5, $4  }
0xd4: {  	s31 =	sadd.s32 s2, s21  }
0xd5: {  	[tilespmem:s11], [sflag:$0x2] =	stream.strided.gather [hbm4b:s31+s0], $0x1000, s1, s0, $0x38;
	[tilespmem:$0x10100] =	vst v63  }
0xd6: {  	s25 =	sadd.s32 $0x1, s25;
	s2 =	sadd.s32 s2, s22  }
0xd7: {  	[tilespmem:s12], [sflag:$0x2] =	stream.strided.gather [hbm4b:s2+s0], $0x1000, s1, s0, $0x38;
	[tilespmem:$0x10100] =	vst v63  }
.LBB2_9:
0xd8: {  	_ =	sfence.sel $0x180000  }
0xd9: {  	[bflag:$0x0] =	sbarrier.arrive $0xFFFF  }
0xda: {  	_ =	strace $0x90000047  }
0xdb: {  	s0 =	stileid.u32;
	[bflag:$0x2] =	sbarrier.arrive $0xFFFF  }
0xdc: {  	p0 =	sne.s32 s0, $0x0;
	s0 =	rddreg [dreg:$0x2]  }
0xdd: {  	s0 =	sadd.s32 @!p0 $0x100000, s0  }
0xde: {  	[sflag:s0] =	ssyncadd.tile.s32 @!p0 $0x1;
	_ =	shalt  }
.Lfunc_end2:
_tile_overlayer_lowered:
.L_overlay_start_2:
0xdf: {  	(tag) =	ssettag $0x2  }
0xe0: {  	s0 =	rddreg [dreg:$0x0];
	s2 =	stileid.u32  }
0xe1: {  	s1 =	rddreg [dreg:$0x1];
	p0 =	sne.s32 s2, $0x0  }
0xe2: {  	s3 =	rddreg [dreg:$0x2];
	[bflag:$0x3] =	sbarrier.arrive $0xFFFF;
	s2 =	simm.s32 @!p0 $0x1C03  }
0xe3: {  	[timem:s3], [sflag:s2] =	dma.local @!p0 [hbm:s0], s1  }
0xe4: {  	s0 =	simm.s32 @!p0 $0x3  }
0xe5: {  	_ =	swait.ge @!p0 [sflag:s0], s1  }
0xe6: {  	s1 =	ssub.s32 @!p0 $0x0, s1;
	[sflag:s0] =	ssyncset.done @!p0 $0x0  }
0xe7: {  	[sflag:s0] =	ssyncadd.s32 @!p0 s1  }
0xe8: {  	[bflag:$0x3] =	sbarrier.arrive $0xFFFF  }
0xe9: {  	_ =	shalt  }

// kernel: kernel.7.cloned.1.call-start
scs
__scs_entry_jumppad:
0x0: {  	(pc) =	sbr.rel $0x88, $3  }
0x1: {  	(tag) =	ssettag $0x0;
	lr =	simm.s32 $0x1  }
0x2: {  	[smem:$0x3FA0] =	sst lr;
	_ =	strace $0xD0000000  }
0x3: {  	_ = 	snop  }
0x4: {  	_ = 	snop  }
0x5: {  	_ = 	snop  }
0x6: {  	_ = 	snop  }
0x7: {  	_ = 	snop  }
__scs_overlays_trampoline_lowered:
0x8: {  	[smem:$0x3FAF] =	sst s0  }
0x9: {  	[smem:$0x3FB0] =	sst s1  }
0xa: {  	[smem:$0x3FB1] =	sst s2  }
0xb: {  	[smem:$0x3FB2] =	sst s3  }
0xc: {  	[smem:$0x3FB3] =	sst s4  }
0xd: {  	[smem:$0x3FB4] =	sst s5  }
0xe: {  	[smem:$0x3FB5] =	sst s6  }
0xf: {  	[smem:$0x3FB6] =	sst s7  }
0x10: {  	[smem:$0x3FB7] =	sst s8  }
0x11: {  	[smem:$0x3FB8] =	sst s9;
	s0 =	simm.s32 @!p0 $0x0  }
0x12: {  	s1 =	sld [smem:$0x3F9E];
	s0 =	simm.s32 @p0 $0x1  }
0x13: {  	[smem:$0x3FB9] =	sst s0;
	s0 =	simm.s32 @!p1 $0x0  }
0x14: {  	s2 =	sld [smem:$0x3F9D];
	s0 =	simm.s32 @p1 $0x1  }
0x15: {  	[smem:$0x3FBA] =	sst s0;
	s0 =	simm.s32 @!p2 $0x0  }
0x16: {  	s3 =	sld [smem:$0x3FDB];
	s0 =	simm.s32 @p2 $0x1  }
0x17: {  	s4 =	simm.s32 $0x1BF5;
	[smem:$0x3FBC] =	sst s0  }
0x18: {  	s0 =	sld [smem:$0x3F9F];
	_ =	swait.ge [sflag:s4], $0x0  }
0x19: {  	s7 =	sld [smem:$0x3FA0]  }
0x1a: {  	s8 =	sadd.s32 $0xFFFFE003, lr  }
0x1b: {  	s9 =	sadd.s32 $0xFFFFFEF7, lr;
	s5 =	simm.s32 $0xFFFFFFFF;
	p2 =	slt.u32 s8, $0xFFFFF086  }
0x1c: {  	p1 =	slt.u32 s9, $0xF7A;
	s5 =	simm.s32 @!p2 $0x0  }
0x1d: {  	s5 =	simm.s32 @p1 $0x1;
	p0 =	seq.s32 s7, s2  }
0x1e: {  	s7 =	smul.u32 @!p0 $0xF7A, s2;
	p2 =	seq.s32 @!p0 s5, $0x0  }
0x1f: {  	s9 =	smul.u32 $0xF7A, s1;
	s8 =	simm.s32 @!p0 $0x1BF5;
	p2 =	por !p2, p0  }
0x20: {  	[sflag:s8] =	ssyncset.s32 @!p0 $0xFFFFF086;
	s6 =	sadd.s32 @!p0 s3, s7;
	s7 =	simm.s32 @!p0 $0x108  }
0x21: {  	s3 =	sadd.s32 s3, s9;
	s6 =	sadd.s32 @!p0 $0x88, s6;
	s7 =	simm.s32 @p2 $0x1082  }
0x22: {  	[simem:s7], [sflag:s8] =	dma.local @!p0 [hbm:s6], $0xF7A  }
0x23: {  	s9 =	sor.u32 $0xD0000000, s2;
	s6 =	simm.s32 $0x108;
	_ =	swait.ge @!p0 [sflag:s8], $0x0  }
0x24: {  	s3 =	sadd.s32 $0x88, s3;
	s6 =	simm.s32 @!p1 $0x1082;
	[sflag:s4] =	ssyncset.s32 $0xFFFFF086  }
0x25: {  	[simem:s6], [sflag:s4] =	dma.local [hbm:s3], $0xF7A  }
0x26: {  	[smem:$0x3FA0] =	sst s1;
	(tag) =	ssettag s2;
	_ =	strace s9  }
0x27: {  	s1 =	sld [smem:$0x3FB0]  }
0x28: {  	s2 =	sld [smem:$0x3FB1]  }
0x29: {  	s4 =	sld [smem:$0x3FB3]  }
0x2a: {  	p0 =	seq.s32 s5, $0x0;
	s5 =	sld [smem:$0x3FB4]  }
0x2b: {  	s6 =	sld [smem:$0x3FB5]  }
0x2c: {  	s7 =	sld [smem:$0x3FB6]  }
0x2d: {  	s3 =	simm.s32 $0x108;
	s8 =	sld [smem:$0x3FB7]  }
0x2e: {  	s3 =	simm.s32 @!p0 $0x1082;
	s9 =	sld [smem:$0x3FB8]  }
0x2f: {  	lr =	sadd.s32 s0, s3;
	s0 =	sld [smem:$0x3FAF]  }
0x30: {  	s3 =	sld [smem:$0x3FB2]  }
0x31: {  	[smem:$0x3FBB] =	sst s10  }
0x32: {  	s10 =	sld [smem:$0x3FB9];
	_ =	sdelay $0x3  }
0x33: {  	p0 =	seq.s32 s10, $0x1;
	s10 =	sld [smem:$0x3FBB];
	_ =	sdelay $0x3  }
0x34: {  	[smem:$0x3FBB] =	sst s10  }
0x35: {  	s10 =	sld [smem:$0x3FBA];
	_ =	sdelay $0x3  }
0x36: {  	p1 =	seq.s32 s10, $0x1;
	s10 =	sld [smem:$0x3FBB];
	_ =	sdelay $0x3  }
0x37: {  	[smem:$0x3FBB] =	sst s10  }
0x38: {  	s10 =	sld [smem:$0x3FBC]  }
0x39: {  	_ = 	snop;
	(pc) =	sbr.ind lr, $3  }
0x3a: {  	_ = 	snop  }
0x3b: {  	_ = 	snop  }
0x3c: {  	p2 =	seq.s32 s10, $0x1;
	s10 =	sld [smem:$0x3FBB]  }
0x3d: {  	_ =	shalt  }
0x3e: {  	_ =	shalt  }
0x3f: {  	_ =	shalt  }
0x40: {  	_ =	shalt  }
0x41: {  	_ =	shalt  }
0x42: {  	_ =	shalt  }
0x43: {  	_ =	shalt  }
0x44: {  	_ =	shalt  }
0x45: {  	_ =	shalt  }
0x46: {  	_ =	shalt  }
0x47: {  	_ =	shalt  }
0x48: {  	_ =	shalt  }
0x49: {  	_ =	shalt  }
0x4a: {  	_ =	shalt  }
0x4b: {  	_ =	shalt  }
0x4c: {  	_ =	shalt  }
0x4d: {  	_ =	shalt  }
0x4e: {  	_ =	shalt  }
0x4f: {  	_ =	shalt  }
0x50: {  	_ =	shalt  }
0x51: {  	_ =	shalt  }
0x52: {  	_ =	shalt  }
0x53: {  	_ =	shalt  }
0x54: {  	_ =	shalt  }
0x55: {  	_ =	shalt  }
0x56: {  	_ =	shalt  }
0x57: {  	_ =	shalt  }
0x58: {  	_ =	shalt  }
0x59: {  	_ =	shalt  }
0x5a: {  	_ =	shalt  }
0x5b: {  	_ =	shalt  }
0x5c: {  	_ =	shalt  }
0x5d: {  	_ =	shalt  }
0x5e: {  	_ =	shalt  }
0x5f: {  	_ =	shalt  }
0x60: {  	_ =	shalt  }
0x61: {  	_ =	shalt  }
0x62: {  	_ =	shalt  }
0x63: {  	_ =	shalt  }
0x64: {  	_ =	shalt  }
0x65: {  	_ =	shalt  }
0x66: {  	_ =	shalt  }
0x67: {  	_ =	shalt  }
0x68: {  	_ =	shalt  }
0x69: {  	_ =	shalt  }
0x6a: {  	_ =	shalt  }
0x6b: {  	_ =	shalt  }
0x6c: {  	_ =	shalt  }
0x6d: {  	_ =	shalt  }
0x6e: {  	_ =	shalt  }
0x6f: {  	_ =	shalt  }
0x70: {  	_ =	shalt  }
0x71: {  	_ =	shalt  }
0x72: {  	_ =	shalt  }
0x73: {  	_ =	shalt  }
0x74: {  	_ =	shalt  }
0x75: {  	_ =	shalt  }
0x76: {  	_ =	shalt  }
0x77: {  	_ =	shalt  }
0x78: {  	_ =	shalt  }
0x79: {  	_ =	shalt  }
0x7a: {  	_ =	shalt  }
0x7b: {  	_ =	shalt  }
0x7c: {  	_ =	shalt  }
0x7d: {  	_ =	shalt  }
0x7e: {  	_ =	shalt  }
0x7f: {  	_ =	shalt  }
0x80: {  	_ =	shalt  }
0x81: {  	_ =	shalt  }
0x82: {  	_ =	shalt  }
0x83: {  	_ =	shalt  }
0x84: {  	_ =	shalt  }
0x85: {  	_ =	shalt  }
0x86: {  	_ =	shalt  }
0x87: {  	_ =	shalt  }
.Lfunc_end0:
.L_simem_size_0:
called_computation.1_lowered:
.L_overlay_start_0:
0x88: {  	s2 =	sld [smem:$0x3FD9]  }
0x89: {  	s3 =	sld [smem:$0x3FFE];
	_ =	sdelay $0x1  }
0x8a: {  	s1 =	srdreg.scid  }
0x8b: {  	s0 =	sand.u32 $0x1, s1  }
0x8c: {  	s17 =	sshll.u32 s0, $0xA;
	s2 =	sadd.s32 s3, s2  }
0x8d: {  	s2 =	sadd.s32 s2, s17  }
0x8e: {  	[smem:$0x3FC7] =	sst s2  }
0x8f: {  	_ = 	snop  }
0x90: {  	s2 =	sld [smem:$0x3FC9]  }
0x91: {  	s18 =	sld [smem:$0x3FD0];
	(tm) =	ssettm $0x1  }
0x92: {  	s4 =	sld [smem:$0x3FFB];
	_ =	sdelay $0x3  }
0x93: {  	_ =	strace s4  }
0x94: {  	s4 =	sld [smem:$0x3FFC];
	_ =	sdelay $0x3  }
0x95: {  	_ =	strace s4  }
0x96: {  	s4 =	sld [smem:$0x3FFD];
	_ =	sdelay $0x3  }
0x97: {  	_ =	strace s4  }
0x98: {  	_ =	strace $0x8FFFFFFF  }
0x99: {  	s19 =	sld [smem:$0x3FDB];
	_ =	sdelay $0x1  }
0x9a: {  	s5 =	simm.s32 $_scs_section_size  }
0x9b: {  	s6 =	simm.s32 $_size__tile_overlayer_lowered;
	s7 =	simm.s32 $_tile_overlayer_lowered  }
0x9c: {  	s22 =	simm.s32 $0x1BFF;
	s21 =	sshll.u32 s7, $0x1;
	s4 =	sadd.s32 s5, s19  }
0x9d: {  	s8 =	simm.s32 $0x0;
	s20 =	sshll.u32 s6, $0x1;
	s6 =	sadd.s32 s21, s4  }
0x9e: {  	[timem:s8], [sflag:s22] =	dma.local [hbm:s6], s20  }
0x9f: {  	_ =	swait.ge [sflag:s22], s20  }
0xa0: {  	s5 =	ssub.s32 $0x0, s20;
	[sflag:s22] =	ssyncset.done $0x0  }
0xa1: {  	[sflag:s22] =	ssyncadd.s32 s5;
	_ =	sdelay $0x1  }
0xa2: {  	s23 =	simm.s32 $0x1B8B  }
0xa3: {  	_ =	swait.ge [sflag:s23], $0x1  }
0xa4: {  	[sflag:s23] =	ssyncset.done $0x0  }
0xa5: {  	s25 =	simm.s32 $0x1B8E;
	s24 =	sld [smem:$0x3FFE];
	[sflag:s23] =	ssyncadd.s32 $0xFFFFFFFF  }
0xa6: {  	s26 =	simm.s32 $execute0_lowered;
	[smem:$0x3FD2] =	sst s25  }
0xa7: {  	s6 =	sshll.u32 s26, $0x1;
	_ =	strace $0x80000049;
	[dreg:$0x1] =	wrdreg $0xFFFFFFFF  }
0xa8: {  	s28 =	simm.s32 $_size_execute0_lowered;
	s4 =	sadd.s32 s4, s6;
	[dreg:$0x0] =	wrdreg $0x0  }
0xa9: {  	s6 =	sshll.u32 s28, $0x1;
	[dreg:$0x2] =	wrdreg s4  }
0xaa: {  	[dreg:$0x3] =	wrdreg s6  }
0xab: {  	[dreg:$0x4] =	wrdreg $0xC0  }
0xac: {  	_ =	task [dreg:s8], $0x5FFFF  }
0xad: {  	[dreg:$0x1] =	wrdreg $0xFFFFFFFF  }
0xae: {  	[dreg:$0x0] =	wrdreg $0x60  }
0xaf: {  	[dreg:$0x2] =	wrdreg s2  }
0xb0: {  	[dreg:$0x3] =	wrdreg s24  }
0xb1: {  	[dreg:$0x4] =	wrdreg s18  }
0xb2: {  	[dreg:$0x5] =	wrdreg $0x9  }
0xb3: {  	_ =	task.clear_ibuf [dreg:s8], $0x6FFFF;
	_ =	strace $0x90000049  }
0xb4: {  	s29 =	simm.s32 $0x9;
	_ =	strace $0x8000004B  }
0xb5: {  	_ =	swait.ge [sflag:s29], $0x1  }
0xb6: {  	[sflag:s29] =	ssyncadd.s32 $0xFFFFFFFF  }
0xb7: {  	_ =	strace $0x9000004B  }
0xb8: {  	_ =	sfence  }
0xb9: {  	s30 =	sld [smem:$0x0];
	_ =	sdelay $0x2  }
0xba: {  	s31 =	sshll.u32 s1, $0xD;
	s1 =	sshrl.u32 s1, $0x2  }
0xbb: {  	s3 =	sand.u32 $0x4000, s31;
	s1 =	sadd.s32 s1, s30  }
0xbc: {  	s0 =	sor.u32 s3, s0;
	s1 =	sshll.u32 s1, $0x11  }
0xbd: {  	s0 =	sor.u32 s1, s0  }
0xbe: {  	s0 =	sadd.s32 $0x8F2B, s0  }
0xbf: {  	[sflag:s0] =	ssyncadd.remote.s32 $0x1  }
0xc0: {  	_ =	sfence.sel $0xFFFF  }
0xc1: {  	[dreg:$0x0] =	wrdreg $0xFFFFFFFF;
	(pc) =	sbr.abs _section_cstart, $3  }
0xc2: {  	[dreg:$0x1] =	wrdreg $0xFFFFFFFF  }
0xc3: {  	_ =	task.clear_ibuf [dreg:s8], $0x2FFFF;
	_ =	strace $0x9FFFFFFF  }
0xc4: {  	(tm) =	ssettm $0x7FFFFFFF  }
0xc5: {  	_ =	shalt  }
tec
execute0_lowered:
.L_overlay_start_1:
0x0: {  	(tag) =	ssettag $0x1  }
0x1: {  	s0 =	rddreg [dreg:$0x0]  }
0x2: {  	s1 =	rddreg [dreg:$0x1]  }
0x3: {  	s7 =	rddreg [dreg:$0x2];
	s3 =	simm.s32 $0x0  }
0x4: {  	s2 =	srdreg.scid;
	s5 =	stileid.u32;
	s11 =	simm.s32 $0x1  }
0x5: {  	s12 =	simm.s32 $0x8000;
	s10 =	simm.s32 $0xC000;
	s8 =	simm.s32 $0x0  }
0x6: {  	[smem:$0x7FF] =	sst s3;
	s2 =	sand.u32 $0x1, s2;
	s5 =	sshll.u32 s5, $0x12  }
0x7: {  	s6 =	sadd.s32 $0xC00, s1;
	s1 =	sadd.s32 $0xE00, s1;
	s15 =	sadd.s32 $0x10, s7  }
0x8: {  	s16 =	sadd.s32 $0x20, s7;
	_ =	strace $0x8000004A;
	[dreg:$0x4] =	wrdreg s6  }
0x9: {  	s23 =	sadd.s32 $0x1040, s0;
	s24 =	sadd.s32 $0x1050, s0;
	[dreg:$0x5] =	wrdreg s1  }
0xa: {  	s4 =	ssub.s32 $0x2, s2;
	s2 =	sshll.u32 s2, $0x11;
	[dreg:$0xe] =	wrdreg s23  }
0xb: {  	s25 =	sadd.s32 $0x1060, s0;
	[dreg:$0xf] =	wrdreg s24;
	s5 =	sor.u32 s2, s5  }
0xc: {  	v0 =	vimm.f32 $2.550000000e+02;
	s28 =	sadd.s32 $0x40, s7;
	[dreg:$0x10] =	wrdreg s25;
	s2 =	sadd.s32 s0, s5  }
0xd: {  	s29 =	sadd.s32 $0x50, s7;
	(erf) = vrcp.f32 v0;
	s17 =	sadd.s32 $0x10, s2;
	[dreg:$0x6] =	wrdreg s2  }
0xe: {  	s30 =	sadd.s32 $0x60, s7;
	s18 =	sadd.s32 $0x20, s2;
	[dreg:$0x7] =	wrdreg s17  }
0xf: {  	s31 =	sadd.s32 $0x70, s7;
	s19 =	sadd.s32 $0x30, s2;
	[dreg:$0x8] =	wrdreg s18  }
0x10: {  	s24 =	sadd.s32 $0x1070, s0;
	s20 =	sadd.s32 $0x40, s2;
	[dreg:$0x9] =	wrdreg s19  }
0x11: {  	s13 =	sshrl.u32 s4, $0x1;
	v0 =	vlaneseq.u32;
	s21 =	sadd.s32 $0x50, s2;
	[dreg:$0xa] =	wrdreg s20  }
0x12: {  	s14 =	ssub.s32 s4, s13;
	v61 =	vmul.u32 $0x8, v0;
	s22 =	sadd.s32 $0x60, s2;
	[dreg:$0xb] =	wrdreg s21  }
.Ltmp0:
0x13: {  	s2 =	sadd.s32 $0x70, s2;
	[dreg:$0xc] =	wrdreg s22;
	(pc) =	sbr.rel .LBB2_1-.Ltmp0, $4  }
0x14: {  	s4 =	simm.s32 $0x4000;
	s26 =	smax.u32 s14, $0x1;
	[dreg:$0xd] =	wrdreg s2;
	v4 =	vor.u32 $0x7, v61  }
0x15: {  	v1 =	vimm.s32 $0x0;
	vm0 =	vcmask $0x300;
	s17 =	sadd.s32 $0x1000, s0;
	s18 =	sadd.s32 $0x1010, s0;
	s19 =	sadd.s32 $0x1020, s0;
	v7 =	vor.u32 $0x3, v61;
	[tilespmem:$0x1FFE0] =	vst v4  }
0x16: {  	v1 =	vsel vm0, $0x7, v1;
	s20 =	sadd.s32 $0x1030, s0;
	[dreg:$0x11] =	wrdreg s26;
	s26 =	sadd.s32 $0x30, s7;
	v62 =	vor.u32 $0x1, v61;
	v5 =	vor.u32 $0x2, v61;
	[tilespmem:$0x1FFF0] =	vst v7;
	v0 =	vpop (erf)  }
0x17: {  	s0 =	simm.s32 $0x80;
	s2 =	simm.s32 $0x400;
	s7 =	simm.s32 $0x2;
	v8 =	vor.u32 $0x4, v61;
	v9 =	vor.u32 $0x5, v61;
	v2 =	vor.u32 $0x6, v61;
	[tilespmem:$0x1FFD0] =	vst v0  }
.LBB2_8:
0x18: {  	s1 =	simm.s32 $0x3  }
0x19: {  	_ =	swait.ge [sflag:s1], $0x1000  }
0x1a: {  	[sflag:s1] =	ssyncset.done $0x0  }
0x1b: {  	[sflag:s1] =	ssyncadd.s32 $0xFFFFF000  }
0x1c: {  	_ =	swait.ge [sflag:s1], $0x1000  }
0x1d: {  	[sflag:s1] =	ssyncset.done $0x0  }
0x1e: {  	[sflag:s1] =	ssyncadd.s32 $0xFFFFF000  }
0x1f: {  	_ =	swait.ge [sflag:s1], $0x1000  }
0x20: {  	[sflag:s1] =	ssyncset.done $0x0  }
0x21: {  	[sflag:s1] =	ssyncadd.s32 $0xFFFFF000  }
0x22: {  	_ =	swait.ge [sflag:s1], $0x1000  }
0x23: {  	[sflag:s1] =	ssyncset.done $0x0  }
0x24: {  	s6 =	simm.s32 $0x4;
	[sflag:s1] =	ssyncadd.s32 $0xFFFFF000  }
0x25: {  	_ =	swait.ge [sflag:s6], $0x1000  }
0x26: {  	[sflag:s6] =	ssyncset.done $0x0  }
0x27: {  	[sflag:s6] =	ssyncadd.s32 $0xFFFFF000  }
0x28: {  	_ =	swait.ge [sflag:s6], $0x1000  }
0x29: {  	[sflag:s6] =	ssyncset.done $0x0  }
0x2a: {  	[sflag:s6] =	ssyncadd.s32 $0xFFFFF000  }
0x2b: {  	_ =	swait.ge [sflag:s6], $0x1000  }
0x2c: {  	[sflag:s6] =	ssyncset.done $0x0  }
0x2d: {  	[sflag:s6] =	ssyncadd.s32 $0xFFFFF000  }
0x2e: {  	_ =	swait.ge [sflag:s6], $0x1000  }
0x2f: {  	s8 =	rddreg [dreg:$0x12]  }
0x30: {  	s25 =	rddreg [dreg:$0x11];
	s8 =	sadd.s32 $0x1, s8  }
0x31: {  	p0 =	sne.s32 s8, s25  }
.Ltmp1:
0x32: {  	_ = 	snop;
	(pc) =	sbr.rel @!p0 .LBB2_9-.Ltmp1, $3  }
0x33: {  	_ =	sdelay $0x1  }
0x34: {  	[sflag:s6] =	ssyncset.done $0x0  }
0x35: {  	v2 =	vmov v3;
	[sflag:s6] =	ssyncadd.s32 $0xFFFFF000  }
.LBB2_1:
0x36: {  	[dreg:$0x12] =	wrdreg s8  }
0x37: {  	s1 =	rddreg [dreg:$0x6]  }
0x38: {  	[tilespmem:s3], [sflag:$0x1] =	stream.strided.gather [hbm4b:s1+s0], $0x1000, s2, s0, $0x38;
	[tilespmem:$0x10400] =	vst v63  }
0x39: {  	s8 =	rddreg [dreg:$0x7];
	s6 =	simm.s32 $0x1000  }
0x3a: {  	[tilespmem:s6], [sflag:$0x1] =	stream.strided.gather [hbm4b:s8+s0], $0x1000, s2, s0, $0x38;
	[tilespmem:$0x10400] =	vst v63  }
0x3b: {  	s9 =	rddreg [dreg:$0x8];
	s13 =	simm.s32 $0x2000  }
0x3c: {  	[tilespmem:s13], [sflag:$0x1] =	stream.strided.gather [hbm4b:s9+s0], $0x1000, s2, s0, $0x38;
	[tilespmem:$0x10400] =	vst v63  }
0x3d: {  	s14 =	rddreg [dreg:$0x9];
	s21 =	simm.s32 $0x3000  }
0x3e: {  	[tilespmem:s21], [sflag:$0x1] =	stream.strided.gather [hbm4b:s14+s0], $0x1000, s2, s0, $0x38;
	[tilespmem:$0x10400] =	vst v63  }
0x3f: {  	s22 =	rddreg [dreg:$0xa]  }
0x40: {  	[tilespmem:s4], [sflag:$0x2] =	stream.strided.gather [hbm4b:s22+s0], $0x1000, s2, s0, $0x38;
	[tilespmem:$0x10400] =	vst v63  }
0x41: {  	s23 =	rddreg [dreg:$0xb];
	s25 =	simm.s32 $0x5000  }
0x42: {  	[tilespmem:s25], [sflag:$0x2] =	stream.strided.gather [hbm4b:s23+s0], $0x1000, s2, s0, $0x38;
	[tilespmem:$0x10400] =	vst v63  }
0x43: {  	s6 =	rddreg [dreg:$0xc];
	s8 =	simm.s32 $0x6000  }
0x44: {  	[tilespmem:s8], [sflag:$0x2] =	stream.strided.gather [hbm4b:s6+s0], $0x1000, s2, s0, $0x38;
	[tilespmem:$0x10400] =	vst v63  }
0x45: {  	s9 =	rddreg [dreg:$0xd];
	s13 =	simm.s32 $0x7000  }
0x46: {  	[tilespmem:s13], [sflag:$0x2] =	stream.strided.gather [hbm4b:s9+s0], $0x1000, s2, s0, $0x38;
	[tilespmem:$0x10400] =	vst v63  }
0x47: {  	s14 =	rddreg [dreg:$0x4];
	s21 =	simm.s32 $0x10000;
	s22 =	simm.s32 $0x5  }
0x48: {  	[tilespmem:s21], [sflag:$0x5] =	stream.linear.gather [hbm4b:s14+s3], $0x200, $0x38;
	[tilespmem:$0x10400] =	vst v63  }
0x49: {  	_ =	swait.ge [sflag:s22], $0x200  }
0x4a: {  	[sflag:s22] =	ssyncset.done $0x0  }
0x4b: {  	s25 =	simm.s32 $0x10200;
	s23 =	rddreg [dreg:$0x5];
	[sflag:s22] =	ssyncadd.s32 $0xFFFFFE00  }
0x4c: {  	[tilespmem:s25], [sflag:$0x5] =	stream.linear.gather [hbm4b:s23+s3], $0x200, $0x38;
	[tilespmem:$0x10400] =	vst v63  }
0x4d: {  	_ =	swait.ge [sflag:s22], $0x200  }
0x4e: {  	[sflag:s22] =	ssyncset.done $0x0  }
0x4f: {  	[sflag:s22] =	ssyncadd.s32 $0xFFFFFE00  }
0x50: {  	v10 =	vld [tilespmem:$0x10000]  }
0x51: {  	v11 =	vld [tilespmem:$0x10200]  }
0x52: {  	v12 =	vld [tilespmem:$0x10010]  }
0x53: {  	v13 =	vld [tilespmem:$0x10210]  }
0x54: {  	v14 =	vld [tilespmem:$0x10020]  }
0x55: {  	v15 =	vld [tilespmem:$0x10220]  }
0x56: {  	v16 =	vld [tilespmem:$0x10030]  }
0x57: {  	v17 =	vld [tilespmem:$0x10230]  }
0x58: {  	v18 =	vld [tilespmem:$0x10040]  }
0x59: {  	v19 =	vld [tilespmem:$0x10240]  }
0x5a: {  	v20 =	vld [tilespmem:$0x10050]  }
0x5b: {  	v21 =	vld [tilespmem:$0x10250]  }
0x5c: {  	v22 =	vld [tilespmem:$0x10060]  }
0x5d: {  	v23 =	vld [tilespmem:$0x10260]  }
0x5e: {  	v24 =	vld [tilespmem:$0x10070]  }
0x5f: {  	v25 =	vld [tilespmem:$0x10270]  }
0x60: {  	v26 =	vld [tilespmem:$0x10080]  }
0x61: {  	v27 =	vld [tilespmem:$0x10280]  }
0x62: {  	v28 =	vld [tilespmem:$0x10090]  }
0x63: {  	v29 =	vld [tilespmem:$0x10290]  }
0x64: {  	v30 =	vld [tilespmem:$0x100A0]  }
0x65: {  	v31 =	vld [tilespmem:$0x102A0]  }
0x66: {  	v32 =	vld [tilespmem:$0x100B0]  }
0x67: {  	v33 =	vld [tilespmem:$0x102B0]  }
0x68: {  	v34 =	vld [tilespmem:$0x100C0]  }
0x69: {  	v35 =	vld [tilespmem:$0x102C0]  }
0x6a: {  	v36 =	vld [tilespmem:$0x100D0]  }
0x6b: {  	v37 =	vld [tilespmem:$0x102D0]  }
0x6c: {  	v38 =	vld [tilespmem:$0x100E0]  }
0x6d: {  	v39 =	vld [tilespmem:$0x102E0]  }
0x6e: {  	v40 =	vld [tilespmem:$0x100F0]  }
0x6f: {  	v41 =	vld [tilespmem:$0x102F0]  }
0x70: {  	v42 =	vld [tilespmem:$0x10100]  }
0x71: {  	v43 =	vld [tilespmem:$0x10300]  }
0x72: {  	v44 =	vld [tilespmem:$0x10110]  }
0x73: {  	v45 =	vld [tilespmem:$0x10310]  }
0x74: {  	v46 =	vld [tilespmem:$0x10120]  }
0x75: {  	v53 =	vld [tilespmem:$0x10130];
	v10 =	vmin.f32 v10, v12  }
0x76: {  	v54 =	vld [tilespmem:$0x10330];
	v11 =	vmax.f32 v11, v13;
	v10 =	vmin.f32 v10, v14  }
0x77: {  	v55 =	vld [tilespmem:$0x10140];
	v11 =	vmax.f32 v11, v15;
	v10 =	vmin.f32 v10, v16  }
0x78: {  	v56 =	vld [tilespmem:$0x10340];
	v11 =	vmax.f32 v11, v17;
	v10 =	vmin.f32 v10, v18  }
0x79: {  	v57 =	vld [tilespmem:$0x10150];
	v11 =	vmax.f32 v11, v19;
	v10 =	vmin.f32 v10, v20  }
0x7a: {  	v58 =	vld [tilespmem:$0x10350];
	v11 =	vmax.f32 v11, v21;
	v10 =	vmin.f32 v10, v22  }
0x7b: {  	v59 =	vld [tilespmem:$0x10160];
	v11 =	vmax.f32 v11, v23;
	v10 =	vmin.f32 v10, v24  }
0x7c: {  	v60 =	vld [tilespmem:$0x10360];
	v11 =	vmax.f32 v11, v25;
	v10 =	vmin.f32 v10, v26  }
0x7d: {  	v63 =	vld [tilespmem:$0x10170];
	v11 =	vmax.f32 v11, v27;
	v10 =	vmin.f32 v10, v28  }
0x7e: {  	v47 =	vld [tilespmem:$0x10380];
	v11 =	vmax.f32 v11, v29;
	v10 =	vmin.f32 v10, v30  }
0x7f: {  	v48 =	vld [tilespmem:$0x10190];
	v11 =	vmax.f32 v11, v31;
	v10 =	vmin.f32 v10, v32  }
0x80: {  	v49 =	vld [tilespmem:$0x10390];
	v11 =	vmax.f32 v11, v33;
	v10 =	vmin.f32 v10, v34  }
0x81: {  	v50 =	vld [tilespmem:$0x101A0];
	v11 =	vmax.f32 v11, v35;
	v10 =	vmin.f32 v10, v36  }
0x82: {  	v12 =	vld [tilespmem:$0x10320];
	v11 =	vmax.f32 v11, v37;
	v10 =	vmin.f32 v10, v38  }
0x83: {  	v51 =	vld [tilespmem:$0x103A0];
	v11 =	vmax.f32 v11, v39;
	v10 =	vmin.f32 v10, v40  }
0x84: {  	v52 =	vld [tilespmem:$0x101B0];
	v11 =	vmax.f32 v11, v41;
	v10 =	vmin.f32 v10, v42  }
0x85: {  	v32 =	vld [tilespmem:$0x10370];
	v11 =	vmax.f32 v11, v43;
	v10 =	vmin.f32 v10, v44  }
0x86: {  	v34 =	vld [tilespmem:$0x10180];
	v11 =	vmax.f32 v11, v45;
	v10 =	vmin.f32 v10, v46  }
0x87: {  	v11 =	vmax.f32 v11, v12;
	v10 =	vmin.f32 v10, v53;
	v53 =	vld [tilespmem:$0x103B0]  }
0x88: {  	v11 =	vmax.f32 v11, v54;
	v54 =	vld [tilespmem:$0x101C0];
	v10 =	vmin.f32 v10, v55  }
0x89: {  	v11 =	vmax.f32 v11, v56;
	v55 =	vld [tilespmem:$0x103C0];
	v10 =	vmin.f32 v10, v57  }
0x8a: {  	v56 =	vld [tilespmem:$0x101D0];
	v11 =	vmax.f32 v11, v58;
	v10 =	vmin.f32 v10, v59  }
0x8b: {  	v57 =	vld [tilespmem:$0x103D0];
	v11 =	vmax.f32 v11, v60;
	v10 =	vmin.f32 v10, v63  }
0x8c: {  	v58 =	vld [tilespmem:$0x101E0];
	v11 =	vmax.f32 v11, v32;
	v10 =	vmin.f32 v10, v34  }
0x8d: {  	v59 =	vld [tilespmem:$0x103E0];
	v11 =	vmax.f32 v11, v47;
	v10 =	vmin.f32 v10, v48  }
0x8e: {  	v60 =	vld [tilespmem:$0x101F0];
	v11 =	vmax.f32 v11, v49;
	v10 =	vmin.f32 v10, v50  }
0x8f: {  	v63 =	vld [tilespmem:$0x103F0];
	v11 =	vmax.f32 v11, v51;
	v10 =	vmin.f32 v10, v52  }
0x90: {  	v11 =	vmax.f32 v11, v53;
	v10 =	vmin.f32 v10, v54  }
0x91: {  	v11 =	vmax.f32 v11, v55;
	v10 =	vmin.f32 v10, v56  }
0x92: {  	v11 =	vmax.f32 v11, v57;
	v10 =	vmin.f32 v10, v58  }
0x93: {  	v11 =	vmax.f32 v11, v59;
	v10 =	vmin.f32 v10, v60  }
0x94: {  	v11 =	vmax.f32 v11, v63;
	(xrf0) =	vmin.scan.msk.f32 $0xffff, v10  }
0x95: {  	(xrf0) =	vmax.scan.msk.f32 $0xffff, v11;
	_ =	sdelay $0x4  }
0x96: {  	v10, _, _ =	vpop (xrf0)  }
0x97: {  	v11, _, _ =	vpop (xrf0)  }
0x98: {  	v0 =	vld [tilespmem:$0x1FFD0];
	v10 =	vmin.f32 v10, $0.0e+00;
	v11 =	vmax.f32 v11, $0.0e+00  }
0x99: {  	v10 =	vsub.f32 v11, v10;
	_ =	sdelay $0x1  }
0x9a: {  	v10 =	vbroadcast v10, $0xF;
	_ =	sdelay $0x1  }
0x9b: {  	v10 =	vmul.f32 v10, v0;
	_ =	sdelay $0x1  }
0x9c: {  	v10 =	vmax.f32 v10, $9.999999930e-09  }
0x9d: {  	(erf) = vrcp.f32 v10;
	_ =	sdelay $0x8  }
0x9e: {  	s9 =	simm.s32 $0x0;
	v11 =	vpop (erf)  }
.LBB2_2:
0x9f: {  	_ =	swait.ge [sflag:s11], $0x1000  }
0xa0: {  	[sflag:s11] =	ssyncset.done $0x0  }
0xa1: {  	[sflag:s11] =	ssyncadd.s32 $0xFFFFF000  }
0xa2: {  	_ =	swait.ge [sflag:s11], $0x1000  }
0xa3: {  	[sflag:s11] =	ssyncset.done $0x0  }
0xa4: {  	[sflag:s11] =	ssyncadd.s32 $0xFFFFF000  }
0xa5: {  	_ =	swait.ge [sflag:s11], $0x1000  }
0xa6: {  	[sflag:s11] =	ssyncset.done $0x0  }
0xa7: {  	[sflag:s11] =	ssyncadd.s32 $0xFFFFF000  }
0xa8: {  	p0 =	seq.s32 s9, $0x0;
	s14 =	simm.s32 $0x80;
	_ =	swait.ge [sflag:s11], $0x1000  }
0xa9: {  	s25 =	simm.s32 $0x84;
	s1 =	simm.s32 $0x85;
	[sflag:s11] =	ssyncset.done $0x0  }
0xaa: {  	s21 =	simm.s32 $0x86;
	s13 =	simm.s32 @!p0 $0x3;
	[sflag:s11] =	ssyncadd.s32 $0xFFFFF000  }
0xab: {  	s22 =	simm.s32 $0x87;
	s23 =	simm.s32 $0x81;
	v12 =	vmov s14;
	v13 =	vmov s25;
	v14 =	vmov s1;
	_ =	swait.ge @!p0 [sflag:s13], $0x1000  }
0xac: {  	s6 =	simm.s32 $0x82;
	s8 =	simm.s32 $0x83;
	v15 =	vmov s21;
	v16 =	vmov s22;
	v17 =	vmov s23;
	[sflag:s13] =	ssyncset.done @!p0 $0x0  }
0xad: {  	v18 =	vmov s6;
	v19 =	vmov s8;
	v12 =	vshrl.u32 v12, $0x7;
	[sflag:s13] =	ssyncadd.s32 @!p0 $0xFFFFF000  }
0xae: {  	v13 =	vshrl.u32 v13, $0x7;
	v14 =	vshrl.u32 v14, $0x7;
	v17 =	vshrl.u32 v17, $0x7;
	_ =	swait.ge @!p0 [sflag:s13], $0x1000  }
0xaf: {  	v15 =	vshrl.u32 v15, $0x7;
	v16 =	vshrl.u32 v16, $0x7;
	v12 =	vshll.u32 v12, v1;
	[sflag:s13] =	ssyncset.done @!p0 $0x0  }
0xb0: {  	v18 =	vshrl.u32 v18, $0x7;
	v13 =	vshll.u32 v13, v1;
	v12 =	vbroadcast v12, $0x0;
	[sflag:s13] =	ssyncadd.s32 @!p0 $0xFFFFF000  }
0xb1: {  	v19 =	vshrl.u32 v19, $0x7;
	v14 =	vshll.u32 v14, v1;
	v13 =	vbroadcast v13, $0x0;
	_ =	swait.ge @!p0 [sflag:s13], $0x1000  }
0xb2: {  	v27 =	vor.u32 v61, v12;
	v12 =	vbroadcast v14, $0x0;
	v14 =	vshll.u32 v15, v1;
	[sflag:s13] =	ssyncset.done @!p0 $0x0  }
0xb3: {  	v15 =	vshll.u32 v17, v1;
	v23 =	vor.u32 v8, v13;
	v13 =	vbroadcast v14, $0x0;
	[sflag:s13] =	ssyncadd.s32 @!p0 $0xFFFFF000  }
0xb4: {  	v14 =	vbroadcast v15, $0x0;
	v15 =	vshll.u32 v18, v1;
	v24 =	vor.u32 v9, v12;
	_ =	swait.ge @!p0 [sflag:s13], $0x1000  }
0xb5: {  	v12 =	vbroadcast v15, $0x0;
	v15 =	vshll.u32 v19, v1;
	v25 =	vor.u32 v2, v13;
	[sflag:s13] =	ssyncset.done @!p0 $0x0  }
0xb6: {  	v29 =	vor.u32 v62, v14;
	v13 =	vbroadcast v15, $0x0;
	v14 =	vshll.u32 v16, v1;
	[sflag:s13] =	ssyncadd.s32 @!p0 $0xFFFFF000  }
0xb7: {  	v30 =	vor.u32 v5, v12;
	v12 =	vbroadcast v14, $0x0;
	v20 =	vld.idx.msk [tilespmem:v27+s3+$0x0], $0xffff  }
0xb8: {  	s25 =	simm.s32 $0x0;
	v28 =	vor.u32 v7, v13;
	v22 =	vld.idx.msk [tilespmem:v23+s3+$0x0], $0xffff  }
0xb9: {  	v14 =	vmov s25;
	v26 =	vor.u32 v4, v12;
	v38 =	vld.idx.msk [tilespmem:v24+s3+$0x0], $0xffff  }
0xba: {  	v13 =	vshrl.u32 v14, $0x7;
	v31 =	vld.idx.msk [tilespmem:v25+s3+$0x0], $0xffff  }
0xbb: {  	v12 =	vshll.u32 v13, v1;
	v33 =	vld.idx.msk [tilespmem:v29+s3+$0x0], $0xffff  }
0xbc: {  	v12 =	vbroadcast v12, $0x0;
	v34 =	vld.idx.msk [tilespmem:v30+s3+$0x0], $0xffff  }
0xbd: {  	v35 =	vld.idx.msk [tilespmem:v28+s3+$0x0], $0xffff  }
0xbe: {  	v15 =	vor.u32 v61, v12;
	v32 =	vld.idx.msk [tilespmem:v26+s3+$0x0], $0xffff  }
0xbf: {  	v16 =	vor.u32 v62, v12;
	v19 =	vor.u32 v5, v12;
	v18 =	vor.u32 v7, v12  }
0xc0: {  	v17 =	vor.u32 v8, v12;
	v36 =	vmul.f32 v20, v11;
	v21 =	vand.u32 $0x80000000, v20  }
0xc1: {  	v20 =	vmul.f32 v22, v11;
	v42 =	vand.u32 $0x80000000, v33;
	v39 =	vand.u32 $0x80000000, v34  }
0xc2: {  	v37 =	vmul.f32 v38, v11;
	v43 =	vmul.f32 v31, v11;
	v40 =	vand.u32 $0x80000000, v35  }
0xc3: {  	v33 =	vmul.f32 v33, v11;
	v44 =	vmul.f32 v32, v11;
	v41 =	vand.u32 $0x80000000, v22  }
0xc4: {  	v34 =	vmul.f32 v34, v11;
	v22 =	vadd.f32 $1.258291200e+07, v36;
	v20 =	vadd.f32 $1.258291200e+07, v20  }
0xc5: {  	v35 =	vmul.f32 v35, v11;
	v55 =	vadd.f32 $1.258291200e+07, v37;
	v56 =	vadd.f32 $1.258291200e+07, v43  }
0xc6: {  	v14 =	vor.u32 v9, v12;
	v33 =	vadd.f32 $1.258291200e+07, v33;
	v57 =	vadd.f32 $1.258291200e+07, v44  }
0xc7: {  	v13 =	vor.u32 v2, v12;
	v34 =	vadd.f32 $1.258291200e+07, v34;
	v35 =	vadd.f32 $1.258291200e+07, v35  }
0xc8: {  	v22 =	vadd.s32 $0xB4C00000, v22;
	v20 =	vadd.s32 $0xB4C00000, v20;
	v36 =	vadd.s32 $0xB4C00000, v55  }
0xc9: {  	v37 =	vadd.s32 $0xB4C00000, v56;
	v33 =	vadd.s32 $0xB4C00000, v33;
	v34 =	vadd.s32 $0xB4C00000, v34  }
0xca: {  	v43 =	vadd.s32 $0xB4C00000, v57;
	v35 =	vadd.s32 $0xB4C00000, v35;
	vm0 =	vgt.s32 v22, $0xFFFFFF80  }
0xcb: {  	vm10 =	vgt.s32 v20, $0xFFFFFF80;
	vm1 =	vgt.s32 v36, $0xFFFFFF80;
	vm2 =	vgt.s32 v37, $0xFFFFFF80  }
0xcc: {  	vm3 =	vgt.s32 v43, $0xFFFFFF80;
	vm4 =	vgt.s32 v33, $0xFFFFFF80;
	vm5 =	vgt.s32 v34, $0xFFFFFF80  }
0xcd: {  	vm6 =	vgt.s32 v35, $0xFFFFFF80;
	v22 =	vnsel vm0, $0xFFFFFF80, v22;
	v20 =	vnsel vm10, $0xFFFFFF80, v20  }
0xce: {  	v36 =	vnsel vm1, $0xFFFFFF80, v36;
	v33 =	vnsel vm4, $0xFFFFFF80, v33;
	v37 =	vnsel vm2, $0xFFFFFF80, v37  }
0xcf: {  	v43 =	vnsel vm3, $0xFFFFFF80, v43;
	v34 =	vnsel vm5, $0xFFFFFF80, v34;
	v35 =	vnsel vm6, $0xFFFFFF80, v35  }
0xd0: {  	vm7 =	vlt.s32 v22, $0x7F;
	vm0 =	vlt.s32 v20, $0x7F;
	vm1 =	vlt.s32 v36, $0x7F  }
0xd1: {  	vm2 =	vlt.s32 v37, $0x7F;
	vm11 =	vlt.s32 v33, $0x7F;
	vm12 =	vlt.s32 v34, $0x7F  }
0xd2: {  	vm13 =	vlt.s32 v43, $0x7F;
	vm6 =	vlt.s32 v35, $0x7F;
	v22 =	vnsel vm7, $0x7F, v22  }
0xd3: {  	v20 =	vnsel vm0, $0x7F, v20;
	v36 =	vnsel vm1, $0x7F, v36;
	v37 =	vnsel vm2, $0x7F, v37  }
0xd4: {  	v43 =	vnsel vm13, $0x7F, v43;
	v33 =	vnsel vm11, $0x7F, v33;
	v34 =	vnsel vm12, $0x7F, v34  }
0xd5: {  	v35 =	vnsel vm6, $0x7F, v35;
	v58 =	vsub.s32 $0x0, v22;
	v59 =	vsub.s32 $0x0, v20  }
0xd6: {  	v45 =	vsub.s32 $0x0, v36;
	v46 =	vsub.s32 $0x0, v33;
	v47 =	vsub.s32 $0x0, v37  }
0xd7: {  	v48 =	vsub.s32 $0x0, v43;
	v49 =	vsub.s32 $0x0, v34;
	v50 =	vsub.s32 $0x0, v35  }
0xd8: {  	v22 =	vmin.u32 v22, v58;
	v20 =	vmin.u32 v20, v59;
	v44 =	vmin.u32 v36, v45  }
0xd9: {  	v45 =	vmin.u32 v37, v47;
	v33 =	vmin.u32 v33, v46;
	v36 =	vmin.u32 v34, v49  }
0xda: {  	v43 =	vmin.u32 v43, v48;
	v37 =	vmin.u32 v35, v50;
	v51 =	vand.u32 $0x7FFFFFF0, v22  }
0xdb: {  	v35 =	vand.u32 $0x7FFFFFF0, v33;
	v46 =	vand.u32 $0x7FFFFFF0, v36;
	v34 =	vmax.u32 v20, v44  }
0xdc: {  	v47 =	vmin.u32 v20, v44;
	v48 =	vmax.u32 v45, v43;
	v60 =	vmax.u32 v22, v33  }
0xdd: {  	v63 =	vmin.u32 v22, v33;
	v52 =	vmin.u32 v45, v43;
	v53 =	vmax.u32 v36, v37  }
0xde: {  	v54 =	vmin.u32 v36, v37;
	v59 =	vand.u32 $0x7FFFFFF0, v37;
	v55 =	vmin.u32 v47, v52  }
0xdf: {  	v56 =	vmax.u32 v60, v53;
	v57 =	vmin.u32 v63, v54;
	v58 =	vmax.u32 v34, v48  }
0xe0: {  	v49 =	vmin.u32 v60, v53;
	v50 =	vmax.u32 v63, v54;
	v34 =	vmin.u32 v34, v48  }
0xe1: {  	v47 =	vmax.u32 v47, v52;
	v53 =	vmax.u32 v50, v49;
	v49 =	vmin.u32 v50, v49  }
0xe2: {  	v54 =	vmax.u32 v47, v34;
	v34 =	vmin.u32 v47, v34;
	v58 =	vmin.u32 v49, v58  }
0xe3: {  	v34 =	vmin.u32 v56, v34;
	v48 =	vmin.u32 v53, v54;
	v47 =	vmax.u32 v58, v57  }
0xe4: {  	v60 =	vand.u32 $0x7FFFFFF0, v20;
	v34 =	vmax.u32 v55, v34;
	v47 =	vmax.u32 v48, v47  }
0xe5: {  	v63 =	vand.u32 $0x7FFFFFF0, v44;
	v56 =	vand.u32 $0x7FFFFFF0, v45;
	v47 =	vmax.u32 v34, v47  }
0xe6: {  	v57 =	vand.u32 $0x7FFFFFF0, v43;
	vm14 =	vlt.u32 v22, v47;
	vm15 =	vlt.u32 v33, v47  }
0xe7: {  	vm9 =	vlt.u32 v36, v47;
	vm10 =	vlt.u32 v37, v47;
	vm11 =	vlt.u32 v20, v47  }
0xe8: {  	vm12 =	vlt.u32 v44, v47;
	vm13 =	vlt.u32 v45, v47;
	v22 =	vsel vm14, v51, v22  }
0xe9: {  	v33 =	vsel vm15, v35, v33;
	vm14 =	vlt.u32 v43, v47;
	v46 =	vsel vm9, v46, v36  }
0xea: {  	v58 =	vsel vm10, v59, v37;
	v20 =	vsel vm11, v60, v20;
	v22 =	vcvt.s32.f32 v22  }
0xeb: {  	v44 =	vsel vm12, v63, v44;
	v33 =	vcvt.s32.f32 v33;
	v46 =	vcvt.s32.f32 v46  }
0xec: {  	v45 =	vsel vm13, v56, v45;
	v47 =	vcvt.s32.f32 v58;
	v63 =	vcvt.s32.f32 v20  }
0xed: {  	v34 =	vld.idx.msk [tilespmem:v15+s3+$0x0], $0xffff;
	v50 =	vsel vm14, v57, v43;
	v56 =	vcvt.s32.f32 v44;
	v45 =	vcvt.s32.f32 v45  }
0xee: {  	v12 =	vor.u32 v4, v12;
	v35 =	vld.idx.msk [tilespmem:v16+s3+$0x0], $0xffff;
	v50 =	vcvt.s32.f32 v50;
	v59 =	vmul.f32 v22, v10  }
0xef: {  	v38 =	vand.u32 $0x80000000, v38;
	v36 =	vld.idx.msk [tilespmem:v19+s3+$0x0], $0xffff;
	v60 =	vmul.f32 v33, v10;
	v46 =	vmul.f32 v46, v10  }
0xf0: {  	v31 =	vand.u32 $0x80000000, v31;
	v37 =	vld.idx.msk [tilespmem:v18+s3+$0x0], $0xffff;
	v47 =	vmul.f32 v47, v10;
	v57 =	vmul.f32 v63, v10  }
0xf1: {  	v32 =	vand.u32 $0x80000000, v32;
	v20 =	vld.idx.msk [tilespmem:v13+s3+$0x0], $0xffff;
	v58 =	vmul.f32 v56, v10;
	v45 =	vmul.f32 v45, v10  }
0xf2: {  	v33 =	vld.idx.msk [tilespmem:v17+s3+$0x0], $0xffff;
	v50 =	vmul.f32 v50, v10;
	v44 =	vor.u32 v59, v21;
	v43 =	vor.u32 v60, v42  }
0xf3: {  	v22 =	vld.idx.msk [tilespmem:v14+s3+$0x0], $0xffff;
	v42 =	vor.u32 v46, v39;
	v40 =	vor.u32 v47, v40;
	v59 =	vmul.f32 v34, v11  }
0xf4: {  	v39 =	vor.u32 v57, v41;
	v38 =	vor.u32 v58, v38;
	v60 =	vmul.f32 v35, v11  }
0xf5: {  	v21 =	vld.idx.msk [tilespmem:v12+s3+$0x0], $0xffff;
	v55 =	vmul.f32 v36, v11;
	v56 =	vmul.f32 v37, v11;
	v45 =	vor.u32 v45, v31  }
0xf6: {  	v32 =	vor.u32 v50, v32;
	v63 =	vadd.f32 $1.258291200e+07, v59;
	v41 =	vadd.f32 $1.258291200e+07, v60  }
0xf7: {  	v47 =	vadd.f32 $1.258291200e+07, v55;
	v59 =	vmul.f32 v20, v11;
	v48 =	vadd.f32 $1.258291200e+07, v56  }
0xf8: {  	[tilespmem:v27+s12+$0x0] =	vst.idx.msk $0xffff, v44;
	v57 =	vmul.f32 v33, v11;
	v58 =	vmul.f32 v22, v11;
	v46 =	vadd.s32 $0xB4C00000, v63  }
0xf9: {  	[tilespmem:v29+s12+$0x0] =	vst.idx.msk $0xffff, v43;
	v41 =	vadd.s32 $0xB4C00000, v41;
	v52 =	vadd.f32 $1.258291200e+07, v59;
	v47 =	vadd.s32 $0xB4C00000, v47  }
0xfa: {  	[tilespmem:v30+s12+$0x0] =	vst.idx.msk $0xffff, v42;
	v48 =	vadd.s32 $0xB4C00000, v48;
	v60 =	vmul.f32 v21, v11;
	v49 =	vadd.f32 $1.258291200e+07, v57  }
0xfb: {  	[tilespmem:v28+s12+$0x0] =	vst.idx.msk $0xffff, v40;
	v51 =	vadd.f32 $1.258291200e+07, v58;
	vm15 =	vgt.s32 v46, $0xFFFFFF80;
	vm6 =	vgt.s32 v41, $0xFFFFFF80  }
0xfc: {  	vm7 =	vgt.s32 v47, $0xFFFFFF80;
	vm8 =	vgt.s32 v48, $0xFFFFFF80;
	[tilespmem:v23+s12+$0x0] =	vst.idx.msk $0xffff, v39;
	v23 =	vand.u32 $0x80000000, v35  }
0xfd: {  	v46 =	vnsel vm15, $0xFFFFFF80, v46;
	v52 =	vadd.s32 $0xB4C00000, v52;
	v41 =	vnsel vm6, $0xFFFFFF80, v41  }
0xfe: {  	v47 =	vnsel vm7, $0xFFFFFF80, v47;
	v48 =	vnsel vm8, $0xFFFFFF80, v48;
	[tilespmem:v24+s12+$0x0] =	vst.idx.msk $0xffff, v38;
	v24 =	vand.u32 $0x80000000, v36  }
0xff: {  	v38 =	vand.u32 $0x80000000, v37;
	v53 =	vadd.f32 $1.258291200e+07, v60;
	v49 =	vadd.s32 $0xB4C00000, v49  }
0x100: {  	v51 =	vadd.s32 $0xB4C00000, v51;
	vm10 =	vgt.s32 v52, $0xFFFFFF80;
	vm11 =	vlt.s32 v46, $0x7F  }
0x101: {  	vm12 =	vlt.s32 v41, $0x7F;
	vm14 =	vlt.s32 v47, $0x7F;
	vm15 =	vlt.s32 v48, $0x7F  }
0x102: {  	vm0 =	vgt.s32 v49, $0xFFFFFF80;
	vm9 =	vgt.s32 v51, $0xFFFFFF80;
	v52 =	vnsel vm10, $0xFFFFFF80, v52  }
0x103: {  	v46 =	vnsel vm11, $0x7F, v46;
	v41 =	vnsel vm12, $0x7F, v41;
	v47 =	vnsel vm14, $0x7F, v47  }
0x104: {  	v48 =	vnsel vm15, $0x7F, v48;
	v53 =	vadd.s32 $0xB4C00000, v53;
	v49 =	vnsel vm0, $0xFFFFFF80, v49  }
0x105: {  	v51 =	vnsel vm9, $0xFFFFFF80, v51;
	v54 =	vsub.s32 $0x0, v46;
	vm2 =	vlt.s32 v52, $0x7F  }
0x106: {  	v55 =	vsub.s32 $0x0, v41;
	v63 =	vsub.s32 $0x0, v47;
	v60 =	vsub.s32 $0x0, v48  }
0x107: {  	vm13 =	vgt.s32 v53, $0xFFFFFF80;
	vm0 =	vlt.s32 v49, $0x7F;
	vm1 =	vlt.s32 v51, $0x7F  }
0x108: {  	v52 =	vnsel vm2, $0x7F, v52;
	v46 =	vmin.u32 v46, v54;
	v41 =	vmin.u32 v41, v55  }
0x109: {  	v47 =	vmin.u32 v47, v63;
	v48 =	vmin.u32 v48, v60;
	v53 =	vnsel vm13, $0xFFFFFF80, v53  }
0x10a: {  	v49 =	vnsel vm0, $0x7F, v49;
	v51 =	vnsel vm1, $0x7F, v51;
	v56 =	vsub.s32 $0x0, v52  }
0x10b: {  	v58 =	vmax.u32 v46, v41;
	v59 =	vmin.u32 v46, v41;
	v60 =	vmax.u32 v47, v48  }
0x10c: {  	vm8 =	vlt.s32 v53, $0x7F;
	v54 =	vsub.s32 $0x0, v49;
	v55 =	vsub.s32 $0x0, v51  }
0x10d: {  	v52 =	vmin.u32 v52, v56;
	v53 =	vnsel vm8, $0x7F, v53;
	v49 =	vmin.u32 v49, v54  }
0x10e: {  	v51 =	vmin.u32 v51, v55;
	v54 =	vmin.u32 v47, v48;
	v55 =	vmin.u32 v58, v60  }
0x10f: {  	v58 =	vmax.u32 v58, v60;
	v30 =	vand.u32 $0x7FFFFFF0, v52;
	v57 =	vsub.s32 $0x0, v53  }
0x110: {  	v4 =	vmovc v62;
	v56 =	vmax.u32 v59, v54;
	v62 =	vmin.u32 v49, v51;
	v53 =	vmin.u32 v53, v57  }
0x111: {  	v3 =	vmovc v61;
	v54 =	vmin.u32 v59, v54;
	v57 =	vmax.u32 v49, v51;
	v61 =	vmax.u32 v52, v53  }
0x112: {  	v29 =	vand.u32 $0x7FFFFFF0, v49;
	v63 =	vmax.u32 v57, v61;
	v57 =	vmin.u32 v57, v61  }
0x113: {  	v61 =	vmin.u32 v56, v55;
	v55 =	vmax.u32 v56, v55;
	v56 =	vmin.u32 v52, v53  }
0x114: {  	v59 =	vand.u32 $0x7FFFFFF0, v51;
	v61 =	vmin.u32 v61, v63;
	v60 =	vmax.u32 v62, v56  }
0x115: {  	v56 =	vmin.u32 v62, v56;
	v63 =	vmax.u32 v60, v57;
	v57 =	vmin.u32 v60, v57  }
0x116: {  	v54 =	vmax.u32 v61, v54;
	v57 =	vmin.u32 v58, v57;
	v55 =	vmin.u32 v55, v63  }
0x117: {  	v58 =	vand.u32 $0x7FFFFFF0, v48;
	v54 =	vmax.u32 v55, v54;
	v63 =	vmax.u32 v56, v57  }
0x118: {  	v56 =	vand.u32 $0x7FFFFFF0, v46;
	v57 =	vand.u32 $0x7FFFFFF0, v47;
	v31 =	vmax.u32 v63, v54  }
0x119: {  	vm0 =	vlt.u32 v46, v31;
	vm9 =	vlt.u32 v41, v31;
	vm10 =	vlt.u32 v47, v31  }
0x11a: {  	vm11 =	vlt.u32 v48, v31;
	vm12 =	vlt.u32 v49, v31;
	vm13 =	vlt.u32 v51, v31  }
0x11b: {  	vm14 =	vlt.u32 v52, v31;
	vm15 =	vlt.u32 v53, v31;
	v31 =	vand.u32 $0x7FFFFFF0, v41  }
0x11c: {  	v46 =	vsel vm0, v56, v46;
	v27 =	vsel vm9, v31, v41;
	v31 =	vsel vm10, v57, v47  }
0x11d: {  	v41 =	vsel vm11, v58, v48;
	v60 =	vsel vm12, v29, v49;
	v29 =	vand.u32 $0x7FFFFFF0, v53  }
0x11e: {  	v43 =	vsel vm13, v59, v51;
	v62 =	vcvt.s32.f32 v46;
	v63 =	vcvt.s32.f32 v27  }
0x11f: {  	v30 =	vsel vm14, v30, v52;
	v28 =	vcvt.s32.f32 v31;
	v27 =	vcvt.s32.f32 v41  }
0x120: {  	v61 =	vsel vm15, v29, v53;
	v31 =	vcvt.s32.f32 v60;
	v41 =	vcvt.s32.f32 v43  }
0x121: {  	v7 =	vmovc v2;
	[tilespmem:v25+s12+$0x0] =	vst.idx.msk $0xffff, v45;
	v25 =	vand.u32 $0x80000000, v33;
	v40 =	vcvt.s32.f32 v30;
	v39 =	vcvt.s32.f32 v61  }
0x122: {  	s14 =	simm.s32 $0x180;
	s13 =	simm.s32 $0x0;
	[tilespmem:v26+s12+$0x0] =	vst.idx.msk $0xffff, v32;
	v29 =	vand.u32 $0x80000000, v34;
	v42 =	vmul.f32 v62, v10;
	v26 =	vmul.f32 v63, v10  }
.LBB2_3:
0x123: {  	s6 =	sadd.s32 $0x4, s14;
	s8 =	sadd.s32 $0x5, s14;
	s23 =	sadd.s32 $0x7, s14;
	v43 =	vmul.f32 v28, v10;
	v44 =	vmul.f32 v27, v10;
	v27 =	vmov s14  }
0x124: {  	s25 =	sadd.s32 $0x1, s14;
	s21 =	sadd.s32 $0x2, s14;
	s22 =	sadd.s32 $0x3, s14;
	v28 =	vmov s6;
	v30 =	vmov s8;
	v33 =	vmov s23  }
0x125: {  	s1 =	sadd.s32 $0xFFFFFF80, s14;
	s8 =	sadd.s32 $0x6, s14;
	v34 =	vmov s25;
	v35 =	vmov s21;
	v36 =	vmov s22  }
0x126: {  	v57 =	vmov s1;
	v32 =	vmov s8;
	v27 =	vshrl.u32 v27, $0x7  }
0x127: {  	v28 =	vshrl.u32 v28, $0x7;
	v30 =	vshrl.u32 v30, $0x7;
	v34 =	vshrl.u32 v34, $0x7  }
0x128: {  	v45 =	vshrl.u32 v33, $0x7;
	v51 =	vshrl.u32 v35, $0x7;
	v52 =	vshrl.u32 v36, $0x7  }
0x129: {  	v59 =	vshrl.u32 v57, $0x7;
	v27 =	vshll.u32 v27, v1;
	v37 =	vshrl.u32 v32, $0x7  }
0x12a: {  	v28 =	vshll.u32 v28, v1;
	v30 =	vshll.u32 v30, v1;
	v27 =	vbroadcast v27, $0x0  }
0x12b: {  	v2 =	vld [tilespmem:$0x1FFF0];
	v34 =	vshll.u32 v34, v1;
	v33 =	vshll.u32 v51, v1;
	v28 =	vbroadcast v28, $0x0  }
0x12c: {  	v0 =	vld [tilespmem:$0x1FFE0];
	v35 =	vshll.u32 v52, v1;
	v34 =	vbroadcast v34, $0x0;
	v32 =	vor.u32 v3, v27  }
0x12d: {  	v54 =	vbroadcast v33, $0x0;
	v27 =	vbroadcast v30, $0x0;
	v30 =	vor.u32 v8, v28  }
0x12e: {  	v56 =	vshll.u32 v45, v1;
	v55 =	vbroadcast v35, $0x0;
	v33 =	vor.u32 v4, v34  }
0x12f: {  	v48 =	vshll.u32 v59, v1;
	v58 =	vbroadcast v56, $0x0;
	v35 =	vor.u32 v5, v54  }
0x130: {  	v48 =	vbroadcast v48, $0x0;
	v34 =	vor.u32 v2, v55  }
0x131: {  	v47 =	vmul.f32 v31, v10;
	v31 =	vor.u32 v0, v58;
	v46 =	vld.idx.msk [tilespmem:v32+s3+$0x0], $0xffff  }
0x132: {  	v22 =	vand.u32 $0x80000000, v22;
	v53 =	vshll.u32 v37, v1;
	v51 =	vor.u32 v3, v48;
	v45 =	vld.idx.msk [tilespmem:v30+s3+$0x0], $0xffff  }
0x133: {  	v20 =	vand.u32 $0x80000000, v20;
	v36 =	vbroadcast v53, $0x0;
	v52 =	vor.u32 v4, v48;
	v49 =	vld.idx.msk [tilespmem:v33+s3+$0x0], $0xffff  }
0x134: {  	v21 =	vand.u32 $0x80000000, v21;
	v41 =	vmul.f32 v41, v10;
	v28 =	vor.u32 v9, v27;
	v54 =	vld.idx.msk [tilespmem:v35+s3+$0x0], $0xffff  }
0x135: {  	v40 =	vmul.f32 v40, v10;
	v50 =	vor.u32 v42, v29;
	v27 =	vor.u32 v7, v36;
	v58 =	vld.idx.msk [tilespmem:v34+s3+$0x0], $0xffff  }
0x136: {  	v39 =	vmul.f32 v39, v10;
	v26 =	vor.u32 v26, v23;
	v53 =	vor.u32 v5, v48;
	v29 =	vld.idx.msk [tilespmem:v31+s3+$0x0], $0xffff  }
0x137: {  	v44 =	vor.u32 v44, v38;
	v55 =	vor.u32 v2, v48;
	v38 =	vld.idx.msk [tilespmem:v51+s3+$0x0], $0xffff;
	[tilespmem:v15+s12+$0x0] =	vst.idx.msk $0xffff, v50  }
0x138: {  	v60 =	vor.u32 v43, v24;
	v47 =	vor.u32 v47, v25;
	v56 =	vor.u32 v8, v48;
	v23 =	vld.idx.msk [tilespmem:v52+s3+$0x0], $0xffff  }
0x139: {  	v61 =	vor.u32 v41, v22;
	v62 =	vor.u32 v40, v20;
	v63 =	vor.u32 v39, v21;
	v36 =	vld.idx.msk [tilespmem:v28+s3+$0x0], $0xffff  }
0x13a: {  	v57 =	vor.u32 v9, v48;
	v59 =	vor.u32 v7, v48;
	[tilespmem:v16+s12+$0x0] =	vst.idx.msk $0xffff, v26;
	v37 =	vld.idx.msk [tilespmem:v27+s3+$0x0], $0xffff  }
0x13b: {  	v48 =	vor.u32 v0, v48;
	v24 =	vld.idx.msk [tilespmem:v53+s3+$0x0], $0xffff;
	v20 =	vmul.f32 v46, v11;
	v42 =	vand.u32 $0x80000000, v46  }
0x13c: {  	v15 =	vmovc v51;
	v26 =	vld.idx.msk [tilespmem:v55+s3+$0x0], $0xffff;
	v21 =	vmul.f32 v45, v11;
	v43 =	vand.u32 $0x80000000, v49;
	v39 =	vand.u32 $0x80000000, v54  }
0x13d: {  	v16 =	vmovc v52;
	v25 =	vld.idx.msk [tilespmem:v56+s3+$0x0], $0xffff;
	v40 =	vand.u32 $0x80000000, v58;
	v49 =	vmul.f32 v49, v11;
	v52 =	vmul.f32 v54, v11  }
0x13e: {  	[tilespmem:v19+s12+$0x0] =	vst.idx.msk $0xffff, v60;
	v41 =	vand.u32 $0x80000000, v45;
	v58 =	vmul.f32 v58, v11;
	v46 =	vmul.f32 v36, v11  }
0x13f: {  	v22 =	vld.idx.msk [tilespmem:v57+s3+$0x0], $0xffff;
	[tilespmem:v18+s12+$0x0] =	vst.idx.msk $0xffff, v44;
	v50 =	vmul.f32 v37, v11;
	v45 =	vadd.f32 $1.258291200e+07, v20;
	v54 =	vadd.f32 $1.258291200e+07, v21  }
0x140: {  	v51 =	vmul.f32 v29, v11;
	v20 =	vld.idx.msk [tilespmem:v59+s3+$0x0], $0xffff;
	[tilespmem:v17+s12+$0x0] =	vst.idx.msk $0xffff, v47;
	v47 =	vadd.f32 $1.258291200e+07, v52;
	v60 =	vadd.f32 $1.258291200e+07, v58  }
0x141: {  	v46 =	vadd.f32 $1.258291200e+07, v46;
	v50 =	vadd.f32 $1.258291200e+07, v50;
	v44 =	vadd.s32 $0xB4C00000, v45  }
0x142: {  	v21 =	vld.idx.msk [tilespmem:v48+s3+$0x0], $0xffff;
	[tilespmem:v14+s12+$0x0] =	vst.idx.msk $0xffff, v61;
	v45 =	vadd.f32 $1.258291200e+07, v49;
	v49 =	vadd.f32 $1.258291200e+07, v51;
	v61 =	vadd.s32 $0xB4C00000, v54  }
0x143: {  	v47 =	vadd.s32 $0xB4C00000, v47;
	v58 =	vadd.s32 $0xB4C00000, v60;
	vm0 =	vgt.s32 v44, $0xFFFFFF80  }
0x144: {  	vm10 =	vgt.s32 v61, $0xFFFFFF80;
	vm5 =	vgt.s32 v47, $0xFFFFFF80;
	vm6 =	vgt.s32 v58, $0xFFFFFF80  }
0x145: {  	v46 =	vadd.s32 $0xB4C00000, v46;
	v50 =	vadd.s32 $0xB4C00000, v50;
	v45 =	vadd.s32 $0xB4C00000, v45  }
0x146: {  	[tilespmem:v13+s12+$0x0] =	vst.idx.msk $0xffff, v62;
	v13 =	vmovc v59;
	v49 =	vadd.s32 $0xB4C00000, v49;
	v44 =	vnsel vm0, $0xFFFFFF80, v44;
	v59 =	vnsel vm10, $0xFFFFFF80, v61  }
0x147: {  	[tilespmem:v12+s12+$0x0] =	vst.idx.msk $0xffff, v63;
	v12 =	vmovc v48;
	v47 =	vnsel vm5, $0xFFFFFF80, v47;
	v48 =	vnsel vm6, $0xFFFFFF80, v58;
	vm1 =	vgt.s32 v46, $0xFFFFFF80  }
0x148: {  	vm2 =	vgt.s32 v50, $0xFFFFFF80;
	vm3 =	vgt.s32 v49, $0xFFFFFF80;
	vm4 =	vgt.s32 v45, $0xFFFFFF80  }
0x149: {  	vm7 =	vlt.s32 v44, $0x7F;
	vm0 =	vlt.s32 v59, $0x7F;
	vm12 =	vlt.s32 v47, $0x7F  }
0x14a: {  	vm6 =	vlt.s32 v48, $0x7F;
	v46 =	vnsel vm1, $0xFFFFFF80, v46;
	v45 =	vnsel vm4, $0xFFFFFF80, v45  }
0x14b: {  	v50 =	vnsel vm2, $0xFFFFFF80, v50;
	v49 =	vnsel vm3, $0xFFFFFF80, v49;
	v44 =	vnsel vm7, $0x7F, v44  }
0x14c: {  	v51 =	vnsel vm0, $0x7F, v59;
	v47 =	vnsel vm12, $0x7F, v47;
	v48 =	vnsel vm6, $0x7F, v48  }
0x14d: {  	vm1 =	vlt.s32 v46, $0x7F;
	vm2 =	vlt.s32 v50, $0x7F;
	vm11 =	vlt.s32 v45, $0x7F  }
0x14e: {  	vm13 =	vlt.s32 v49, $0x7F;
	v60 =	vsub.s32 $0x0, v44;
	v52 =	vsub.s32 $0x0, v51  }
0x14f: {  	v63 =	vsub.s32 $0x0, v47;
	v46 =	vnsel vm1, $0x7F, v46;
	v50 =	vnsel vm2, $0x7F, v50  }
0x150: {  	v49 =	vnsel vm13, $0x7F, v49;
	v45 =	vnsel vm11, $0x7F, v45;
	v44 =	vmin.u32 v44, v60  }
0x151: {  	v60 =	vsub.s32 $0x0, v48;
	v51 =	vmin.u32 v51, v52;
	v47 =	vmin.u32 v47, v63  }
0x152: {  	v19 =	vmovc v53;
	v53 =	vsub.s32 $0x0, v46;
	v54 =	vsub.s32 $0x0, v45;
	v61 =	vsub.s32 $0x0, v50  }
0x153: {  	v62 =	vsub.s32 $0x0, v49;
	v59 =	vand.u32 $0x7FFFFFF0, v44;
	v48 =	vmin.u32 v48, v60  }
0x154: {  	v46 =	vmin.u32 v46, v53;
	v50 =	vmin.u32 v50, v61;
	v45 =	vmin.u32 v45, v54  }
0x155: {  	v49 =	vmin.u32 v49, v62;
	v53 =	vand.u32 $0x7FFFFFF0, v47;
	v61 =	vmax.u32 v47, v48  }
0x156: {  	v18 =	vmovc v55;
	v62 =	vmin.u32 v47, v48;
	v52 =	vand.u32 $0x7FFFFFF0, v45;
	v54 =	vmax.u32 v51, v46  }
0x157: {  	v17 =	vmovc v56;
	v55 =	vmin.u32 v51, v46;
	v56 =	vmax.u32 v50, v49;
	v60 =	vmin.u32 v50, v49  }
0x158: {  	v14 =	vmovc v57;
	v57 =	vmax.u32 v44, v45;
	v58 =	vmin.u32 v44, v45;
	v63 =	vmin.u32 v55, v60  }
0x159: {  	v6 =	vmax.u32 v57, v61;
	v0 =	vmin.u32 v58, v62;
	v2 =	vmax.u32 v54, v56  }
0x15a: {  	v57 =	vmin.u32 v57, v61;
	v58 =	vmax.u32 v58, v62;
	v54 =	vmin.u32 v54, v56  }
0x15b: {  	v55 =	vmax.u32 v55, v60;
	v61 =	vmax.u32 v58, v57;
	v57 =	vmin.u32 v58, v57  }
0x15c: {  	v62 =	vmax.u32 v55, v54;
	v54 =	vmin.u32 v55, v54;
	v2 =	vmin.u32 v57, v2  }
0x15d: {  	v6 =	vmin.u32 v6, v54;
	v60 =	vmin.u32 v61, v62;
	v0 =	vmax.u32 v2, v0  }
0x15e: {  	v61 =	vand.u32 $0x7FFFFFF0, v46;
	v2 =	vmax.u32 v63, v6;
	v0 =	vmax.u32 v60, v0  }
0x15f: {  	v62 =	vand.u32 $0x7FFFFFF0, v50;
	v6 =	vand.u32 $0x7FFFFFF0, v48;
	v0 =	vmax.u32 v2, v0  }
0x160: {  	v63 =	vand.u32 $0x7FFFFFF0, v49;
	v2 =	vand.u32 $0x7FFFFFF0, v51;
	vm14 =	vlt.u32 v44, v0  }
0x161: {  	vm15 =	vlt.u32 v45, v0;
	vm9 =	vlt.u32 v47, v0;
	vm10 =	vlt.u32 v48, v0  }
0x162: {  	vm11 =	vlt.u32 v51, v0;
	vm12 =	vlt.u32 v46, v0;
	vm13 =	vlt.u32 v50, v0  }
0x163: {  	v44 =	vsel vm14, v59, v44;
	v45 =	vsel vm15, v52, v45;
	vm14 =	vlt.u32 v49, v0  }
0x164: {  	v60 =	vsel vm9, v53, v47;
	v6 =	vsel vm10, v6, v48;
	v0 =	vcvt.s32.f32 v44  }
0x165: {  	v2 =	vsel vm11, v2, v51;
	v47 =	vmul.f32 v21, v11;
	v45 =	vcvt.s32.f32 v45  }
0x166: {  	v46 =	vsel vm12, v61, v46;
	v44 =	vcvt.s32.f32 v60;
	v0 =	vmul.f32 v0, v10  }
0x167: {  	v61 =	vsel vm13, v62, v50;
	v6 =	vcvt.s32.f32 v6;
	v45 =	vmul.f32 v45, v10  }
0x168: {  	v62 =	vsel vm14, v63, v49;
	v63 =	vmul.f32 v44, v10;
	v0 =	vor.u32 v0, v42  }
0x169: {  	v2 =	vcvt.s32.f32 v2;
	v6 =	vmul.f32 v6, v10;
	[tilespmem:v32+s12+$0x0] =	vst.idx.msk $0xffff, v0;
	v0 =	vor.u32 v45, v43  }
0x16a: {  	v44 =	vcvt.s32.f32 v46;
	v45 =	vcvt.s32.f32 v61;
	[tilespmem:v33+s12+$0x0] =	vst.idx.msk $0xffff, v0;
	v0 =	vor.u32 v63, v39  }
0x16b: {  	v2 =	vmul.f32 v2, v10;
	v46 =	vcvt.s32.f32 v62;
	v32 =	vadd.f32 $1.258291200e+07, v47;
	[tilespmem:v35+s12+$0x0] =	vst.idx.msk $0xffff, v0  }
0x16c: {  	v0 =	vor.u32 v6, v40;
	v6 =	vmul.f32 v44, v10;
	v33 =	vmul.f32 v45, v10  }
0x16d: {  	v32 =	vadd.s32 $0xB4C00000, v32;
	[tilespmem:v34+s12+$0x0] =	vst.idx.msk $0xffff, v0;
	v0 =	vor.u32 v2, v41;
	v2 =	vand.u32 $0x80000000, v36  }
0x16e: {  	vm13 =	vgt.s32 v32, $0xFFFFFF80;
	[tilespmem:v30+s12+$0x0] =	vst.idx.msk $0xffff, v0;
	v0 =	vor.u32 v6, v2;
	v2 =	vand.u32 $0x80000000, v37  }
0x16f: {  	v6 =	vmul.f32 v46, v10;
	v30 =	vmul.f32 v38, v11;
	v32 =	vnsel vm13, $0xFFFFFF80, v32  }
0x170: {  	[tilespmem:v28+s12+$0x0] =	vst.idx.msk $0xffff, v0;
	v0 =	vor.u32 v33, v2;
	v2 =	vand.u32 $0x80000000, v29;
	v28 =	vmul.f32 v23, v11  }
0x171: {  	v29 =	vand.u32 $0x80000000, v38;
	v23 =	vand.u32 $0x80000000, v23;
	v38 =	vand.u32 $0x80000000, v26  }
0x172: {  	[tilespmem:v27+s12+$0x0] =	vst.idx.msk $0xffff, v0;
	v0 =	vor.u32 v6, v2;
	v2 =	vadd.f32 $1.258291200e+07, v30;
	v6 =	vmul.f32 v24, v11  }
0x173: {  	v27 =	vmul.f32 v26, v11;
	v30 =	vmul.f32 v22, v11;
	[tilespmem:v31+s12+$0x0] =	vst.idx.msk $0xffff, v0;
	v0 =	vadd.f32 $1.258291200e+07, v28  }
0x174: {  	v28 =	vmul.f32 v25, v11;
	v31 =	vmul.f32 v20, v11;
	v6 =	vadd.f32 $1.258291200e+07, v6  }
0x175: {  	v2 =	vadd.s32 $0xB4C00000, v2;
	v27 =	vadd.f32 $1.258291200e+07, v27;
	v30 =	vadd.f32 $1.258291200e+07, v30  }
0x176: {  	v28 =	vadd.f32 $1.258291200e+07, v28;
	v0 =	vadd.s32 $0xB4C00000, v0;
	v31 =	vadd.f32 $1.258291200e+07, v31  }
0x177: {  	vm15 =	vgt.s32 v2, $0xFFFFFF80;
	v6 =	vadd.s32 $0xB4C00000, v6;
	v27 =	vadd.s32 $0xB4C00000, v27  }
0x178: {  	vm6 =	vgt.s32 v0, $0xFFFFFF80;
	v30 =	vadd.s32 $0xB4C00000, v30;
	v2 =	vnsel vm15, $0xFFFFFF80, v2  }
0x179: {  	vm7 =	vgt.s32 v6, $0xFFFFFF80;
	vm8 =	vgt.s32 v27, $0xFFFFFF80;
	v28 =	vadd.s32 $0xB4C00000, v28  }
0x17a: {  	v31 =	vadd.s32 $0xB4C00000, v31;
	v0 =	vnsel vm6, $0xFFFFFF80, v0;
	vm9 =	vgt.s32 v30, $0xFFFFFF80  }
0x17b: {  	vm11 =	vlt.s32 v2, $0x7F;
	v6 =	vnsel vm7, $0xFFFFFF80, v6;
	v27 =	vnsel vm8, $0xFFFFFF80, v27  }
0x17c: {  	vm0 =	vgt.s32 v28, $0xFFFFFF80;
	vm10 =	vgt.s32 v31, $0xFFFFFF80;
	vm12 =	vlt.s32 v0, $0x7F  }
0x17d: {  	v30 =	vnsel vm9, $0xFFFFFF80, v30;
	v2 =	vnsel vm11, $0x7F, v2;
	vm8 =	vlt.s32 v32, $0x7F  }
0x17e: {  	vm14 =	vlt.s32 v6, $0x7F;
	vm15 =	vlt.s32 v27, $0x7F;
	v28 =	vnsel vm0, $0xFFFFFF80, v28  }
0x17f: {  	v31 =	vnsel vm10, $0xFFFFFF80, v31;
	v0 =	vnsel vm12, $0x7F, v0;
	vm1 =	vlt.s32 v30, $0x7F  }
0x180: {  	v48 =	vsub.s32 $0x0, v2;
	v32 =	vnsel vm8, $0x7F, v32;
	v6 =	vnsel vm14, $0x7F, v6  }
0x181: {  	v27 =	vnsel vm15, $0x7F, v27;
	vm0 =	vlt.s32 v28, $0x7F;
	vm2 =	vlt.s32 v31, $0x7F  }
0x182: {  	v49 =	vsub.s32 $0x0, v0;
	v30 =	vnsel vm1, $0x7F, v30;
	v2 =	vmin.u32 v2, v48  }
0x183: {  	v55 =	vsub.s32 $0x0, v32;
	v50 =	vsub.s32 $0x0, v6;
	v51 =	vsub.s32 $0x0, v27  }
0x184: {  	v28 =	vnsel vm0, $0x7F, v28;
	v31 =	vnsel vm2, $0x7F, v31;
	v0 =	vmin.u32 v0, v49  }
0x185: {  	v53 =	vsub.s32 $0x0, v30;
	v32 =	vmin.u32 v32, v55;
	v55 =	vand.u32 $0x7FFFFFF0, v2  }
0x186: {  	v6 =	vmin.u32 v6, v50;
	v27 =	vmin.u32 v27, v51;
	v52 =	vsub.s32 $0x0, v28  }
0x187: {  	v54 =	vsub.s32 $0x0, v31;
	v56 =	vmax.u32 v2, v0;
	v57 =	vmin.u32 v2, v0  }
0x188: {  	v30 =	vmin.u32 v30, v53;
	v58 =	vmax.u32 v6, v27;
	v28 =	vmin.u32 v28, v52  }
0x189: {  	v59 =	vmin.u32 v6, v27;
	v31 =	vmin.u32 v31, v54;
	v60 =	vmin.u32 v56, v58  }
0x18a: {  	v61 =	vmax.u32 v57, v59;
	v62 =	vmax.u32 v28, v30;
	v63 =	vmin.u32 v28, v30  }
0x18b: {  	v49 =	vmax.u32 v31, v32;
	v50 =	vmin.u32 v31, v32;
	v37 =	vmax.u32 v56, v58  }
0x18c: {  	v33 =	vmin.u32 v57, v59;
	v56 =	vand.u32 $0x7FFFFFF0, v0;
	v57 =	vand.u32 $0x7FFFFFF0, v6  }
0x18d: {  	v48 =	vmin.u32 v61, v60;
	v51 =	vmax.u32 v62, v49;
	v36 =	vmin.u32 v62, v49  }
0x18e: {  	v52 =	vmax.u32 v63, v50;
	v34 =	vmax.u32 v61, v60;
	v54 =	vmin.u32 v63, v50  }
0x18f: {  	v53 =	vmax.u32 v52, v36;
	v41 =	vmin.u32 v48, v51;
	v36 =	vmin.u32 v52, v36  }
0x190: {  	v36 =	vmin.u32 v37, v36;
	v34 =	vmin.u32 v34, v53;
	v33 =	vmax.u32 v41, v33  }
0x191: {  	v58 =	vand.u32 $0x7FFFFFF0, v27;
	v33 =	vmax.u32 v34, v33;
	v35 =	vmax.u32 v54, v36  }
0x192: {  	v59 =	vand.u32 $0x7FFFFFF0, v28;
	v60 =	vand.u32 $0x7FFFFFF0, v30;
	v33 =	vmax.u32 v35, v33  }
0x193: {  	v61 =	vand.u32 $0x7FFFFFF0, v31;
	v62 =	vand.u32 $0x7FFFFFF0, v32;
	vm0 =	vlt.u32 v2, v33  }
0x194: {  	vm9 =	vlt.u32 v0, v33;
	vm10 =	vlt.u32 v6, v33;
	vm11 =	vlt.u32 v27, v33  }
0x195: {  	vm12 =	vlt.u32 v28, v33;
	vm13 =	vlt.u32 v30, v33;
	vm14 =	vlt.u32 v31, v33  }
0x196: {  	s13 =	sadd.s32 $0x2, s13;
	vm15 =	vlt.u32 v32, v33;
	v2 =	vsel vm0, v55, v2;
	v0 =	vsel vm9, v56, v0  }
0x197: {  	p1 =	slt.u32 s13, $0x7E;
	v6 =	vsel vm10, v57, v6;
	v27 =	vsel vm11, v58, v27;
	v63 =	vsel vm12, v59, v28  }
.Ltmp2:
0x198: {  	v30 =	vsel vm13, v60, v30;
	v2 =	vcvt.s32.f32 v2;
	v0 =	vcvt.s32.f32 v0;
	(pc) =	sbr.rel @p1 .LBB2_3-.Ltmp2, $4  }
0x199: {  	v33 =	vsel vm14, v61, v31;
	v28 =	vcvt.s32.f32 v6;
	v27 =	vcvt.s32.f32 v27  }
0x19a: {  	v32 =	vsel vm15, v62, v32;
	v31 =	vcvt.s32.f32 v63;
	v41 =	vcvt.s32.f32 v30  }
0x19b: {  	v24 =	vand.u32 $0x80000000, v24;
	v40 =	vcvt.s32.f32 v33;
	v39 =	vcvt.s32.f32 v32  }
0x19c: {  	s14 =	sadd.s32 $0x100, s14;
	v25 =	vand.u32 $0x80000000, v25;
	v42 =	vmul.f32 v2, v10;
	v26 =	vmul.f32 v0, v10  }
0x19d: {  	_ =	sdelay $0x2  }
0x19e: {  	v0 =	vmul.f32 v28, v10;
	v2 =	vor.u32 v42, v29  }
0x19f: {  	v6 =	vmul.f32 v27, v10;
	v23 =	vor.u32 v26, v23;
	[tilespmem:v15+s12+$0x0] =	vst.idx.msk $0xffff, v2  }
0x1a0: {  	v2 =	vmul.f32 v31, v10;
	v0 =	vor.u32 v0, v24;
	[tilespmem:v16+s12+$0x0] =	vst.idx.msk $0xffff, v23  }
0x1a1: {  	v15 =	vmul.f32 v41, v10;
	v6 =	vor.u32 v6, v38;
	[tilespmem:v19+s12+$0x0] =	vst.idx.msk $0xffff, v0  }
0x1a2: {  	v16 =	vmul.f32 v40, v10;
	v0 =	vand.u32 $0x80000000, v22;
	v2 =	vor.u32 v2, v25;
	[tilespmem:v18+s12+$0x0] =	vst.idx.msk $0xffff, v6  }
0x1a3: {  	v6 =	vand.u32 $0x80000000, v20;
	v18 =	vmul.f32 v39, v10;
	v0 =	vor.u32 v15, v0;
	[tilespmem:v17+s12+$0x0] =	vst.idx.msk $0xffff, v2  }
0x1a4: {  	s1 =	sshll.u32 s9, $0xC;
	v2 =	vand.u32 $0x80000000, v21;
	v6 =	vor.u32 v16, v6;
	[tilespmem:v14+s12+$0x0] =	vst.idx.msk $0xffff, v0  }
0x1a5: {  	s23 =	rddreg [dreg:$0x2];
	s13 =	sor.u32 s5, s1;
	v0 =	vor.u32 v18, v2;
	[tilespmem:v13+s12+$0x0] =	vst.idx.msk $0xffff, v6  }
0x1a6: {  	s1 =	sadd.s32 s23, s13;
	[tilespmem:v12+s12+$0x0] =	vst.idx.msk $0xffff, v0  }
0x1a7: {  	[hbm4b:s1+s0] =	stream.strided.scatter [tilespmem:s12], [sflag:$0x3], $0x1000, s2, s0, $0x38;
	[tilespmem:$0x10400] =	vst v63  }
0x1a8: {  	s6 =	simm.s32 $0x9000;
	s25 =	sadd.s32 s13, s15  }
0x1a9: {  	[hbm4b:s25+s0] =	stream.strided.scatter [tilespmem:s6], [sflag:$0x3], $0x1000, s2, s0, $0x38;
	[tilespmem:$0x10400] =	vst v63  }
0x1aa: {  	s8 =	simm.s32 $0xA000;
	p1 =	seq.s32 s9, $0x1F;
	s6 =	sadd.s32 s13, s16  }
0x1ab: {  	[hbm4b:s6+s0] =	stream.strided.scatter [tilespmem:s8], [sflag:$0x3], $0x1000, s2, s0, $0x38;
	[tilespmem:$0x10400] =	vst v63  }
0x1ac: {  	s21 =	simm.s32 $0xB000;
	s14 =	sadd.s32 s13, s26;
	s1 =	sadd.s32 @!p1 s13, s17  }
0x1ad: {  	[hbm4b:s14+s0] =	stream.strided.scatter [tilespmem:s21], [sflag:$0x3], $0x1000, s2, s0, $0x38;
	[tilespmem:$0x10400] =	vst v63  }
0x1ae: {  	s6 =	simm.s32 @!p1 $0x80;
	s8 =	simm.s32 @!p1 $0x400;
	s14 =	simm.s32 @!p1 $0x0  }
0x1af: {  	[tilespmem:s14], [sflag:$0x1] =	stream.strided.gather @!p1 [hbm4b:s1+s6], $0x1000, s8, s6, $0x38;
	[tilespmem:$0x10400] =	vst v63  }
0x1b0: {  	s1 =	sadd.s32 @!p1 s13, s18;
	s14 =	simm.s32 @!p1 $0x1000  }
0x1b1: {  	[tilespmem:s14], [sflag:$0x1] =	stream.strided.gather @!p1 [hbm4b:s1+s6], $0x1000, s8, s6, $0x38;
	[tilespmem:$0x10400] =	vst v63  }
0x1b2: {  	s1 =	sadd.s32 @!p1 s13, s19;
	s14 =	simm.s32 @!p1 $0x2000  }
0x1b3: {  	[tilespmem:s14], [sflag:$0x1] =	stream.strided.gather @!p1 [hbm4b:s1+s6], $0x1000, s8, s6, $0x38;
	[tilespmem:$0x10400] =	vst v63  }
0x1b4: {  	s1 =	sadd.s32 @!p1 s13, s20;
	s14 =	simm.s32 @!p1 $0x3000  }
0x1b5: {  	[tilespmem:s14], [sflag:$0x1] =	stream.strided.gather @!p1 [hbm4b:s1+s6], $0x1000, s8, s6, $0x38;
	[tilespmem:$0x10400] =	vst v63  }
0x1b6: {  	_ =	swait.ge [sflag:s7], $0x1000  }
0x1b7: {  	[sflag:s7] =	ssyncset.done $0x0  }
0x1b8: {  	[sflag:s7] =	ssyncadd.s32 $0xFFFFF000  }
0x1b9: {  	_ =	swait.ge [sflag:s7], $0x1000  }
0x1ba: {  	[sflag:s7] =	ssyncset.done $0x0  }
0x1bb: {  	[sflag:s7] =	ssyncadd.s32 $0xFFFFF000  }
0x1bc: {  	_ =	swait.ge [sflag:s7], $0x1000  }
0x1bd: {  	[sflag:s7] =	ssyncset.done $0x0  }
0x1be: {  	[sflag:s7] =	ssyncadd.s32 $0xFFFFF000  }
0x1bf: {  	s23 =	simm.s32 $0x84;
	_ =	swait.ge [sflag:s7], $0x1000  }
0x1c0: {  	s22 =	simm.s32 $0x80;
	v2 =	vmov s23;
	[sflag:s7] =	ssyncset.done $0x0  }
0x1c1: {  	s23 =	simm.s32 $0x81;
	v2 =	vshrl.u32 v2, $0x7;
	v0 =	vmov s22;
	s1 =	simm.s32 @!p0 $0x4;
	[sflag:s7] =	ssyncadd.s32 $0xFFFFF000  }
0x1c2: {  	v14 =	vmov s23;
	v2 =	vshll.u32 v2, v1;
	v0 =	vshrl.u32 v0, $0x7;
	_ =	swait.ge @!p0 [sflag:s1], $0x1000  }
0x1c3: {  	s22 =	simm.s32 $0x83;
	v14 =	vshrl.u32 v14, $0x7;
	v2 =	vbroadcast v2, $0x0;
	v0 =	vshll.u32 v0, v1;
	s25 =	simm.s32 $0x85;
	[sflag:s1] =	ssyncset.done @!p0 $0x0  }
0x1c4: {  	v16 =	vmov s22;
	v0 =	vbroadcast v0, $0x0;
	v6 =	vmov s25;
	[sflag:s1] =	ssyncadd.s32 @!p0 $0xFFFFF000  }
0x1c5: {  	v16 =	vshrl.u32 v16, $0x7;
	v23 =	vor.u32 v8, v2;
	v6 =	vshrl.u32 v6, $0x7;
	s8 =	simm.s32 $0x86;
	_ =	swait.ge @!p0 [sflag:s1], $0x1000  }
0x1c6: {  	v27 =	vor.u32 v3, v0;
	v6 =	vshll.u32 v6, v1;
	s21 =	simm.s32 $0x82;
	v12 =	vmov s8;
	[sflag:s1] =	ssyncset.done @!p0 $0x0  }
0x1c7: {  	v0 =	vbroadcast v6, $0x0;
	v15 =	vmov s21;
	v12 =	vshrl.u32 v12, $0x7;
	[sflag:s1] =	ssyncadd.s32 @!p0 $0xFFFFF000  }
0x1c8: {  	v15 =	vshrl.u32 v15, $0x7;
	v6 =	vshll.u32 v12, v1;
	v12 =	vshll.u32 v14, v1;
	_ =	swait.ge @!p0 [sflag:s1], $0x1000  }
0x1c9: {  	s14 =	simm.s32 $0x87;
	v2 =	vbroadcast v6, $0x0;
	v6 =	vbroadcast v12, $0x0;
	v12 =	vshll.u32 v15, v1;
	[sflag:s1] =	ssyncset.done @!p0 $0x0  }
0x1ca: {  	v24 =	vor.u32 v9, v0;
	v13 =	vmov s14;
	v0 =	vbroadcast v12, $0x0;
	[sflag:s1] =	ssyncadd.s32 @!p0 $0xFFFFF000  }
0x1cb: {  	v13 =	vshrl.u32 v13, $0x7;
	v12 =	vshll.u32 v16, v1;
	v25 =	vor.u32 v7, v2;
	_ =	swait.ge @!p0 [sflag:s1], $0x1000  }
0x1cc: {  	v29 =	vor.u32 v4, v6;
	v6 =	vshll.u32 v13, v1;
	v30 =	vor.u32 v5, v0;
	[sflag:s1] =	ssyncset.done @!p0 $0x0;
	v13 =	vld [tilespmem:$0x1FFF0]  }
0x1cd: {  	v2 =	vbroadcast v12, $0x0;
	v12 =	vld [tilespmem:$0x1FFE0];
	[sflag:s1] =	ssyncadd.s32 @!p0 $0xFFFFF000  }
0x1ce: {  	v20 =	vld.idx.msk [tilespmem:v27+s4+$0x0], $0xffff  }
0x1cf: {  	v38 =	vld.idx.msk [tilespmem:v24+s4+$0x0], $0xffff  }
0x1d0: {  	v31 =	vld.idx.msk [tilespmem:v25+s4+$0x0], $0xffff  }
0x1d1: {  	s25 =	simm.s32 $0x0;
	v22 =	vld.idx.msk [tilespmem:v30+s4+$0x0], $0xffff  }
0x1d2: {  	v0 =	vbroadcast v6, $0x0;
	v6 =	vmov s25  }
0x1d3: {  	v6 =	vshrl.u32 v6, $0x7  }
0x1d4: {  	v26 =	vor.u32 v12, v0;
	v0 =	vshll.u32 v6, v1  }
0x1d5: {  	v28 =	vor.u32 v13, v2;
	v2 =	vld.idx.msk [tilespmem:v23+s4+$0x0], $0xffff;
	v0 =	vbroadcast v0, $0x0;
	v21 =	vand.u32 $0x80000000, v20  }
0x1d6: {  	v6 =	vld.idx.msk [tilespmem:v29+s4+$0x0], $0xffff;
	v39 =	vand.u32 $0x80000000, v22;
	v34 =	vmul.f32 v38, v11;
	v35 =	vmul.f32 v31, v11  }
0x1d7: {  	v15 =	vor.u32 v3, v0;
	v16 =	vor.u32 v4, v0;
	v19 =	vor.u32 v5, v0  }
0x1d8: {  	v18 =	vor.u32 v13, v0;
	v17 =	vor.u32 v8, v0;
	v14 =	vor.u32 v9, v0  }
0x1d9: {  	v13 =	vor.u32 v7, v0;
	v12 =	vor.u32 v12, v0;
	v0 =	vmul.f32 v20, v11  }
0x1da: {  	v56 =	vadd.f32 $1.258291200e+07, v34;
	v57 =	vadd.f32 $1.258291200e+07, v35;
	v20 =	vmul.f32 v2, v11  }
0x1db: {  	v33 =	vld.idx.msk [tilespmem:v28+s4+$0x0], $0xffff;
	v42 =	vand.u32 $0x80000000, v6;
	v6 =	vmul.f32 v6, v11;
	v0 =	vadd.f32 $1.258291200e+07, v0  }
0x1dc: {  	v32 =	vld.idx.msk [tilespmem:v26+s4+$0x0], $0xffff;
	v41 =	vand.u32 $0x80000000, v2;
	v2 =	vmul.f32 v22, v11;
	v34 =	vadd.s32 $0xB4C00000, v57  }
0x1dd: {  	v20 =	vadd.f32 $1.258291200e+07, v20;
	v0 =	vadd.s32 $0xB4C00000, v0;
	v6 =	vadd.f32 $1.258291200e+07, v6  }
0x1de: {  	v2 =	vadd.f32 $1.258291200e+07, v2;
	vm2 =	vgt.s32 v34, $0xFFFFFF80;
	vm0 =	vgt.s32 v0, $0xFFFFFF80  }
0x1df: {  	v34 =	vnsel vm2, $0xFFFFFF80, v34;
	v20 =	vadd.s32 $0xB4C00000, v20;
	v6 =	vadd.s32 $0xB4C00000, v6  }
0x1e0: {  	v2 =	vadd.s32 $0xB4C00000, v2;
	v0 =	vnsel vm0, $0xFFFFFF80, v0;
	vm2 =	vlt.s32 v34, $0x7F  }
0x1e1: {  	v40 =	vand.u32 $0x80000000, v33;
	v36 =	vmul.f32 v32, v11;
	v22 =	vmul.f32 v33, v11  }
0x1e2: {  	v33 =	vadd.s32 $0xB4C00000, v56;
	vm10 =	vgt.s32 v20, $0xFFFFFF80;
	vm4 =	vgt.s32 v6, $0xFFFFFF80  }
0x1e3: {  	vm5 =	vgt.s32 v2, $0xFFFFFF80;
	vm7 =	vlt.s32 v0, $0x7F;
	v34 =	vnsel vm2, $0x7F, v34  }
0x1e4: {  	vm1 =	vgt.s32 v33, $0xFFFFFF80;
	v20 =	vnsel vm10, $0xFFFFFF80, v20;
	v6 =	vnsel vm4, $0xFFFFFF80, v6  }
0x1e5: {  	v0 =	vnsel vm7, $0x7F, v0;
	v2 =	vnsel vm5, $0xFFFFFF80, v2;
	v44 =	vsub.s32 $0x0, v34  }
0x1e6: {  	v58 =	vadd.f32 $1.258291200e+07, v36;
	v22 =	vadd.f32 $1.258291200e+07, v22;
	v33 =	vnsel vm1, $0xFFFFFF80, v33  }
0x1e7: {  	vm0 =	vlt.s32 v20, $0x7F;
	vm11 =	vlt.s32 v6, $0x7F;
	vm12 =	vlt.s32 v2, $0x7F  }
0x1e8: {  	v59 =	vsub.s32 $0x0, v0;
	v44 =	vmin.u32 v34, v44;
	vm1 =	vlt.s32 v33, $0x7F  }
0x1e9: {  	v20 =	vnsel vm0, $0x7F, v20;
	v6 =	vnsel vm11, $0x7F, v6;
	v2 =	vnsel vm12, $0x7F, v2  }
0x1ea: {  	v0 =	vmin.u32 v0, v59;
	v35 =	vadd.s32 $0xB4C00000, v58;
	v22 =	vadd.s32 $0xB4C00000, v22  }
0x1eb: {  	v33 =	vnsel vm1, $0x7F, v33;
	v60 =	vsub.s32 $0x0, v20;
	v43 =	vsub.s32 $0x0, v6  }
0x1ec: {  	v46 =	vsub.s32 $0x0, v2;
	v48 =	vand.u32 $0x7FFFFFF0, v0;
	vm3 =	vgt.s32 v35, $0xFFFFFF80  }
0x1ed: {  	vm6 =	vgt.s32 v22, $0xFFFFFF80;
	v37 =	vsub.s32 $0x0, v33;
	v20 =	vmin.u32 v20, v60  }
0x1ee: {  	v6 =	vmin.u32 v6, v43;
	v2 =	vmin.u32 v2, v46;
	v60 =	vand.u32 $0x7FFFFFF0, v44  }
0x1ef: {  	v35 =	vnsel vm3, $0xFFFFFF80, v35;
	v22 =	vnsel vm6, $0xFFFFFF80, v22;
	v33 =	vmin.u32 v33, v37  }
0x1f0: {  	v36 =	vand.u32 $0x7FFFFFF0, v2;
	v62 =	vmax.u32 v0, v6;
	vm13 =	vlt.s32 v35, $0x7F  }
0x1f1: {  	v63 =	vmin.u32 v0, v6;
	vm6 =	vlt.s32 v22, $0x7F;
	v35 =	vnsel vm13, $0x7F, v35  }
0x1f2: {  	v61 =	vmax.u32 v20, v33;
	v22 =	vnsel vm6, $0x7F, v22;
	v45 =	vsub.s32 $0x0, v35  }
0x1f3: {  	v37 =	vmin.u32 v20, v33;
	v47 =	vsub.s32 $0x0, v22;
	v43 =	vmin.u32 v35, v45  }
0x1f4: {  	v22 =	vmin.u32 v22, v47;
	v45 =	vmax.u32 v44, v43;
	v49 =	vmin.u32 v44, v43  }
0x1f5: {  	v50 =	vmax.u32 v2, v22;
	v51 =	vmin.u32 v2, v22;
	v52 =	vmin.u32 v37, v49  }
0x1f6: {  	v53 =	vmax.u32 v62, v50;
	v54 =	vmin.u32 v63, v51;
	v55 =	vmax.u32 v61, v45  }
0x1f7: {  	v46 =	vmin.u32 v62, v50;
	v47 =	vmax.u32 v63, v51;
	v34 =	vmin.u32 v61, v45  }
0x1f8: {  	v37 =	vmax.u32 v37, v49;
	v50 =	vmax.u32 v47, v46;
	v46 =	vmin.u32 v47, v46  }
0x1f9: {  	v51 =	vmax.u32 v37, v34;
	v34 =	vmin.u32 v37, v34;
	v56 =	vmin.u32 v46, v55  }
0x1fa: {  	v34 =	vmin.u32 v53, v34;
	v45 =	vmin.u32 v50, v51;
	v37 =	vmax.u32 v56, v54  }
0x1fb: {  	v58 =	vand.u32 $0x7FFFFFF0, v20;
	v34 =	vmax.u32 v52, v34;
	v37 =	vmax.u32 v45, v37  }
0x1fc: {  	v59 =	vand.u32 $0x7FFFFFF0, v33;
	v35 =	vand.u32 $0x7FFFFFF0, v6;
	v37 =	vmax.u32 v34, v37  }
0x1fd: {  	v57 =	vand.u32 $0x7FFFFFF0, v22;
	v61 =	vand.u32 $0x7FFFFFF0, v43;
	vm14 =	vlt.u32 v0, v37  }
0x1fe: {  	vm15 =	vlt.u32 v6, v37;
	vm9 =	vlt.u32 v2, v37;
	vm10 =	vlt.u32 v22, v37  }
0x1ff: {  	vm11 =	vlt.u32 v20, v37;
	vm12 =	vlt.u32 v33, v37;
	vm13 =	vlt.u32 v44, v37  }
0x200: {  	v0 =	vsel vm14, v48, v0;
	v6 =	vsel vm15, v35, v6;
	vm14 =	vlt.u32 v43, v37  }
0x201: {  	v2 =	vsel vm9, v36, v2;
	v22 =	vsel vm10, v57, v22;
	v20 =	vsel vm11, v58, v20  }
0x202: {  	v34 =	vld.idx.msk [tilespmem:v15+s4+$0x0], $0xffff;
	v62 =	vsel vm12, v59, v33;
	v0 =	vcvt.s32.f32 v0;
	v6 =	vcvt.s32.f32 v6  }
0x203: {  	v46 =	vsel vm13, v60, v44;
	v2 =	vcvt.s32.f32 v2;
	v63 =	vcvt.s32.f32 v22  }
0x204: {  	v37 =	vld.idx.msk [tilespmem:v18+s4+$0x0], $0xffff;
	v48 =	vsel vm14, v61, v43;
	v52 =	vcvt.s32.f32 v20;
	v45 =	vcvt.s32.f32 v62  }
0x205: {  	v33 =	vld.idx.msk [tilespmem:v17+s4+$0x0], $0xffff;
	v46 =	vcvt.s32.f32 v46;
	v48 =	vcvt.s32.f32 v48  }
0x206: {  	v22 =	vld.idx.msk [tilespmem:v14+s4+$0x0], $0xffff;
	v0 =	vmul.f32 v0, v10;
	v6 =	vmul.f32 v6, v10  }
0x207: {  	v20 =	vld.idx.msk [tilespmem:v13+s4+$0x0], $0xffff;
	v2 =	vmul.f32 v2, v10;
	v53 =	vmul.f32 v34, v11  }
0x208: {  	v31 =	vand.u32 $0x80000000, v31;
	v46 =	vmul.f32 v46, v10;
	v48 =	vmul.f32 v48, v10  }
0x209: {  	v44 =	vor.u32 v0, v21;
	v43 =	vor.u32 v6, v42;
	v0 =	vmul.f32 v63, v10  }
0x20a: {  	v35 =	vld.idx.msk [tilespmem:v16+s4+$0x0], $0xffff;
	v42 =	vor.u32 v2, v39;
	v2 =	vmul.f32 v52, v10;
	v6 =	vmul.f32 v45, v10  }
0x20b: {  	v32 =	vand.u32 $0x80000000, v32;
	v36 =	vld.idx.msk [tilespmem:v19+s4+$0x0], $0xffff;
	v54 =	vmul.f32 v37, v11;
	v55 =	vmul.f32 v33, v11  }
0x20c: {  	v46 =	vor.u32 v46, v31;
	v56 =	vmul.f32 v22, v11;
	v57 =	vmul.f32 v20, v11  }
0x20d: {  	v21 =	vld.idx.msk [tilespmem:v12+s4+$0x0], $0xffff;
	v32 =	vor.u32 v48, v32;
	v40 =	vor.u32 v0, v40;
	v0 =	vand.u32 $0x80000000, v38  }
0x20e: {  	v39 =	vor.u32 v2, v41;
	v2 =	vadd.f32 $1.258291200e+07, v53;
	v41 =	vadd.f32 $1.258291200e+07, v54  }
0x20f: {  	v45 =	vadd.f32 $1.258291200e+07, v55;
	v38 =	vor.u32 v6, v0;
	v0 =	vmul.f32 v35, v11  }
0x210: {  	[tilespmem:v27+s10+$0x0] =	vst.idx.msk $0xffff, v44;
	v6 =	vmul.f32 v36, v11;
	v47 =	vadd.f32 $1.258291200e+07, v56;
	v49 =	vadd.f32 $1.258291200e+07, v57  }
0x211: {  	[tilespmem:v29+s10+$0x0] =	vst.idx.msk $0xffff, v43;
	v2 =	vadd.s32 $0xB4C00000, v2;
	v41 =	vadd.s32 $0xB4C00000, v41;
	v45 =	vadd.s32 $0xB4C00000, v45  }
0x212: {  	[tilespmem:v30+s10+$0x0] =	vst.idx.msk $0xffff, v42;
	v0 =	vadd.f32 $1.258291200e+07, v0;
	v6 =	vadd.f32 $1.258291200e+07, v6;
	v58 =	vmul.f32 v21, v11  }
0x213: {  	[tilespmem:v28+s10+$0x0] =	vst.idx.msk $0xffff, v40;
	vm15 =	vgt.s32 v2, $0xFFFFFF80;
	vm8 =	vgt.s32 v41, $0xFFFFFF80;
	v47 =	vadd.s32 $0xB4C00000, v47  }
0x214: {  	v49 =	vadd.s32 $0xB4C00000, v49;
	vm0 =	vgt.s32 v45, $0xFFFFFF80;
	[tilespmem:v23+s10+$0x0] =	vst.idx.msk $0xffff, v39;
	v23 =	vand.u32 $0x80000000, v35  }
0x215: {  	v2 =	vnsel vm15, $0xFFFFFF80, v2;
	v41 =	vnsel vm8, $0xFFFFFF80, v41;
	vm9 =	vgt.s32 v47, $0xFFFFFF80  }
0x216: {  	vm10 =	vgt.s32 v49, $0xFFFFFF80;
	v45 =	vnsel vm0, $0xFFFFFF80, v45;
	[tilespmem:v24+s10+$0x0] =	vst.idx.msk $0xffff, v38;
	v24 =	vand.u32 $0x80000000, v36  }
0x217: {  	v38 =	vand.u32 $0x80000000, v37;
	v0 =	vadd.s32 $0xB4C00000, v0;
	v6 =	vadd.s32 $0xB4C00000, v6  }
0x218: {  	v50 =	vadd.f32 $1.258291200e+07, v58;
	vm11 =	vlt.s32 v2, $0x7F;
	vm15 =	vlt.s32 v41, $0x7F  }
0x219: {  	v47 =	vnsel vm9, $0xFFFFFF80, v47;
	v49 =	vnsel vm10, $0xFFFFFF80, v49;
	vm0 =	vlt.s32 v45, $0x7F  }
0x21a: {  	vm6 =	vgt.s32 v0, $0xFFFFFF80;
	vm7 =	vgt.s32 v6, $0xFFFFFF80;
	v2 =	vnsel vm11, $0x7F, v2  }
0x21b: {  	v41 =	vnsel vm15, $0x7F, v41;
	vm1 =	vlt.s32 v47, $0x7F;
	vm2 =	vlt.s32 v49, $0x7F  }
0x21c: {  	v45 =	vnsel vm0, $0x7F, v45;
	v50 =	vadd.s32 $0xB4C00000, v50;
	v0 =	vnsel vm6, $0xFFFFFF80, v0  }
0x21d: {  	v6 =	vnsel vm7, $0xFFFFFF80, v6;
	v59 =	vsub.s32 $0x0, v2;
	v62 =	vsub.s32 $0x0, v41  }
0x21e: {  	v47 =	vnsel vm1, $0x7F, v47;
	v49 =	vnsel vm2, $0x7F, v49;
	v63 =	vsub.s32 $0x0, v45  }
0x21f: {  	vm12 =	vlt.s32 v0, $0x7F;
	vm13 =	vgt.s32 v50, $0xFFFFFF80;
	vm14 =	vlt.s32 v6, $0x7F  }
0x220: {  	v2 =	vmin.u32 v2, v59;
	v41 =	vmin.u32 v41, v62;
	v45 =	vmin.u32 v45, v63  }
0x221: {  	v50 =	vnsel vm13, $0xFFFFFF80, v50;
	v0 =	vnsel vm12, $0x7F, v0;
	v6 =	vnsel vm14, $0x7F, v6  }
0x222: {  	vm8 =	vlt.s32 v50, $0x7F;
	v60 =	vsub.s32 $0x0, v0;
	v61 =	vsub.s32 $0x0, v6  }
0x223: {  	v0 =	vmin.u32 v0, v60;
	v50 =	vnsel vm8, $0x7F, v50;
	v6 =	vmin.u32 v6, v61  }
0x224: {  	v60 =	vsub.s32 $0x0, v47;
	v61 =	vsub.s32 $0x0, v49;
	v62 =	vsub.s32 $0x0, v50  }
0x225: {  	v55 =	vmax.u32 v2, v0;
	v56 =	vmin.u32 v2, v0;
	v57 =	vmax.u32 v6, v41  }
0x226: {  	v47 =	vmin.u32 v47, v60;
	v51 =	vmin.u32 v6, v41;
	v49 =	vmin.u32 v49, v61  }
0x227: {  	v50 =	vmin.u32 v50, v62;
	v52 =	vmin.u32 v55, v57;
	v53 =	vmax.u32 v56, v51  }
0x228: {  	v54 =	vmax.u32 v45, v47;
	v59 =	vmin.u32 v45, v47;
	v55 =	vmax.u32 v55, v57  }
0x229: {  	v51 =	vmin.u32 v56, v51;
	v58 =	vmax.u32 v49, v50;
	v63 =	vmin.u32 v53, v52  }
0x22a: {  	v52 =	vmax.u32 v53, v52;
	v61 =	vmin.u32 v49, v50;
	v60 =	vmax.u32 v54, v58  }
0x22b: {  	v54 =	vmin.u32 v54, v58;
	v62 =	vmax.u32 v59, v61;
	v53 =	vmin.u32 v59, v61  }
0x22c: {  	v58 =	vmin.u32 v63, v60;
	v63 =	vmax.u32 v62, v54;
	v54 =	vmin.u32 v62, v54  }
0x22d: {  	v54 =	vmin.u32 v55, v54;
	v52 =	vmin.u32 v52, v63;
	v51 =	vmax.u32 v58, v51  }
0x22e: {  	v27 =	vand.u32 $0x7FFFFFF0, v41;
	v51 =	vmax.u32 v52, v51;
	v58 =	vmax.u32 v53, v54  }
0x22f: {  	v29 =	vand.u32 $0x7FFFFFF0, v45;
	v30 =	vand.u32 $0x7FFFFFF0, v49;
	v31 =	vmax.u32 v58, v51  }
0x230: {  	v59 =	vand.u32 $0x7FFFFFF0, v2;
	v60 =	vand.u32 $0x7FFFFFF0, v6;
	vm0 =	vlt.u32 v2, v31  }
0x231: {  	vm9 =	vlt.u32 v0, v31;
	vm10 =	vlt.u32 v6, v31;
	vm11 =	vlt.u32 v41, v31  }
0x232: {  	vm12 =	vlt.u32 v45, v31;
	vm13 =	vlt.u32 v47, v31;
	vm14 =	vlt.u32 v49, v31  }
0x233: {  	vm15 =	vlt.u32 v50, v31;
	v31 =	vand.u32 $0x7FFFFFF0, v0;
	v2 =	vsel vm0, v59, v2  }
0x234: {  	v0 =	vsel vm9, v31, v0;
	v6 =	vsel vm10, v60, v6;
	v27 =	vsel vm11, v27, v41  }
0x235: {  	v31 =	vand.u32 $0x7FFFFFF0, v47;
	v61 =	vsel vm12, v29, v45;
	v29 =	vand.u32 $0x7FFFFFF0, v50  }
0x236: {  	v30 =	vsel vm14, v30, v49;
	v2 =	vcvt.s32.f32 v2;
	v0 =	vcvt.s32.f32 v0  }
0x237: {  	v62 =	vsel vm13, v31, v47;
	v28 =	vcvt.s32.f32 v6;
	v27 =	vcvt.s32.f32 v27  }
0x238: {  	[tilespmem:v25+s10+$0x0] =	vst.idx.msk $0xffff, v46;
	v63 =	vsel vm15, v29, v50;
	v31 =	vcvt.s32.f32 v61;
	v40 =	vcvt.s32.f32 v30  }
0x239: {  	v25 =	vand.u32 $0x80000000, v33;
	[tilespmem:v26+s10+$0x0] =	vst.idx.msk $0xffff, v32;
	v41 =	vcvt.s32.f32 v62;
	v39 =	vcvt.s32.f32 v63  }
0x23a: {  	s14 =	simm.s32 $0x0;
	s25 =	simm.s32 $0x180;
	v29 =	vand.u32 $0x80000000, v34;
	v42 =	vmul.f32 v2, v10;
	v26 =	vmul.f32 v0, v10;
	v61 =	vmovc v3;
	v62 =	vmovc v4  }
.LBB2_5:
0x23b: {  	s6 =	sadd.s32 $0x4, s25;
	s8 =	sadd.s32 $0x5, s25;
	v6 =	vand.u32 $0x80000000, v22;
	v22 =	vmov s25;
	v0 =	vmul.f32 v28, v10  }
0x23c: {  	s1 =	sadd.s32 $0xFFFFFF80, s25;
	s21 =	sadd.s32 $0x1, s25;
	v2 =	vmul.f32 v27, v10;
	v27 =	vmov s6;
	v28 =	vmov s8  }
0x23d: {  	s6 =	sadd.s32 $0x6, s25;
	s8 =	sadd.s32 $0x7, s25;
	v22 =	vshrl.u32 v22, $0x7;
	v33 =	vmov s21;
	v37 =	vmov s1  }
0x23e: {  	v30 =	vmov s6;
	v32 =	vmov s8;
	v22 =	vshll.u32 v22, v1  }
0x23f: {  	v27 =	vshrl.u32 v27, $0x7;
	v28 =	vshrl.u32 v28, $0x7;
	v33 =	vshrl.u32 v33, $0x7  }
0x240: {  	v59 =	vshrl.u32 v37, $0x7;
	v30 =	vshrl.u32 v30, $0x7;
	v36 =	vshrl.u32 v32, $0x7  }
0x241: {  	v22 =	vbroadcast v22, $0x0;
	v27 =	vshll.u32 v27, v1;
	v28 =	vshll.u32 v28, v1  }
0x242: {  	v33 =	vshll.u32 v33, v1;
	v37 =	vshll.u32 v59, v1;
	v27 =	vbroadcast v27, $0x0  }
0x243: {  	v33 =	vbroadcast v33, $0x0;
	v60 =	vbroadcast v37, $0x0;
	v32 =	vor.u32 v61, v22  }
0x244: {  	v22 =	vbroadcast v28, $0x0;
	v28 =	vshll.u32 v30, v1;
	v30 =	vor.u32 v8, v27  }
0x245: {  	s22 =	sadd.s32 $0x2, s25;
	s23 =	sadd.s32 $0x3, s25;
	v33 =	vor.u32 v62, v33  }
0x246: {  	v4 =	vld [tilespmem:$0x1FFF0];
	v34 =	vmov s22;
	v35 =	vmov s23;
	v48 =	vor.u32 v61, v60  }
0x247: {  	v3 =	vld [tilespmem:$0x1FFE0];
	v34 =	vshrl.u32 v34, $0x7;
	v27 =	vbroadcast v28, $0x0;
	v28 =	vor.u32 v9, v22  }
0x248: {  	v35 =	vshrl.u32 v35, $0x7;
	v34 =	vshll.u32 v34, v1;
	v49 =	vor.u32 v62, v60;
	v43 =	vld.idx.msk [tilespmem:v32+s4+$0x0], $0xffff  }
0x249: {  	v58 =	vshll.u32 v35, v1;
	v22 =	vbroadcast v34, $0x0;
	v27 =	vor.u32 v7, v27;
	v44 =	vld.idx.msk [tilespmem:v30+s4+$0x0], $0xffff  }
0x24a: {  	v47 =	vor.u32 v42, v29;
	v50 =	vor.u32 v5, v60;
	v34 =	vbroadcast v58, $0x0;
	v46 =	vld.idx.msk [tilespmem:v33+s4+$0x0], $0xffff  }
0x24b: {  	v2 =	vor.u32 v2, v38;
	v36 =	vshll.u32 v36, v1;
	v35 =	vor.u32 v5, v22;
	v38 =	vld.idx.msk [tilespmem:v48+s4+$0x0], $0xffff  }
0x24c: {  	v20 =	vand.u32 $0x80000000, v20;
	v22 =	vbroadcast v36, $0x0;
	v34 =	vor.u32 v4, v34;
	[tilespmem:v15+s10+$0x0] =	vst.idx.msk $0xffff, v47;
	v36 =	vld.idx.msk [tilespmem:v28+s4+$0x0], $0xffff  }
0x24d: {  	v21 =	vand.u32 $0x80000000, v21;
	v26 =	vor.u32 v26, v23;
	v52 =	vor.u32 v4, v60;
	v23 =	vld.idx.msk [tilespmem:v49+s4+$0x0], $0xffff  }
0x24e: {  	v45 =	vmul.f32 v31, v10;
	v53 =	vor.u32 v8, v60;
	[tilespmem:v16+s10+$0x0] =	vst.idx.msk $0xffff, v26;
	v37 =	vld.idx.msk [tilespmem:v27+s4+$0x0], $0xffff  }
0x24f: {  	v39 =	vmul.f32 v39, v10;
	v0 =	vor.u32 v0, v24;
	v31 =	vor.u32 v3, v22;
	v24 =	vld.idx.msk [tilespmem:v50+s4+$0x0], $0xffff  }
0x250: {  	v40 =	vmul.f32 v40, v10;
	v45 =	vor.u32 v45, v25;
	v22 =	vmul.f32 v41, v10;
	v51 =	vld.idx.msk [tilespmem:v35+s4+$0x0], $0xffff  }
0x251: {  	v59 =	vor.u32 v39, v21;
	v54 =	vor.u32 v9, v60;
	v56 =	vor.u32 v7, v60;
	v55 =	vld.idx.msk [tilespmem:v34+s4+$0x0], $0xffff  }
0x252: {  	v57 =	vor.u32 v3, v60;
	v58 =	vor.u32 v40, v20;
	v6 =	vor.u32 v22, v6;
	v26 =	vld.idx.msk [tilespmem:v52+s4+$0x0], $0xffff  }
0x253: {  	v25 =	vld.idx.msk [tilespmem:v53+s4+$0x0], $0xffff;
	v20 =	vmul.f32 v43, v11;
	v42 =	vand.u32 $0x80000000, v43;
	v21 =	vmul.f32 v44, v11  }
0x254: {  	v15 =	vmovc v48;
	v29 =	vld.idx.msk [tilespmem:v31+s4+$0x0], $0xffff;
	v43 =	vand.u32 $0x80000000, v46;
	v46 =	vmul.f32 v46, v11;
	v41 =	vand.u32 $0x80000000, v44  }
0x255: {  	[tilespmem:v19+s10+$0x0] =	vst.idx.msk $0xffff, v0;
	v47 =	vmul.f32 v36, v11;
	v44 =	vadd.f32 $1.258291200e+07, v20;
	v48 =	vmul.f32 v37, v11  }
0x256: {  	v22 =	vld.idx.msk [tilespmem:v54+s4+$0x0], $0xffff;
	v60 =	vadd.f32 $1.258291200e+07, v21;
	v39 =	vand.u32 $0x80000000, v51;
	v40 =	vand.u32 $0x80000000, v55  }
0x257: {  	[tilespmem:v18+s10+$0x0] =	vst.idx.msk $0xffff, v2;
	v51 =	vmul.f32 v51, v11;
	v0 =	vmul.f32 v55, v11;
	v47 =	vadd.f32 $1.258291200e+07, v47  }
0x258: {  	v16 =	vmovc v49;
	v20 =	vld.idx.msk [tilespmem:v56+s4+$0x0], $0xffff;
	[tilespmem:v17+s10+$0x0] =	vst.idx.msk $0xffff, v45;
	v2 =	vadd.s32 $0xB4C00000, v44;
	v44 =	vadd.f32 $1.258291200e+07, v46;
	v48 =	vadd.f32 $1.258291200e+07, v48  }
0x259: {  	v21 =	vld.idx.msk [tilespmem:v57+s4+$0x0], $0xffff;
	[tilespmem:v14+s10+$0x0] =	vst.idx.msk $0xffff, v6;
	vm0 =	vgt.s32 v2, $0xFFFFFF80;
	v6 =	vadd.s32 $0xB4C00000, v60;
	v49 =	vmul.f32 v29, v11  }
0x25a: {  	v55 =	vadd.f32 $1.258291200e+07, v51;
	v0 =	vadd.f32 $1.258291200e+07, v0;
	v47 =	vadd.s32 $0xB4C00000, v47  }
0x25b: {  	v44 =	vadd.s32 $0xB4C00000, v44;
	v2 =	vnsel vm0, $0xFFFFFF80, v2;
	vm10 =	vgt.s32 v6, $0xFFFFFF80  }
0x25c: {  	v48 =	vadd.s32 $0xB4C00000, v48;
	vm1 =	vgt.s32 v47, $0xFFFFFF80;
	vm4 =	vgt.s32 v44, $0xFFFFFF80  }
0x25d: {  	vm7 =	vlt.s32 v2, $0x7F;
	v6 =	vnsel vm10, $0xFFFFFF80, v6;
	v63 =	vadd.f32 $1.258291200e+07, v49  }
0x25e: {  	v45 =	vadd.s32 $0xB4C00000, v55;
	v0 =	vadd.s32 $0xB4C00000, v0;
	vm2 =	vgt.s32 v48, $0xFFFFFF80  }
0x25f: {  	v47 =	vnsel vm1, $0xFFFFFF80, v47;
	v44 =	vnsel vm4, $0xFFFFFF80, v44;
	v2 =	vnsel vm7, $0x7F, v2  }
0x260: {  	vm0 =	vlt.s32 v6, $0x7F;
	vm5 =	vgt.s32 v45, $0xFFFFFF80;
	vm6 =	vgt.s32 v0, $0xFFFFFF80  }
0x261: {  	[tilespmem:v13+s10+$0x0] =	vst.idx.msk $0xffff, v58;
	v48 =	vnsel vm2, $0xFFFFFF80, v48;
	vm1 =	vlt.s32 v47, $0x7F;
	vm11 =	vlt.s32 v44, $0x7F  }
0x262: {  	[tilespmem:v12+s10+$0x0] =	vst.idx.msk $0xffff, v59;
	v59 =	vsub.s32 $0x0, v2;
	v6 =	vnsel vm0, $0x7F, v6;
	v46 =	vadd.s32 $0xB4C00000, v63  }
0x263: {  	v45 =	vnsel vm5, $0xFFFFFF80, v45;
	v0 =	vnsel vm6, $0xFFFFFF80, v0;
	vm2 =	vlt.s32 v48, $0x7F  }
0x264: {  	v47 =	vnsel vm1, $0x7F, v47;
	v44 =	vnsel vm11, $0x7F, v44;
	v2 =	vmin.u32 v2, v59  }
0x265: {  	v49 =	vsub.s32 $0x0, v6;
	vm3 =	vgt.s32 v46, $0xFFFFFF80;
	vm12 =	vlt.s32 v45, $0x7F  }
0x266: {  	v19 =	vmovc v50;
	vm6 =	vlt.s32 v0, $0x7F;
	v48 =	vnsel vm2, $0x7F, v48;
	v50 =	vsub.s32 $0x0, v47  }
0x267: {  	v13 =	vmovc v56;
	v51 =	vsub.s32 $0x0, v44;
	v56 =	vand.u32 $0x7FFFFFF0, v2;
	v6 =	vmin.u32 v6, v49  }
0x268: {  	v46 =	vnsel vm3, $0xFFFFFF80, v46;
	v45 =	vnsel vm12, $0x7F, v45;
	v0 =	vnsel vm6, $0x7F, v0  }
0x269: {  	v18 =	vmovc v52;
	v52 =	vsub.s32 $0x0, v48;
	v47 =	vmin.u32 v47, v50;
	v44 =	vmin.u32 v44, v51  }
0x26a: {  	vm13 =	vlt.s32 v46, $0x7F;
	v60 =	vsub.s32 $0x0, v45;
	v63 =	vsub.s32 $0x0, v0  }
0x26b: {  	v48 =	vmin.u32 v48, v52;
	v49 =	vand.u32 $0x7FFFFFF0, v44;
	v51 =	vmax.u32 v6, v47  }
0x26c: {  	v14 =	vmovc v54;
	v52 =	vmin.u32 v6, v47;
	v54 =	vmax.u32 v2, v44;
	v55 =	vmin.u32 v2, v44  }
0x26d: {  	v46 =	vnsel vm13, $0x7F, v46;
	v45 =	vmin.u32 v45, v60;
	v0 =	vmin.u32 v0, v63  }
0x26e: {  	v4 =	vmovc v62;
	v17 =	vmovc v53;
	v53 =	vsub.s32 $0x0, v46;
	v50 =	vand.u32 $0x7FFFFFF0, v45;
	v58 =	vmax.u32 v45, v0  }
0x26f: {  	v3 =	vmovc v61;
	v59 =	vmin.u32 v45, v0;
	v46 =	vmin.u32 v46, v53;
	v61 =	vmax.u32 v54, v58  }
0x270: {  	v12 =	vmovc v57;
	v62 =	vmin.u32 v55, v59;
	v54 =	vmin.u32 v54, v58;
	v57 =	vmin.u32 v48, v46  }
0x271: {  	v55 =	vmax.u32 v55, v59;
	v53 =	vmax.u32 v48, v46;
	v60 =	vmin.u32 v52, v57  }
0x272: {  	v63 =	vmax.u32 v51, v53;
	v51 =	vmin.u32 v51, v53;
	v52 =	vmax.u32 v52, v57  }
0x273: {  	v53 =	vmax.u32 v55, v54;
	v54 =	vmin.u32 v55, v54;
	v58 =	vmax.u32 v52, v51  }
0x274: {  	v51 =	vmin.u32 v52, v51;
	v59 =	vmin.u32 v54, v63;
	v54 =	vand.u32 $0x7FFFFFF0, v47  }
0x275: {  	v51 =	vmin.u32 v61, v51;
	v53 =	vmin.u32 v53, v58;
	v52 =	vmax.u32 v59, v62  }
0x276: {  	v63 =	vand.u32 $0x7FFFFFF0, v46;
	v51 =	vmax.u32 v60, v51;
	v52 =	vmax.u32 v53, v52  }
0x277: {  	v53 =	vand.u32 $0x7FFFFFF0, v0;
	v60 =	vand.u32 $0x7FFFFFF0, v48;
	v51 =	vmax.u32 v51, v52  }
0x278: {  	v52 =	vand.u32 $0x7FFFFFF0, v6;
	vm14 =	vlt.u32 v2, v51;
	vm15 =	vlt.u32 v44, v51  }
0x279: {  	vm9 =	vlt.u32 v45, v51;
	vm10 =	vlt.u32 v0, v51;
	vm11 =	vlt.u32 v6, v51  }
0x27a: {  	vm12 =	vlt.u32 v47, v51;
	vm13 =	vlt.u32 v48, v51;
	v2 =	vsel vm14, v56, v2  }
0x27b: {  	v44 =	vsel vm15, v49, v44;
	vm14 =	vlt.u32 v46, v51;
	v45 =	vsel vm9, v50, v45  }
0x27c: {  	v0 =	vsel vm10, v53, v0;
	v6 =	vsel vm11, v52, v6;
	v2 =	vcvt.s32.f32 v2  }
0x27d: {  	v47 =	vsel vm12, v54, v47;
	v44 =	vcvt.s32.f32 v44;
	v45 =	vcvt.s32.f32 v45  }
0x27e: {  	v48 =	vsel vm13, v60, v48;
	v0 =	vcvt.s32.f32 v0;
	v2 =	vmul.f32 v2, v10  }
0x27f: {  	v46 =	vsel vm14, v63, v46;
	v6 =	vcvt.s32.f32 v6;
	v44 =	vmul.f32 v44, v10  }
0x280: {  	v60 =	vmul.f32 v45, v10;
	v0 =	vmul.f32 v0, v10;
	v2 =	vor.u32 v2, v42  }
0x281: {  	v63 =	vcvt.s32.f32 v47;
	v6 =	vmul.f32 v6, v10;
	[tilespmem:v32+s10+$0x0] =	vst.idx.msk $0xffff, v2;
	v2 =	vor.u32 v44, v43  }
0x282: {  	v43 =	vmul.f32 v21, v11;
	[tilespmem:v33+s10+$0x0] =	vst.idx.msk $0xffff, v2;
	v2 =	vor.u32 v60, v39  }
0x283: {  	v0 =	vor.u32 v0, v40;
	v39 =	vcvt.s32.f32 v48;
	[tilespmem:v35+s10+$0x0] =	vst.idx.msk $0xffff, v2;
	v2 =	vmul.f32 v63, v10  }
0x284: {  	v42 =	vcvt.s32.f32 v46;
	[tilespmem:v34+s10+$0x0] =	vst.idx.msk $0xffff, v0;
	v0 =	vor.u32 v6, v41;
	v6 =	vand.u32 $0x80000000, v36  }
0x285: {  	v32 =	vadd.f32 $1.258291200e+07, v43;
	v33 =	vmul.f32 v39, v10;
	[tilespmem:v30+s10+$0x0] =	vst.idx.msk $0xffff, v0;
	v0 =	vor.u32 v2, v6  }
0x286: {  	v2 =	vand.u32 $0x80000000, v37;
	v6 =	vmul.f32 v42, v10;
	v30 =	vmul.f32 v38, v11  }
0x287: {  	v32 =	vadd.s32 $0xB4C00000, v32;
	[tilespmem:v28+s10+$0x0] =	vst.idx.msk $0xffff, v0;
	v0 =	vor.u32 v33, v2;
	v2 =	vand.u32 $0x80000000, v29  }
0x288: {  	v28 =	vmul.f32 v23, v11;
	v29 =	vand.u32 $0x80000000, v38;
	vm13 =	vgt.s32 v32, $0xFFFFFF80  }
0x289: {  	v23 =	vand.u32 $0x80000000, v23;
	v38 =	vand.u32 $0x80000000, v26;
	[tilespmem:v27+s10+$0x0] =	vst.idx.msk $0xffff, v0;
	v0 =	vor.u32 v6, v2  }
0x28a: {  	v2 =	vadd.f32 $1.258291200e+07, v30;
	v6 =	vmul.f32 v24, v11;
	v27 =	vmul.f32 v26, v11  }
0x28b: {  	v30 =	vmul.f32 v22, v11;
	v32 =	vnsel vm13, $0xFFFFFF80, v32;
	[tilespmem:v31+s10+$0x0] =	vst.idx.msk $0xffff, v0;
	v0 =	vadd.f32 $1.258291200e+07, v28  }
0x28c: {  	v28 =	vmul.f32 v25, v11;
	v31 =	vmul.f32 v20, v11;
	v6 =	vadd.f32 $1.258291200e+07, v6  }
0x28d: {  	v2 =	vadd.s32 $0xB4C00000, v2;
	v27 =	vadd.f32 $1.258291200e+07, v27;
	v30 =	vadd.f32 $1.258291200e+07, v30  }
0x28e: {  	v28 =	vadd.f32 $1.258291200e+07, v28;
	v0 =	vadd.s32 $0xB4C00000, v0;
	v31 =	vadd.f32 $1.258291200e+07, v31  }
0x28f: {  	vm15 =	vgt.s32 v2, $0xFFFFFF80;
	v6 =	vadd.s32 $0xB4C00000, v6;
	v27 =	vadd.s32 $0xB4C00000, v27  }
0x290: {  	vm6 =	vgt.s32 v0, $0xFFFFFF80;
	v30 =	vadd.s32 $0xB4C00000, v30;
	v2 =	vnsel vm15, $0xFFFFFF80, v2  }
0x291: {  	vm7 =	vgt.s32 v6, $0xFFFFFF80;
	vm8 =	vgt.s32 v27, $0xFFFFFF80;
	v28 =	vadd.s32 $0xB4C00000, v28  }
0x292: {  	v31 =	vadd.s32 $0xB4C00000, v31;
	v0 =	vnsel vm6, $0xFFFFFF80, v0;
	vm9 =	vgt.s32 v30, $0xFFFFFF80  }
0x293: {  	vm11 =	vlt.s32 v2, $0x7F;
	v6 =	vnsel vm7, $0xFFFFFF80, v6;
	v27 =	vnsel vm8, $0xFFFFFF80, v27  }
0x294: {  	vm0 =	vgt.s32 v28, $0xFFFFFF80;
	vm10 =	vgt.s32 v31, $0xFFFFFF80;
	vm12 =	vlt.s32 v0, $0x7F  }
0x295: {  	v30 =	vnsel vm9, $0xFFFFFF80, v30;
	v2 =	vnsel vm11, $0x7F, v2;
	vm8 =	vlt.s32 v32, $0x7F  }
0x296: {  	vm14 =	vlt.s32 v6, $0x7F;
	vm15 =	vlt.s32 v27, $0x7F;
	v28 =	vnsel vm0, $0xFFFFFF80, v28  }
0x297: {  	v31 =	vnsel vm10, $0xFFFFFF80, v31;
	v0 =	vnsel vm12, $0x7F, v0;
	vm1 =	vlt.s32 v30, $0x7F  }
0x298: {  	v44 =	vsub.s32 $0x0, v2;
	v32 =	vnsel vm8, $0x7F, v32;
	v6 =	vnsel vm14, $0x7F, v6  }
0x299: {  	v27 =	vnsel vm15, $0x7F, v27;
	vm0 =	vlt.s32 v28, $0x7F;
	vm2 =	vlt.s32 v31, $0x7F  }
0x29a: {  	v45 =	vsub.s32 $0x0, v0;
	v30 =	vnsel vm1, $0x7F, v30;
	v2 =	vmin.u32 v2, v44  }
0x29b: {  	v51 =	vsub.s32 $0x0, v32;
	v46 =	vsub.s32 $0x0, v6;
	v47 =	vsub.s32 $0x0, v27  }
0x29c: {  	v28 =	vnsel vm0, $0x7F, v28;
	v31 =	vnsel vm2, $0x7F, v31;
	v0 =	vmin.u32 v0, v45  }
0x29d: {  	v49 =	vsub.s32 $0x0, v30;
	v32 =	vmin.u32 v32, v51;
	v6 =	vmin.u32 v6, v46  }
0x29e: {  	v27 =	vmin.u32 v27, v47;
	v48 =	vsub.s32 $0x0, v28;
	v50 =	vsub.s32 $0x0, v31  }
0x29f: {  	v52 =	vmax.u32 v2, v0;
	v53 =	vmin.u32 v2, v0;
	v30 =	vmin.u32 v30, v49  }
0x2a0: {  	v54 =	vmax.u32 v6, v27;
	v28 =	vmin.u32 v28, v48;
	v55 =	vmin.u32 v6, v27  }
0x2a1: {  	v31 =	vmin.u32 v31, v50;
	v56 =	vmin.u32 v52, v54;
	v57 =	vmax.u32 v53, v55  }
0x2a2: {  	v58 =	vmax.u32 v28, v30;
	v59 =	vmin.u32 v28, v30;
	v63 =	vmax.u32 v31, v32  }
0x2a3: {  	v48 =	vmin.u32 v31, v32;
	v37 =	vmax.u32 v52, v54;
	v33 =	vmin.u32 v53, v55  }
0x2a4: {  	v53 =	vand.u32 $0x7FFFFFF0, v2;
	v54 =	vand.u32 $0x7FFFFFF0, v0;
	v55 =	vand.u32 $0x7FFFFFF0, v6  }
0x2a5: {  	v60 =	vmin.u32 v57, v56;
	v49 =	vmax.u32 v58, v63;
	v36 =	vmin.u32 v58, v63  }
0x2a6: {  	v50 =	vmax.u32 v59, v48;
	v34 =	vmax.u32 v57, v56;
	v52 =	vmin.u32 v59, v48  }
0x2a7: {  	v51 =	vmax.u32 v50, v36;
	v41 =	vmin.u32 v60, v49;
	v36 =	vmin.u32 v50, v36  }
0x2a8: {  	v36 =	vmin.u32 v37, v36;
	v34 =	vmin.u32 v34, v51;
	v33 =	vmax.u32 v41, v33  }
0x2a9: {  	v56 =	vand.u32 $0x7FFFFFF0, v27;
	v33 =	vmax.u32 v34, v33;
	v35 =	vmax.u32 v52, v36  }
0x2aa: {  	v57 =	vand.u32 $0x7FFFFFF0, v28;
	v58 =	vand.u32 $0x7FFFFFF0, v30;
	v33 =	vmax.u32 v35, v33  }
0x2ab: {  	v59 =	vand.u32 $0x7FFFFFF0, v31;
	v60 =	vand.u32 $0x7FFFFFF0, v32;
	vm0 =	vlt.u32 v2, v33  }
0x2ac: {  	vm9 =	vlt.u32 v0, v33;
	vm10 =	vlt.u32 v6, v33;
	vm11 =	vlt.u32 v27, v33  }
0x2ad: {  	vm12 =	vlt.u32 v28, v33;
	vm13 =	vlt.u32 v30, v33;
	vm14 =	vlt.u32 v31, v33  }
0x2ae: {  	s14 =	sadd.s32 $0x2, s14;
	vm15 =	vlt.u32 v32, v33;
	v2 =	vsel vm0, v53, v2;
	v0 =	vsel vm9, v54, v0  }
0x2af: {  	p0 =	slt.u32 s14, $0x7E;
	v6 =	vsel vm10, v55, v6;
	v27 =	vsel vm11, v56, v27;
	v63 =	vsel vm12, v57, v28  }
.Ltmp3:
0x2b0: {  	v30 =	vsel vm13, v58, v30;
	v2 =	vcvt.s32.f32 v2;
	v0 =	vcvt.s32.f32 v0;
	(pc) =	sbr.rel @p0 .LBB2_5-.Ltmp3, $4  }
0x2b1: {  	v33 =	vsel vm14, v59, v31;
	v28 =	vcvt.s32.f32 v6;
	v27 =	vcvt.s32.f32 v27  }
0x2b2: {  	v32 =	vsel vm15, v60, v32;
	v31 =	vcvt.s32.f32 v63;
	v41 =	vcvt.s32.f32 v30  }
0x2b3: {  	v24 =	vand.u32 $0x80000000, v24;
	v40 =	vcvt.s32.f32 v33;
	v39 =	vcvt.s32.f32 v32  }
0x2b4: {  	s25 =	sadd.s32 $0x100, s25;
	v61 =	vmovc v3;
	v62 =	vmovc v4;
	v25 =	vand.u32 $0x80000000, v25;
	v42 =	vmul.f32 v2, v10;
	v26 =	vmul.f32 v0, v10  }
0x2b5: {  	_ =	sdelay $0x2  }
0x2b6: {  	v4 =	vld [tilespmem:$0x1FFE0];
	v0 =	vmul.f32 v28, v10;
	v2 =	vor.u32 v42, v29  }
0x2b7: {  	v3 =	vmov v7;
	v7 =	vld [tilespmem:$0x1FFF0];
	v6 =	vmul.f32 v27, v10;
	v23 =	vor.u32 v26, v23;
	[tilespmem:v15+s10+$0x0] =	vst.idx.msk $0xffff, v2  }
0x2b8: {  	v2 =	vmul.f32 v31, v10;
	v0 =	vor.u32 v0, v24;
	[tilespmem:v16+s10+$0x0] =	vst.idx.msk $0xffff, v23  }
0x2b9: {  	v59 =	vmul.f32 v41, v10;
	v6 =	vor.u32 v6, v38;
	[tilespmem:v19+s10+$0x0] =	vst.idx.msk $0xffff, v0  }
0x2ba: {  	v60 =	vmul.f32 v40, v10;
	v0 =	vand.u32 $0x80000000, v22;
	v2 =	vor.u32 v2, v25;
	[tilespmem:v18+s10+$0x0] =	vst.idx.msk $0xffff, v6  }
0x2bb: {  	v63 =	vmul.f32 v39, v10;
	v6 =	vand.u32 $0x80000000, v20;
	v0 =	vor.u32 v59, v0;
	[tilespmem:v17+s10+$0x0] =	vst.idx.msk $0xffff, v2  }
0x2bc: {  	v2 =	vand.u32 $0x80000000, v21;
	v6 =	vor.u32 v60, v6;
	[tilespmem:v14+s10+$0x0] =	vst.idx.msk $0xffff, v0  }
0x2bd: {  	v0 =	vor.u32 v63, v2;
	[tilespmem:v13+s10+$0x0] =	vst.idx.msk $0xffff, v6  }
0x2be: {  	s1 =	sadd.s32 s13, s28;
	[tilespmem:v12+s10+$0x0] =	vst.idx.msk $0xffff, v0  }
0x2bf: {  	[hbm4b:s1+s0] =	stream.strided.scatter [tilespmem:s10], [sflag:$0x4], $0x1000, s2, s0, $0x38;
	[tilespmem:$0x10400] =	vst v63  }
0x2c0: {  	s14 =	sadd.s32 s13, s29;
	s6 =	simm.s32 $0xD000  }
0x2c1: {  	[hbm4b:s14+s0] =	stream.strided.scatter [tilespmem:s6], [sflag:$0x4], $0x1000, s2, s0, $0x38;
	[tilespmem:$0x10400] =	vst v63  }
.Ltmp4:
0x2c2: {  	_ = 	snop;
	(pc) =	sbr.rel @p1 .LBB2_8-.Ltmp4, $4  }
0x2c3: {  	s21 =	sadd.s32 s13, s30;
	s22 =	simm.s32 $0xE000  }
0x2c4: {  	[hbm4b:s21+s0] =	stream.strided.scatter [tilespmem:s22], [sflag:$0x4], $0x1000, s2, s0, $0x38;
	[tilespmem:$0x10400] =	vst v63  }
0x2c5: {  	s23 =	sadd.s32 s13, s31;
	s25 =	simm.s32 $0xF000  }
0x2c6: {  	[hbm4b:s23+s0] =	stream.strided.scatter [tilespmem:s25], [sflag:$0x4], $0x1000, s2, s0, $0x38;
	[tilespmem:$0x10400] =	vst v63  }
0x2c7: {  	s1 =	rddreg [dreg:$0xe]  }
0x2c8: {  	s14 =	rddreg [dreg:$0xf];
	s1 =	sadd.s32 s13, s1  }
0x2c9: {  	[tilespmem:s4], [sflag:$0x2] =	stream.strided.gather [hbm4b:s1+s0], $0x1000, s2, s0, $0x38;
	[tilespmem:$0x10400] =	vst v63  }
0x2ca: {  	s6 =	simm.s32 $0x5000;
	s1 =	sadd.s32 s13, s14  }
0x2cb: {  	[tilespmem:s6], [sflag:$0x2] =	stream.strided.gather [hbm4b:s1+s0], $0x1000, s2, s0, $0x38;
	[tilespmem:$0x10400] =	vst v63  }
.Ltmp5:
0x2cc: {  	s21 =	rddreg [dreg:$0x10];
	(pc) =	sbr.rel .LBB2_2-.Ltmp5, $4  }
0x2cd: {  	s22 =	simm.s32 $0x6000;
	s1 =	sadd.s32 s13, s21  }
0x2ce: {  	[tilespmem:s22], [sflag:$0x2] =	stream.strided.gather [hbm4b:s1+s0], $0x1000, s2, s0, $0x38;
	[tilespmem:$0x10400] =	vst v63  }
0x2cf: {  	s23 =	sadd.s32 s13, s24;
	s25 =	simm.s32 $0x7000;
	s9 =	sadd.s32 $0x1, s9  }
0x2d0: {  	v2 =	vmov v3;
	[tilespmem:s25], [sflag:$0x2] =	stream.strided.gather [hbm4b:s23+s0], $0x1000, s2, s0, $0x38;
	[tilespmem:$0x10400] =	vst v63  }
.LBB2_9:
0x2d1: {  	_ =	sfence.sel $0x180000  }
0x2d2: {  	[bflag:$0x0] =	sbarrier.arrive $0xFFFF  }
0x2d3: {  	_ =	strace $0x9000004A  }
0x2d4: {  	s0 =	stileid.u32;
	[bflag:$0x2] =	sbarrier.arrive $0xFFFF  }
0x2d5: {  	p0 =	sne.s32 s0, $0x0;
	s0 =	rddreg [dreg:$0x3]  }
0x2d6: {  	s0 =	sadd.s32 @!p0 $0x100000, s0  }
0x2d7: {  	[sflag:s0] =	ssyncadd.tile.s32 @!p0 $0x1;
	_ =	shalt  }
.Lfunc_end2:
_tile_overlayer_lowered:
.L_overlay_start_2:
0x2d8: {  	(tag) =	ssettag $0x2  }
0x2d9: {  	s0 =	rddreg [dreg:$0x0];
	s2 =	stileid.u32  }
0x2da: {  	s1 =	rddreg [dreg:$0x1];
	p0 =	sne.s32 s2, $0x0  }
0x2db: {  	s3 =	rddreg [dreg:$0x2];
	[bflag:$0x3] =	sbarrier.arrive $0xFFFF;
	s2 =	simm.s32 @!p0 $0x1C05  }
0x2dc: {  	[timem:s3], [sflag:s2] =	dma.local @!p0 [hbm:s0], s1  }
0x2dd: {  	s0 =	simm.s32 @!p0 $0x5  }
0x2de: {  	_ =	swait.ge @!p0 [sflag:s0], s1  }
0x2df: {  	s1 =	ssub.s32 @!p0 $0x0, s1;
	[sflag:s0] =	ssyncset.done @!p0 $0x0  }
0x2e0: {  	[sflag:s0] =	ssyncadd.s32 @!p0 s1  }
0x2e1: {  	[bflag:$0x3] =	sbarrier.arrive $0xFFFF  }
0x2e2: {  	_ =	shalt  }

</sc_bundles>
